<compile_context>
chip_gen: v7x
topology: tpu7x:2x2x1
jax: 0.10.2.dev20260603
libtpu: 0.0.44.dev20260713+nightly
codegen_flags: <defaults>
</compile_context>

<pallas_src>
import jax
import jax.numpy as jnp
from jax import lax
from jax.experimental import pallas as pl
from jax.experimental.pallas import tpu as pltpu
from jax.experimental.pallas import tpu_sc as plsc

N_NODES = 10000
D_IN = 128
D_HID = 256
D_OUT = 128

CHUNK = 128
N_PAD = 10240


NBUF = 2
NPH = 4

K_FAST = 128
K_SLOW = 32
SLOW_CORE = 0
PBUF = K_FAST // NPH


def _seg_sum_sc(table, src_p, dst_p):
    info = plsc.get_sparse_core_info()
    nc, ns = info.num_cores, info.num_subcores
    assert nc == 2
    d = table.shape[1]
    nrows = src_p.shape[0] // CHUNK
    assert nrows == ns * (K_FAST + K_SLOW) + PBUF
    rows_per_sub = N_PAD // ns
    assert rows_per_sub % CHUNK == 0
    zcopies = rows_per_sub // CHUNK
    src2 = src_p.reshape(-1, CHUNK)
    dst2 = dst_p.reshape(-1, CHUNK)

    mesh = plsc.VectorSubcoreMesh(core_axis_name="c", subcore_axis_name="s")

    def body(table_hbm, src_hbm, dst_hbm, sum_out, src_all, dst_all,
             acc_sh, *rest):
        rows = rest[:NBUF]
        gsem = rest[NBUF:2 * NBUF]
        cid = lax.axis_index("c")
        sid = lax.axis_index("s")
        zero16 = jnp.zeros((16,), jnp.float32)

        def fz(i, carry):
            for j in range(d // 16):
                rows[0][i, pl.ds(j * 16, 16)] = zero16
            return carry
        lax.fori_loop(0, CHUNK, fz, 0)
        row0 = sid * rows_per_sub
        for k in range(zcopies):
            pltpu.sync_copy(rows[0], acc_sh.at[pl.ds(row0 + k * CHUNK, CHUNK)])
        plsc.subcore_barrier()

        slow = cid == SLOW_CORE
        k = jnp.where(slow, K_SLOW, K_FAST)
        base = jnp.where(slow, ns * K_FAST + sid * K_SLOW, sid * K_FAST)
        p = k // NPH
        rounds = jnp.where(slow, K_SLOW // NPH // NBUF, K_FAST // NPH // NBUF)

        for ph in range(NPH):
            crow = pl.multiple_of(base + ph * p, 8)
            pltpu.sync_copy(src_hbm.at[pl.ds(crow, PBUF)], src_all)
            pltpu.sync_copy(dst_hbm.at[pl.ds(crow, PBUF)], dst_all)
            for b in range(NBUF):
                pltpu.async_copy(table_hbm.at[src_all.at[b]], rows[b],
                                 gsem[b])

            def step(r, carry):
                for b in range(NBUF):
                    c = r * NBUF + b
                    pltpu.make_async_copy(
                        table_hbm.at[src_all.at[c]], rows[b], gsem[b]).wait()
                    pltpu.sync_copy(rows[b], acc_sh.at[dst_all.at[c]],
                                    add=True)
                    pltpu.async_copy(
                        table_hbm.at[src_all.at[c + NBUF]], rows[b], gsem[b])
                return carry
            lax.fori_loop(0, rounds - 1, step, 0)
            for b in range(NBUF):
                c = (rounds - 1) * NBUF + b
                pltpu.make_async_copy(
                    table_hbm.at[src_all.at[c]], rows[b], gsem[b]).wait()
                pltpu.sync_copy(rows[b], acc_sh.at[dst_all.at[c]], add=True)

        plsc.subcore_barrier()
        pltpu.sync_copy(acc_sh.at[pl.ds(row0, rows_per_sub)],
                        sum_out.at[pl.ds(cid * N_PAD + row0, rows_per_sub)])

    fn = pl.kernel(
        body,
        out_type=[jax.ShapeDtypeStruct((nc * N_PAD, d), jnp.float32)],
        mesh=mesh,
        scratch_types=[
            pltpu.VMEM((PBUF, CHUNK), jnp.int32),
            pltpu.VMEM((PBUF, CHUNK), jnp.int32),
            pltpu.VMEM_SHARED((N_PAD, d), jnp.float32),
        ] + [pltpu.VMEM((CHUNK, d), jnp.float32) for _ in range(NBUF)]
          + [pltpu.SemaphoreType.DMA for _ in range(NBUF)],
    )
    return fn(table, src2, dst2)[0].reshape(nc, N_PAD, d)


def _seg_cnt_sc(dst_p):
    info = plsc.get_sparse_core_info()
    nc, ns = info.num_cores, info.num_subcores
    nw = nc * ns
    d = 128
    e_pad = dst_p.shape[0]
    assert e_pad % (nw * CHUNK * NBUF) == 0
    nchunks = e_pad // (nw * CHUNK)
    rounds = nchunks // NBUF
    rows_per_sub = N_PAD // ns
    zcopies = rows_per_sub // CHUNK
    dst2 = dst_p.reshape(-1, CHUNK)

    mesh = plsc.VectorSubcoreMesh(core_axis_name="c", subcore_axis_name="s")

    def body(dst_hbm, cnt_out, dst_all, ones_v, cnt_sh, sem):
        cid = lax.axis_index("c")
        sid = lax.axis_index("s")
        wid = cid * ns + sid
        zero16 = jnp.zeros((16,), jnp.float32)

        pltpu.sync_copy(dst_hbm.at[pl.ds(wid * nchunks, nchunks)], dst_all)

        def fz(i, carry):
            for j in range(d // 16):
                ones_v[i, pl.ds(j * 16, 16)] = zero16
            return carry
        lax.fori_loop(0, CHUNK, fz, 0)
        row0 = sid * rows_per_sub
        for k in range(zcopies):
            pltpu.sync_copy(ones_v, cnt_sh.at[pl.ds(row0 + k * CHUNK, CHUNK)])
        one16 = jnp.full((16,), 1.0, jnp.float32)

        def fo(i, carry):
            for j in range(d // 16):
                ones_v[i, pl.ds(j * 16, 16)] = one16
            return carry
        lax.fori_loop(0, CHUNK, fo, 0)
        plsc.subcore_barrier()

        def step(r, carry):
            for b in range(NBUF):
                c = r * NBUF + b
                pltpu.async_copy(ones_v, cnt_sh.at[dst_all.at[c]], sem,
                                 add=True)
            for b in range(NBUF):
                pltpu.make_async_copy(
                    ones_v, cnt_sh.at[dst_all.at[r * NBUF + b]], sem).wait()
            return carry
        lax.fori_loop(0, rounds, step, 0)

        plsc.subcore_barrier()
        pltpu.sync_copy(cnt_sh.at[pl.ds(row0, rows_per_sub)],
                        cnt_out.at[pl.ds(cid * N_PAD + row0, rows_per_sub)])

    fn = pl.kernel(
        body,
        out_type=[jax.ShapeDtypeStruct((nc * N_PAD, d), jnp.float32)],
        mesh=mesh,
        scratch_types=[
            pltpu.VMEM((nchunks, CHUNK), jnp.int32),
            pltpu.VMEM((CHUNK, d), jnp.float32),
            pltpu.VMEM_SHARED((N_PAD, d), jnp.float32),
            pltpu.SemaphoreType.DMA,
        ],
    )
    return fn(dst2)[0].reshape(nc, N_PAD, d)


_BN = 2000


def _tc_layer1(sums1, cnts, x, w1lt, b1l, w1rt, w2lt):
    n = x.shape[0]
    grid = n // _BN
    nc = sums1.shape[0]

    def body(sums_ref, cnts_ref, x_ref, w1lt_ref, b1l_ref, w1rt_ref,
             w2lt_ref, h_ref, z_ref):
        s = sums_ref[0]
        c = cnts_ref[0, :, 0:1]
        for i in range(1, nc):
            s = s + sums_ref[i]
            c = c + cnts_ref[i, :, 0:1]
        mean = s / jnp.maximum(c, 1.0)
        o = (jnp.dot(mean, w1lt_ref[...], preferred_element_type=jnp.float32)
             + b1l_ref[...]
             + jnp.dot(x_ref[...], w1rt_ref[...],
                       preferred_element_type=jnp.float32))
        nrm = jnp.sqrt(jnp.sum(o * o, axis=1, keepdims=True))
        o = o / jnp.maximum(nrm, 1e-12)
        hb = jnp.maximum(o, 0.0)
        h_ref[...] = hb
        z_ref[...] = jnp.dot(hb, w2lt_ref[...],
                             preferred_element_type=jnp.float32)

    return pl.pallas_call(
        body,
        grid=(grid,),
        in_specs=[
            pl.BlockSpec((nc, _BN, D_IN), lambda i: (0, i, 0)),
            pl.BlockSpec((nc, _BN, 128), lambda i: (0, i, 0)),
            pl.BlockSpec((_BN, D_IN), lambda i: (i, 0)),
            pl.BlockSpec((D_IN, D_HID), lambda i: (0, 0)),
            pl.BlockSpec((1, D_HID), lambda i: (0, 0)),
            pl.BlockSpec((D_IN, D_HID), lambda i: (0, 0)),
            pl.BlockSpec((D_HID, D_OUT), lambda i: (0, 0)),
        ],
        out_specs=[
            pl.BlockSpec((_BN, D_HID), lambda i: (i, 0)),
            pl.BlockSpec((_BN, D_OUT), lambda i: (i, 0)),
        ],
        out_shape=[
            jax.ShapeDtypeStruct((n, D_HID), jnp.float32),
            jax.ShapeDtypeStruct((n, D_OUT), jnp.float32),
        ],
    )(sums1, cnts, x, w1lt, b1l, w1rt, w2lt)


def _tc_layer2(sums2, cnts, h, w2rt, b2l):
    n = h.shape[0]
    grid = n // _BN
    nc = sums2.shape[0]

    def body(sums_ref, cnts_ref, h_ref, w2rt_ref, b2l_ref, o_ref):
        s = sums_ref[0]
        c = cnts_ref[0, :, 0:1]
        for i in range(1, nc):
            s = s + sums_ref[i]
            c = c + cnts_ref[i, :, 0:1]
        mean = s / jnp.maximum(c, 1.0)
        o = (mean + b2l_ref[...]
             + jnp.dot(h_ref[...], w2rt_ref[...],
                       preferred_element_type=jnp.float32))
        nrm = jnp.sqrt(jnp.sum(o * o, axis=1, keepdims=True))
        o_ref[...] = o / jnp.maximum(nrm, 1e-12)

    return pl.pallas_call(
        body,
        grid=(grid,),
        in_specs=[
            pl.BlockSpec((nc, _BN, D_OUT), lambda i: (0, i, 0)),
            pl.BlockSpec((nc, _BN, 128), lambda i: (0, i, 0)),
            pl.BlockSpec((_BN, D_HID), lambda i: (i, 0)),
            pl.BlockSpec((D_HID, D_OUT), lambda i: (0, 0)),
            pl.BlockSpec((1, D_OUT), lambda i: (0, 0)),
        ],
        out_specs=pl.BlockSpec((_BN, D_OUT), lambda i: (i, 0)),
        out_shape=jax.ShapeDtypeStruct((n, D_OUT), jnp.float32),
    )(sums2, cnts, h, w2rt, b2l)


def kernel(x, edge_index, W1l, b1l, W1r, W2l, b2l, W2r):
    e = edge_index.shape[1]
    info = plsc.get_sparse_core_info()
    ns = info.num_subcores
    e_proc = ns * (K_FAST + K_SLOW) * CHUNK
    e_idx = e_proc + PBUF * CHUNK
    assert e <= e_proc
    src = edge_index[0].astype(jnp.int32)
    dst = edge_index[1].astype(jnp.int32)
    src = jnp.concatenate([src, jnp.zeros((e_idx - e,), jnp.int32)])
    dst = jnp.concatenate([dst, jnp.full((e_idx - e,), N_NODES, jnp.int32)])

    cnts = _seg_cnt_sc(dst[:e_proc])
    sums1 = _seg_sum_sc(x, src, dst)
    h, z = _tc_layer1(sums1, cnts, x, W1l.T, b1l.reshape(1, -1), W1r.T, W2l.T)
    sums2 = _seg_sum_sc(z, src, dst)
    out = _tc_layer2(sums2, cnts, h, W2r.T, b2l.reshape(1, -1))
    return out

# --- scband reference (transcript-rebuilt; emitter-appended) ---
"""Pipeline reference for scband-graph-sagemodel-45655502356568 (READ-ONLY COPY).

The authoritative reference and input builder live on the scoring server;
editing this copy changes nothing except your own understanding.
"""

import jax, jax.numpy as jnp
import numpy as np

N_NODES = 10000
N_EDGES = 320000
D_IN = 128
D_HID = 256
D_OUT = 128


def setup_inputs(seed: int = 0) -> dict:
    key = jax.random.key(seed)
    ks = jax.random.split(key, 8)
    x = jax.random.normal(ks[0], (N_NODES, D_IN), dtype=jnp.float32)
    edge_index = jax.random.randint(ks[1], (2, N_EDGES), 0, N_NODES, dtype=jnp.int64)
    # SAGEConv layer 1: lin_l (with bias) applied to aggregated neighbors, lin_r (no bias) on root
    W1l = jax.random.normal(ks[2], (D_HID, D_IN), dtype=jnp.float32) * (1.0 / np.sqrt(D_IN))
    b1l = jnp.zeros((D_HID,), dtype=jnp.float32)
    W1r = jax.random.normal(ks[3], (D_HID, D_IN), dtype=jnp.float32) * (1.0 / np.sqrt(D_IN))
    # SAGEConv layer 2
    W2l = jax.random.normal(ks[4], (D_OUT, D_HID), dtype=jnp.float32) * (1.0 / np.sqrt(D_HID))
    b2l = jnp.zeros((D_OUT,), dtype=jnp.float32)
    W2r = jax.random.normal(ks[5], (D_OUT, D_HID), dtype=jnp.float32) * (1.0 / np.sqrt(D_HID))
    return {"x": x, "edge_index": edge_index, "W1l": W1l, "b1l": b1l, "W1r": W1r,
            "W2l": W2l, "b2l": b2l, "W2r": W2r}


def _sage_conv(x, src, dst, Wl, bl, Wr):
    # mean aggregation of source features into destination nodes
    msgs = jnp.take(x, src, axis=0)
    summed = jax.ops.segment_sum(msgs, dst, num_segments=N_NODES)
    cnt = jax.ops.segment_sum(jnp.ones((src.shape[0], 1), dtype=x.dtype), dst, num_segments=N_NODES)
    mean = summed / jnp.clip(cnt, 1.0, None)
    out = mean @ Wl.T + bl + x @ Wr.T
    # normalize=True -> F.normalize(out, p=2, dim=-1)
    nrm = jnp.linalg.norm(out, axis=-1, keepdims=True)
    out = out / jnp.clip(nrm, 1e-12, None)
    return out


def reference(x, edge_index, W1l, b1l, W1r, W2l, b2l, W2r):
    src = edge_index[0]
    dst = edge_index[1]
    h = _sage_conv(x, src, dst, W1l, b1l, W1r)
    h = jax.nn.relu(h)
    # dropout p=0.0 -> identity
    out = _sage_conv(h, src, dst, W2l, b2l, W2r)
    return out

if __name__ == "__main__":
    import jax
    _d = setup_inputs()
    print(jax.jit(kernel)(*tuple(_d.values())))

</pallas_src>

<mosaic_0001>
#map = affine_map<(d0, d1) -> (0, 0)>
module attributes {stable_mosaic.version = 14 : i64} {
  func.func @body(%arg0: i32, %arg1: i32, %arg2: memref<2560x128xi32, #tpu.memory_space<hbm>>, %arg3: memref<20480x128xf32, #tpu.memory_space<hbm>>, %arg4: memref<80x128xi32, #tpu.memory_space<vmem>>, %arg5: memref<128x128xf32, #tpu.memory_space<vmem>>, %arg6: memref<10240x128xf32, #tpu.memory_space<vmem_shared>>, %arg7: memref<!tpu.dma_semaphore, #tpu.memory_space<semaphore_mem>>) attributes {dimension_semantics = [#tpu.dimension_semantics<core_parallel>, #tpu.dimension_semantics<subcore_parallel>], iteration_bounds = array<i64: 2, 16>, scalar_prefetch = 0 : i64, scratch_operands = 4 : i64, tpu.core_type = #tpu.core_type<sc_vector_subcore>, window_params = [{transform_indices = #map}, {transform_indices = #map}]} {
    %mul3A = arith.constant 16 : i32
    %mul3A_0 = arith.muli %arg0, %mul3A : i32
    %add3A = arith.addi %mul3A_0, %arg1 : i32
    %broadcast_in_dim3A = arith.constant 0.000000e+00 : f32
    %broadcast_in_dim3A_1 = vector.broadcast %broadcast_in_dim3A : f32 to vector<16xf32>
    %mul3A_2 = arith.constant 80 : i32
    %mul3A_3 = arith.muli %add3A, %mul3A_2 : i32
    "tpu.region"() ({
      %run_scoped3A = tpu.sem_alloc : memref<!tpu.dma_semaphore, #tpu.memory_space<semaphore_mem>>
      %dma_start3A = arith.constant 0 : i32
      %dma_start3A_39 = tpu.memref_slice %arg2[%mul3A_3, %dma_start3A] : memref<2560x128xi32, #tpu.memory_space<hbm>> -> memref<80x128xi32, #tpu.memory_space<hbm>>
      %dma_start3A_40 = arith.constant 0 : i32
      %dma_start3A_41 = tpu.memref_slice %arg2[%mul3A_3, %dma_start3A_40] : memref<2560x128xi32, #tpu.memory_space<hbm>> -> memref<80x128xi32, #tpu.memory_space<hbm>>
      tpu.enqueue_dma source(%dma_start3A_41 : memref<80x128xi32, #tpu.memory_space<hbm>>) target(%arg4 : memref<80x128xi32, #tpu.memory_space<vmem>>) target_semaphore(%run_scoped3A : memref<!tpu.dma_semaphore, #tpu.memory_space<semaphore_mem>>)
      %dma_wait3A = arith.constant 0 : i32
      %dma_wait3A_42 = tpu.memref_slice %arg2[%mul3A_3, %dma_wait3A] : memref<2560x128xi32, #tpu.memory_space<hbm>> -> memref<80x128xi32, #tpu.memory_space<hbm>>
      %dma_wait3A_43 = arith.constant 0 : i32
      %dma_wait3A_44 = tpu.memref_slice %arg2[%mul3A_3, %dma_wait3A_43] : memref<2560x128xi32, #tpu.memory_space<hbm>> -> memref<80x128xi32, #tpu.memory_space<hbm>>
      tpu.wait_dma2 semaphore(%run_scoped3A : memref<!tpu.dma_semaphore, #tpu.memory_space<semaphore_mem>>) src(%dma_wait3A_44 : memref<80x128xi32, #tpu.memory_space<hbm>>) dst(%arg4 : memref<80x128xi32, #tpu.memory_space<vmem>>)
      tpu.yield
    }) : () -> ()
    %scan3A = arith.constant 0 : i32
    %scan3A_4 = arith.constant 0 : i32
    %scan3A_5 = arith.constant 128 : i32
    %scan3A_6 = arith.addi %scan3A_4, %scan3A_5 : i32
    %scan3A_7 = arith.constant 1 : i32
    scf.for %scan3A_39 = %scan3A_4 to %scan3A_6 step %scan3A_7  : i32 {
      %swap3A = arith.index_cast %scan3A_39 : i32 to index
      %swap3A_40 = arith.constant 0 : index
      %swap3A_41 = tpu.vector_load %arg5[%swap3A, %swap3A_40] {strides = array<i32>} : memref<128x128xf32, #tpu.memory_space<vmem>>, vector<1x16xf32>,
      %swap3A_42 = vector.shape_cast %swap3A_41 : vector<1x16xf32> to vector<16xf32>
      %swap3A_43 = vector.shape_cast %broadcast_in_dim3A_1 : vector<16xf32> to vector<1x16xf32>
      tpu.vector_store %arg5[%swap3A, %swap3A_40], %swap3A_43 {strides = array<i32>} : memref<128x128xf32, #tpu.memory_space<vmem>>, vector<1x16xf32>,
      %swap3A_44 = arith.index_cast %scan3A_39 : i32 to index
      %swap3A_45 = arith.constant 16 : index
      %swap3A_46 = tpu.vector_load %arg5[%swap3A_44, %swap3A_45] {strides = array<i32>} : memref<128x128xf32, #tpu.memory_space<vmem>>, vector<1x16xf32>,
      %swap3A_47 = vector.shape_cast %swap3A_46 : vector<1x16xf32> to vector<16xf32>
      %swap3A_48 = vector.shape_cast %broadcast_in_dim3A_1 : vector<16xf32> to vector<1x16xf32>
      tpu.vector_store %arg5[%swap3A_44, %swap3A_45], %swap3A_48 {strides = array<i32>} : memref<128x128xf32, #tpu.memory_space<vmem>>, vector<1x16xf32>,
      %swap3A_49 = arith.index_cast %scan3A_39 : i32 to index
      %swap3A_50 = arith.constant 32 : index
      %swap3A_51 = tpu.vector_load %arg5[%swap3A_49, %swap3A_50] {strides = array<i32>} : memref<128x128xf32, #tpu.memory_space<vmem>>, vector<1x16xf32>,
      %swap3A_52 = vector.shape_cast %swap3A_51 : vector<1x16xf32> to vector<16xf32>
      %swap3A_53 = vector.shape_cast %broadcast_in_dim3A_1 : vector<16xf32> to vector<1x16xf32>
      tpu.vector_store %arg5[%swap3A_49, %swap3A_50], %swap3A_53 {strides = array<i32>} : memref<128x128xf32, #tpu.memory_space<vmem>>, vector<1x16xf32>,
      %swap3A_54 = arith.index_cast %scan3A_39 : i32 to index
      %swap3A_55 = arith.constant 48 : index
      %swap3A_56 = tpu.vector_load %arg5[%swap3A_54, %swap3A_55] {strides = array<i32>} : memref<128x128xf32, #tpu.memory_space<vmem>>, vector<1x16xf32>,
      %swap3A_57 = vector.shape_cast %swap3A_56 : vector<1x16xf32> to vector<16xf32>
      %swap3A_58 = vector.shape_cast %broadcast_in_dim3A_1 : vector<16xf32> to vector<1x16xf32>
      tpu.vector_store %arg5[%swap3A_54, %swap3A_55], %swap3A_58 {strides = array<i32>} : memref<128x128xf32, #tpu.memory_space<vmem>>, vector<1x16xf32>,
      %swap3A_59 = arith.index_cast %scan3A_39 : i32 to index
      %swap3A_60 = arith.constant 64 : index
      %swap3A_61 = tpu.vector_load %arg5[%swap3A_59, %swap3A_60] {strides = array<i32>} : memref<128x128xf32, #tpu.memory_space<vmem>>, vector<1x16xf32>,
      %swap3A_62 = vector.shape_cast %swap3A_61 : vector<1x16xf32> to vector<16xf32>
      %swap3A_63 = vector.shape_cast %broadcast_in_dim3A_1 : vector<16xf32> to vector<1x16xf32>
      tpu.vector_store %arg5[%swap3A_59, %swap3A_60], %swap3A_63 {strides = array<i32>} : memref<128x128xf32, #tpu.memory_space<vmem>>, vector<1x16xf32>,
      %swap3A_64 = arith.index_cast %scan3A_39 : i32 to index
      %swap3A_65 = arith.constant 80 : index
      %swap3A_66 = tpu.vector_load %arg5[%swap3A_64, %swap3A_65] {strides = array<i32>} : memref<128x128xf32, #tpu.memory_space<vmem>>, vector<1x16xf32>,
      %swap3A_67 = vector.shape_cast %swap3A_66 : vector<1x16xf32> to vector<16xf32>
      %swap3A_68 = vector.shape_cast %broadcast_in_dim3A_1 : vector<16xf32> to vector<1x16xf32>
      tpu.vector_store %arg5[%swap3A_64, %swap3A_65], %swap3A_68 {strides = array<i32>} : memref<128x128xf32, #tpu.memory_space<vmem>>, vector<1x16xf32>,
      %swap3A_69 = arith.index_cast %scan3A_39 : i32 to index
      %swap3A_70 = arith.constant 96 : index
      %swap3A_71 = tpu.vector_load %arg5[%swap3A_69, %swap3A_70] {strides = array<i32>} : memref<128x128xf32, #tpu.memory_space<vmem>>, vector<1x16xf32>,
      %swap3A_72 = vector.shape_cast %swap3A_71 : vector<1x16xf32> to vector<16xf32>
      %swap3A_73 = vector.shape_cast %broadcast_in_dim3A_1 : vector<16xf32> to vector<1x16xf32>
      tpu.vector_store %arg5[%swap3A_69, %swap3A_70], %swap3A_73 {strides = array<i32>} : memref<128x128xf32, #tpu.memory_space<vmem>>, vector<1x16xf32>,
      %swap3A_74 = arith.index_cast %scan3A_39 : i32 to index
      %swap3A_75 = arith.constant 112 : index
      %swap3A_76 = tpu.vector_load %arg5[%swap3A_74, %swap3A_75] {strides = array<i32>} : memref<128x128xf32, #tpu.memory_space<vmem>>, vector<1x16xf32>,
      %swap3A_77 = vector.shape_cast %swap3A_76 : vector<1x16xf32> to vector<16xf32>
      %swap3A_78 = vector.shape_cast %broadcast_in_dim3A_1 : vector<16xf32> to vector<1x16xf32>
      tpu.vector_store %arg5[%swap3A_74, %swap3A_75], %swap3A_78 {strides = array<i32>} : memref<128x128xf32, #tpu.memory_space<vmem>>, vector<1x16xf32>,
    }
    %scan3A_8 = arith.constant 128 : i32
    %mul3A_9 = arith.constant 640 : i32
    %mul3A_10 = arith.muli %arg1, %mul3A_9 : i32
    %add3A_11 = arith.constant 0 : i32
    %add3A_12 = arith.addi %mul3A_10, %add3A_11 : i32
    "tpu.region"() ({
      %run_scoped3A = tpu.sem_alloc : memref<!tpu.dma_semaphore, #tpu.memory_space<semaphore_mem>>
      %dma_start3A = arith.constant 0 : i32
      %dma_start3A_39 = tpu.memref_slice %arg6[%add3A_12, %dma_start3A] : memref<10240x128xf32, #tpu.memory_space<vmem_shared>> -> memref<128x128xf32, #tpu.memory_space<vmem_shared>>
      %dma_start3A_40 = arith.constant 0 : i32
      %dma_start3A_41 = tpu.memref_slice %arg6[%add3A_12, %dma_start3A_40] : memref<10240x128xf32, #tpu.memory_space<vmem_shared>> -> memref<128x128xf32, #tpu.memory_space<vmem_shared>>
      tpu.enqueue_dma source(%arg5 : memref<128x128xf32, #tpu.memory_space<vmem>>) target(%dma_start3A_41 : memref<128x128xf32, #tpu.memory_space<vmem_shared>>) target_semaphore(%run_scoped3A : memref<!tpu.dma_semaphore, #tpu.memory_space<semaphore_mem>>)
      %dma_wait3A = arith.constant 0 : i32
      %dma_wait3A_42 = tpu.memref_slice %arg6[%add3A_12, %dma_wait3A] : memref<10240x128xf32, #tpu.memory_space<vmem_shared>> -> memref<128x128xf32, #tpu.memory_space<vmem_shared>>
      %dma_wait3A_43 = arith.constant 0 : i32
      %dma_wait3A_44 = tpu.memref_slice %arg6[%add3A_12, %dma_wait3A_43] : memref<10240x128xf32, #tpu.memory_space<vmem_shared>> -> memref<128x128xf32, #tpu.memory_space<vmem_shared>>
      tpu.wait_dma2 semaphore(%run_scoped3A : memref<!tpu.dma_semaphore, #tpu.memory_space<semaphore_mem>>) src(%arg5 : memref<128x128xf32, #tpu.memory_space<vmem>>) dst(%dma_wait3A_44 : memref<128x128xf32, #tpu.memory_space<vmem_shared>>)
      tpu.yield
    }) : () -> ()
    %add3A_13 = arith.constant 128 : i32
    %add3A_14 = arith.addi %mul3A_10, %add3A_13 : i32
    "tpu.region"() ({
      %run_scoped3A = tpu.sem_alloc : memref<!tpu.dma_semaphore, #tpu.memory_space<semaphore_mem>>
      %dma_start3A = arith.constant 0 : i32
      %dma_start3A_39 = tpu.memref_slice %arg6[%add3A_14, %dma_start3A] : memref<10240x128xf32, #tpu.memory_space<vmem_shared>> -> memref<128x128xf32, #tpu.memory_space<vmem_shared>>
      %dma_start3A_40 = arith.constant 0 : i32
      %dma_start3A_41 = tpu.memref_slice %arg6[%add3A_14, %dma_start3A_40] : memref<10240x128xf32, #tpu.memory_space<vmem_shared>> -> memref<128x128xf32, #tpu.memory_space<vmem_shared>>
      tpu.enqueue_dma source(%arg5 : memref<128x128xf32, #tpu.memory_space<vmem>>) target(%dma_start3A_41 : memref<128x128xf32, #tpu.memory_space<vmem_shared>>) target_semaphore(%run_scoped3A : memref<!tpu.dma_semaphore, #tpu.memory_space<semaphore_mem>>)
      %dma_wait3A = arith.constant 0 : i32
      %dma_wait3A_42 = tpu.memref_slice %arg6[%add3A_14, %dma_wait3A] : memref<10240x128xf32, #tpu.memory_space<vmem_shared>> -> memref<128x128xf32, #tpu.memory_space<vmem_shared>>
      %dma_wait3A_43 = arith.constant 0 : i32
      %dma_wait3A_44 = tpu.memref_slice %arg6[%add3A_14, %dma_wait3A_43] : memref<10240x128xf32, #tpu.memory_space<vmem_shared>> -> memref<128x128xf32, #tpu.memory_space<vmem_shared>>
      tpu.wait_dma2 semaphore(%run_scoped3A : memref<!tpu.dma_semaphore, #tpu.memory_space<semaphore_mem>>) src(%arg5 : memref<128x128xf32, #tpu.memory_space<vmem>>) dst(%dma_wait3A_44 : memref<128x128xf32, #tpu.memory_space<vmem_shared>>)
      tpu.yield
    }) : () -> ()
    %add3A_15 = arith.constant 256 : i32
    %add3A_16 = arith.addi %mul3A_10, %add3A_15 : i32
    "tpu.region"() ({
      %run_scoped3A = tpu.sem_alloc : memref<!tpu.dma_semaphore, #tpu.memory_space<semaphore_mem>>
      %dma_start3A = arith.constant 0 : i32
      %dma_start3A_39 = tpu.memref_slice %arg6[%add3A_16, %dma_start3A] : memref<10240x128xf32, #tpu.memory_space<vmem_shared>> -> memref<128x128xf32, #tpu.memory_space<vmem_shared>>
      %dma_start3A_40 = arith.constant 0 : i32
      %dma_start3A_41 = tpu.memref_slice %arg6[%add3A_16, %dma_start3A_40] : memref<10240x128xf32, #tpu.memory_space<vmem_shared>> -> memref<128x128xf32, #tpu.memory_space<vmem_shared>>
      tpu.enqueue_dma source(%arg5 : memref<128x128xf32, #tpu.memory_space<vmem>>) target(%dma_start3A_41 : memref<128x128xf32, #tpu.memory_space<vmem_shared>>) target_semaphore(%run_scoped3A : memref<!tpu.dma_semaphore, #tpu.memory_space<semaphore_mem>>)
      %dma_wait3A = arith.constant 0 : i32
      %dma_wait3A_42 = tpu.memref_slice %arg6[%add3A_16, %dma_wait3A] : memref<10240x128xf32, #tpu.memory_space<vmem_shared>> -> memref<128x128xf32, #tpu.memory_space<vmem_shared>>
      %dma_wait3A_43 = arith.constant 0 : i32
      %dma_wait3A_44 = tpu.memref_slice %arg6[%add3A_16, %dma_wait3A_43] : memref<10240x128xf32, #tpu.memory_space<vmem_shared>> -> memref<128x128xf32, #tpu.memory_space<vmem_shared>>
      tpu.wait_dma2 semaphore(%run_scoped3A : memref<!tpu.dma_semaphore, #tpu.memory_space<semaphore_mem>>) src(%arg5 : memref<128x128xf32, #tpu.memory_space<vmem>>) dst(%dma_wait3A_44 : memref<128x128xf32, #tpu.memory_space<vmem_shared>>)
      tpu.yield
    }) : () -> ()
    %add3A_17 = arith.constant 384 : i32
    %add3A_18 = arith.addi %mul3A_10, %add3A_17 : i32
    "tpu.region"() ({
      %run_scoped3A = tpu.sem_alloc : memref<!tpu.dma_semaphore, #tpu.memory_space<semaphore_mem>>
      %dma_start3A = arith.constant 0 : i32
      %dma_start3A_39 = tpu.memref_slice %arg6[%add3A_18, %dma_start3A] : memref<10240x128xf32, #tpu.memory_space<vmem_shared>> -> memref<128x128xf32, #tpu.memory_space<vmem_shared>>
      %dma_start3A_40 = arith.constant 0 : i32
      %dma_start3A_41 = tpu.memref_slice %arg6[%add3A_18, %dma_start3A_40] : memref<10240x128xf32, #tpu.memory_space<vmem_shared>> -> memref<128x128xf32, #tpu.memory_space<vmem_shared>>
      tpu.enqueue_dma source(%arg5 : memref<128x128xf32, #tpu.memory_space<vmem>>) target(%dma_start3A_41 : memref<128x128xf32, #tpu.memory_space<vmem_shared>>) target_semaphore(%run_scoped3A : memref<!tpu.dma_semaphore, #tpu.memory_space<semaphore_mem>>)
      %dma_wait3A = arith.constant 0 : i32
      %dma_wait3A_42 = tpu.memref_slice %arg6[%add3A_18, %dma_wait3A] : memref<10240x128xf32, #tpu.memory_space<vmem_shared>> -> memref<128x128xf32, #tpu.memory_space<vmem_shared>>
      %dma_wait3A_43 = arith.constant 0 : i32
      %dma_wait3A_44 = tpu.memref_slice %arg6[%add3A_18, %dma_wait3A_43] : memref<10240x128xf32, #tpu.memory_space<vmem_shared>> -> memref<128x128xf32, #tpu.memory_space<vmem_shared>>
      tpu.wait_dma2 semaphore(%run_scoped3A : memref<!tpu.dma_semaphore, #tpu.memory_space<semaphore_mem>>) src(%arg5 : memref<128x128xf32, #tpu.memory_space<vmem>>) dst(%dma_wait3A_44 : memref<128x128xf32, #tpu.memory_space<vmem_shared>>)
      tpu.yield
    }) : () -> ()
    %add3A_19 = arith.constant 512 : i32
    %add3A_20 = arith.addi %mul3A_10, %add3A_19 : i32
    "tpu.region"() ({
      %run_scoped3A = tpu.sem_alloc : memref<!tpu.dma_semaphore, #tpu.memory_space<semaphore_mem>>
      %dma_start3A = arith.constant 0 : i32
      %dma_start3A_39 = tpu.memref_slice %arg6[%add3A_20, %dma_start3A] : memref<10240x128xf32, #tpu.memory_space<vmem_shared>> -> memref<128x128xf32, #tpu.memory_space<vmem_shared>>
      %dma_start3A_40 = arith.constant 0 : i32
      %dma_start3A_41 = tpu.memref_slice %arg6[%add3A_20, %dma_start3A_40] : memref<10240x128xf32, #tpu.memory_space<vmem_shared>> -> memref<128x128xf32, #tpu.memory_space<vmem_shared>>
      tpu.enqueue_dma source(%arg5 : memref<128x128xf32, #tpu.memory_space<vmem>>) target(%dma_start3A_41 : memref<128x128xf32, #tpu.memory_space<vmem_shared>>) target_semaphore(%run_scoped3A : memref<!tpu.dma_semaphore, #tpu.memory_space<semaphore_mem>>)
      %dma_wait3A = arith.constant 0 : i32
      %dma_wait3A_42 = tpu.memref_slice %arg6[%add3A_20, %dma_wait3A] : memref<10240x128xf32, #tpu.memory_space<vmem_shared>> -> memref<128x128xf32, #tpu.memory_space<vmem_shared>>
      %dma_wait3A_43 = arith.constant 0 : i32
      %dma_wait3A_44 = tpu.memref_slice %arg6[%add3A_20, %dma_wait3A_43] : memref<10240x128xf32, #tpu.memory_space<vmem_shared>> -> memref<128x128xf32, #tpu.memory_space<vmem_shared>>
      tpu.wait_dma2 semaphore(%run_scoped3A : memref<!tpu.dma_semaphore, #tpu.memory_space<semaphore_mem>>) src(%arg5 : memref<128x128xf32, #tpu.memory_space<vmem>>) dst(%dma_wait3A_44 : memref<128x128xf32, #tpu.memory_space<vmem_shared>>)
      tpu.yield
    }) : () -> ()
    %broadcast_in_dim3A_21 = arith.constant 1.000000e+00 : f32
    %broadcast_in_dim3A_22 = vector.broadcast %broadcast_in_dim3A_21 : f32 to vector<16xf32>
    %scan3A_23 = arith.constant 0 : i32
    %scan3A_24 = arith.constant 0 : i32
    %scan3A_25 = arith.constant 128 : i32
    %scan3A_26 = arith.addi %scan3A_24, %scan3A_25 : i32
    %scan3A_27 = arith.constant 1 : i32
    scf.for %scan3A_39 = %scan3A_24 to %scan3A_26 step %scan3A_27  : i32 {
      %swap3A = arith.index_cast %scan3A_39 : i32 to index
      %swap3A_40 = arith.constant 0 : index
      %swap3A_41 = tpu.vector_load %arg5[%swap3A, %swap3A_40] {strides = array<i32>} : memref<128x128xf32, #tpu.memory_space<vmem>>, vector<1x16xf32>,
      %swap3A_42 = vector.shape_cast %swap3A_41 : vector<1x16xf32> to vector<16xf32>
      %swap3A_43 = vector.shape_cast %broadcast_in_dim3A_22 : vector<16xf32> to vector<1x16xf32>
      tpu.vector_store %arg5[%swap3A, %swap3A_40], %swap3A_43 {strides = array<i32>} : memref<128x128xf32, #tpu.memory_space<vmem>>, vector<1x16xf32>,
      %swap3A_44 = arith.index_cast %scan3A_39 : i32 to index
      %swap3A_45 = arith.constant 16 : index
      %swap3A_46 = tpu.vector_load %arg5[%swap3A_44, %swap3A_45] {strides = array<i32>} : memref<128x128xf32, #tpu.memory_space<vmem>>, vector<1x16xf32>,
      %swap3A_47 = vector.shape_cast %swap3A_46 : vector<1x16xf32> to vector<16xf32>
      %swap3A_48 = vector.shape_cast %broadcast_in_dim3A_22 : vector<16xf32> to vector<1x16xf32>
      tpu.vector_store %arg5[%swap3A_44, %swap3A_45], %swap3A_48 {strides = array<i32>} : memref<128x128xf32, #tpu.memory_space<vmem>>, vector<1x16xf32>,
      %swap3A_49 = arith.index_cast %scan3A_39 : i32 to index
      %swap3A_50 = arith.constant 32 : index
      %swap3A_51 = tpu.vector_load %arg5[%swap3A_49, %swap3A_50] {strides = array<i32>} : memref<128x128xf32, #tpu.memory_space<vmem>>, vector<1x16xf32>,
      %swap3A_52 = vector.shape_cast %swap3A_51 : vector<1x16xf32> to vector<16xf32>
      %swap3A_53 = vector.shape_cast %broadcast_in_dim3A_22 : vector<16xf32> to vector<1x16xf32>
      tpu.vector_store %arg5[%swap3A_49, %swap3A_50], %swap3A_53 {strides = array<i32>} : memref<128x128xf32, #tpu.memory_space<vmem>>, vector<1x16xf32>,
      %swap3A_54 = arith.index_cast %scan3A_39 : i32 to index
      %swap3A_55 = arith.constant 48 : index
      %swap3A_56 = tpu.vector_load %arg5[%swap3A_54, %swap3A_55] {strides = array<i32>} : memref<128x128xf32, #tpu.memory_space<vmem>>, vector<1x16xf32>,
      %swap3A_57 = vector.shape_cast %swap3A_56 : vector<1x16xf32> to vector<16xf32>
      %swap3A_58 = vector.shape_cast %broadcast_in_dim3A_22 : vector<16xf32> to vector<1x16xf32>
      tpu.vector_store %arg5[%swap3A_54, %swap3A_55], %swap3A_58 {strides = array<i32>} : memref<128x128xf32, #tpu.memory_space<vmem>>, vector<1x16xf32>,
      %swap3A_59 = arith.index_cast %scan3A_39 : i32 to index
      %swap3A_60 = arith.constant 64 : index
      %swap3A_61 = tpu.vector_load %arg5[%swap3A_59, %swap3A_60] {strides = array<i32>} : memref<128x128xf32, #tpu.memory_space<vmem>>, vector<1x16xf32>,
      %swap3A_62 = vector.shape_cast %swap3A_61 : vector<1x16xf32> to vector<16xf32>
      %swap3A_63 = vector.shape_cast %broadcast_in_dim3A_22 : vector<16xf32> to vector<1x16xf32>
      tpu.vector_store %arg5[%swap3A_59, %swap3A_60], %swap3A_63 {strides = array<i32>} : memref<128x128xf32, #tpu.memory_space<vmem>>, vector<1x16xf32>,
      %swap3A_64 = arith.index_cast %scan3A_39 : i32 to index
      %swap3A_65 = arith.constant 80 : index
      %swap3A_66 = tpu.vector_load %arg5[%swap3A_64, %swap3A_65] {strides = array<i32>} : memref<128x128xf32, #tpu.memory_space<vmem>>, vector<1x16xf32>,
      %swap3A_67 = vector.shape_cast %swap3A_66 : vector<1x16xf32> to vector<16xf32>
      %swap3A_68 = vector.shape_cast %broadcast_in_dim3A_22 : vector<16xf32> to vector<1x16xf32>
      tpu.vector_store %arg5[%swap3A_64, %swap3A_65], %swap3A_68 {strides = array<i32>} : memref<128x128xf32, #tpu.memory_space<vmem>>, vector<1x16xf32>,
      %swap3A_69 = arith.index_cast %scan3A_39 : i32 to index
      %swap3A_70 = arith.constant 96 : index
      %swap3A_71 = tpu.vector_load %arg5[%swap3A_69, %swap3A_70] {strides = array<i32>} : memref<128x128xf32, #tpu.memory_space<vmem>>, vector<1x16xf32>,
      %swap3A_72 = vector.shape_cast %swap3A_71 : vector<1x16xf32> to vector<16xf32>
      %swap3A_73 = vector.shape_cast %broadcast_in_dim3A_22 : vector<16xf32> to vector<1x16xf32>
      tpu.vector_store %arg5[%swap3A_69, %swap3A_70], %swap3A_73 {strides = array<i32>} : memref<128x128xf32, #tpu.memory_space<vmem>>, vector<1x16xf32>,
      %swap3A_74 = arith.index_cast %scan3A_39 : i32 to index
      %swap3A_75 = arith.constant 112 : index
      %swap3A_76 = tpu.vector_load %arg5[%swap3A_74, %swap3A_75] {strides = array<i32>} : memref<128x128xf32, #tpu.memory_space<vmem>>, vector<1x16xf32>,
      %swap3A_77 = vector.shape_cast %swap3A_76 : vector<1x16xf32> to vector<16xf32>
      %swap3A_78 = vector.shape_cast %broadcast_in_dim3A_22 : vector<16xf32> to vector<1x16xf32>
      tpu.vector_store %arg5[%swap3A_74, %swap3A_75], %swap3A_78 {strides = array<i32>} : memref<128x128xf32, #tpu.memory_space<vmem>>, vector<1x16xf32>,
    }
    %scan3A_28 = arith.constant 128 : i32
    %barrier3A = arith.constant 0 : index
    tpu.barrier barrier_id(%barrier3A)
    %scan3A_29 = arith.constant 0 : i32
    %scan3A_30 = arith.constant 0 : i32
    %scan3A_31 = arith.constant 40 : i32
    %scan3A_32 = arith.addi %scan3A_30, %scan3A_31 : i32
    %scan3A_33 = arith.constant 1 : i32
    scf.for %scan3A_39 = %scan3A_30 to %scan3A_32 step %scan3A_33  : i32 {
      %mul3A_40 = arith.constant 2 : i32
      %mul3A_41 = arith.muli %scan3A_39, %mul3A_40 : i32
      %add3A_42 = arith.constant 0 : i32
      %add3A_43 = arith.addi %mul3A_41, %add3A_42 : i32
      %dma_start3A = arith.constant 0 : i32
      %dma_start3A_44 = tpu.memref_slice %arg4[%add3A_43, %dma_start3A] : memref<80x128xi32, #tpu.memory_space<vmem>> -> memref<1x128xi32, #tpu.memory_space<vmem>>
      %dma_start3A_45 = tpu.memref_squeeze %dma_start3A_44 : memref<1x128xi32, #tpu.memory_space<vmem>> -> memref<128xi32, #tpu.memory_space<vmem>>
      %dma_start3A_46 = arith.constant 0 : i32
      %dma_start3A_47 = arith.constant 0 : i32
      %dma_start3A_48 = tpu.memref_slice %arg6[%dma_start3A_46, %dma_start3A_47] : memref<10240x128xf32, #tpu.memory_space<vmem_shared>> -> memref<10240x128xf32, #tpu.memory_space<vmem_shared>>
      tpu.enqueue_indirect_dma source(%arg5 : memref<128x128xf32, #tpu.memory_space<vmem>>) target(%dma_start3A_48 : memref<10240x128xf32, #tpu.memory_space<vmem_shared>>) offsets(%dma_start3A_45 : memref<128xi32, #tpu.memory_space<vmem>>) semaphore(%arg7 : memref<!tpu.dma_semaphore, #tpu.memory_space<semaphore_mem>>) {add = true}
      %mul3A_49 = arith.constant 2 : i32
      %mul3A_50 = arith.muli %scan3A_39, %mul3A_49 : i32
      %add3A_51 = arith.constant 1 : i32
      %add3A_52 = arith.addi %mul3A_50, %add3A_51 : i32
      %dma_start3A_53 = arith.constant 0 : i32
      %dma_start3A_54 = tpu.memref_slice %arg4[%add3A_52, %dma_start3A_53] : memref<80x128xi32, #tpu.memory_space<vmem>> -> memref<1x128xi32, #tpu.memory_space<vmem>>
      %dma_start3A_55 = tpu.memref_squeeze %dma_start3A_54 : memref<1x128xi32, #tpu.memory_space<vmem>> -> memref<128xi32, #tpu.memory_space<vmem>>
      %dma_start3A_56 = arith.constant 0 : i32
      %dma_start3A_57 = arith.constant 0 : i32
      %dma_start3A_58 = tpu.memref_slice %arg6[%dma_start3A_56, %dma_start3A_57] : memref<10240x128xf32, #tpu.memory_space<vmem_shared>> -> memref<10240x128xf32, #tpu.memory_space<vmem_shared>>
      tpu.enqueue_indirect_dma source(%arg5 : memref<128x128xf32, #tpu.memory_space<vmem>>) target(%dma_start3A_58 : memref<10240x128xf32, #tpu.memory_space<vmem_shared>>) offsets(%dma_start3A_55 : memref<128xi32, #tpu.memory_space<vmem>>) semaphore(%arg7 : memref<!tpu.dma_semaphore, #tpu.memory_space<semaphore_mem>>) {add = true}
      %mul3A_59 = arith.constant 2 : i32
      %mul3A_60 = arith.muli %scan3A_39, %mul3A_59 : i32
      %add3A_61 = arith.constant 0 : i32
      %add3A_62 = arith.addi %mul3A_60, %add3A_61 : i32
      %dma_wait3A = arith.constant 0 : i32
      %dma_wait3A_63 = tpu.memref_slice %arg4[%add3A_62, %dma_wait3A] : memref<80x128xi32, #tpu.memory_space<vmem>> -> memref<1x128xi32, #tpu.memory_space<vmem>>
      %dma_wait3A_64 = tpu.memref_squeeze %dma_wait3A_63 : memref<1x128xi32, #tpu.memory_space<vmem>> -> memref<128xi32, #tpu.memory_space<vmem>>
      %dma_wait3A_65 = arith.constant 0 : i32
      %dma_wait3A_66 = arith.constant 0 : i32
      %dma_wait3A_67 = tpu.memref_slice %arg6[%dma_wait3A_65, %dma_wait3A_66] : memref<10240x128xf32, #tpu.memory_space<vmem_shared>> -> memref<10240x128xf32, #tpu.memory_space<vmem_shared>>
      tpu.wait_indirect_dma semaphore(%arg7 : memref<!tpu.dma_semaphore, #tpu.memory_space<semaphore_mem>>) src(%arg5 : memref<128x128xf32, #tpu.memory_space<vmem>>) dst(%dma_wait3A_67 : memref<10240x128xf32, #tpu.memory_space<vmem_shared>>)
      %mul3A_68 = arith.constant 2 : i32
      %mul3A_69 = arith.muli %scan3A_39, %mul3A_68 : i32
      %add3A_70 = arith.constant 1 : i32
      %add3A_71 = arith.addi %mul3A_69, %add3A_70 : i32
      %dma_wait3A_72 = arith.constant 0 : i32
      %dma_wait3A_73 = tpu.memref_slice %arg4[%add3A_71, %dma_wait3A_72] : memref<80x128xi32, #tpu.memory_space<vmem>> -> memref<1x128xi32, #tpu.memory_space<vmem>>
      %dma_wait3A_74 = tpu.memref_squeeze %dma_wait3A_73 : memref<1x128xi32, #tpu.memory_space<vmem>> -> memref<128xi32, #tpu.memory_space<vmem>>
      %dma_wait3A_75 = arith.constant 0 : i32
      %dma_wait3A_76 = arith.constant 0 : i32
      %dma_wait3A_77 = tpu.memref_slice %arg6[%dma_wait3A_75, %dma_wait3A_76] : memref<10240x128xf32, #tpu.memory_space<vmem_shared>> -> memref<10240x128xf32, #tpu.memory_space<vmem_shared>>
      tpu.wait_indirect_dma semaphore(%arg7 : memref<!tpu.dma_semaphore, #tpu.memory_space<semaphore_mem>>) src(%arg5 : memref<128x128xf32, #tpu.memory_space<vmem>>) dst(%dma_wait3A_77 : memref<10240x128xf32, #tpu.memory_space<vmem_shared>>)
    }
    %scan3A_34 = arith.constant 40 : i32
    %barrier3A_35 = arith.constant 0 : index
    tpu.barrier barrier_id(%barrier3A_35)
    %mul3A_36 = arith.constant 10240 : i32
    %mul3A_37 = arith.muli %arg0, %mul3A_36 : i32
    %add3A_38 = arith.addi %mul3A_37, %mul3A_10 : i32
    "tpu.region"() ({
      %run_scoped3A = tpu.sem_alloc : memref<!tpu.dma_semaphore, #tpu.memory_space<semaphore_mem>>
      %dma_start3A = arith.constant 0 : i32
      %dma_start3A_39 = tpu.memref_slice %arg3[%add3A_38, %dma_start3A] : memref<20480x128xf32, #tpu.memory_space<hbm>> -> memref<640x128xf32, #tpu.memory_space<hbm>>
      %dma_start3A_40 = arith.constant 0 : i32
      %dma_start3A_41 = tpu.memref_slice %arg6[%mul3A_10, %dma_start3A_40] : memref<10240x128xf32, #tpu.memory_space<vmem_shared>> -> memref<640x128xf32, #tpu.memory_space<vmem_shared>>
      tpu.enqueue_dma source(%dma_start3A_41 : memref<640x128xf32, #tpu.memory_space<vmem_shared>>) target(%dma_start3A_39 : memref<640x128xf32, #tpu.memory_space<hbm>>) target_semaphore(%run_scoped3A : memref<!tpu.dma_semaphore, #tpu.memory_space<semaphore_mem>>)
      %dma_wait3A = arith.constant 0 : i32
      %dma_wait3A_42 = tpu.memref_slice %arg3[%add3A_38, %dma_wait3A] : memref<20480x128xf32, #tpu.memory_space<hbm>> -> memref<640x128xf32, #tpu.memory_space<hbm>>
      %dma_wait3A_43 = arith.constant 0 : i32
      %dma_wait3A_44 = tpu.memref_slice %arg6[%mul3A_10, %dma_wait3A_43] : memref<10240x128xf32, #tpu.memory_space<vmem_shared>> -> memref<640x128xf32, #tpu.memory_space<vmem_shared>>
      tpu.wait_dma2 semaphore(%run_scoped3A : memref<!tpu.dma_semaphore, #tpu.memory_space<semaphore_mem>>) src(%dma_wait3A_44 : memref<640x128xf32, #tpu.memory_space<vmem_shared>>) dst(%dma_wait3A_42 : memref<640x128xf32, #tpu.memory_space<hbm>>)
      tpu.yield
    }) : () -> ()
    return
  }
}

#map = affine_map<(d0, d1) -> (0, 0)>
module attributes {stable_mosaic.version = 14 : i64} {
  func.func @body(%arg0: i32, %arg1: i32, %arg2: memref<10000x128xf32, #tpu.memory_space<hbm>>, %arg3: memref<2592x128xi32, #tpu.memory_space<hbm>>, %arg4: memref<2592x128xi32, #tpu.memory_space<hbm>>, %arg5: memref<20480x128xf32, #tpu.memory_space<hbm>>, %arg6: memref<32x128xi32, #tpu.memory_space<vmem>>, %arg7: memref<32x128xi32, #tpu.memory_space<vmem>>, %arg8: memref<10240x128xf32, #tpu.memory_space<vmem_shared>>, %arg9: memref<128x128xf32, #tpu.memory_space<vmem>>, %arg10: memref<128x128xf32, #tpu.memory_space<vmem>>, %arg11: memref<!tpu.dma_semaphore, #tpu.memory_space<semaphore_mem>>, %arg12: memref<!tpu.dma_semaphore, #tpu.memory_space<semaphore_mem>>) attributes {dimension_semantics = [#tpu.dimension_semantics<core_parallel>, #tpu.dimension_semantics<subcore_parallel>], iteration_bounds = array<i64: 2, 16>, scalar_prefetch = 0 : i64, scratch_operands = 7 : i64, tpu.core_type = #tpu.core_type<sc_vector_subcore>, window_params = [{transform_indices = #map}, {transform_indices = #map}, {transform_indices = #map}, {transform_indices = #map}]} {
    %broadcast_in_dim3A = arith.constant 0.000000e+00 : f32
    %broadcast_in_dim3A_0 = vector.broadcast %broadcast_in_dim3A : f32 to vector<16xf32>
    %scan3A = arith.constant 0 : i32
    %scan3A_1 = arith.constant 0 : i32
    %scan3A_2 = arith.constant 128 : i32
    %scan3A_3 = arith.addi %scan3A_1, %scan3A_2 : i32
    %scan3A_4 = arith.constant 1 : i32
    scf.for %scan3A_262 = %scan3A_1 to %scan3A_3 step %scan3A_4  : i32 {
      %swap3A = arith.index_cast %scan3A_262 : i32 to index
      %swap3A_263 = arith.constant 0 : index
      %swap3A_264 = tpu.vector_load %arg9[%swap3A, %swap3A_263] {strides = array<i32>} : memref<128x128xf32, #tpu.memory_space<vmem>>, vector<1x16xf32>,
      %swap3A_265 = vector.shape_cast %swap3A_264 : vector<1x16xf32> to vector<16xf32>
      %swap3A_266 = vector.shape_cast %broadcast_in_dim3A_0 : vector<16xf32> to vector<1x16xf32>
      tpu.vector_store %arg9[%swap3A, %swap3A_263], %swap3A_266 {strides = array<i32>} : memref<128x128xf32, #tpu.memory_space<vmem>>, vector<1x16xf32>,
      %swap3A_267 = arith.index_cast %scan3A_262 : i32 to index
      %swap3A_268 = arith.constant 16 : index
      %swap3A_269 = tpu.vector_load %arg9[%swap3A_267, %swap3A_268] {strides = array<i32>} : memref<128x128xf32, #tpu.memory_space<vmem>>, vector<1x16xf32>,
      %swap3A_270 = vector.shape_cast %swap3A_269 : vector<1x16xf32> to vector<16xf32>
      %swap3A_271 = vector.shape_cast %broadcast_in_dim3A_0 : vector<16xf32> to vector<1x16xf32>
      tpu.vector_store %arg9[%swap3A_267, %swap3A_268], %swap3A_271 {strides = array<i32>} : memref<128x128xf32, #tpu.memory_space<vmem>>, vector<1x16xf32>,
      %swap3A_272 = arith.index_cast %scan3A_262 : i32 to index
      %swap3A_273 = arith.constant 32 : index
      %swap3A_274 = tpu.vector_load %arg9[%swap3A_272, %swap3A_273] {strides = array<i32>} : memref<128x128xf32, #tpu.memory_space<vmem>>, vector<1x16xf32>,
      %swap3A_275 = vector.shape_cast %swap3A_274 : vector<1x16xf32> to vector<16xf32>
      %swap3A_276 = vector.shape_cast %broadcast_in_dim3A_0 : vector<16xf32> to vector<1x16xf32>
      tpu.vector_store %arg9[%swap3A_272, %swap3A_273], %swap3A_276 {strides = array<i32>} : memref<128x128xf32, #tpu.memory_space<vmem>>, vector<1x16xf32>,
      %swap3A_277 = arith.index_cast %scan3A_262 : i32 to index
      %swap3A_278 = arith.constant 48 : index
      %swap3A_279 = tpu.vector_load %arg9[%swap3A_277, %swap3A_278] {strides = array<i32>} : memref<128x128xf32, #tpu.memory_space<vmem>>, vector<1x16xf32>,
      %swap3A_280 = vector.shape_cast %swap3A_279 : vector<1x16xf32> to vector<16xf32>
      %swap3A_281 = vector.shape_cast %broadcast_in_dim3A_0 : vector<16xf32> to vector<1x16xf32>
      tpu.vector_store %arg9[%swap3A_277, %swap3A_278], %swap3A_281 {strides = array<i32>} : memref<128x128xf32, #tpu.memory_space<vmem>>, vector<1x16xf32>,
      %swap3A_282 = arith.index_cast %scan3A_262 : i32 to index
      %swap3A_283 = arith.constant 64 : index
      %swap3A_284 = tpu.vector_load %arg9[%swap3A_282, %swap3A_283] {strides = array<i32>} : memref<128x128xf32, #tpu.memory_space<vmem>>, vector<1x16xf32>,
      %swap3A_285 = vector.shape_cast %swap3A_284 : vector<1x16xf32> to vector<16xf32>
      %swap3A_286 = vector.shape_cast %broadcast_in_dim3A_0 : vector<16xf32> to vector<1x16xf32>
      tpu.vector_store %arg9[%swap3A_282, %swap3A_283], %swap3A_286 {strides = array<i32>} : memref<128x128xf32, #tpu.memory_space<vmem>>, vector<1x16xf32>,
      %swap3A_287 = arith.index_cast %scan3A_262 : i32 to index
      %swap3A_288 = arith.constant 80 : index
      %swap3A_289 = tpu.vector_load %arg9[%swap3A_287, %swap3A_288] {strides = array<i32>} : memref<128x128xf32, #tpu.memory_space<vmem>>, vector<1x16xf32>,
      %swap3A_290 = vector.shape_cast %swap3A_289 : vector<1x16xf32> to vector<16xf32>
      %swap3A_291 = vector.shape_cast %broadcast_in_dim3A_0 : vector<16xf32> to vector<1x16xf32>
      tpu.vector_store %arg9[%swap3A_287, %swap3A_288], %swap3A_291 {strides = array<i32>} : memref<128x128xf32, #tpu.memory_space<vmem>>, vector<1x16xf32>,
      %swap3A_292 = arith.index_cast %scan3A_262 : i32 to index
      %swap3A_293 = arith.constant 96 : index
      %swap3A_294 = tpu.vector_load %arg9[%swap3A_292, %swap3A_293] {strides = array<i32>} : memref<128x128xf32, #tpu.memory_space<vmem>>, vector<1x16xf32>,
      %swap3A_295 = vector.shape_cast %swap3A_294 : vector<1x16xf32> to vector<16xf32>
      %swap3A_296 = vector.shape_cast %broadcast_in_dim3A_0 : vector<16xf32> to vector<1x16xf32>
      tpu.vector_store %arg9[%swap3A_292, %swap3A_293], %swap3A_296 {strides = array<i32>} : memref<128x128xf32, #tpu.memory_space<vmem>>, vector<1x16xf32>,
      %swap3A_297 = arith.index_cast %scan3A_262 : i32 to index
      %swap3A_298 = arith.constant 112 : index
      %swap3A_299 = tpu.vector_load %arg9[%swap3A_297, %swap3A_298] {strides = array<i32>} : memref<128x128xf32, #tpu.memory_space<vmem>>, vector<1x16xf32>,
      %swap3A_300 = vector.shape_cast %swap3A_299 : vector<1x16xf32> to vector<16xf32>
      %swap3A_301 = vector.shape_cast %broadcast_in_dim3A_0 : vector<16xf32> to vector<1x16xf32>
      tpu.vector_store %arg9[%swap3A_297, %swap3A_298], %swap3A_301 {strides = array<i32>} : memref<128x128xf32, #tpu.memory_space<vmem>>, vector<1x16xf32>,
    }
    %scan3A_5 = arith.constant 128 : i32
    %mul3A = arith.constant 640 : i32
    %mul3A_6 = arith.muli %arg1, %mul3A : i32
    %add3A = arith.constant 0 : i32
    %add3A_7 = arith.addi %mul3A_6, %add3A : i32
    "tpu.region"() ({
      %run_scoped3A = tpu.sem_alloc : memref<!tpu.dma_semaphore, #tpu.memory_space<semaphore_mem>>
      %dma_start3A_262 = arith.constant 0 : i32
      %dma_start3A_263 = tpu.memref_slice %arg8[%add3A_7, %dma_start3A_262] : memref<10240x128xf32, #tpu.memory_space<vmem_shared>> -> memref<128x128xf32, #tpu.memory_space<vmem_shared>>
      %dma_start3A_264 = arith.constant 0 : i32
      %dma_start3A_265 = tpu.memref_slice %arg8[%add3A_7, %dma_start3A_264] : memref<10240x128xf32, #tpu.memory_space<vmem_shared>> -> memref<128x128xf32, #tpu.memory_space<vmem_shared>>
      tpu.enqueue_dma source(%arg9 : memref<128x128xf32, #tpu.memory_space<vmem>>) target(%dma_start3A_265 : memref<128x128xf32, #tpu.memory_space<vmem_shared>>) target_semaphore(%run_scoped3A : memref<!tpu.dma_semaphore, #tpu.memory_space<semaphore_mem>>)
      %dma_wait3A_266 = arith.constant 0 : i32
      %dma_wait3A_267 = tpu.memref_slice %arg8[%add3A_7, %dma_wait3A_266] : memref<10240x128xf32, #tpu.memory_space<vmem_shared>> -> memref<128x128xf32, #tpu.memory_space<vmem_shared>>
      %dma_wait3A_268 = arith.constant 0 : i32
      %dma_wait3A_269 = tpu.memref_slice %arg8[%add3A_7, %dma_wait3A_268] : memref<10240x128xf32, #tpu.memory_space<vmem_shared>> -> memref<128x128xf32, #tpu.memory_space<vmem_shared>>
      tpu.wait_dma2 semaphore(%run_scoped3A : memref<!tpu.dma_semaphore, #tpu.memory_space<semaphore_mem>>) src(%arg9 : memref<128x128xf32, #tpu.memory_space<vmem>>) dst(%dma_wait3A_269 : memref<128x128xf32, #tpu.memory_space<vmem_shared>>)
      tpu.yield
    }) : () -> ()
    %add3A_8 = arith.constant 128 : i32
    %add3A_9 = arith.addi %mul3A_6, %add3A_8 : i32
    "tpu.region"() ({
      %run_scoped3A = tpu.sem_alloc : memref<!tpu.dma_semaphore, #tpu.memory_space<semaphore_mem>>
      %dma_start3A_262 = arith.constant 0 : i32
      %dma_start3A_263 = tpu.memref_slice %arg8[%add3A_9, %dma_start3A_262] : memref<10240x128xf32, #tpu.memory_space<vmem_shared>> -> memref<128x128xf32, #tpu.memory_space<vmem_shared>>
      %dma_start3A_264 = arith.constant 0 : i32
      %dma_start3A_265 = tpu.memref_slice %arg8[%add3A_9, %dma_start3A_264] : memref<10240x128xf32, #tpu.memory_space<vmem_shared>> -> memref<128x128xf32, #tpu.memory_space<vmem_shared>>
      tpu.enqueue_dma source(%arg9 : memref<128x128xf32, #tpu.memory_space<vmem>>) target(%dma_start3A_265 : memref<128x128xf32, #tpu.memory_space<vmem_shared>>) target_semaphore(%run_scoped3A : memref<!tpu.dma_semaphore, #tpu.memory_space<semaphore_mem>>)
      %dma_wait3A_266 = arith.constant 0 : i32
      %dma_wait3A_267 = tpu.memref_slice %arg8[%add3A_9, %dma_wait3A_266] : memref<10240x128xf32, #tpu.memory_space<vmem_shared>> -> memref<128x128xf32, #tpu.memory_space<vmem_shared>>
      %dma_wait3A_268 = arith.constant 0 : i32
      %dma_wait3A_269 = tpu.memref_slice %arg8[%add3A_9, %dma_wait3A_268] : memref<10240x128xf32, #tpu.memory_space<vmem_shared>> -> memref<128x128xf32, #tpu.memory_space<vmem_shared>>
      tpu.wait_dma2 semaphore(%run_scoped3A : memref<!tpu.dma_semaphore, #tpu.memory_space<semaphore_mem>>) src(%arg9 : memref<128x128xf32, #tpu.memory_space<vmem>>) dst(%dma_wait3A_269 : memref<128x128xf32, #tpu.memory_space<vmem_shared>>)
      tpu.yield
    }) : () -> ()
    %add3A_10 = arith.constant 256 : i32
    %add3A_11 = arith.addi %mul3A_6, %add3A_10 : i32
    "tpu.region"() ({
      %run_scoped3A = tpu.sem_alloc : memref<!tpu.dma_semaphore, #tpu.memory_space<semaphore_mem>>
      %dma_start3A_262 = arith.constant 0 : i32
      %dma_start3A_263 = tpu.memref_slice %arg8[%add3A_11, %dma_start3A_262] : memref<10240x128xf32, #tpu.memory_space<vmem_shared>> -> memref<128x128xf32, #tpu.memory_space<vmem_shared>>
      %dma_start3A_264 = arith.constant 0 : i32
      %dma_start3A_265 = tpu.memref_slice %arg8[%add3A_11, %dma_start3A_264] : memref<10240x128xf32, #tpu.memory_space<vmem_shared>> -> memref<128x128xf32, #tpu.memory_space<vmem_shared>>
      tpu.enqueue_dma source(%arg9 : memref<128x128xf32, #tpu.memory_space<vmem>>) target(%dma_start3A_265 : memref<128x128xf32, #tpu.memory_space<vmem_shared>>) target_semaphore(%run_scoped3A : memref<!tpu.dma_semaphore, #tpu.memory_space<semaphore_mem>>)
      %dma_wait3A_266 = arith.constant 0 : i32
      %dma_wait3A_267 = tpu.memref_slice %arg8[%add3A_11, %dma_wait3A_266] : memref<10240x128xf32, #tpu.memory_space<vmem_shared>> -> memref<128x128xf32, #tpu.memory_space<vmem_shared>>
      %dma_wait3A_268 = arith.constant 0 : i32
      %dma_wait3A_269 = tpu.memref_slice %arg8[%add3A_11, %dma_wait3A_268] : memref<10240x128xf32, #tpu.memory_space<vmem_shared>> -> memref<128x128xf32, #tpu.memory_space<vmem_shared>>
      tpu.wait_dma2 semaphore(%run_scoped3A : memref<!tpu.dma_semaphore, #tpu.memory_space<semaphore_mem>>) src(%arg9 : memref<128x128xf32, #tpu.memory_space<vmem>>) dst(%dma_wait3A_269 : memref<128x128xf32, #tpu.memory_space<vmem_shared>>)
      tpu.yield
    }) : () -> ()
    %add3A_12 = arith.constant 384 : i32
    %add3A_13 = arith.addi %mul3A_6, %add3A_12 : i32
    "tpu.region"() ({
      %run_scoped3A = tpu.sem_alloc : memref<!tpu.dma_semaphore, #tpu.memory_space<semaphore_mem>>
      %dma_start3A_262 = arith.constant 0 : i32
      %dma_start3A_263 = tpu.memref_slice %arg8[%add3A_13, %dma_start3A_262] : memref<10240x128xf32, #tpu.memory_space<vmem_shared>> -> memref<128x128xf32, #tpu.memory_space<vmem_shared>>
      %dma_start3A_264 = arith.constant 0 : i32
      %dma_start3A_265 = tpu.memref_slice %arg8[%add3A_13, %dma_start3A_264] : memref<10240x128xf32, #tpu.memory_space<vmem_shared>> -> memref<128x128xf32, #tpu.memory_space<vmem_shared>>
      tpu.enqueue_dma source(%arg9 : memref<128x128xf32, #tpu.memory_space<vmem>>) target(%dma_start3A_265 : memref<128x128xf32, #tpu.memory_space<vmem_shared>>) target_semaphore(%run_scoped3A : memref<!tpu.dma_semaphore, #tpu.memory_space<semaphore_mem>>)
      %dma_wait3A_266 = arith.constant 0 : i32
      %dma_wait3A_267 = tpu.memref_slice %arg8[%add3A_13, %dma_wait3A_266] : memref<10240x128xf32, #tpu.memory_space<vmem_shared>> -> memref<128x128xf32, #tpu.memory_space<vmem_shared>>
      %dma_wait3A_268 = arith.constant 0 : i32
      %dma_wait3A_269 = tpu.memref_slice %arg8[%add3A_13, %dma_wait3A_268] : memref<10240x128xf32, #tpu.memory_space<vmem_shared>> -> memref<128x128xf32, #tpu.memory_space<vmem_shared>>
      tpu.wait_dma2 semaphore(%run_scoped3A : memref<!tpu.dma_semaphore, #tpu.memory_space<semaphore_mem>>) src(%arg9 : memref<128x128xf32, #tpu.memory_space<vmem>>) dst(%dma_wait3A_269 : memref<128x128xf32, #tpu.memory_space<vmem_shared>>)
      tpu.yield
    }) : () -> ()
    %add3A_14 = arith.constant 512 : i32
    %add3A_15 = arith.addi %mul3A_6, %add3A_14 : i32
    "tpu.region"() ({
      %run_scoped3A = tpu.sem_alloc : memref<!tpu.dma_semaphore, #tpu.memory_space<semaphore_mem>>
      %dma_start3A_262 = arith.constant 0 : i32
      %dma_start3A_263 = tpu.memref_slice %arg8[%add3A_15, %dma_start3A_262] : memref<10240x128xf32, #tpu.memory_space<vmem_shared>> -> memref<128x128xf32, #tpu.memory_space<vmem_shared>>
      %dma_start3A_264 = arith.constant 0 : i32
      %dma_start3A_265 = tpu.memref_slice %arg8[%add3A_15, %dma_start3A_264] : memref<10240x128xf32, #tpu.memory_space<vmem_shared>> -> memref<128x128xf32, #tpu.memory_space<vmem_shared>>
      tpu.enqueue_dma source(%arg9 : memref<128x128xf32, #tpu.memory_space<vmem>>) target(%dma_start3A_265 : memref<128x128xf32, #tpu.memory_space<vmem_shared>>) target_semaphore(%run_scoped3A : memref<!tpu.dma_semaphore, #tpu.memory_space<semaphore_mem>>)
      %dma_wait3A_266 = arith.constant 0 : i32
      %dma_wait3A_267 = tpu.memref_slice %arg8[%add3A_15, %dma_wait3A_266] : memref<10240x128xf32, #tpu.memory_space<vmem_shared>> -> memref<128x128xf32, #tpu.memory_space<vmem_shared>>
      %dma_wait3A_268 = arith.constant 0 : i32
      %dma_wait3A_269 = tpu.memref_slice %arg8[%add3A_15, %dma_wait3A_268] : memref<10240x128xf32, #tpu.memory_space<vmem_shared>> -> memref<128x128xf32, #tpu.memory_space<vmem_shared>>
      tpu.wait_dma2 semaphore(%run_scoped3A : memref<!tpu.dma_semaphore, #tpu.memory_space<semaphore_mem>>) src(%arg9 : memref<128x128xf32, #tpu.memory_space<vmem>>) dst(%dma_wait3A_269 : memref<128x128xf32, #tpu.memory_space<vmem_shared>>)
      tpu.yield
    }) : () -> ()
    %barrier3A = arith.constant 0 : index
    tpu.barrier barrier_id(%barrier3A)
    %eq3A = arith.constant 0 : i32
    %eq3A_16 = arith.cmpi eq, %arg0, %eq3A : i32
    %jit3A = arith.constant 32 : i32
    %jit3A_17 = arith.constant 128 : i32
    %select_n3A = arith.select %eq3A_16, %jit3A, %jit3A_17 : i32
    %mul3A_18 = arith.constant 32 : i32
    %mul3A_19 = arith.muli %arg1, %mul3A_18 : i32
    %add3A_20 = arith.constant 2048 : i32
    %add3A_21 = arith.addi %add3A_20, %mul3A_19 : i32
    %mul3A_22 = arith.constant 128 : i32
    %mul3A_23 = arith.muli %arg1, %mul3A_22 : i32
    %select_n3A_24 = arith.select %eq3A_16, %add3A_21, %mul3A_23 : i32
    %jit3A_25 = arith.constant 4 : i32
    %div3A = arith.divsi %select_n3A, %jit3A_25 : i32
    %sign3A = arith.constant 0 : i32
    %sign3A_26 = arith.cmpi sgt, %select_n3A, %sign3A : i32
    %sign3A_27 = arith.extui %sign3A_26 : i1 to i32
    %sign3A_28 = arith.constant 0 : i32
    %sign3A_29 = arith.cmpi slt, %select_n3A, %sign3A_28 : i32
    %sign3A_30 = arith.extui %sign3A_29 : i1 to i32
    %sign3A_31 = arith.subi %sign3A_27, %sign3A_30 : i32
    %sign3A_32 = arith.constant 0 : i32
    %sign3A_33 = arith.cmpi sgt, %jit3A_25, %sign3A_32 : i32
    %sign3A_34 = arith.extui %sign3A_33 : i1 to i32
    %sign3A_35 = arith.constant 0 : i32
    %sign3A_36 = arith.cmpi slt, %jit3A_25, %sign3A_35 : i32
    %sign3A_37 = arith.extui %sign3A_36 : i1 to i32
    %sign3A_38 = arith.subi %sign3A_34, %sign3A_37 : i32
    %ne3A = arith.cmpi ne, %sign3A_31, %sign3A_38 : i32
    %rem3A = arith.remsi %select_n3A, %jit3A_25 : i32
    %ne3A_39 = arith.constant 0 : i32
    %ne3A_40 = arith.cmpi ne, %rem3A, %ne3A_39 : i32
    %and3A = arith.andi %ne3A, %ne3A_40 : i1
    %sub3A = arith.constant 1 : i32
    %sub3A_41 = arith.subi %div3A, %sub3A : i32
    %select_n3A_42 = arith.select %and3A, %sub3A_41, %div3A : i32
    %jit3A_43 = arith.constant 4 : i32
    %jit3A_44 = arith.constant 16 : i32
    %select_n3A_45 = arith.select %eq3A_16, %jit3A_43, %jit3A_44 : i32
    %mul3A_46 = arith.constant 0 : i32
    %mul3A_47 = arith.muli %mul3A_46, %select_n3A_42 : i32
    %add3A_48 = arith.addi %select_n3A_24, %mul3A_47 : i32
    %multiple_of3A = tpu.assume_multiple %add3A_48, 8 : i32
    "tpu.region"() ({
      %run_scoped3A = tpu.sem_alloc : memref<!tpu.dma_semaphore, #tpu.memory_space<semaphore_mem>>
      %dma_start3A_262 = arith.constant 0 : i32
      %dma_start3A_263 = tpu.memref_slice %arg3[%multiple_of3A, %dma_start3A_262] : memref<2592x128xi32, #tpu.memory_space<hbm>> -> memref<32x128xi32, #tpu.memory_space<hbm>>
      %dma_start3A_264 = arith.constant 0 : i32
      %dma_start3A_265 = tpu.memref_slice %arg3[%multiple_of3A, %dma_start3A_264] : memref<2592x128xi32, #tpu.memory_space<hbm>> -> memref<32x128xi32, #tpu.memory_space<hbm>>
      tpu.enqueue_dma source(%dma_start3A_265 : memref<32x128xi32, #tpu.memory_space<hbm>>) target(%arg6 : memref<32x128xi32, #tpu.memory_space<vmem>>) target_semaphore(%run_scoped3A : memref<!tpu.dma_semaphore, #tpu.memory_space<semaphore_mem>>)
      %dma_wait3A_266 = arith.constant 0 : i32
      %dma_wait3A_267 = tpu.memref_slice %arg3[%multiple_of3A, %dma_wait3A_266] : memref<2592x128xi32, #tpu.memory_space<hbm>> -> memref<32x128xi32, #tpu.memory_space<hbm>>
      %dma_wait3A_268 = arith.constant 0 : i32
      %dma_wait3A_269 = tpu.memref_slice %arg3[%multiple_of3A, %dma_wait3A_268] : memref<2592x128xi32, #tpu.memory_space<hbm>> -> memref<32x128xi32, #tpu.memory_space<hbm>>
      tpu.wait_dma2 semaphore(%run_scoped3A : memref<!tpu.dma_semaphore, #tpu.memory_space<semaphore_mem>>) src(%dma_wait3A_269 : memref<32x128xi32, #tpu.memory_space<hbm>>) dst(%arg6 : memref<32x128xi32, #tpu.memory_space<vmem>>)
      tpu.yield
    }) : () -> ()
    "tpu.region"() ({
      %run_scoped3A = tpu.sem_alloc : memref<!tpu.dma_semaphore, #tpu.memory_space<semaphore_mem>>
      %dma_start3A_262 = arith.constant 0 : i32
      %dma_start3A_263 = tpu.memref_slice %arg4[%multiple_of3A, %dma_start3A_262] : memref<2592x128xi32, #tpu.memory_space<hbm>> -> memref<32x128xi32, #tpu.memory_space<hbm>>
      %dma_start3A_264 = arith.constant 0 : i32
      %dma_start3A_265 = tpu.memref_slice %arg4[%multiple_of3A, %dma_start3A_264] : memref<2592x128xi32, #tpu.memory_space<hbm>> -> memref<32x128xi32, #tpu.memory_space<hbm>>
      tpu.enqueue_dma source(%dma_start3A_265 : memref<32x128xi32, #tpu.memory_space<hbm>>) target(%arg7 : memref<32x128xi32, #tpu.memory_space<vmem>>) target_semaphore(%run_scoped3A : memref<!tpu.dma_semaphore, #tpu.memory_space<semaphore_mem>>)
      %dma_wait3A_266 = arith.constant 0 : i32
      %dma_wait3A_267 = tpu.memref_slice %arg4[%multiple_of3A, %dma_wait3A_266] : memref<2592x128xi32, #tpu.memory_space<hbm>> -> memref<32x128xi32, #tpu.memory_space<hbm>>
      %dma_wait3A_268 = arith.constant 0 : i32
      %dma_wait3A_269 = tpu.memref_slice %arg4[%multiple_of3A, %dma_wait3A_268] : memref<2592x128xi32, #tpu.memory_space<hbm>> -> memref<32x128xi32, #tpu.memory_space<hbm>>
      tpu.wait_dma2 semaphore(%run_scoped3A : memref<!tpu.dma_semaphore, #tpu.memory_space<semaphore_mem>>) src(%dma_wait3A_269 : memref<32x128xi32, #tpu.memory_space<hbm>>) dst(%arg7 : memref<32x128xi32, #tpu.memory_space<vmem>>)
      tpu.yield
    }) : () -> ()
    %dma_start3A = arith.constant 0 : i32
    %dma_start3A_49 = arith.constant 0 : i32
    %dma_start3A_50 = tpu.memref_slice %arg6[%dma_start3A, %dma_start3A_49] : memref<32x128xi32, #tpu.memory_space<vmem>> -> memref<1x128xi32, #tpu.memory_space<vmem>>
    %dma_start3A_51 = tpu.memref_squeeze %dma_start3A_50 : memref<1x128xi32, #tpu.memory_space<vmem>> -> memref<128xi32, #tpu.memory_space<vmem>>
    %dma_start3A_52 = arith.constant 0 : i32
    %dma_start3A_53 = arith.constant 0 : i32
    %dma_start3A_54 = tpu.memref_slice %arg2[%dma_start3A_52, %dma_start3A_53] : memref<10000x128xf32, #tpu.memory_space<hbm>> -> memref<10000x128xf32, #tpu.memory_space<hbm>>
    tpu.enqueue_indirect_dma source(%dma_start3A_54 : memref<10000x128xf32, #tpu.memory_space<hbm>>) target(%arg9 : memref<128x128xf32, #tpu.memory_space<vmem>>) offsets(%dma_start3A_51 : memref<128xi32, #tpu.memory_space<vmem>>) semaphore(%arg11 : memref<!tpu.dma_semaphore, #tpu.memory_space<semaphore_mem>>)
    %dma_start3A_55 = arith.constant 1 : i32
    %dma_start3A_56 = arith.constant 0 : i32
    %dma_start3A_57 = tpu.memref_slice %arg6[%dma_start3A_55, %dma_start3A_56] : memref<32x128xi32, #tpu.memory_space<vmem>> -> memref<1x128xi32, #tpu.memory_space<vmem>>
    %dma_start3A_58 = tpu.memref_squeeze %dma_start3A_57 : memref<1x128xi32, #tpu.memory_space<vmem>> -> memref<128xi32, #tpu.memory_space<vmem>>
    %dma_start3A_59 = arith.constant 0 : i32
    %dma_start3A_60 = arith.constant 0 : i32
    %dma_start3A_61 = tpu.memref_slice %arg2[%dma_start3A_59, %dma_start3A_60] : memref<10000x128xf32, #tpu.memory_space<hbm>> -> memref<10000x128xf32, #tpu.memory_space<hbm>>
    tpu.enqueue_indirect_dma source(%dma_start3A_61 : memref<10000x128xf32, #tpu.memory_space<hbm>>) target(%arg10 : memref<128x128xf32, #tpu.memory_space<vmem>>) offsets(%dma_start3A_58 : memref<128xi32, #tpu.memory_space<vmem>>) semaphore(%arg12 : memref<!tpu.dma_semaphore, #tpu.memory_space<semaphore_mem>>)
    %sub3A_62 = arith.constant 1 : i32
    %sub3A_63 = arith.subi %select_n3A_45, %sub3A_62 : i32
    %while3A = arith.constant 0 : i32
    %while3A_64 = arith.constant 0 : i32
    %while3A_65 = arith.subi %sub3A_63, %while3A_64 : i32
    %while3A_66 = arith.addi %while3A_64, %while3A_65 : i32
    %while3A_67 = arith.constant 1 : i32
    %while3A_68 = arith.divsi %while3A_65, %while3A_67 : i32
    %while3A_69 = arith.muli %while3A_68, %while3A_67 : i32
    %while3A_70 = arith.addi %while3A_64, %while3A_69 : i32
    %while3A_71 = arith.constant 1 : i32
    scf.for %while3A_262 = %while3A_64 to %while3A_70 step %while3A_71  : i32 {
      %mul3A_263 = arith.constant 2 : i32
      %mul3A_264 = arith.muli %while3A_262, %mul3A_263 : i32
      %add3A_265 = arith.constant 0 : i32
      %add3A_266 = arith.addi %mul3A_264, %add3A_265 : i32
      %dma_wait3A_267 = arith.constant 0 : i32
      %dma_wait3A_268 = tpu.memref_slice %arg6[%add3A_266, %dma_wait3A_267] : memref<32x128xi32, #tpu.memory_space<vmem>> -> memref<1x128xi32, #tpu.memory_space<vmem>>
      %dma_wait3A_269 = tpu.memref_squeeze %dma_wait3A_268 : memref<1x128xi32, #tpu.memory_space<vmem>> -> memref<128xi32, #tpu.memory_space<vmem>>
      %dma_wait3A_270 = arith.constant 0 : i32
      %dma_wait3A_271 = arith.constant 0 : i32
      %dma_wait3A_272 = tpu.memref_slice %arg2[%dma_wait3A_270, %dma_wait3A_271] : memref<10000x128xf32, #tpu.memory_space<hbm>> -> memref<10000x128xf32, #tpu.memory_space<hbm>>
      tpu.wait_indirect_dma semaphore(%arg11 : memref<!tpu.dma_semaphore, #tpu.memory_space<semaphore_mem>>) src(%dma_wait3A_272 : memref<10000x128xf32, #tpu.memory_space<hbm>>) dst(%arg9 : memref<128x128xf32, #tpu.memory_space<vmem>>)
      "tpu.region"() ({
        %run_scoped3A = tpu.sem_alloc : memref<!tpu.dma_semaphore, #tpu.memory_space<semaphore_mem>>
        %dma_start3A_299 = arith.constant 0 : i32
        %dma_start3A_300 = tpu.memref_slice %arg7[%add3A_266, %dma_start3A_299] : memref<32x128xi32, #tpu.memory_space<vmem>> -> memref<1x128xi32, #tpu.memory_space<vmem>>
        %dma_start3A_301 = tpu.memref_squeeze %dma_start3A_300 : memref<1x128xi32, #tpu.memory_space<vmem>> -> memref<128xi32, #tpu.memory_space<vmem>>
        %dma_start3A_302 = arith.constant 0 : i32
        %dma_start3A_303 = arith.constant 0 : i32
        %dma_start3A_304 = tpu.memref_slice %arg8[%dma_start3A_302, %dma_start3A_303] : memref<10240x128xf32, #tpu.memory_space<vmem_shared>> -> memref<10240x128xf32, #tpu.memory_space<vmem_shared>>
        tpu.enqueue_indirect_dma source(%arg9 : memref<128x128xf32, #tpu.memory_space<vmem>>) target(%dma_start3A_304 : memref<10240x128xf32, #tpu.memory_space<vmem_shared>>) offsets(%dma_start3A_301 : memref<128xi32, #tpu.memory_space<vmem>>) semaphore(%run_scoped3A : memref<!tpu.dma_semaphore, #tpu.memory_space<semaphore_mem>>) {add = true}
        %dma_wait3A_305 = arith.constant 0 : i32
        %dma_wait3A_306 = tpu.memref_slice %arg7[%add3A_266, %dma_wait3A_305] : memref<32x128xi32, #tpu.memory_space<vmem>> -> memref<1x128xi32, #tpu.memory_space<vmem>>
        %dma_wait3A_307 = tpu.memref_squeeze %dma_wait3A_306 : memref<1x128xi32, #tpu.memory_space<vmem>> -> memref<128xi32, #tpu.memory_space<vmem>>
        %dma_wait3A_308 = arith.constant 0 : i32
        %dma_wait3A_309 = arith.constant 0 : i32
        %dma_wait3A_310 = tpu.memref_slice %arg8[%dma_wait3A_308, %dma_wait3A_309] : memref<10240x128xf32, #tpu.memory_space<vmem_shared>> -> memref<10240x128xf32, #tpu.memory_space<vmem_shared>>
        tpu.wait_indirect_dma semaphore(%run_scoped3A : memref<!tpu.dma_semaphore, #tpu.memory_space<semaphore_mem>>) src(%arg9 : memref<128x128xf32, #tpu.memory_space<vmem>>) dst(%dma_wait3A_310 : memref<10240x128xf32, #tpu.memory_space<vmem_shared>>)
        tpu.yield
      }) : () -> ()
      %add3A_273 = arith.constant 2 : i32
      %add3A_274 = arith.addi %add3A_266, %add3A_273 : i32
      %dma_start3A_275 = arith.constant 0 : i32
      %dma_start3A_276 = tpu.memref_slice %arg6[%add3A_274, %dma_start3A_275] : memref<32x128xi32, #tpu.memory_space<vmem>> -> memref<1x128xi32, #tpu.memory_space<vmem>>
      %dma_start3A_277 = tpu.memref_squeeze %dma_start3A_276 : memref<1x128xi32, #tpu.memory_space<vmem>> -> memref<128xi32, #tpu.memory_space<vmem>>
      %dma_start3A_278 = arith.constant 0 : i32
      %dma_start3A_279 = arith.constant 0 : i32
      %dma_start3A_280 = tpu.memref_slice %arg2[%dma_start3A_278, %dma_start3A_279] : memref<10000x128xf32, #tpu.memory_space<hbm>> -> memref<10000x128xf32, #tpu.memory_space<hbm>>
      tpu.enqueue_indirect_dma source(%dma_start3A_280 : memref<10000x128xf32, #tpu.memory_space<hbm>>) target(%arg9 : memref<128x128xf32, #tpu.memory_space<vmem>>) offsets(%dma_start3A_277 : memref<128xi32, #tpu.memory_space<vmem>>) semaphore(%arg11 : memref<!tpu.dma_semaphore, #tpu.memory_space<semaphore_mem>>)
      %mul3A_281 = arith.constant 2 : i32
      %mul3A_282 = arith.muli %while3A_262, %mul3A_281 : i32
      %add3A_283 = arith.constant 1 : i32
      %add3A_284 = arith.addi %mul3A_282, %add3A_283 : i32
      %dma_wait3A_285 = arith.constant 0 : i32
      %dma_wait3A_286 = tpu.memref_slice %arg6[%add3A_284, %dma_wait3A_285] : memref<32x128xi32, #tpu.memory_space<vmem>> -> memref<1x128xi32, #tpu.memory_space<vmem>>
      %dma_wait3A_287 = tpu.memref_squeeze %dma_wait3A_286 : memref<1x128xi32, #tpu.memory_space<vmem>> -> memref<128xi32, #tpu.memory_space<vmem>>
      %dma_wait3A_288 = arith.constant 0 : i32
      %dma_wait3A_289 = arith.constant 0 : i32
      %dma_wait3A_290 = tpu.memref_slice %arg2[%dma_wait3A_288, %dma_wait3A_289] : memref<10000x128xf32, #tpu.memory_space<hbm>> -> memref<10000x128xf32, #tpu.memory_space<hbm>>
      tpu.wait_indirect_dma semaphore(%arg12 : memref<!tpu.dma_semaphore, #tpu.memory_space<semaphore_mem>>) src(%dma_wait3A_290 : memref<10000x128xf32, #tpu.memory_space<hbm>>) dst(%arg10 : memref<128x128xf32, #tpu.memory_space<vmem>>)
      "tpu.region"() ({
        %run_scoped3A = tpu.sem_alloc : memref<!tpu.dma_semaphore, #tpu.memory_space<semaphore_mem>>
        %dma_start3A_299 = arith.constant 0 : i32
        %dma_start3A_300 = tpu.memref_slice %arg7[%add3A_284, %dma_start3A_299] : memref<32x128xi32, #tpu.memory_space<vmem>> -> memref<1x128xi32, #tpu.memory_space<vmem>>
        %dma_start3A_301 = tpu.memref_squeeze %dma_start3A_300 : memref<1x128xi32, #tpu.memory_space<vmem>> -> memref<128xi32, #tpu.memory_space<vmem>>
        %dma_start3A_302 = arith.constant 0 : i32
        %dma_start3A_303 = arith.constant 0 : i32
        %dma_start3A_304 = tpu.memref_slice %arg8[%dma_start3A_302, %dma_start3A_303] : memref<10240x128xf32, #tpu.memory_space<vmem_shared>> -> memref<10240x128xf32, #tpu.memory_space<vmem_shared>>
        tpu.enqueue_indirect_dma source(%arg10 : memref<128x128xf32, #tpu.memory_space<vmem>>) target(%dma_start3A_304 : memref<10240x128xf32, #tpu.memory_space<vmem_shared>>) offsets(%dma_start3A_301 : memref<128xi32, #tpu.memory_space<vmem>>) semaphore(%run_scoped3A : memref<!tpu.dma_semaphore, #tpu.memory_space<semaphore_mem>>) {add = true}
        %dma_wait3A_305 = arith.constant 0 : i32
        %dma_wait3A_306 = tpu.memref_slice %arg7[%add3A_284, %dma_wait3A_305] : memref<32x128xi32, #tpu.memory_space<vmem>> -> memref<1x128xi32, #tpu.memory_space<vmem>>
        %dma_wait3A_307 = tpu.memref_squeeze %dma_wait3A_306 : memref<1x128xi32, #tpu.memory_space<vmem>> -> memref<128xi32, #tpu.memory_space<vmem>>
        %dma_wait3A_308 = arith.constant 0 : i32
        %dma_wait3A_309 = arith.constant 0 : i32
        %dma_wait3A_310 = tpu.memref_slice %arg8[%dma_wait3A_308, %dma_wait3A_309] : memref<10240x128xf32, #tpu.memory_space<vmem_shared>> -> memref<10240x128xf32, #tpu.memory_space<vmem_shared>>
        tpu.wait_indirect_dma semaphore(%run_scoped3A : memref<!tpu.dma_semaphore, #tpu.memory_space<semaphore_mem>>) src(%arg10 : memref<128x128xf32, #tpu.memory_space<vmem>>) dst(%dma_wait3A_310 : memref<10240x128xf32, #tpu.memory_space<vmem_shared>>)
        tpu.yield
      }) : () -> ()
      %add3A_291 = arith.constant 2 : i32
      %add3A_292 = arith.addi %add3A_284, %add3A_291 : i32
      %dma_start3A_293 = arith.constant 0 : i32
      %dma_start3A_294 = tpu.memref_slice %arg6[%add3A_292, %dma_start3A_293] : memref<32x128xi32, #tpu.memory_space<vmem>> -> memref<1x128xi32, #tpu.memory_space<vmem>>
      %dma_start3A_295 = tpu.memref_squeeze %dma_start3A_294 : memref<1x128xi32, #tpu.memory_space<vmem>> -> memref<128xi32, #tpu.memory_space<vmem>>
      %dma_start3A_296 = arith.constant 0 : i32
      %dma_start3A_297 = arith.constant 0 : i32
      %dma_start3A_298 = tpu.memref_slice %arg2[%dma_start3A_296, %dma_start3A_297] : memref<10000x128xf32, #tpu.memory_space<hbm>> -> memref<10000x128xf32, #tpu.memory_space<hbm>>
      tpu.enqueue_indirect_dma source(%dma_start3A_298 : memref<10000x128xf32, #tpu.memory_space<hbm>>) target(%arg10 : memref<128x128xf32, #tpu.memory_space<vmem>>) offsets(%dma_start3A_295 : memref<128xi32, #tpu.memory_space<vmem>>) semaphore(%arg12 : memref<!tpu.dma_semaphore, #tpu.memory_space<semaphore_mem>>)
    }
    %while3A_72 = arith.constant 1 : i32
    scf.for %while3A_262 = %while3A_70 to %while3A_66 step %while3A_72  : i32 {
      %mul3A_263 = arith.constant 2 : i32
      %mul3A_264 = arith.muli %while3A_262, %mul3A_263 : i32
      %add3A_265 = arith.constant 0 : i32
      %add3A_266 = arith.addi %mul3A_264, %add3A_265 : i32
      %dma_wait3A_267 = arith.constant 0 : i32
      %dma_wait3A_268 = tpu.memref_slice %arg6[%add3A_266, %dma_wait3A_267] : memref<32x128xi32, #tpu.memory_space<vmem>> -> memref<1x128xi32, #tpu.memory_space<vmem>>
      %dma_wait3A_269 = tpu.memref_squeeze %dma_wait3A_268 : memref<1x128xi32, #tpu.memory_space<vmem>> -> memref<128xi32, #tpu.memory_space<vmem>>
      %dma_wait3A_270 = arith.constant 0 : i32
      %dma_wait3A_271 = arith.constant 0 : i32
      %dma_wait3A_272 = tpu.memref_slice %arg2[%dma_wait3A_270, %dma_wait3A_271] : memref<10000x128xf32, #tpu.memory_space<hbm>> -> memref<10000x128xf32, #tpu.memory_space<hbm>>
      tpu.wait_indirect_dma semaphore(%arg11 : memref<!tpu.dma_semaphore, #tpu.memory_space<semaphore_mem>>) src(%dma_wait3A_272 : memref<10000x128xf32, #tpu.memory_space<hbm>>) dst(%arg9 : memref<128x128xf32, #tpu.memory_space<vmem>>)
      "tpu.region"() ({
        %run_scoped3A = tpu.sem_alloc : memref<!tpu.dma_semaphore, #tpu.memory_space<semaphore_mem>>
        %dma_start3A_299 = arith.constant 0 : i32
        %dma_start3A_300 = tpu.memref_slice %arg7[%add3A_266, %dma_start3A_299] : memref<32x128xi32, #tpu.memory_space<vmem>> -> memref<1x128xi32, #tpu.memory_space<vmem>>
        %dma_start3A_301 = tpu.memref_squeeze %dma_start3A_300 : memref<1x128xi32, #tpu.memory_space<vmem>> -> memref<128xi32, #tpu.memory_space<vmem>>
        %dma_start3A_302 = arith.constant 0 : i32
        %dma_start3A_303 = arith.constant 0 : i32
        %dma_start3A_304 = tpu.memref_slice %arg8[%dma_start3A_302, %dma_start3A_303] : memref<10240x128xf32, #tpu.memory_space<vmem_shared>> -> memref<10240x128xf32, #tpu.memory_space<vmem_shared>>
        tpu.enqueue_indirect_dma source(%arg9 : memref<128x128xf32, #tpu.memory_space<vmem>>) target(%dma_start3A_304 : memref<10240x128xf32, #tpu.memory_space<vmem_shared>>) offsets(%dma_start3A_301 : memref<128xi32, #tpu.memory_space<vmem>>) semaphore(%run_scoped3A : memref<!tpu.dma_semaphore, #tpu.memory_space<semaphore_mem>>) {add = true}
        %dma_wait3A_305 = arith.constant 0 : i32
        %dma_wait3A_306 = tpu.memref_slice %arg7[%add3A_266, %dma_wait3A_305] : memref<32x128xi32, #tpu.memory_space<vmem>> -> memref<1x128xi32, #tpu.memory_space<vmem>>
        %dma_wait3A_307 = tpu.memref_squeeze %dma_wait3A_306 : memref<1x128xi32, #tpu.memory_space<vmem>> -> memref<128xi32, #tpu.memory_space<vmem>>
        %dma_wait3A_308 = arith.constant 0 : i32
        %dma_wait3A_309 = arith.constant 0 : i32
        %dma_wait3A_310 = tpu.memref_slice %arg8[%dma_wait3A_308, %dma_wait3A_309] : memref<10240x128xf32, #tpu.memory_space<vmem_shared>> -> memref<10240x128xf32, #tpu.memory_space<vmem_shared>>
        tpu.wait_indirect_dma semaphore(%run_scoped3A : memref<!tpu.dma_semaphore, #tpu.memory_space<semaphore_mem>>) src(%arg9 : memref<128x128xf32, #tpu.memory_space<vmem>>) dst(%dma_wait3A_310 : memref<10240x128xf32, #tpu.memory_space<vmem_shared>>)
        tpu.yield
      }) : () -> ()
      %add3A_273 = arith.constant 2 : i32
      %add3A_274 = arith.addi %add3A_266, %add3A_273 : i32
      %dma_start3A_275 = arith.constant 0 : i32
      %dma_start3A_276 = tpu.memref_slice %arg6[%add3A_274, %dma_start3A_275] : memref<32x128xi32, #tpu.memory_space<vmem>> -> memref<1x128xi32, #tpu.memory_space<vmem>>
      %dma_start3A_277 = tpu.memref_squeeze %dma_start3A_276 : memref<1x128xi32, #tpu.memory_space<vmem>> -> memref<128xi32, #tpu.memory_space<vmem>>
      %dma_start3A_278 = arith.constant 0 : i32
      %dma_start3A_279 = arith.constant 0 : i32
      %dma_start3A_280 = tpu.memref_slice %arg2[%dma_start3A_278, %dma_start3A_279] : memref<10000x128xf32, #tpu.memory_space<hbm>> -> memref<10000x128xf32, #tpu.memory_space<hbm>>
      tpu.enqueue_indirect_dma source(%dma_start3A_280 : memref<10000x128xf32, #tpu.memory_space<hbm>>) target(%arg9 : memref<128x128xf32, #tpu.memory_space<vmem>>) offsets(%dma_start3A_277 : memref<128xi32, #tpu.memory_space<vmem>>) semaphore(%arg11 : memref<!tpu.dma_semaphore, #tpu.memory_space<semaphore_mem>>)
      %mul3A_281 = arith.constant 2 : i32
      %mul3A_282 = arith.muli %while3A_262, %mul3A_281 : i32
      %add3A_283 = arith.constant 1 : i32
      %add3A_284 = arith.addi %mul3A_282, %add3A_283 : i32
      %dma_wait3A_285 = arith.constant 0 : i32
      %dma_wait3A_286 = tpu.memref_slice %arg6[%add3A_284, %dma_wait3A_285] : memref<32x128xi32, #tpu.memory_space<vmem>> -> memref<1x128xi32, #tpu.memory_space<vmem>>
      %dma_wait3A_287 = tpu.memref_squeeze %dma_wait3A_286 : memref<1x128xi32, #tpu.memory_space<vmem>> -> memref<128xi32, #tpu.memory_space<vmem>>
      %dma_wait3A_288 = arith.constant 0 : i32
      %dma_wait3A_289 = arith.constant 0 : i32
      %dma_wait3A_290 = tpu.memref_slice %arg2[%dma_wait3A_288, %dma_wait3A_289] : memref<10000x128xf32, #tpu.memory_space<hbm>> -> memref<10000x128xf32, #tpu.memory_space<hbm>>
      tpu.wait_indirect_dma semaphore(%arg12 : memref<!tpu.dma_semaphore, #tpu.memory_space<semaphore_mem>>) src(%dma_wait3A_290 : memref<10000x128xf32, #tpu.memory_space<hbm>>) dst(%arg10 : memref<128x128xf32, #tpu.memory_space<vmem>>)
      "tpu.region"() ({
        %run_scoped3A = tpu.sem_alloc : memref<!tpu.dma_semaphore, #tpu.memory_space<semaphore_mem>>
        %dma_start3A_299 = arith.constant 0 : i32
        %dma_start3A_300 = tpu.memref_slice %arg7[%add3A_284, %dma_start3A_299] : memref<32x128xi32, #tpu.memory_space<vmem>> -> memref<1x128xi32, #tpu.memory_space<vmem>>
        %dma_start3A_301 = tpu.memref_squeeze %dma_start3A_300 : memref<1x128xi32, #tpu.memory_space<vmem>> -> memref<128xi32, #tpu.memory_space<vmem>>
        %dma_start3A_302 = arith.constant 0 : i32
        %dma_start3A_303 = arith.constant 0 : i32
        %dma_start3A_304 = tpu.memref_slice %arg8[%dma_start3A_302, %dma_start3A_303] : memref<10240x128xf32, #tpu.memory_space<vmem_shared>> -> memref<10240x128xf32, #tpu.memory_space<vmem_shared>>
        tpu.enqueue_indirect_dma source(%arg10 : memref<128x128xf32, #tpu.memory_space<vmem>>) target(%dma_start3A_304 : memref<10240x128xf32, #tpu.memory_space<vmem_shared>>) offsets(%dma_start3A_301 : memref<128xi32, #tpu.memory_space<vmem>>) semaphore(%run_scoped3A : memref<!tpu.dma_semaphore, #tpu.memory_space<semaphore_mem>>) {add = true}
        %dma_wait3A_305 = arith.constant 0 : i32
        %dma_wait3A_306 = tpu.memref_slice %arg7[%add3A_284, %dma_wait3A_305] : memref<32x128xi32, #tpu.memory_space<vmem>> -> memref<1x128xi32, #tpu.memory_space<vmem>>
        %dma_wait3A_307 = tpu.memref_squeeze %dma_wait3A_306 : memref<1x128xi32, #tpu.memory_space<vmem>> -> memref<128xi32, #tpu.memory_space<vmem>>
        %dma_wait3A_308 = arith.constant 0 : i32
        %dma_wait3A_309 = arith.constant 0 : i32
        %dma_wait3A_310 = tpu.memref_slice %arg8[%dma_wait3A_308, %dma_wait3A_309] : memref<10240x128xf32, #tpu.memory_space<vmem_shared>> -> memref<10240x128xf32, #tpu.memory_space<vmem_shared>>
        tpu.wait_indirect_dma semaphore(%run_scoped3A : memref<!tpu.dma_semaphore, #tpu.memory_space<semaphore_mem>>) src(%arg10 : memref<128x128xf32, #tpu.memory_space<vmem>>) dst(%dma_wait3A_310 : memref<10240x128xf32, #tpu.memory_space<vmem_shared>>)
        tpu.yield
      }) : () -> ()
      %add3A_291 = arith.constant 2 : i32
      %add3A_292 = arith.addi %add3A_284, %add3A_291 : i32
      %dma_start3A_293 = arith.constant 0 : i32
      %dma_start3A_294 = tpu.memref_slice %arg6[%add3A_292, %dma_start3A_293] : memref<32x128xi32, #tpu.memory_space<vmem>> -> memref<1x128xi32, #tpu.memory_space<vmem>>
      %dma_start3A_295 = tpu.memref_squeeze %dma_start3A_294 : memref<1x128xi32, #tpu.memory_space<vmem>> -> memref<128xi32, #tpu.memory_space<vmem>>
      %dma_start3A_296 = arith.constant 0 : i32
      %dma_start3A_297 = arith.constant 0 : i32
      %dma_start3A_298 = tpu.memref_slice %arg2[%dma_start3A_296, %dma_start3A_297] : memref<10000x128xf32, #tpu.memory_space<hbm>> -> memref<10000x128xf32, #tpu.memory_space<hbm>>
      tpu.enqueue_indirect_dma source(%dma_start3A_298 : memref<10000x128xf32, #tpu.memory_space<hbm>>) target(%arg10 : memref<128x128xf32, #tpu.memory_space<vmem>>) offsets(%dma_start3A_295 : memref<128xi32, #tpu.memory_space<vmem>>) semaphore(%arg12 : memref<!tpu.dma_semaphore, #tpu.memory_space<semaphore_mem>>)
    }
    %sub3A_73 = arith.constant 1 : i32
    %sub3A_74 = arith.subi %select_n3A_45, %sub3A_73 : i32
    %mul3A_75 = arith.constant 2 : i32
    %mul3A_76 = arith.muli %sub3A_74, %mul3A_75 : i32
    %add3A_77 = arith.constant 0 : i32
    %add3A_78 = arith.addi %mul3A_76, %add3A_77 : i32
    %dma_wait3A = arith.constant 0 : i32
    %dma_wait3A_79 = tpu.memref_slice %arg6[%add3A_78, %dma_wait3A] : memref<32x128xi32, #tpu.memory_space<vmem>> -> memref<1x128xi32, #tpu.memory_space<vmem>>
    %dma_wait3A_80 = tpu.memref_squeeze %dma_wait3A_79 : memref<1x128xi32, #tpu.memory_space<vmem>> -> memref<128xi32, #tpu.memory_space<vmem>>
    %dma_wait3A_81 = arith.constant 0 : i32
    %dma_wait3A_82 = arith.constant 0 : i32
    %dma_wait3A_83 = tpu.memref_slice %arg2[%dma_wait3A_81, %dma_wait3A_82] : memref<10000x128xf32, #tpu.memory_space<hbm>> -> memref<10000x128xf32, #tpu.memory_space<hbm>>
    tpu.wait_indirect_dma semaphore(%arg11 : memref<!tpu.dma_semaphore, #tpu.memory_space<semaphore_mem>>) src(%dma_wait3A_83 : memref<10000x128xf32, #tpu.memory_space<hbm>>) dst(%arg9 : memref<128x128xf32, #tpu.memory_space<vmem>>)
    "tpu.region"() ({
      %run_scoped3A = tpu.sem_alloc : memref<!tpu.dma_semaphore, #tpu.memory_space<semaphore_mem>>
      %dma_start3A_262 = arith.constant 0 : i32
      %dma_start3A_263 = tpu.memref_slice %arg7[%add3A_78, %dma_start3A_262] : memref<32x128xi32, #tpu.memory_space<vmem>> -> memref<1x128xi32, #tpu.memory_space<vmem>>
      %dma_start3A_264 = tpu.memref_squeeze %dma_start3A_263 : memref<1x128xi32, #tpu.memory_space<vmem>> -> memref<128xi32, #tpu.memory_space<vmem>>
      %dma_start3A_265 = arith.constant 0 : i32
      %dma_start3A_266 = arith.constant 0 : i32
      %dma_start3A_267 = tpu.memref_slice %arg8[%dma_start3A_265, %dma_start3A_266] : memref<10240x128xf32, #tpu.memory_space<vmem_shared>> -> memref<10240x128xf32, #tpu.memory_space<vmem_shared>>
      tpu.enqueue_indirect_dma source(%arg9 : memref<128x128xf32, #tpu.memory_space<vmem>>) target(%dma_start3A_267 : memref<10240x128xf32, #tpu.memory_space<vmem_shared>>) offsets(%dma_start3A_264 : memref<128xi32, #tpu.memory_space<vmem>>) semaphore(%run_scoped3A : memref<!tpu.dma_semaphore, #tpu.memory_space<semaphore_mem>>) {add = true}
      %dma_wait3A_268 = arith.constant 0 : i32
      %dma_wait3A_269 = tpu.memref_slice %arg7[%add3A_78, %dma_wait3A_268] : memref<32x128xi32, #tpu.memory_space<vmem>> -> memref<1x128xi32, #tpu.memory_space<vmem>>
      %dma_wait3A_270 = tpu.memref_squeeze %dma_wait3A_269 : memref<1x128xi32, #tpu.memory_space<vmem>> -> memref<128xi32, #tpu.memory_space<vmem>>
      %dma_wait3A_271 = arith.constant 0 : i32
      %dma_wait3A_272 = arith.constant 0 : i32
      %dma_wait3A_273 = tpu.memref_slice %arg8[%dma_wait3A_271, %dma_wait3A_272] : memref<10240x128xf32, #tpu.memory_space<vmem_shared>> -> memref<10240x128xf32, #tpu.memory_space<vmem_shared>>
      tpu.wait_indirect_dma semaphore(%run_scoped3A : memref<!tpu.dma_semaphore, #tpu.memory_space<semaphore_mem>>) src(%arg9 : memref<128x128xf32, #tpu.memory_space<vmem>>) dst(%dma_wait3A_273 : memref<10240x128xf32, #tpu.memory_space<vmem_shared>>)
      tpu.yield
    }) : () -> ()
    %sub3A_84 = arith.constant 1 : i32
    %sub3A_85 = arith.subi %select_n3A_45, %sub3A_84 : i32
    %mul3A_86 = arith.constant 2 : i32
    %mul3A_87 = arith.muli %sub3A_85, %mul3A_86 : i32
    %add3A_88 = arith.constant 1 : i32
    %add3A_89 = arith.addi %mul3A_87, %add3A_88 : i32
    %dma_wait3A_90 = arith.constant 0 : i32
    %dma_wait3A_91 = tpu.memref_slice %arg6[%add3A_89, %dma_wait3A_90] : memref<32x128xi32, #tpu.memory_space<vmem>> -> memref<1x128xi32, #tpu.memory_space<vmem>>
    %dma_wait3A_92 = tpu.memref_squeeze %dma_wait3A_91 : memref<1x128xi32, #tpu.memory_space<vmem>> -> memref<128xi32, #tpu.memory_space<vmem>>
    %dma_wait3A_93 = arith.constant 0 : i32
    %dma_wait3A_94 = arith.constant 0 : i32
    %dma_wait3A_95 = tpu.memref_slice %arg2[%dma_wait3A_93, %dma_wait3A_94] : memref<10000x128xf32, #tpu.memory_space<hbm>> -> memref<10000x128xf32, #tpu.memory_space<hbm>>
    tpu.wait_indirect_dma semaphore(%arg12 : memref<!tpu.dma_semaphore, #tpu.memory_space<semaphore_mem>>) src(%dma_wait3A_95 : memref<10000x128xf32, #tpu.memory_space<hbm>>) dst(%arg10 : memref<128x128xf32, #tpu.memory_space<vmem>>)
    "tpu.region"() ({
      %run_scoped3A = tpu.sem_alloc : memref<!tpu.dma_semaphore, #tpu.memory_space<semaphore_mem>>
      %dma_start3A_262 = arith.constant 0 : i32
      %dma_start3A_263 = tpu.memref_slice %arg7[%add3A_89, %dma_start3A_262] : memref<32x128xi32, #tpu.memory_space<vmem>> -> memref<1x128xi32, #tpu.memory_space<vmem>>
      %dma_start3A_264 = tpu.memref_squeeze %dma_start3A_263 : memref<1x128xi32, #tpu.memory_space<vmem>> -> memref<128xi32, #tpu.memory_space<vmem>>
      %dma_start3A_265 = arith.constant 0 : i32
      %dma_start3A_266 = arith.constant 0 : i32
      %dma_start3A_267 = tpu.memref_slice %arg8[%dma_start3A_265, %dma_start3A_266] : memref<10240x128xf32, #tpu.memory_space<vmem_shared>> -> memref<10240x128xf32, #tpu.memory_space<vmem_shared>>
      tpu.enqueue_indirect_dma source(%arg10 : memref<128x128xf32, #tpu.memory_space<vmem>>) target(%dma_start3A_267 : memref<10240x128xf32, #tpu.memory_space<vmem_shared>>) offsets(%dma_start3A_264 : memref<128xi32, #tpu.memory_space<vmem>>) semaphore(%run_scoped3A : memref<!tpu.dma_semaphore, #tpu.memory_space<semaphore_mem>>) {add = true}
      %dma_wait3A_268 = arith.constant 0 : i32
      %dma_wait3A_269 = tpu.memref_slice %arg7[%add3A_89, %dma_wait3A_268] : memref<32x128xi32, #tpu.memory_space<vmem>> -> memref<1x128xi32, #tpu.memory_space<vmem>>
      %dma_wait3A_270 = tpu.memref_squeeze %dma_wait3A_269 : memref<1x128xi32, #tpu.memory_space<vmem>> -> memref<128xi32, #tpu.memory_space<vmem>>
      %dma_wait3A_271 = arith.constant 0 : i32
      %dma_wait3A_272 = arith.constant 0 : i32
      %dma_wait3A_273 = tpu.memref_slice %arg8[%dma_wait3A_271, %dma_wait3A_272] : memref<10240x128xf32, #tpu.memory_space<vmem_shared>> -> memref<10240x128xf32, #tpu.memory_space<vmem_shared>>
      tpu.wait_indirect_dma semaphore(%run_scoped3A : memref<!tpu.dma_semaphore, #tpu.memory_space<semaphore_mem>>) src(%arg10 : memref<128x128xf32, #tpu.memory_space<vmem>>) dst(%dma_wait3A_273 : memref<10240x128xf32, #tpu.memory_space<vmem_shared>>)
      tpu.yield
    }) : () -> ()
    %mul3A_96 = arith.constant 1 : i32
    %mul3A_97 = arith.muli %mul3A_96, %select_n3A_42 : i32
    %add3A_98 = arith.addi %select_n3A_24, %mul3A_97 : i32
    %multiple_of3A_99 = tpu.assume_multiple %add3A_98, 8 : i32
    "tpu.region"() ({
      %run_scoped3A = tpu.sem_alloc : memref<!tpu.dma_semaphore, #tpu.memory_space<semaphore_mem>>
      %dma_start3A_262 = arith.constant 0 : i32
      %dma_start3A_263 = tpu.memref_slice %arg3[%multiple_of3A_99, %dma_start3A_262] : memref<2592x128xi32, #tpu.memory_space<hbm>> -> memref<32x128xi32, #tpu.memory_space<hbm>>
      %dma_start3A_264 = arith.constant 0 : i32
      %dma_start3A_265 = tpu.memref_slice %arg3[%multiple_of3A_99, %dma_start3A_264] : memref<2592x128xi32, #tpu.memory_space<hbm>> -> memref<32x128xi32, #tpu.memory_space<hbm>>
      tpu.enqueue_dma source(%dma_start3A_265 : memref<32x128xi32, #tpu.memory_space<hbm>>) target(%arg6 : memref<32x128xi32, #tpu.memory_space<vmem>>) target_semaphore(%run_scoped3A : memref<!tpu.dma_semaphore, #tpu.memory_space<semaphore_mem>>)
      %dma_wait3A_266 = arith.constant 0 : i32
      %dma_wait3A_267 = tpu.memref_slice %arg3[%multiple_of3A_99, %dma_wait3A_266] : memref<2592x128xi32, #tpu.memory_space<hbm>> -> memref<32x128xi32, #tpu.memory_space<hbm>>
      %dma_wait3A_268 = arith.constant 0 : i32
      %dma_wait3A_269 = tpu.memref_slice %arg3[%multiple_of3A_99, %dma_wait3A_268] : memref<2592x128xi32, #tpu.memory_space<hbm>> -> memref<32x128xi32, #tpu.memory_space<hbm>>
      tpu.wait_dma2 semaphore(%run_scoped3A : memref<!tpu.dma_semaphore, #tpu.memory_space<semaphore_mem>>) src(%dma_wait3A_269 : memref<32x128xi32, #tpu.memory_space<hbm>>) dst(%arg6 : memref<32x128xi32, #tpu.memory_space<vmem>>)
      tpu.yield
    }) : () -> ()
    "tpu.region"() ({
      %run_scoped3A = tpu.sem_alloc : memref<!tpu.dma_semaphore, #tpu.memory_space<semaphore_mem>>
      %dma_start3A_262 = arith.constant 0 : i32
      %dma_start3A_263 = tpu.memref_slice %arg4[%multiple_of3A_99, %dma_start3A_262] : memref<2592x128xi32, #tpu.memory_space<hbm>> -> memref<32x128xi32, #tpu.memory_space<hbm>>
      %dma_start3A_264 = arith.constant 0 : i32
      %dma_start3A_265 = tpu.memref_slice %arg4[%multiple_of3A_99, %dma_start3A_264] : memref<2592x128xi32, #tpu.memory_space<hbm>> -> memref<32x128xi32, #tpu.memory_space<hbm>>
      tpu.enqueue_dma source(%dma_start3A_265 : memref<32x128xi32, #tpu.memory_space<hbm>>) target(%arg7 : memref<32x128xi32, #tpu.memory_space<vmem>>) target_semaphore(%run_scoped3A : memref<!tpu.dma_semaphore, #tpu.memory_space<semaphore_mem>>)
      %dma_wait3A_266 = arith.constant 0 : i32
      %dma_wait3A_267 = tpu.memref_slice %arg4[%multiple_of3A_99, %dma_wait3A_266] : memref<2592x128xi32, #tpu.memory_space<hbm>> -> memref<32x128xi32, #tpu.memory_space<hbm>>
      %dma_wait3A_268 = arith.constant 0 : i32
      %dma_wait3A_269 = tpu.memref_slice %arg4[%multiple_of3A_99, %dma_wait3A_268] : memref<2592x128xi32, #tpu.memory_space<hbm>> -> memref<32x128xi32, #tpu.memory_space<hbm>>
      tpu.wait_dma2 semaphore(%run_scoped3A : memref<!tpu.dma_semaphore, #tpu.memory_space<semaphore_mem>>) src(%dma_wait3A_269 : memref<32x128xi32, #tpu.memory_space<hbm>>) dst(%arg7 : memref<32x128xi32, #tpu.memory_space<vmem>>)
      tpu.yield
    }) : () -> ()
    %dma_start3A_100 = arith.constant 0 : i32
    %dma_start3A_101 = arith.constant 0 : i32
    %dma_start3A_102 = tpu.memref_slice %arg6[%dma_start3A_100, %dma_start3A_101] : memref<32x128xi32, #tpu.memory_space<vmem>> -> memref<1x128xi32, #tpu.memory_space<vmem>>
    %dma_start3A_103 = tpu.memref_squeeze %dma_start3A_102 : memref<1x128xi32, #tpu.memory_space<vmem>> -> memref<128xi32, #tpu.memory_space<vmem>>
    %dma_start3A_104 = arith.constant 0 : i32
    %dma_start3A_105 = arith.constant 0 : i32
    %dma_start3A_106 = tpu.memref_slice %arg2[%dma_start3A_104, %dma_start3A_105] : memref<10000x128xf32, #tpu.memory_space<hbm>> -> memref<10000x128xf32, #tpu.memory_space<hbm>>
    tpu.enqueue_indirect_dma source(%dma_start3A_106 : memref<10000x128xf32, #tpu.memory_space<hbm>>) target(%arg9 : memref<128x128xf32, #tpu.memory_space<vmem>>) offsets(%dma_start3A_103 : memref<128xi32, #tpu.memory_space<vmem>>) semaphore(%arg11 : memref<!tpu.dma_semaphore, #tpu.memory_space<semaphore_mem>>)
    %dma_start3A_107 = arith.constant 1 : i32
    %dma_start3A_108 = arith.constant 0 : i32
    %dma_start3A_109 = tpu.memref_slice %arg6[%dma_start3A_107, %dma_start3A_108] : memref<32x128xi32, #tpu.memory_space<vmem>> -> memref<1x128xi32, #tpu.memory_space<vmem>>
    %dma_start3A_110 = tpu.memref_squeeze %dma_start3A_109 : memref<1x128xi32, #tpu.memory_space<vmem>> -> memref<128xi32, #tpu.memory_space<vmem>>
    %dma_start3A_111 = arith.constant 0 : i32
    %dma_start3A_112 = arith.constant 0 : i32
    %dma_start3A_113 = tpu.memref_slice %arg2[%dma_start3A_111, %dma_start3A_112] : memref<10000x128xf32, #tpu.memory_space<hbm>> -> memref<10000x128xf32, #tpu.memory_space<hbm>>
    tpu.enqueue_indirect_dma source(%dma_start3A_113 : memref<10000x128xf32, #tpu.memory_space<hbm>>) target(%arg10 : memref<128x128xf32, #tpu.memory_space<vmem>>) offsets(%dma_start3A_110 : memref<128xi32, #tpu.memory_space<vmem>>) semaphore(%arg12 : memref<!tpu.dma_semaphore, #tpu.memory_space<semaphore_mem>>)
    %sub3A_114 = arith.constant 1 : i32
    %sub3A_115 = arith.subi %select_n3A_45, %sub3A_114 : i32
    %while3A_116 = arith.constant 0 : i32
    %while3A_117 = arith.constant 0 : i32
    %while3A_118 = arith.subi %sub3A_115, %while3A_117 : i32
    %while3A_119 = arith.addi %while3A_117, %while3A_118 : i32
    %while3A_120 = arith.constant 1 : i32
    %while3A_121 = arith.divsi %while3A_118, %while3A_120 : i32
    %while3A_122 = arith.muli %while3A_121, %while3A_120 : i32
    %while3A_123 = arith.addi %while3A_117, %while3A_122 : i32
    %while3A_124 = arith.constant 1 : i32
    scf.for %while3A_262 = %while3A_117 to %while3A_123 step %while3A_124  : i32 {
      %mul3A_263 = arith.constant 2 : i32
      %mul3A_264 = arith.muli %while3A_262, %mul3A_263 : i32
      %add3A_265 = arith.constant 0 : i32
      %add3A_266 = arith.addi %mul3A_264, %add3A_265 : i32
      %dma_wait3A_267 = arith.constant 0 : i32
      %dma_wait3A_268 = tpu.memref_slice %arg6[%add3A_266, %dma_wait3A_267] : memref<32x128xi32, #tpu.memory_space<vmem>> -> memref<1x128xi32, #tpu.memory_space<vmem>>
      %dma_wait3A_269 = tpu.memref_squeeze %dma_wait3A_268 : memref<1x128xi32, #tpu.memory_space<vmem>> -> memref<128xi32, #tpu.memory_space<vmem>>
      %dma_wait3A_270 = arith.constant 0 : i32
      %dma_wait3A_271 = arith.constant 0 : i32
      %dma_wait3A_272 = tpu.memref_slice %arg2[%dma_wait3A_270, %dma_wait3A_271] : memref<10000x128xf32, #tpu.memory_space<hbm>> -> memref<10000x128xf32, #tpu.memory_space<hbm>>
      tpu.wait_indirect_dma semaphore(%arg11 : memref<!tpu.dma_semaphore, #tpu.memory_space<semaphore_mem>>) src(%dma_wait3A_272 : memref<10000x128xf32, #tpu.memory_space<hbm>>) dst(%arg9 : memref<128x128xf32, #tpu.memory_space<vmem>>)
      "tpu.region"() ({
        %run_scoped3A = tpu.sem_alloc : memref<!tpu.dma_semaphore, #tpu.memory_space<semaphore_mem>>
        %dma_start3A_299 = arith.constant 0 : i32
        %dma_start3A_300 = tpu.memref_slice %arg7[%add3A_266, %dma_start3A_299] : memref<32x128xi32, #tpu.memory_space<vmem>> -> memref<1x128xi32, #tpu.memory_space<vmem>>
        %dma_start3A_301 = tpu.memref_squeeze %dma_start3A_300 : memref<1x128xi32, #tpu.memory_space<vmem>> -> memref<128xi32, #tpu.memory_space<vmem>>
        %dma_start3A_302 = arith.constant 0 : i32
        %dma_start3A_303 = arith.constant 0 : i32
        %dma_start3A_304 = tpu.memref_slice %arg8[%dma_start3A_302, %dma_start3A_303] : memref<10240x128xf32, #tpu.memory_space<vmem_shared>> -> memref<10240x128xf32, #tpu.memory_space<vmem_shared>>
        tpu.enqueue_indirect_dma source(%arg9 : memref<128x128xf32, #tpu.memory_space<vmem>>) target(%dma_start3A_304 : memref<10240x128xf32, #tpu.memory_space<vmem_shared>>) offsets(%dma_start3A_301 : memref<128xi32, #tpu.memory_space<vmem>>) semaphore(%run_scoped3A : memref<!tpu.dma_semaphore, #tpu.memory_space<semaphore_mem>>) {add = true}
        %dma_wait3A_305 = arith.constant 0 : i32
        %dma_wait3A_306 = tpu.memref_slice %arg7[%add3A_266, %dma_wait3A_305] : memref<32x128xi32, #tpu.memory_space<vmem>> -> memref<1x128xi32, #tpu.memory_space<vmem>>
        %dma_wait3A_307 = tpu.memref_squeeze %dma_wait3A_306 : memref<1x128xi32, #tpu.memory_space<vmem>> -> memref<128xi32, #tpu.memory_space<vmem>>
        %dma_wait3A_308 = arith.constant 0 : i32
        %dma_wait3A_309 = arith.constant 0 : i32
        %dma_wait3A_310 = tpu.memref_slice %arg8[%dma_wait3A_308, %dma_wait3A_309] : memref<10240x128xf32, #tpu.memory_space<vmem_shared>> -> memref<10240x128xf32, #tpu.memory_space<vmem_shared>>
        tpu.wait_indirect_dma semaphore(%run_scoped3A : memref<!tpu.dma_semaphore, #tpu.memory_space<semaphore_mem>>) src(%arg9 : memref<128x128xf32, #tpu.memory_space<vmem>>) dst(%dma_wait3A_310 : memref<10240x128xf32, #tpu.memory_space<vmem_shared>>)
        tpu.yield
      }) : () -> ()
      %add3A_273 = arith.constant 2 : i32
      %add3A_274 = arith.addi %add3A_266, %add3A_273 : i32
      %dma_start3A_275 = arith.constant 0 : i32
      %dma_start3A_276 = tpu.memref_slice %arg6[%add3A_274, %dma_start3A_275] : memref<32x128xi32, #tpu.memory_space<vmem>> -> memref<1x128xi32, #tpu.memory_space<vmem>>
      %dma_start3A_277 = tpu.memref_squeeze %dma_start3A_276 : memref<1x128xi32, #tpu.memory_space<vmem>> -> memref<128xi32, #tpu.memory_space<vmem>>
      %dma_start3A_278 = arith.constant 0 : i32
      %dma_start3A_279 = arith.constant 0 : i32
      %dma_start3A_280 = tpu.memref_slice %arg2[%dma_start3A_278, %dma_start3A_279] : memref<10000x128xf32, #tpu.memory_space<hbm>> -> memref<10000x128xf32, #tpu.memory_space<hbm>>
      tpu.enqueue_indirect_dma source(%dma_start3A_280 : memref<10000x128xf32, #tpu.memory_space<hbm>>) target(%arg9 : memref<128x128xf32, #tpu.memory_space<vmem>>) offsets(%dma_start3A_277 : memref<128xi32, #tpu.memory_space<vmem>>) semaphore(%arg11 : memref<!tpu.dma_semaphore, #tpu.memory_space<semaphore_mem>>)
      %mul3A_281 = arith.constant 2 : i32
      %mul3A_282 = arith.muli %while3A_262, %mul3A_281 : i32
      %add3A_283 = arith.constant 1 : i32
      %add3A_284 = arith.addi %mul3A_282, %add3A_283 : i32
      %dma_wait3A_285 = arith.constant 0 : i32
      %dma_wait3A_286 = tpu.memref_slice %arg6[%add3A_284, %dma_wait3A_285] : memref<32x128xi32, #tpu.memory_space<vmem>> -> memref<1x128xi32, #tpu.memory_space<vmem>>
      %dma_wait3A_287 = tpu.memref_squeeze %dma_wait3A_286 : memref<1x128xi32, #tpu.memory_space<vmem>> -> memref<128xi32, #tpu.memory_space<vmem>>
      %dma_wait3A_288 = arith.constant 0 : i32
      %dma_wait3A_289 = arith.constant 0 : i32
      %dma_wait3A_290 = tpu.memref_slice %arg2[%dma_wait3A_288, %dma_wait3A_289] : memref<10000x128xf32, #tpu.memory_space<hbm>> -> memref<10000x128xf32, #tpu.memory_space<hbm>>
      tpu.wait_indirect_dma semaphore(%arg12 : memref<!tpu.dma_semaphore, #tpu.memory_space<semaphore_mem>>) src(%dma_wait3A_290 : memref<10000x128xf32, #tpu.memory_space<hbm>>) dst(%arg10 : memref<128x128xf32, #tpu.memory_space<vmem>>)
      "tpu.region"() ({
        %run_scoped3A = tpu.sem_alloc : memref<!tpu.dma_semaphore, #tpu.memory_space<semaphore_mem>>
        %dma_start3A_299 = arith.constant 0 : i32
        %dma_start3A_300 = tpu.memref_slice %arg7[%add3A_284, %dma_start3A_299] : memref<32x128xi32, #tpu.memory_space<vmem>> -> memref<1x128xi32, #tpu.memory_space<vmem>>
        %dma_start3A_301 = tpu.memref_squeeze %dma_start3A_300 : memref<1x128xi32, #tpu.memory_space<vmem>> -> memref<128xi32, #tpu.memory_space<vmem>>
        %dma_start3A_302 = arith.constant 0 : i32
        %dma_start3A_303 = arith.constant 0 : i32
        %dma_start3A_304 = tpu.memref_slice %arg8[%dma_start3A_302, %dma_start3A_303] : memref<10240x128xf32, #tpu.memory_space<vmem_shared>> -> memref<10240x128xf32, #tpu.memory_space<vmem_shared>>
        tpu.enqueue_indirect_dma source(%arg10 : memref<128x128xf32, #tpu.memory_space<vmem>>) target(%dma_start3A_304 : memref<10240x128xf32, #tpu.memory_space<vmem_shared>>) offsets(%dma_start3A_301 : memref<128xi32, #tpu.memory_space<vmem>>) semaphore(%run_scoped3A : memref<!tpu.dma_semaphore, #tpu.memory_space<semaphore_mem>>) {add = true}
        %dma_wait3A_305 = arith.constant 0 : i32
        %dma_wait3A_306 = tpu.memref_slice %arg7[%add3A_284, %dma_wait3A_305] : memref<32x128xi32, #tpu.memory_space<vmem>> -> memref<1x128xi32, #tpu.memory_space<vmem>>
        %dma_wait3A_307 = tpu.memref_squeeze %dma_wait3A_306 : memref<1x128xi32, #tpu.memory_space<vmem>> -> memref<128xi32, #tpu.memory_space<vmem>>
        %dma_wait3A_308 = arith.constant 0 : i32
        %dma_wait3A_309 = arith.constant 0 : i32
        %dma_wait3A_310 = tpu.memref_slice %arg8[%dma_wait3A_308, %dma_wait3A_309] : memref<10240x128xf32, #tpu.memory_space<vmem_shared>> -> memref<10240x128xf32, #tpu.memory_space<vmem_shared>>
        tpu.wait_indirect_dma semaphore(%run_scoped3A : memref<!tpu.dma_semaphore, #tpu.memory_space<semaphore_mem>>) src(%arg10 : memref<128x128xf32, #tpu.memory_space<vmem>>) dst(%dma_wait3A_310 : memref<10240x128xf32, #tpu.memory_space<vmem_shared>>)
        tpu.yield
      }) : () -> ()
      %add3A_291 = arith.constant 2 : i32
      %add3A_292 = arith.addi %add3A_284, %add3A_291 : i32
      %dma_start3A_293 = arith.constant 0 : i32
      %dma_start3A_294 = tpu.memref_slice %arg6[%add3A_292, %dma_start3A_293] : memref<32x128xi32, #tpu.memory_space<vmem>> -> memref<1x128xi32, #tpu.memory_space<vmem>>
      %dma_start3A_295 = tpu.memref_squeeze %dma_start3A_294 : memref<1x128xi32, #tpu.memory_space<vmem>> -> memref<128xi32, #tpu.memory_space<vmem>>
      %dma_start3A_296 = arith.constant 0 : i32
      %dma_start3A_297 = arith.constant 0 : i32
      %dma_start3A_298 = tpu.memref_slice %arg2[%dma_start3A_296, %dma_start3A_297] : memref<10000x128xf32, #tpu.memory_space<hbm>> -> memref<10000x128xf32, #tpu.memory_space<hbm>>
      tpu.enqueue_indirect_dma source(%dma_start3A_298 : memref<10000x128xf32, #tpu.memory_space<hbm>>) target(%arg10 : memref<128x128xf32, #tpu.memory_space<vmem>>) offsets(%dma_start3A_295 : memref<128xi32, #tpu.memory_space<vmem>>) semaphore(%arg12 : memref<!tpu.dma_semaphore, #tpu.memory_space<semaphore_mem>>)
    }
    %while3A_125 = arith.constant 1 : i32
    scf.for %while3A_262 = %while3A_123 to %while3A_119 step %while3A_125  : i32 {
      %mul3A_263 = arith.constant 2 : i32
      %mul3A_264 = arith.muli %while3A_262, %mul3A_263 : i32
      %add3A_265 = arith.constant 0 : i32
      %add3A_266 = arith.addi %mul3A_264, %add3A_265 : i32
      %dma_wait3A_267 = arith.constant 0 : i32
      %dma_wait3A_268 = tpu.memref_slice %arg6[%add3A_266, %dma_wait3A_267] : memref<32x128xi32, #tpu.memory_space<vmem>> -> memref<1x128xi32, #tpu.memory_space<vmem>>
      %dma_wait3A_269 = tpu.memref_squeeze %dma_wait3A_268 : memref<1x128xi32, #tpu.memory_space<vmem>> -> memref<128xi32, #tpu.memory_space<vmem>>
      %dma_wait3A_270 = arith.constant 0 : i32
      %dma_wait3A_271 = arith.constant 0 : i32
      %dma_wait3A_272 = tpu.memref_slice %arg2[%dma_wait3A_270, %dma_wait3A_271] : memref<10000x128xf32, #tpu.memory_space<hbm>> -> memref<10000x128xf32, #tpu.memory_space<hbm>>
      tpu.wait_indirect_dma semaphore(%arg11 : memref<!tpu.dma_semaphore, #tpu.memory_space<semaphore_mem>>) src(%dma_wait3A_272 : memref<10000x128xf32, #tpu.memory_space<hbm>>) dst(%arg9 : memref<128x128xf32, #tpu.memory_space<vmem>>)
      "tpu.region"() ({
        %run_scoped3A = tpu.sem_alloc : memref<!tpu.dma_semaphore, #tpu.memory_space<semaphore_mem>>
        %dma_start3A_299 = arith.constant 0 : i32
        %dma_start3A_300 = tpu.memref_slice %arg7[%add3A_266, %dma_start3A_299] : memref<32x128xi32, #tpu.memory_space<vmem>> -> memref<1x128xi32, #tpu.memory_space<vmem>>
        %dma_start3A_301 = tpu.memref_squeeze %dma_start3A_300 : memref<1x128xi32, #tpu.memory_space<vmem>> -> memref<128xi32, #tpu.memory_space<vmem>>
        %dma_start3A_302 = arith.constant 0 : i32
        %dma_start3A_303 = arith.constant 0 : i32
        %dma_start3A_304 = tpu.memref_slice %arg8[%dma_start3A_302, %dma_start3A_303] : memref<10240x128xf32, #tpu.memory_space<vmem_shared>> -> memref<10240x128xf32, #tpu.memory_space<vmem_shared>>
        tpu.enqueue_indirect_dma source(%arg9 : memref<128x128xf32, #tpu.memory_space<vmem>>) target(%dma_start3A_304 : memref<10240x128xf32, #tpu.memory_space<vmem_shared>>) offsets(%dma_start3A_301 : memref<128xi32, #tpu.memory_space<vmem>>) semaphore(%run_scoped3A : memref<!tpu.dma_semaphore, #tpu.memory_space<semaphore_mem>>) {add = true}
        %dma_wait3A_305 = arith.constant 0 : i32
        %dma_wait3A_306 = tpu.memref_slice %arg7[%add3A_266, %dma_wait3A_305] : memref<32x128xi32, #tpu.memory_space<vmem>> -> memref<1x128xi32, #tpu.memory_space<vmem>>
        %dma_wait3A_307 = tpu.memref_squeeze %dma_wait3A_306 : memref<1x128xi32, #tpu.memory_space<vmem>> -> memref<128xi32, #tpu.memory_space<vmem>>
        %dma_wait3A_308 = arith.constant 0 : i32
        %dma_wait3A_309 = arith.constant 0 : i32
        %dma_wait3A_310 = tpu.memref_slice %arg8[%dma_wait3A_308, %dma_wait3A_309] : memref<10240x128xf32, #tpu.memory_space<vmem_shared>> -> memref<10240x128xf32, #tpu.memory_space<vmem_shared>>
        tpu.wait_indirect_dma semaphore(%run_scoped3A : memref<!tpu.dma_semaphore, #tpu.memory_space<semaphore_mem>>) src(%arg9 : memref<128x128xf32, #tpu.memory_space<vmem>>) dst(%dma_wait3A_310 : memref<10240x128xf32, #tpu.memory_space<vmem_shared>>)
        tpu.yield
      }) : () -> ()
      %add3A_273 = arith.constant 2 : i32
      %add3A_274 = arith.addi %add3A_266, %add3A_273 : i32
      %dma_start3A_275 = arith.constant 0 : i32
      %dma_start3A_276 = tpu.memref_slice %arg6[%add3A_274, %dma_start3A_275] : memref<32x128xi32, #tpu.memory_space<vmem>> -> memref<1x128xi32, #tpu.memory_space<vmem>>
      %dma_start3A_277 = tpu.memref_squeeze %dma_start3A_276 : memref<1x128xi32, #tpu.memory_space<vmem>> -> memref<128xi32, #tpu.memory_space<vmem>>
      %dma_start3A_278 = arith.constant 0 : i32
      %dma_start3A_279 = arith.constant 0 : i32
      %dma_start3A_280 = tpu.memref_slice %arg2[%dma_start3A_278, %dma_start3A_279] : memref<10000x128xf32, #tpu.memory_space<hbm>> -> memref<10000x128xf32, #tpu.memory_space<hbm>>
      tpu.enqueue_indirect_dma source(%dma_start3A_280 : memref<10000x128xf32, #tpu.memory_space<hbm>>) target(%arg9 : memref<128x128xf32, #tpu.memory_space<vmem>>) offsets(%dma_start3A_277 : memref<128xi32, #tpu.memory_space<vmem>>) semaphore(%arg11 : memref<!tpu.dma_semaphore, #tpu.memory_space<semaphore_mem>>)
      %mul3A_281 = arith.constant 2 : i32
      %mul3A_282 = arith.muli %while3A_262, %mul3A_281 : i32
      %add3A_283 = arith.constant 1 : i32
      %add3A_284 = arith.addi %mul3A_282, %add3A_283 : i32
      %dma_wait3A_285 = arith.constant 0 : i32
      %dma_wait3A_286 = tpu.memref_slice %arg6[%add3A_284, %dma_wait3A_285] : memref<32x128xi32, #tpu.memory_space<vmem>> -> memref<1x128xi32, #tpu.memory_space<vmem>>
      %dma_wait3A_287 = tpu.memref_squeeze %dma_wait3A_286 : memref<1x128xi32, #tpu.memory_space<vmem>> -> memref<128xi32, #tpu.memory_space<vmem>>
      %dma_wait3A_288 = arith.constant 0 : i32
      %dma_wait3A_289 = arith.constant 0 : i32
      %dma_wait3A_290 = tpu.memref_slice %arg2[%dma_wait3A_288, %dma_wait3A_289] : memref<10000x128xf32, #tpu.memory_space<hbm>> -> memref<10000x128xf32, #tpu.memory_space<hbm>>
      tpu.wait_indirect_dma semaphore(%arg12 : memref<!tpu.dma_semaphore, #tpu.memory_space<semaphore_mem>>) src(%dma_wait3A_290 : memref<10000x128xf32, #tpu.memory_space<hbm>>) dst(%arg10 : memref<128x128xf32, #tpu.memory_space<vmem>>)
      "tpu.region"() ({
        %run_scoped3A = tpu.sem_alloc : memref<!tpu.dma_semaphore, #tpu.memory_space<semaphore_mem>>
        %dma_start3A_299 = arith.constant 0 : i32
        %dma_start3A_300 = tpu.memref_slice %arg7[%add3A_284, %dma_start3A_299] : memref<32x128xi32, #tpu.memory_space<vmem>> -> memref<1x128xi32, #tpu.memory_space<vmem>>
        %dma_start3A_301 = tpu.memref_squeeze %dma_start3A_300 : memref<1x128xi32, #tpu.memory_space<vmem>> -> memref<128xi32, #tpu.memory_space<vmem>>
        %dma_start3A_302 = arith.constant 0 : i32
        %dma_start3A_303 = arith.constant 0 : i32
        %dma_start3A_304 = tpu.memref_slice %arg8[%dma_start3A_302, %dma_start3A_303] : memref<10240x128xf32, #tpu.memory_space<vmem_shared>> -> memref<10240x128xf32, #tpu.memory_space<vmem_shared>>
        tpu.enqueue_indirect_dma source(%arg10 : memref<128x128xf32, #tpu.memory_space<vmem>>) target(%dma_start3A_304 : memref<10240x128xf32, #tpu.memory_space<vmem_shared>>) offsets(%dma_start3A_301 : memref<128xi32, #tpu.memory_space<vmem>>) semaphore(%run_scoped3A : memref<!tpu.dma_semaphore, #tpu.memory_space<semaphore_mem>>) {add = true}
        %dma_wait3A_305 = arith.constant 0 : i32
        %dma_wait3A_306 = tpu.memref_slice %arg7[%add3A_284, %dma_wait3A_305] : memref<32x128xi32, #tpu.memory_space<vmem>> -> memref<1x128xi32, #tpu.memory_space<vmem>>
        %dma_wait3A_307 = tpu.memref_squeeze %dma_wait3A_306 : memref<1x128xi32, #tpu.memory_space<vmem>> -> memref<128xi32, #tpu.memory_space<vmem>>
        %dma_wait3A_308 = arith.constant 0 : i32
        %dma_wait3A_309 = arith.constant 0 : i32
        %dma_wait3A_310 = tpu.memref_slice %arg8[%dma_wait3A_308, %dma_wait3A_309] : memref<10240x128xf32, #tpu.memory_space<vmem_shared>> -> memref<10240x128xf32, #tpu.memory_space<vmem_shared>>
        tpu.wait_indirect_dma semaphore(%run_scoped3A : memref<!tpu.dma_semaphore, #tpu.memory_space<semaphore_mem>>) src(%arg10 : memref<128x128xf32, #tpu.memory_space<vmem>>) dst(%dma_wait3A_310 : memref<10240x128xf32, #tpu.memory_space<vmem_shared>>)
        tpu.yield
      }) : () -> ()
      %add3A_291 = arith.constant 2 : i32
      %add3A_292 = arith.addi %add3A_284, %add3A_291 : i32
      %dma_start3A_293 = arith.constant 0 : i32
      %dma_start3A_294 = tpu.memref_slice %arg6[%add3A_292, %dma_start3A_293] : memref<32x128xi32, #tpu.memory_space<vmem>> -> memref<1x128xi32, #tpu.memory_space<vmem>>
      %dma_start3A_295 = tpu.memref_squeeze %dma_start3A_294 : memref<1x128xi32, #tpu.memory_space<vmem>> -> memref<128xi32, #tpu.memory_space<vmem>>
      %dma_start3A_296 = arith.constant 0 : i32
      %dma_start3A_297 = arith.constant 0 : i32
      %dma_start3A_298 = tpu.memref_slice %arg2[%dma_start3A_296, %dma_start3A_297] : memref<10000x128xf32, #tpu.memory_space<hbm>> -> memref<10000x128xf32, #tpu.memory_space<hbm>>
      tpu.enqueue_indirect_dma source(%dma_start3A_298 : memref<10000x128xf32, #tpu.memory_space<hbm>>) target(%arg10 : memref<128x128xf32, #tpu.memory_space<vmem>>) offsets(%dma_start3A_295 : memref<128xi32, #tpu.memory_space<vmem>>) semaphore(%arg12 : memref<!tpu.dma_semaphore, #tpu.memory_space<semaphore_mem>>)
    }
    %sub3A_126 = arith.constant 1 : i32
    %sub3A_127 = arith.subi %select_n3A_45, %sub3A_126 : i32
    %mul3A_128 = arith.constant 2 : i32
    %mul3A_129 = arith.muli %sub3A_127, %mul3A_128 : i32
    %add3A_130 = arith.constant 0 : i32
    %add3A_131 = arith.addi %mul3A_129, %add3A_130 : i32
    %dma_wait3A_132 = arith.constant 0 : i32
    %dma_wait3A_133 = tpu.memref_slice %arg6[%add3A_131, %dma_wait3A_132] : memref<32x128xi32, #tpu.memory_space<vmem>> -> memref<1x128xi32, #tpu.memory_space<vmem>>
    %dma_wait3A_134 = tpu.memref_squeeze %dma_wait3A_133 : memref<1x128xi32, #tpu.memory_space<vmem>> -> memref<128xi32, #tpu.memory_space<vmem>>
    %dma_wait3A_135 = arith.constant 0 : i32
    %dma_wait3A_136 = arith.constant 0 : i32
    %dma_wait3A_137 = tpu.memref_slice %arg2[%dma_wait3A_135, %dma_wait3A_136] : memref<10000x128xf32, #tpu.memory_space<hbm>> -> memref<10000x128xf32, #tpu.memory_space<hbm>>
    tpu.wait_indirect_dma semaphore(%arg11 : memref<!tpu.dma_semaphore, #tpu.memory_space<semaphore_mem>>) src(%dma_wait3A_137 : memref<10000x128xf32, #tpu.memory_space<hbm>>) dst(%arg9 : memref<128x128xf32, #tpu.memory_space<vmem>>)
    "tpu.region"() ({
      %run_scoped3A = tpu.sem_alloc : memref<!tpu.dma_semaphore, #tpu.memory_space<semaphore_mem>>
      %dma_start3A_262 = arith.constant 0 : i32
      %dma_start3A_263 = tpu.memref_slice %arg7[%add3A_131, %dma_start3A_262] : memref<32x128xi32, #tpu.memory_space<vmem>> -> memref<1x128xi32, #tpu.memory_space<vmem>>
      %dma_start3A_264 = tpu.memref_squeeze %dma_start3A_263 : memref<1x128xi32, #tpu.memory_space<vmem>> -> memref<128xi32, #tpu.memory_space<vmem>>
      %dma_start3A_265 = arith.constant 0 : i32
      %dma_start3A_266 = arith.constant 0 : i32
      %dma_start3A_267 = tpu.memref_slice %arg8[%dma_start3A_265, %dma_start3A_266] : memref<10240x128xf32, #tpu.memory_space<vmem_shared>> -> memref<10240x128xf32, #tpu.memory_space<vmem_shared>>
      tpu.enqueue_indirect_dma source(%arg9 : memref<128x128xf32, #tpu.memory_space<vmem>>) target(%dma_start3A_267 : memref<10240x128xf32, #tpu.memory_space<vmem_shared>>) offsets(%dma_start3A_264 : memref<128xi32, #tpu.memory_space<vmem>>) semaphore(%run_scoped3A : memref<!tpu.dma_semaphore, #tpu.memory_space<semaphore_mem>>) {add = true}
      %dma_wait3A_268 = arith.constant 0 : i32
      %dma_wait3A_269 = tpu.memref_slice %arg7[%add3A_131, %dma_wait3A_268] : memref<32x128xi32, #tpu.memory_space<vmem>> -> memref<1x128xi32, #tpu.memory_space<vmem>>
      %dma_wait3A_270 = tpu.memref_squeeze %dma_wait3A_269 : memref<1x128xi32, #tpu.memory_space<vmem>> -> memref<128xi32, #tpu.memory_space<vmem>>
      %dma_wait3A_271 = arith.constant 0 : i32
      %dma_wait3A_272 = arith.constant 0 : i32
      %dma_wait3A_273 = tpu.memref_slice %arg8[%dma_wait3A_271, %dma_wait3A_272] : memref<10240x128xf32, #tpu.memory_space<vmem_shared>> -> memref<10240x128xf32, #tpu.memory_space<vmem_shared>>
      tpu.wait_indirect_dma semaphore(%run_scoped3A : memref<!tpu.dma_semaphore, #tpu.memory_space<semaphore_mem>>) src(%arg9 : memref<128x128xf32, #tpu.memory_space<vmem>>) dst(%dma_wait3A_273 : memref<10240x128xf32, #tpu.memory_space<vmem_shared>>)
      tpu.yield
    }) : () -> ()
    %sub3A_138 = arith.constant 1 : i32
    %sub3A_139 = arith.subi %select_n3A_45, %sub3A_138 : i32
    %mul3A_140 = arith.constant 2 : i32
    %mul3A_141 = arith.muli %sub3A_139, %mul3A_140 : i32
    %add3A_142 = arith.constant 1 : i32
    %add3A_143 = arith.addi %mul3A_141, %add3A_142 : i32
    %dma_wait3A_144 = arith.constant 0 : i32
    %dma_wait3A_145 = tpu.memref_slice %arg6[%add3A_143, %dma_wait3A_144] : memref<32x128xi32, #tpu.memory_space<vmem>> -> memref<1x128xi32, #tpu.memory_space<vmem>>
    %dma_wait3A_146 = tpu.memref_squeeze %dma_wait3A_145 : memref<1x128xi32, #tpu.memory_space<vmem>> -> memref<128xi32, #tpu.memory_space<vmem>>
    %dma_wait3A_147 = arith.constant 0 : i32
    %dma_wait3A_148 = arith.constant 0 : i32
    %dma_wait3A_149 = tpu.memref_slice %arg2[%dma_wait3A_147, %dma_wait3A_148] : memref<10000x128xf32, #tpu.memory_space<hbm>> -> memref<10000x128xf32, #tpu.memory_space<hbm>>
    tpu.wait_indirect_dma semaphore(%arg12 : memref<!tpu.dma_semaphore, #tpu.memory_space<semaphore_mem>>) src(%dma_wait3A_149 : memref<10000x128xf32, #tpu.memory_space<hbm>>) dst(%arg10 : memref<128x128xf32, #tpu.memory_space<vmem>>)
    "tpu.region"() ({
      %run_scoped3A = tpu.sem_alloc : memref<!tpu.dma_semaphore, #tpu.memory_space<semaphore_mem>>
      %dma_start3A_262 = arith.constant 0 : i32
      %dma_start3A_263 = tpu.memref_slice %arg7[%add3A_143, %dma_start3A_262] : memref<32x128xi32, #tpu.memory_space<vmem>> -> memref<1x128xi32, #tpu.memory_space<vmem>>
      %dma_start3A_264 = tpu.memref_squeeze %dma_start3A_263 : memref<1x128xi32, #tpu.memory_space<vmem>> -> memref<128xi32, #tpu.memory_space<vmem>>
      %dma_start3A_265 = arith.constant 0 : i32
      %dma_start3A_266 = arith.constant 0 : i32
      %dma_start3A_267 = tpu.memref_slice %arg8[%dma_start3A_265, %dma_start3A_266] : memref<10240x128xf32, #tpu.memory_space<vmem_shared>> -> memref<10240x128xf32, #tpu.memory_space<vmem_shared>>
      tpu.enqueue_indirect_dma source(%arg10 : memref<128x128xf32, #tpu.memory_space<vmem>>) target(%dma_start3A_267 : memref<10240x128xf32, #tpu.memory_space<vmem_shared>>) offsets(%dma_start3A_264 : memref<128xi32, #tpu.memory_space<vmem>>) semaphore(%run_scoped3A : memref<!tpu.dma_semaphore, #tpu.memory_space<semaphore_mem>>) {add = true}
      %dma_wait3A_268 = arith.constant 0 : i32
      %dma_wait3A_269 = tpu.memref_slice %arg7[%add3A_143, %dma_wait3A_268] : memref<32x128xi32, #tpu.memory_space<vmem>> -> memref<1x128xi32, #tpu.memory_space<vmem>>
      %dma_wait3A_270 = tpu.memref_squeeze %dma_wait3A_269 : memref<1x128xi32, #tpu.memory_space<vmem>> -> memref<128xi32, #tpu.memory_space<vmem>>
      %dma_wait3A_271 = arith.constant 0 : i32
      %dma_wait3A_272 = arith.constant 0 : i32
      %dma_wait3A_273 = tpu.memref_slice %arg8[%dma_wait3A_271, %dma_wait3A_272] : memref<10240x128xf32, #tpu.memory_space<vmem_shared>> -> memref<10240x128xf32, #tpu.memory_space<vmem_shared>>
      tpu.wait_indirect_dma semaphore(%run_scoped3A : memref<!tpu.dma_semaphore, #tpu.memory_space<semaphore_mem>>) src(%arg10 : memref<128x128xf32, #tpu.memory_space<vmem>>) dst(%dma_wait3A_273 : memref<10240x128xf32, #tpu.memory_space<vmem_shared>>)
      tpu.yield
    }) : () -> ()
    %mul3A_150 = arith.constant 2 : i32
    %mul3A_151 = arith.muli %mul3A_150, %select_n3A_42 : i32
    %add3A_152 = arith.addi %select_n3A_24, %mul3A_151 : i32
    %multiple_of3A_153 = tpu.assume_multiple %add3A_152, 8 : i32
    "tpu.region"() ({
      %run_scoped3A = tpu.sem_alloc : memref<!tpu.dma_semaphore, #tpu.memory_space<semaphore_mem>>
      %dma_start3A_262 = arith.constant 0 : i32
      %dma_start3A_263 = tpu.memref_slice %arg3[%multiple_of3A_153, %dma_start3A_262] : memref<2592x128xi32, #tpu.memory_space<hbm>> -> memref<32x128xi32, #tpu.memory_space<hbm>>
      %dma_start3A_264 = arith.constant 0 : i32
      %dma_start3A_265 = tpu.memref_slice %arg3[%multiple_of3A_153, %dma_start3A_264] : memref<2592x128xi32, #tpu.memory_space<hbm>> -> memref<32x128xi32, #tpu.memory_space<hbm>>
      tpu.enqueue_dma source(%dma_start3A_265 : memref<32x128xi32, #tpu.memory_space<hbm>>) target(%arg6 : memref<32x128xi32, #tpu.memory_space<vmem>>) target_semaphore(%run_scoped3A : memref<!tpu.dma_semaphore, #tpu.memory_space<semaphore_mem>>)
      %dma_wait3A_266 = arith.constant 0 : i32
      %dma_wait3A_267 = tpu.memref_slice %arg3[%multiple_of3A_153, %dma_wait3A_266] : memref<2592x128xi32, #tpu.memory_space<hbm>> -> memref<32x128xi32, #tpu.memory_space<hbm>>
      %dma_wait3A_268 = arith.constant 0 : i32
      %dma_wait3A_269 = tpu.memref_slice %arg3[%multiple_of3A_153, %dma_wait3A_268] : memref<2592x128xi32, #tpu.memory_space<hbm>> -> memref<32x128xi32, #tpu.memory_space<hbm>>
      tpu.wait_dma2 semaphore(%run_scoped3A : memref<!tpu.dma_semaphore, #tpu.memory_space<semaphore_mem>>) src(%dma_wait3A_269 : memref<32x128xi32, #tpu.memory_space<hbm>>) dst(%arg6 : memref<32x128xi32, #tpu.memory_space<vmem>>)
      tpu.yield
    }) : () -> ()
    "tpu.region"() ({
      %run_scoped3A = tpu.sem_alloc : memref<!tpu.dma_semaphore, #tpu.memory_space<semaphore_mem>>
      %dma_start3A_262 = arith.constant 0 : i32
      %dma_start3A_263 = tpu.memref_slice %arg4[%multiple_of3A_153, %dma_start3A_262] : memref<2592x128xi32, #tpu.memory_space<hbm>> -> memref<32x128xi32, #tpu.memory_space<hbm>>
      %dma_start3A_264 = arith.constant 0 : i32
      %dma_start3A_265 = tpu.memref_slice %arg4[%multiple_of3A_153, %dma_start3A_264] : memref<2592x128xi32, #tpu.memory_space<hbm>> -> memref<32x128xi32, #tpu.memory_space<hbm>>
      tpu.enqueue_dma source(%dma_start3A_265 : memref<32x128xi32, #tpu.memory_space<hbm>>) target(%arg7 : memref<32x128xi32, #tpu.memory_space<vmem>>) target_semaphore(%run_scoped3A : memref<!tpu.dma_semaphore, #tpu.memory_space<semaphore_mem>>)
      %dma_wait3A_266 = arith.constant 0 : i32
      %dma_wait3A_267 = tpu.memref_slice %arg4[%multiple_of3A_153, %dma_wait3A_266] : memref<2592x128xi32, #tpu.memory_space<hbm>> -> memref<32x128xi32, #tpu.memory_space<hbm>>
      %dma_wait3A_268 = arith.constant 0 : i32
      %dma_wait3A_269 = tpu.memref_slice %arg4[%multiple_of3A_153, %dma_wait3A_268] : memref<2592x128xi32, #tpu.memory_space<hbm>> -> memref<32x128xi32, #tpu.memory_space<hbm>>
      tpu.wait_dma2 semaphore(%run_scoped3A : memref<!tpu.dma_semaphore, #tpu.memory_space<semaphore_mem>>) src(%dma_wait3A_269 : memref<32x128xi32, #tpu.memory_space<hbm>>) dst(%arg7 : memref<32x128xi32, #tpu.memory_space<vmem>>)
      tpu.yield
    }) : () -> ()
    %dma_start3A_154 = arith.constant 0 : i32
    %dma_start3A_155 = arith.constant 0 : i32
    %dma_start3A_156 = tpu.memref_slice %arg6[%dma_start3A_154, %dma_start3A_155] : memref<32x128xi32, #tpu.memory_space<vmem>> -> memref<1x128xi32, #tpu.memory_space<vmem>>
    %dma_start3A_157 = tpu.memref_squeeze %dma_start3A_156 : memref<1x128xi32, #tpu.memory_space<vmem>> -> memref<128xi32, #tpu.memory_space<vmem>>
    %dma_start3A_158 = arith.constant 0 : i32
    %dma_start3A_159 = arith.constant 0 : i32
    %dma_start3A_160 = tpu.memref_slice %arg2[%dma_start3A_158, %dma_start3A_159] : memref<10000x128xf32, #tpu.memory_space<hbm>> -> memref<10000x128xf32, #tpu.memory_space<hbm>>
    tpu.enqueue_indirect_dma source(%dma_start3A_160 : memref<10000x128xf32, #tpu.memory_space<hbm>>) target(%arg9 : memref<128x128xf32, #tpu.memory_space<vmem>>) offsets(%dma_start3A_157 : memref<128xi32, #tpu.memory_space<vmem>>) semaphore(%arg11 : memref<!tpu.dma_semaphore, #tpu.memory_space<semaphore_mem>>)
    %dma_start3A_161 = arith.constant 1 : i32
    %dma_start3A_162 = arith.constant 0 : i32
    %dma_start3A_163 = tpu.memref_slice %arg6[%dma_start3A_161, %dma_start3A_162] : memref<32x128xi32, #tpu.memory_space<vmem>> -> memref<1x128xi32, #tpu.memory_space<vmem>>
    %dma_start3A_164 = tpu.memref_squeeze %dma_start3A_163 : memref<1x128xi32, #tpu.memory_space<vmem>> -> memref<128xi32, #tpu.memory_space<vmem>>
    %dma_start3A_165 = arith.constant 0 : i32
    %dma_start3A_166 = arith.constant 0 : i32
    %dma_start3A_167 = tpu.memref_slice %arg2[%dma_start3A_165, %dma_start3A_166] : memref<10000x128xf32, #tpu.memory_space<hbm>> -> memref<10000x128xf32, #tpu.memory_space<hbm>>
    tpu.enqueue_indirect_dma source(%dma_start3A_167 : memref<10000x128xf32, #tpu.memory_space<hbm>>) target(%arg10 : memref<128x128xf32, #tpu.memory_space<vmem>>) offsets(%dma_start3A_164 : memref<128xi32, #tpu.memory_space<vmem>>) semaphore(%arg12 : memref<!tpu.dma_semaphore, #tpu.memory_space<semaphore_mem>>)
    %sub3A_168 = arith.constant 1 : i32
    %sub3A_169 = arith.subi %select_n3A_45, %sub3A_168 : i32
    %while3A_170 = arith.constant 0 : i32
    %while3A_171 = arith.constant 0 : i32
    %while3A_172 = arith.subi %sub3A_169, %while3A_171 : i32
    %while3A_173 = arith.addi %while3A_171, %while3A_172 : i32
    %while3A_174 = arith.constant 1 : i32
    %while3A_175 = arith.divsi %while3A_172, %while3A_174 : i32
    %while3A_176 = arith.muli %while3A_175, %while3A_174 : i32
    %while3A_177 = arith.addi %while3A_171, %while3A_176 : i32
    %while3A_178 = arith.constant 1 : i32
    scf.for %while3A_262 = %while3A_171 to %while3A_177 step %while3A_178  : i32 {
      %mul3A_263 = arith.constant 2 : i32
      %mul3A_264 = arith.muli %while3A_262, %mul3A_263 : i32
      %add3A_265 = arith.constant 0 : i32
      %add3A_266 = arith.addi %mul3A_264, %add3A_265 : i32
      %dma_wait3A_267 = arith.constant 0 : i32
      %dma_wait3A_268 = tpu.memref_slice %arg6[%add3A_266, %dma_wait3A_267] : memref<32x128xi32, #tpu.memory_space<vmem>> -> memref<1x128xi32, #tpu.memory_space<vmem>>
      %dma_wait3A_269 = tpu.memref_squeeze %dma_wait3A_268 : memref<1x128xi32, #tpu.memory_space<vmem>> -> memref<128xi32, #tpu.memory_space<vmem>>
      %dma_wait3A_270 = arith.constant 0 : i32
      %dma_wait3A_271 = arith.constant 0 : i32
      %dma_wait3A_272 = tpu.memref_slice %arg2[%dma_wait3A_270, %dma_wait3A_271] : memref<10000x128xf32, #tpu.memory_space<hbm>> -> memref<10000x128xf32, #tpu.memory_space<hbm>>
      tpu.wait_indirect_dma semaphore(%arg11 : memref<!tpu.dma_semaphore, #tpu.memory_space<semaphore_mem>>) src(%dma_wait3A_272 : memref<10000x128xf32, #tpu.memory_space<hbm>>) dst(%arg9 : memref<128x128xf32, #tpu.memory_space<vmem>>)
      "tpu.region"() ({
        %run_scoped3A = tpu.sem_alloc : memref<!tpu.dma_semaphore, #tpu.memory_space<semaphore_mem>>
        %dma_start3A_299 = arith.constant 0 : i32
        %dma_start3A_300 = tpu.memref_slice %arg7[%add3A_266, %dma_start3A_299] : memref<32x128xi32, #tpu.memory_space<vmem>> -> memref<1x128xi32, #tpu.memory_space<vmem>>
        %dma_start3A_301 = tpu.memref_squeeze %dma_start3A_300 : memref<1x128xi32, #tpu.memory_space<vmem>> -> memref<128xi32, #tpu.memory_space<vmem>>
        %dma_start3A_302 = arith.constant 0 : i32
        %dma_start3A_303 = arith.constant 0 : i32
        %dma_start3A_304 = tpu.memref_slice %arg8[%dma_start3A_302, %dma_start3A_303] : memref<10240x128xf32, #tpu.memory_space<vmem_shared>> -> memref<10240x128xf32, #tpu.memory_space<vmem_shared>>
        tpu.enqueue_indirect_dma source(%arg9 : memref<128x128xf32, #tpu.memory_space<vmem>>) target(%dma_start3A_304 : memref<10240x128xf32, #tpu.memory_space<vmem_shared>>) offsets(%dma_start3A_301 : memref<128xi32, #tpu.memory_space<vmem>>) semaphore(%run_scoped3A : memref<!tpu.dma_semaphore, #tpu.memory_space<semaphore_mem>>) {add = true}
        %dma_wait3A_305 = arith.constant 0 : i32
        %dma_wait3A_306 = tpu.memref_slice %arg7[%add3A_266, %dma_wait3A_305] : memref<32x128xi32, #tpu.memory_space<vmem>> -> memref<1x128xi32, #tpu.memory_space<vmem>>
        %dma_wait3A_307 = tpu.memref_squeeze %dma_wait3A_306 : memref<1x128xi32, #tpu.memory_space<vmem>> -> memref<128xi32, #tpu.memory_space<vmem>>
        %dma_wait3A_308 = arith.constant 0 : i32
        %dma_wait3A_309 = arith.constant 0 : i32
        %dma_wait3A_310 = tpu.memref_slice %arg8[%dma_wait3A_308, %dma_wait3A_309] : memref<10240x128xf32, #tpu.memory_space<vmem_shared>> -> memref<10240x128xf32, #tpu.memory_space<vmem_shared>>
        tpu.wait_indirect_dma semaphore(%run_scoped3A : memref<!tpu.dma_semaphore, #tpu.memory_space<semaphore_mem>>) src(%arg9 : memref<128x128xf32, #tpu.memory_space<vmem>>) dst(%dma_wait3A_310 : memref<10240x128xf32, #tpu.memory_space<vmem_shared>>)
        tpu.yield
      }) : () -> ()
      %add3A_273 = arith.constant 2 : i32
      %add3A_274 = arith.addi %add3A_266, %add3A_273 : i32
      %dma_start3A_275 = arith.constant 0 : i32
      %dma_start3A_276 = tpu.memref_slice %arg6[%add3A_274, %dma_start3A_275] : memref<32x128xi32, #tpu.memory_space<vmem>> -> memref<1x128xi32, #tpu.memory_space<vmem>>
      %dma_start3A_277 = tpu.memref_squeeze %dma_start3A_276 : memref<1x128xi32, #tpu.memory_space<vmem>> -> memref<128xi32, #tpu.memory_space<vmem>>
      %dma_start3A_278 = arith.constant 0 : i32
      %dma_start3A_279 = arith.constant 0 : i32
      %dma_start3A_280 = tpu.memref_slice %arg2[%dma_start3A_278, %dma_start3A_279] : memref<10000x128xf32, #tpu.memory_space<hbm>> -> memref<10000x128xf32, #tpu.memory_space<hbm>>
      tpu.enqueue_indirect_dma source(%dma_start3A_280 : memref<10000x128xf32, #tpu.memory_space<hbm>>) target(%arg9 : memref<128x128xf32, #tpu.memory_space<vmem>>) offsets(%dma_start3A_277 : memref<128xi32, #tpu.memory_space<vmem>>) semaphore(%arg11 : memref<!tpu.dma_semaphore, #tpu.memory_space<semaphore_mem>>)
      %mul3A_281 = arith.constant 2 : i32
      %mul3A_282 = arith.muli %while3A_262, %mul3A_281 : i32
      %add3A_283 = arith.constant 1 : i32
      %add3A_284 = arith.addi %mul3A_282, %add3A_283 : i32
      %dma_wait3A_285 = arith.constant 0 : i32
      %dma_wait3A_286 = tpu.memref_slice %arg6[%add3A_284, %dma_wait3A_285] : memref<32x128xi32, #tpu.memory_space<vmem>> -> memref<1x128xi32, #tpu.memory_space<vmem>>
      %dma_wait3A_287 = tpu.memref_squeeze %dma_wait3A_286 : memref<1x128xi32, #tpu.memory_space<vmem>> -> memref<128xi32, #tpu.memory_space<vmem>>
      %dma_wait3A_288 = arith.constant 0 : i32
      %dma_wait3A_289 = arith.constant 0 : i32
      %dma_wait3A_290 = tpu.memref_slice %arg2[%dma_wait3A_288, %dma_wait3A_289] : memref<10000x128xf32, #tpu.memory_space<hbm>> -> memref<10000x128xf32, #tpu.memory_space<hbm>>
      tpu.wait_indirect_dma semaphore(%arg12 : memref<!tpu.dma_semaphore, #tpu.memory_space<semaphore_mem>>) src(%dma_wait3A_290 : memref<10000x128xf32, #tpu.memory_space<hbm>>) dst(%arg10 : memref<128x128xf32, #tpu.memory_space<vmem>>)
      "tpu.region"() ({
        %run_scoped3A = tpu.sem_alloc : memref<!tpu.dma_semaphore, #tpu.memory_space<semaphore_mem>>
        %dma_start3A_299 = arith.constant 0 : i32
        %dma_start3A_300 = tpu.memref_slice %arg7[%add3A_284, %dma_start3A_299] : memref<32x128xi32, #tpu.memory_space<vmem>> -> memref<1x128xi32, #tpu.memory_space<vmem>>
        %dma_start3A_301 = tpu.memref_squeeze %dma_start3A_300 : memref<1x128xi32, #tpu.memory_space<vmem>> -> memref<128xi32, #tpu.memory_space<vmem>>
        %dma_start3A_302 = arith.constant 0 : i32
        %dma_start3A_303 = arith.constant 0 : i32
        %dma_start3A_304 = tpu.memref_slice %arg8[%dma_start3A_302, %dma_start3A_303] : memref<10240x128xf32, #tpu.memory_space<vmem_shared>> -> memref<10240x128xf32, #tpu.memory_space<vmem_shared>>
        tpu.enqueue_indirect_dma source(%arg10 : memref<128x128xf32, #tpu.memory_space<vmem>>) target(%dma_start3A_304 : memref<10240x128xf32, #tpu.memory_space<vmem_shared>>) offsets(%dma_start3A_301 : memref<128xi32, #tpu.memory_space<vmem>>) semaphore(%run_scoped3A : memref<!tpu.dma_semaphore, #tpu.memory_space<semaphore_mem>>) {add = true}
        %dma_wait3A_305 = arith.constant 0 : i32
        %dma_wait3A_306 = tpu.memref_slice %arg7[%add3A_284, %dma_wait3A_305] : memref<32x128xi32, #tpu.memory_space<vmem>> -> memref<1x128xi32, #tpu.memory_space<vmem>>
        %dma_wait3A_307 = tpu.memref_squeeze %dma_wait3A_306 : memref<1x128xi32, #tpu.memory_space<vmem>> -> memref<128xi32, #tpu.memory_space<vmem>>
        %dma_wait3A_308 = arith.constant 0 : i32
        %dma_wait3A_309 = arith.constant 0 : i32
        %dma_wait3A_310 = tpu.memref_slice %arg8[%dma_wait3A_308, %dma_wait3A_309] : memref<10240x128xf32, #tpu.memory_space<vmem_shared>> -> memref<10240x128xf32, #tpu.memory_space<vmem_shared>>
        tpu.wait_indirect_dma semaphore(%run_scoped3A : memref<!tpu.dma_semaphore, #tpu.memory_space<semaphore_mem>>) src(%arg10 : memref<128x128xf32, #tpu.memory_space<vmem>>) dst(%dma_wait3A_310 : memref<10240x128xf32, #tpu.memory_space<vmem_shared>>)
        tpu.yield
      }) : () -> ()
      %add3A_291 = arith.constant 2 : i32
      %add3A_292 = arith.addi %add3A_284, %add3A_291 : i32
      %dma_start3A_293 = arith.constant 0 : i32
      %dma_start3A_294 = tpu.memref_slice %arg6[%add3A_292, %dma_start3A_293] : memref<32x128xi32, #tpu.memory_space<vmem>> -> memref<1x128xi32, #tpu.memory_space<vmem>>
      %dma_start3A_295 = tpu.memref_squeeze %dma_start3A_294 : memref<1x128xi32, #tpu.memory_space<vmem>> -> memref<128xi32, #tpu.memory_space<vmem>>
      %dma_start3A_296 = arith.constant 0 : i32
      %dma_start3A_297 = arith.constant 0 : i32
      %dma_start3A_298 = tpu.memref_slice %arg2[%dma_start3A_296, %dma_start3A_297] : memref<10000x128xf32, #tpu.memory_space<hbm>> -> memref<10000x128xf32, #tpu.memory_space<hbm>>
      tpu.enqueue_indirect_dma source(%dma_start3A_298 : memref<10000x128xf32, #tpu.memory_space<hbm>>) target(%arg10 : memref<128x128xf32, #tpu.memory_space<vmem>>) offsets(%dma_start3A_295 : memref<128xi32, #tpu.memory_space<vmem>>) semaphore(%arg12 : memref<!tpu.dma_semaphore, #tpu.memory_space<semaphore_mem>>)
    }
    %while3A_179 = arith.constant 1 : i32
    scf.for %while3A_262 = %while3A_177 to %while3A_173 step %while3A_179  : i32 {
      %mul3A_263 = arith.constant 2 : i32
      %mul3A_264 = arith.muli %while3A_262, %mul3A_263 : i32
      %add3A_265 = arith.constant 0 : i32
      %add3A_266 = arith.addi %mul3A_264, %add3A_265 : i32
      %dma_wait3A_267 = arith.constant 0 : i32
      %dma_wait3A_268 = tpu.memref_slice %arg6[%add3A_266, %dma_wait3A_267] : memref<32x128xi32, #tpu.memory_space<vmem>> -> memref<1x128xi32, #tpu.memory_space<vmem>>
      %dma_wait3A_269 = tpu.memref_squeeze %dma_wait3A_268 : memref<1x128xi32, #tpu.memory_space<vmem>> -> memref<128xi32, #tpu.memory_space<vmem>>
      %dma_wait3A_270 = arith.constant 0 : i32
      %dma_wait3A_271 = arith.constant 0 : i32
      %dma_wait3A_272 = tpu.memref_slice %arg2[%dma_wait3A_270, %dma_wait3A_271] : memref<10000x128xf32, #tpu.memory_space<hbm>> -> memref<10000x128xf32, #tpu.memory_space<hbm>>
      tpu.wait_indirect_dma semaphore(%arg11 : memref<!tpu.dma_semaphore, #tpu.memory_space<semaphore_mem>>) src(%dma_wait3A_272 : memref<10000x128xf32, #tpu.memory_space<hbm>>) dst(%arg9 : memref<128x128xf32, #tpu.memory_space<vmem>>)
      "tpu.region"() ({
        %run_scoped3A = tpu.sem_alloc : memref<!tpu.dma_semaphore, #tpu.memory_space<semaphore_mem>>
        %dma_start3A_299 = arith.constant 0 : i32
        %dma_start3A_300 = tpu.memref_slice %arg7[%add3A_266, %dma_start3A_299] : memref<32x128xi32, #tpu.memory_space<vmem>> -> memref<1x128xi32, #tpu.memory_space<vmem>>
        %dma_start3A_301 = tpu.memref_squeeze %dma_start3A_300 : memref<1x128xi32, #tpu.memory_space<vmem>> -> memref<128xi32, #tpu.memory_space<vmem>>
        %dma_start3A_302 = arith.constant 0 : i32
        %dma_start3A_303 = arith.constant 0 : i32
        %dma_start3A_304 = tpu.memref_slice %arg8[%dma_start3A_302, %dma_start3A_303] : memref<10240x128xf32, #tpu.memory_space<vmem_shared>> -> memref<10240x128xf32, #tpu.memory_space<vmem_shared>>
        tpu.enqueue_indirect_dma source(%arg9 : memref<128x128xf32, #tpu.memory_space<vmem>>) target(%dma_start3A_304 : memref<10240x128xf32, #tpu.memory_space<vmem_shared>>) offsets(%dma_start3A_301 : memref<128xi32, #tpu.memory_space<vmem>>) semaphore(%run_scoped3A : memref<!tpu.dma_semaphore, #tpu.memory_space<semaphore_mem>>) {add = true}
        %dma_wait3A_305 = arith.constant 0 : i32
        %dma_wait3A_306 = tpu.memref_slice %arg7[%add3A_266, %dma_wait3A_305] : memref<32x128xi32, #tpu.memory_space<vmem>> -> memref<1x128xi32, #tpu.memory_space<vmem>>
        %dma_wait3A_307 = tpu.memref_squeeze %dma_wait3A_306 : memref<1x128xi32, #tpu.memory_space<vmem>> -> memref<128xi32, #tpu.memory_space<vmem>>
        %dma_wait3A_308 = arith.constant 0 : i32
        %dma_wait3A_309 = arith.constant 0 : i32
        %dma_wait3A_310 = tpu.memref_slice %arg8[%dma_wait3A_308, %dma_wait3A_309] : memref<10240x128xf32, #tpu.memory_space<vmem_shared>> -> memref<10240x128xf32, #tpu.memory_space<vmem_shared>>
        tpu.wait_indirect_dma semaphore(%run_scoped3A : memref<!tpu.dma_semaphore, #tpu.memory_space<semaphore_mem>>) src(%arg9 : memref<128x128xf32, #tpu.memory_space<vmem>>) dst(%dma_wait3A_310 : memref<10240x128xf32, #tpu.memory_space<vmem_shared>>)
        tpu.yield
      }) : () -> ()
      %add3A_273 = arith.constant 2 : i32
      %add3A_274 = arith.addi %add3A_266, %add3A_273 : i32
      %dma_start3A_275 = arith.constant 0 : i32
      %dma_start3A_276 = tpu.memref_slice %arg6[%add3A_274, %dma_start3A_275] : memref<32x128xi32, #tpu.memory_space<vmem>> -> memref<1x128xi32, #tpu.memory_space<vmem>>
      %dma_start3A_277 = tpu.memref_squeeze %dma_start3A_276 : memref<1x128xi32, #tpu.memory_space<vmem>> -> memref<128xi32, #tpu.memory_space<vmem>>
      %dma_start3A_278 = arith.constant 0 : i32
      %dma_start3A_279 = arith.constant 0 : i32
      %dma_start3A_280 = tpu.memref_slice %arg2[%dma_start3A_278, %dma_start3A_279] : memref<10000x128xf32, #tpu.memory_space<hbm>> -> memref<10000x128xf32, #tpu.memory_space<hbm>>
      tpu.enqueue_indirect_dma source(%dma_start3A_280 : memref<10000x128xf32, #tpu.memory_space<hbm>>) target(%arg9 : memref<128x128xf32, #tpu.memory_space<vmem>>) offsets(%dma_start3A_277 : memref<128xi32, #tpu.memory_space<vmem>>) semaphore(%arg11 : memref<!tpu.dma_semaphore, #tpu.memory_space<semaphore_mem>>)
      %mul3A_281 = arith.constant 2 : i32
      %mul3A_282 = arith.muli %while3A_262, %mul3A_281 : i32
      %add3A_283 = arith.constant 1 : i32
      %add3A_284 = arith.addi %mul3A_282, %add3A_283 : i32
      %dma_wait3A_285 = arith.constant 0 : i32
      %dma_wait3A_286 = tpu.memref_slice %arg6[%add3A_284, %dma_wait3A_285] : memref<32x128xi32, #tpu.memory_space<vmem>> -> memref<1x128xi32, #tpu.memory_space<vmem>>
      %dma_wait3A_287 = tpu.memref_squeeze %dma_wait3A_286 : memref<1x128xi32, #tpu.memory_space<vmem>> -> memref<128xi32, #tpu.memory_space<vmem>>
      %dma_wait3A_288 = arith.constant 0 : i32
      %dma_wait3A_289 = arith.constant 0 : i32
      %dma_wait3A_290 = tpu.memref_slice %arg2[%dma_wait3A_288, %dma_wait3A_289] : memref<10000x128xf32, #tpu.memory_space<hbm>> -> memref<10000x128xf32, #tpu.memory_space<hbm>>
      tpu.wait_indirect_dma semaphore(%arg12 : memref<!tpu.dma_semaphore, #tpu.memory_space<semaphore_mem>>) src(%dma_wait3A_290 : memref<10000x128xf32, #tpu.memory_space<hbm>>) dst(%arg10 : memref<128x128xf32, #tpu.memory_space<vmem>>)
      "tpu.region"() ({
        %run_scoped3A = tpu.sem_alloc : memref<!tpu.dma_semaphore, #tpu.memory_space<semaphore_mem>>
        %dma_start3A_299 = arith.constant 0 : i32
        %dma_start3A_300 = tpu.memref_slice %arg7[%add3A_284, %dma_start3A_299] : memref<32x128xi32, #tpu.memory_space<vmem>> -> memref<1x128xi32, #tpu.memory_space<vmem>>
        %dma_start3A_301 = tpu.memref_squeeze %dma_start3A_300 : memref<1x128xi32, #tpu.memory_space<vmem>> -> memref<128xi32, #tpu.memory_space<vmem>>
        %dma_start3A_302 = arith.constant 0 : i32
        %dma_start3A_303 = arith.constant 0 : i32
        %dma_start3A_304 = tpu.memref_slice %arg8[%dma_start3A_302, %dma_start3A_303] : memref<10240x128xf32, #tpu.memory_space<vmem_shared>> -> memref<10240x128xf32, #tpu.memory_space<vmem_shared>>
        tpu.enqueue_indirect_dma source(%arg10 : memref<128x128xf32, #tpu.memory_space<vmem>>) target(%dma_start3A_304 : memref<10240x128xf32, #tpu.memory_space<vmem_shared>>) offsets(%dma_start3A_301 : memref<128xi32, #tpu.memory_space<vmem>>) semaphore(%run_scoped3A : memref<!tpu.dma_semaphore, #tpu.memory_space<semaphore_mem>>) {add = true}
        %dma_wait3A_305 = arith.constant 0 : i32
        %dma_wait3A_306 = tpu.memref_slice %arg7[%add3A_284, %dma_wait3A_305] : memref<32x128xi32, #tpu.memory_space<vmem>> -> memref<1x128xi32, #tpu.memory_space<vmem>>
        %dma_wait3A_307 = tpu.memref_squeeze %dma_wait3A_306 : memref<1x128xi32, #tpu.memory_space<vmem>> -> memref<128xi32, #tpu.memory_space<vmem>>
        %dma_wait3A_308 = arith.constant 0 : i32
        %dma_wait3A_309 = arith.constant 0 : i32
        %dma_wait3A_310 = tpu.memref_slice %arg8[%dma_wait3A_308, %dma_wait3A_309] : memref<10240x128xf32, #tpu.memory_space<vmem_shared>> -> memref<10240x128xf32, #tpu.memory_space<vmem_shared>>
        tpu.wait_indirect_dma semaphore(%run_scoped3A : memref<!tpu.dma_semaphore, #tpu.memory_space<semaphore_mem>>) src(%arg10 : memref<128x128xf32, #tpu.memory_space<vmem>>) dst(%dma_wait3A_310 : memref<10240x128xf32, #tpu.memory_space<vmem_shared>>)
        tpu.yield
      }) : () -> ()
      %add3A_291 = arith.constant 2 : i32
      %add3A_292 = arith.addi %add3A_284, %add3A_291 : i32
      %dma_start3A_293 = arith.constant 0 : i32
      %dma_start3A_294 = tpu.memref_slice %arg6[%add3A_292, %dma_start3A_293] : memref<32x128xi32, #tpu.memory_space<vmem>> -> memref<1x128xi32, #tpu.memory_space<vmem>>
      %dma_start3A_295 = tpu.memref_squeeze %dma_start3A_294 : memref<1x128xi32, #tpu.memory_space<vmem>> -> memref<128xi32, #tpu.memory_space<vmem>>
      %dma_start3A_296 = arith.constant 0 : i32
      %dma_start3A_297 = arith.constant 0 : i32
      %dma_start3A_298 = tpu.memref_slice %arg2[%dma_start3A_296, %dma_start3A_297] : memref<10000x128xf32, #tpu.memory_space<hbm>> -> memref<10000x128xf32, #tpu.memory_space<hbm>>
      tpu.enqueue_indirect_dma source(%dma_start3A_298 : memref<10000x128xf32, #tpu.memory_space<hbm>>) target(%arg10 : memref<128x128xf32, #tpu.memory_space<vmem>>) offsets(%dma_start3A_295 : memref<128xi32, #tpu.memory_space<vmem>>) semaphore(%arg12 : memref<!tpu.dma_semaphore, #tpu.memory_space<semaphore_mem>>)
    }
    %sub3A_180 = arith.constant 1 : i32
    %sub3A_181 = arith.subi %select_n3A_45, %sub3A_180 : i32
    %mul3A_182 = arith.constant 2 : i32
    %mul3A_183 = arith.muli %sub3A_181, %mul3A_182 : i32
    %add3A_184 = arith.constant 0 : i32
    %add3A_185 = arith.addi %mul3A_183, %add3A_184 : i32
    %dma_wait3A_186 = arith.constant 0 : i32
    %dma_wait3A_187 = tpu.memref_slice %arg6[%add3A_185, %dma_wait3A_186] : memref<32x128xi32, #tpu.memory_space<vmem>> -> memref<1x128xi32, #tpu.memory_space<vmem>>
    %dma_wait3A_188 = tpu.memref_squeeze %dma_wait3A_187 : memref<1x128xi32, #tpu.memory_space<vmem>> -> memref<128xi32, #tpu.memory_space<vmem>>
    %dma_wait3A_189 = arith.constant 0 : i32
    %dma_wait3A_190 = arith.constant 0 : i32
    %dma_wait3A_191 = tpu.memref_slice %arg2[%dma_wait3A_189, %dma_wait3A_190] : memref<10000x128xf32, #tpu.memory_space<hbm>> -> memref<10000x128xf32, #tpu.memory_space<hbm>>
    tpu.wait_indirect_dma semaphore(%arg11 : memref<!tpu.dma_semaphore, #tpu.memory_space<semaphore_mem>>) src(%dma_wait3A_191 : memref<10000x128xf32, #tpu.memory_space<hbm>>) dst(%arg9 : memref<128x128xf32, #tpu.memory_space<vmem>>)
    "tpu.region"() ({
      %run_scoped3A = tpu.sem_alloc : memref<!tpu.dma_semaphore, #tpu.memory_space<semaphore_mem>>
      %dma_start3A_262 = arith.constant 0 : i32
      %dma_start3A_263 = tpu.memref_slice %arg7[%add3A_185, %dma_start3A_262] : memref<32x128xi32, #tpu.memory_space<vmem>> -> memref<1x128xi32, #tpu.memory_space<vmem>>
      %dma_start3A_264 = tpu.memref_squeeze %dma_start3A_263 : memref<1x128xi32, #tpu.memory_space<vmem>> -> memref<128xi32, #tpu.memory_space<vmem>>
      %dma_start3A_265 = arith.constant 0 : i32
      %dma_start3A_266 = arith.constant 0 : i32
      %dma_start3A_267 = tpu.memref_slice %arg8[%dma_start3A_265, %dma_start3A_266] : memref<10240x128xf32, #tpu.memory_space<vmem_shared>> -> memref<10240x128xf32, #tpu.memory_space<vmem_shared>>
      tpu.enqueue_indirect_dma source(%arg9 : memref<128x128xf32, #tpu.memory_space<vmem>>) target(%dma_start3A_267 : memref<10240x128xf32, #tpu.memory_space<vmem_shared>>) offsets(%dma_start3A_264 : memref<128xi32, #tpu.memory_space<vmem>>) semaphore(%run_scoped3A : memref<!tpu.dma_semaphore, #tpu.memory_space<semaphore_mem>>) {add = true}
      %dma_wait3A_268 = arith.constant 0 : i32
      %dma_wait3A_269 = tpu.memref_slice %arg7[%add3A_185, %dma_wait3A_268] : memref<32x128xi32, #tpu.memory_space<vmem>> -> memref<1x128xi32, #tpu.memory_space<vmem>>
      %dma_wait3A_270 = tpu.memref_squeeze %dma_wait3A_269 : memref<1x128xi32, #tpu.memory_space<vmem>> -> memref<128xi32, #tpu.memory_space<vmem>>
      %dma_wait3A_271 = arith.constant 0 : i32
      %dma_wait3A_272 = arith.constant 0 : i32
      %dma_wait3A_273 = tpu.memref_slice %arg8[%dma_wait3A_271, %dma_wait3A_272] : memref<10240x128xf32, #tpu.memory_space<vmem_shared>> -> memref<10240x128xf32, #tpu.memory_space<vmem_shared>>
      tpu.wait_indirect_dma semaphore(%run_scoped3A : memref<!tpu.dma_semaphore, #tpu.memory_space<semaphore_mem>>) src(%arg9 : memref<128x128xf32, #tpu.memory_space<vmem>>) dst(%dma_wait3A_273 : memref<10240x128xf32, #tpu.memory_space<vmem_shared>>)
      tpu.yield
    }) : () -> ()
    %sub3A_192 = arith.constant 1 : i32
    %sub3A_193 = arith.subi %select_n3A_45, %sub3A_192 : i32
    %mul3A_194 = arith.constant 2 : i32
    %mul3A_195 = arith.muli %sub3A_193, %mul3A_194 : i32
    %add3A_196 = arith.constant 1 : i32
    %add3A_197 = arith.addi %mul3A_195, %add3A_196 : i32
    %dma_wait3A_198 = arith.constant 0 : i32
    %dma_wait3A_199 = tpu.memref_slice %arg6[%add3A_197, %dma_wait3A_198] : memref<32x128xi32, #tpu.memory_space<vmem>> -> memref<1x128xi32, #tpu.memory_space<vmem>>
    %dma_wait3A_200 = tpu.memref_squeeze %dma_wait3A_199 : memref<1x128xi32, #tpu.memory_space<vmem>> -> memref<128xi32, #tpu.memory_space<vmem>>
    %dma_wait3A_201 = arith.constant 0 : i32
    %dma_wait3A_202 = arith.constant 0 : i32
    %dma_wait3A_203 = tpu.memref_slice %arg2[%dma_wait3A_201, %dma_wait3A_202] : memref<10000x128xf32, #tpu.memory_space<hbm>> -> memref<10000x128xf32, #tpu.memory_space<hbm>>
    tpu.wait_indirect_dma semaphore(%arg12 : memref<!tpu.dma_semaphore, #tpu.memory_space<semaphore_mem>>) src(%dma_wait3A_203 : memref<10000x128xf32, #tpu.memory_space<hbm>>) dst(%arg10 : memref<128x128xf32, #tpu.memory_space<vmem>>)
    "tpu.region"() ({
      %run_scoped3A = tpu.sem_alloc : memref<!tpu.dma_semaphore, #tpu.memory_space<semaphore_mem>>
      %dma_start3A_262 = arith.constant 0 : i32
      %dma_start3A_263 = tpu.memref_slice %arg7[%add3A_197, %dma_start3A_262] : memref<32x128xi32, #tpu.memory_space<vmem>> -> memref<1x128xi32, #tpu.memory_space<vmem>>
      %dma_start3A_264 = tpu.memref_squeeze %dma_start3A_263 : memref<1x128xi32, #tpu.memory_space<vmem>> -> memref<128xi32, #tpu.memory_space<vmem>>
      %dma_start3A_265 = arith.constant 0 : i32
      %dma_start3A_266 = arith.constant 0 : i32
      %dma_start3A_267 = tpu.memref_slice %arg8[%dma_start3A_265, %dma_start3A_266] : memref<10240x128xf32, #tpu.memory_space<vmem_shared>> -> memref<10240x128xf32, #tpu.memory_space<vmem_shared>>
      tpu.enqueue_indirect_dma source(%arg10 : memref<128x128xf32, #tpu.memory_space<vmem>>) target(%dma_start3A_267 : memref<10240x128xf32, #tpu.memory_space<vmem_shared>>) offsets(%dma_start3A_264 : memref<128xi32, #tpu.memory_space<vmem>>) semaphore(%run_scoped3A : memref<!tpu.dma_semaphore, #tpu.memory_space<semaphore_mem>>) {add = true}
      %dma_wait3A_268 = arith.constant 0 : i32
      %dma_wait3A_269 = tpu.memref_slice %arg7[%add3A_197, %dma_wait3A_268] : memref<32x128xi32, #tpu.memory_space<vmem>> -> memref<1x128xi32, #tpu.memory_space<vmem>>
      %dma_wait3A_270 = tpu.memref_squeeze %dma_wait3A_269 : memref<1x128xi32, #tpu.memory_space<vmem>> -> memref<128xi32, #tpu.memory_space<vmem>>
      %dma_wait3A_271 = arith.constant 0 : i32
      %dma_wait3A_272 = arith.constant 0 : i32
      %dma_wait3A_273 = tpu.memref_slice %arg8[%dma_wait3A_271, %dma_wait3A_272] : memref<10240x128xf32, #tpu.memory_space<vmem_shared>> -> memref<10240x128xf32, #tpu.memory_space<vmem_shared>>
      tpu.wait_indirect_dma semaphore(%run_scoped3A : memref<!tpu.dma_semaphore, #tpu.memory_space<semaphore_mem>>) src(%arg10 : memref<128x128xf32, #tpu.memory_space<vmem>>) dst(%dma_wait3A_273 : memref<10240x128xf32, #tpu.memory_space<vmem_shared>>)
      tpu.yield
    }) : () -> ()
    %mul3A_204 = arith.constant 3 : i32
    %mul3A_205 = arith.muli %mul3A_204, %select_n3A_42 : i32
    %add3A_206 = arith.addi %select_n3A_24, %mul3A_205 : i32
    %multiple_of3A_207 = tpu.assume_multiple %add3A_206, 8 : i32
    "tpu.region"() ({
      %run_scoped3A = tpu.sem_alloc : memref<!tpu.dma_semaphore, #tpu.memory_space<semaphore_mem>>
      %dma_start3A_262 = arith.constant 0 : i32
      %dma_start3A_263 = tpu.memref_slice %arg3[%multiple_of3A_207, %dma_start3A_262] : memref<2592x128xi32, #tpu.memory_space<hbm>> -> memref<32x128xi32, #tpu.memory_space<hbm>>
      %dma_start3A_264 = arith.constant 0 : i32
      %dma_start3A_265 = tpu.memref_slice %arg3[%multiple_of3A_207, %dma_start3A_264] : memref<2592x128xi32, #tpu.memory_space<hbm>> -> memref<32x128xi32, #tpu.memory_space<hbm>>
      tpu.enqueue_dma source(%dma_start3A_265 : memref<32x128xi32, #tpu.memory_space<hbm>>) target(%arg6 : memref<32x128xi32, #tpu.memory_space<vmem>>) target_semaphore(%run_scoped3A : memref<!tpu.dma_semaphore, #tpu.memory_space<semaphore_mem>>)
      %dma_wait3A_266 = arith.constant 0 : i32
      %dma_wait3A_267 = tpu.memref_slice %arg3[%multiple_of3A_207, %dma_wait3A_266] : memref<2592x128xi32, #tpu.memory_space<hbm>> -> memref<32x128xi32, #tpu.memory_space<hbm>>
      %dma_wait3A_268 = arith.constant 0 : i32
      %dma_wait3A_269 = tpu.memref_slice %arg3[%multiple_of3A_207, %dma_wait3A_268] : memref<2592x128xi32, #tpu.memory_space<hbm>> -> memref<32x128xi32, #tpu.memory_space<hbm>>
      tpu.wait_dma2 semaphore(%run_scoped3A : memref<!tpu.dma_semaphore, #tpu.memory_space<semaphore_mem>>) src(%dma_wait3A_269 : memref<32x128xi32, #tpu.memory_space<hbm>>) dst(%arg6 : memref<32x128xi32, #tpu.memory_space<vmem>>)
      tpu.yield
    }) : () -> ()
    "tpu.region"() ({
      %run_scoped3A = tpu.sem_alloc : memref<!tpu.dma_semaphore, #tpu.memory_space<semaphore_mem>>
      %dma_start3A_262 = arith.constant 0 : i32
      %dma_start3A_263 = tpu.memref_slice %arg4[%multiple_of3A_207, %dma_start3A_262] : memref<2592x128xi32, #tpu.memory_space<hbm>> -> memref<32x128xi32, #tpu.memory_space<hbm>>
      %dma_start3A_264 = arith.constant 0 : i32
      %dma_start3A_265 = tpu.memref_slice %arg4[%multiple_of3A_207, %dma_start3A_264] : memref<2592x128xi32, #tpu.memory_space<hbm>> -> memref<32x128xi32, #tpu.memory_space<hbm>>
      tpu.enqueue_dma source(%dma_start3A_265 : memref<32x128xi32, #tpu.memory_space<hbm>>) target(%arg7 : memref<32x128xi32, #tpu.memory_space<vmem>>) target_semaphore(%run_scoped3A : memref<!tpu.dma_semaphore, #tpu.memory_space<semaphore_mem>>)
      %dma_wait3A_266 = arith.constant 0 : i32
      %dma_wait3A_267 = tpu.memref_slice %arg4[%multiple_of3A_207, %dma_wait3A_266] : memref<2592x128xi32, #tpu.memory_space<hbm>> -> memref<32x128xi32, #tpu.memory_space<hbm>>
      %dma_wait3A_268 = arith.constant 0 : i32
      %dma_wait3A_269 = tpu.memref_slice %arg4[%multiple_of3A_207, %dma_wait3A_268] : memref<2592x128xi32, #tpu.memory_space<hbm>> -> memref<32x128xi32, #tpu.memory_space<hbm>>
      tpu.wait_dma2 semaphore(%run_scoped3A : memref<!tpu.dma_semaphore, #tpu.memory_space<semaphore_mem>>) src(%dma_wait3A_269 : memref<32x128xi32, #tpu.memory_space<hbm>>) dst(%arg7 : memref<32x128xi32, #tpu.memory_space<vmem>>)
      tpu.yield
    }) : () -> ()
    %dma_start3A_208 = arith.constant 0 : i32
    %dma_start3A_209 = arith.constant 0 : i32
    %dma_start3A_210 = tpu.memref_slice %arg6[%dma_start3A_208, %dma_start3A_209] : memref<32x128xi32, #tpu.memory_space<vmem>> -> memref<1x128xi32, #tpu.memory_space<vmem>>
    %dma_start3A_211 = tpu.memref_squeeze %dma_start3A_210 : memref<1x128xi32, #tpu.memory_space<vmem>> -> memref<128xi32, #tpu.memory_space<vmem>>
    %dma_start3A_212 = arith.constant 0 : i32
    %dma_start3A_213 = arith.constant 0 : i32
    %dma_start3A_214 = tpu.memref_slice %arg2[%dma_start3A_212, %dma_start3A_213] : memref<10000x128xf32, #tpu.memory_space<hbm>> -> memref<10000x128xf32, #tpu.memory_space<hbm>>
    tpu.enqueue_indirect_dma source(%dma_start3A_214 : memref<10000x128xf32, #tpu.memory_space<hbm>>) target(%arg9 : memref<128x128xf32, #tpu.memory_space<vmem>>) offsets(%dma_start3A_211 : memref<128xi32, #tpu.memory_space<vmem>>) semaphore(%arg11 : memref<!tpu.dma_semaphore, #tpu.memory_space<semaphore_mem>>)
    %dma_start3A_215 = arith.constant 1 : i32
    %dma_start3A_216 = arith.constant 0 : i32
    %dma_start3A_217 = tpu.memref_slice %arg6[%dma_start3A_215, %dma_start3A_216] : memref<32x128xi32, #tpu.memory_space<vmem>> -> memref<1x128xi32, #tpu.memory_space<vmem>>
    %dma_start3A_218 = tpu.memref_squeeze %dma_start3A_217 : memref<1x128xi32, #tpu.memory_space<vmem>> -> memref<128xi32, #tpu.memory_space<vmem>>
    %dma_start3A_219 = arith.constant 0 : i32
    %dma_start3A_220 = arith.constant 0 : i32
    %dma_start3A_221 = tpu.memref_slice %arg2[%dma_start3A_219, %dma_start3A_220] : memref<10000x128xf32, #tpu.memory_space<hbm>> -> memref<10000x128xf32, #tpu.memory_space<hbm>>
    tpu.enqueue_indirect_dma source(%dma_start3A_221 : memref<10000x128xf32, #tpu.memory_space<hbm>>) target(%arg10 : memref<128x128xf32, #tpu.memory_space<vmem>>) offsets(%dma_start3A_218 : memref<128xi32, #tpu.memory_space<vmem>>) semaphore(%arg12 : memref<!tpu.dma_semaphore, #tpu.memory_space<semaphore_mem>>)
    %sub3A_222 = arith.constant 1 : i32
    %sub3A_223 = arith.subi %select_n3A_45, %sub3A_222 : i32
    %while3A_224 = arith.constant 0 : i32
    %while3A_225 = arith.constant 0 : i32
    %while3A_226 = arith.subi %sub3A_223, %while3A_225 : i32
    %while3A_227 = arith.addi %while3A_225, %while3A_226 : i32
    %while3A_228 = arith.constant 1 : i32
    %while3A_229 = arith.divsi %while3A_226, %while3A_228 : i32
    %while3A_230 = arith.muli %while3A_229, %while3A_228 : i32
    %while3A_231 = arith.addi %while3A_225, %while3A_230 : i32
    %while3A_232 = arith.constant 1 : i32
    scf.for %while3A_262 = %while3A_225 to %while3A_231 step %while3A_232  : i32 {
      %mul3A_263 = arith.constant 2 : i32
      %mul3A_264 = arith.muli %while3A_262, %mul3A_263 : i32
      %add3A_265 = arith.constant 0 : i32
      %add3A_266 = arith.addi %mul3A_264, %add3A_265 : i32
      %dma_wait3A_267 = arith.constant 0 : i32
      %dma_wait3A_268 = tpu.memref_slice %arg6[%add3A_266, %dma_wait3A_267] : memref<32x128xi32, #tpu.memory_space<vmem>> -> memref<1x128xi32, #tpu.memory_space<vmem>>
      %dma_wait3A_269 = tpu.memref_squeeze %dma_wait3A_268 : memref<1x128xi32, #tpu.memory_space<vmem>> -> memref<128xi32, #tpu.memory_space<vmem>>
      %dma_wait3A_270 = arith.constant 0 : i32
      %dma_wait3A_271 = arith.constant 0 : i32
      %dma_wait3A_272 = tpu.memref_slice %arg2[%dma_wait3A_270, %dma_wait3A_271] : memref<10000x128xf32, #tpu.memory_space<hbm>> -> memref<10000x128xf32, #tpu.memory_space<hbm>>
      tpu.wait_indirect_dma semaphore(%arg11 : memref<!tpu.dma_semaphore, #tpu.memory_space<semaphore_mem>>) src(%dma_wait3A_272 : memref<10000x128xf32, #tpu.memory_space<hbm>>) dst(%arg9 : memref<128x128xf32, #tpu.memory_space<vmem>>)
      "tpu.region"() ({
        %run_scoped3A = tpu.sem_alloc : memref<!tpu.dma_semaphore, #tpu.memory_space<semaphore_mem>>
        %dma_start3A_299 = arith.constant 0 : i32
        %dma_start3A_300 = tpu.memref_slice %arg7[%add3A_266, %dma_start3A_299] : memref<32x128xi32, #tpu.memory_space<vmem>> -> memref<1x128xi32, #tpu.memory_space<vmem>>
        %dma_start3A_301 = tpu.memref_squeeze %dma_start3A_300 : memref<1x128xi32, #tpu.memory_space<vmem>> -> memref<128xi32, #tpu.memory_space<vmem>>
        %dma_start3A_302 = arith.constant 0 : i32
        %dma_start3A_303 = arith.constant 0 : i32
        %dma_start3A_304 = tpu.memref_slice %arg8[%dma_start3A_302, %dma_start3A_303] : memref<10240x128xf32, #tpu.memory_space<vmem_shared>> -> memref<10240x128xf32, #tpu.memory_space<vmem_shared>>
        tpu.enqueue_indirect_dma source(%arg9 : memref<128x128xf32, #tpu.memory_space<vmem>>) target(%dma_start3A_304 : memref<10240x128xf32, #tpu.memory_space<vmem_shared>>) offsets(%dma_start3A_301 : memref<128xi32, #tpu.memory_space<vmem>>) semaphore(%run_scoped3A : memref<!tpu.dma_semaphore, #tpu.memory_space<semaphore_mem>>) {add = true}
        %dma_wait3A_305 = arith.constant 0 : i32
        %dma_wait3A_306 = tpu.memref_slice %arg7[%add3A_266, %dma_wait3A_305] : memref<32x128xi32, #tpu.memory_space<vmem>> -> memref<1x128xi32, #tpu.memory_space<vmem>>
        %dma_wait3A_307 = tpu.memref_squeeze %dma_wait3A_306 : memref<1x128xi32, #tpu.memory_space<vmem>> -> memref<128xi32, #tpu.memory_space<vmem>>
        %dma_wait3A_308 = arith.constant 0 : i32
        %dma_wait3A_309 = arith.constant 0 : i32
        %dma_wait3A_310 = tpu.memref_slice %arg8[%dma_wait3A_308, %dma_wait3A_309] : memref<10240x128xf32, #tpu.memory_space<vmem_shared>> -> memref<10240x128xf32, #tpu.memory_space<vmem_shared>>
        tpu.wait_indirect_dma semaphore(%run_scoped3A : memref<!tpu.dma_semaphore, #tpu.memory_space<semaphore_mem>>) src(%arg9 : memref<128x128xf32, #tpu.memory_space<vmem>>) dst(%dma_wait3A_310 : memref<10240x128xf32, #tpu.memory_space<vmem_shared>>)
        tpu.yield
      }) : () -> ()
      %add3A_273 = arith.constant 2 : i32
      %add3A_274 = arith.addi %add3A_266, %add3A_273 : i32
      %dma_start3A_275 = arith.constant 0 : i32
      %dma_start3A_276 = tpu.memref_slice %arg6[%add3A_274, %dma_start3A_275] : memref<32x128xi32, #tpu.memory_space<vmem>> -> memref<1x128xi32, #tpu.memory_space<vmem>>
      %dma_start3A_277 = tpu.memref_squeeze %dma_start3A_276 : memref<1x128xi32, #tpu.memory_space<vmem>> -> memref<128xi32, #tpu.memory_space<vmem>>
      %dma_start3A_278 = arith.constant 0 : i32
      %dma_start3A_279 = arith.constant 0 : i32
      %dma_start3A_280 = tpu.memref_slice %arg2[%dma_start3A_278, %dma_start3A_279] : memref<10000x128xf32, #tpu.memory_space<hbm>> -> memref<10000x128xf32, #tpu.memory_space<hbm>>
      tpu.enqueue_indirect_dma source(%dma_start3A_280 : memref<10000x128xf32, #tpu.memory_space<hbm>>) target(%arg9 : memref<128x128xf32, #tpu.memory_space<vmem>>) offsets(%dma_start3A_277 : memref<128xi32, #tpu.memory_space<vmem>>) semaphore(%arg11 : memref<!tpu.dma_semaphore, #tpu.memory_space<semaphore_mem>>)
      %mul3A_281 = arith.constant 2 : i32
      %mul3A_282 = arith.muli %while3A_262, %mul3A_281 : i32
      %add3A_283 = arith.constant 1 : i32
      %add3A_284 = arith.addi %mul3A_282, %add3A_283 : i32
      %dma_wait3A_285 = arith.constant 0 : i32
      %dma_wait3A_286 = tpu.memref_slice %arg6[%add3A_284, %dma_wait3A_285] : memref<32x128xi32, #tpu.memory_space<vmem>> -> memref<1x128xi32, #tpu.memory_space<vmem>>
      %dma_wait3A_287 = tpu.memref_squeeze %dma_wait3A_286 : memref<1x128xi32, #tpu.memory_space<vmem>> -> memref<128xi32, #tpu.memory_space<vmem>>
      %dma_wait3A_288 = arith.constant 0 : i32
      %dma_wait3A_289 = arith.constant 0 : i32
      %dma_wait3A_290 = tpu.memref_slice %arg2[%dma_wait3A_288, %dma_wait3A_289] : memref<10000x128xf32, #tpu.memory_space<hbm>> -> memref<10000x128xf32, #tpu.memory_space<hbm>>
      tpu.wait_indirect_dma semaphore(%arg12 : memref<!tpu.dma_semaphore, #tpu.memory_space<semaphore_mem>>) src(%dma_wait3A_290 : memref<10000x128xf32, #tpu.memory_space<hbm>>) dst(%arg10 : memref<128x128xf32, #tpu.memory_space<vmem>>)
      "tpu.region"() ({
        %run_scoped3A = tpu.sem_alloc : memref<!tpu.dma_semaphore, #tpu.memory_space<semaphore_mem>>
        %dma_start3A_299 = arith.constant 0 : i32
        %dma_start3A_300 = tpu.memref_slice %arg7[%add3A_284, %dma_start3A_299] : memref<32x128xi32, #tpu.memory_space<vmem>> -> memref<1x128xi32, #tpu.memory_space<vmem>>
        %dma_start3A_301 = tpu.memref_squeeze %dma_start3A_300 : memref<1x128xi32, #tpu.memory_space<vmem>> -> memref<128xi32, #tpu.memory_space<vmem>>
        %dma_start3A_302 = arith.constant 0 : i32
        %dma_start3A_303 = arith.constant 0 : i32
        %dma_start3A_304 = tpu.memref_slice %arg8[%dma_start3A_302, %dma_start3A_303] : memref<10240x128xf32, #tpu.memory_space<vmem_shared>> -> memref<10240x128xf32, #tpu.memory_space<vmem_shared>>
        tpu.enqueue_indirect_dma source(%arg10 : memref<128x128xf32, #tpu.memory_space<vmem>>) target(%dma_start3A_304 : memref<10240x128xf32, #tpu.memory_space<vmem_shared>>) offsets(%dma_start3A_301 : memref<128xi32, #tpu.memory_space<vmem>>) semaphore(%run_scoped3A : memref<!tpu.dma_semaphore, #tpu.memory_space<semaphore_mem>>) {add = true}
        %dma_wait3A_305 = arith.constant 0 : i32
        %dma_wait3A_306 = tpu.memref_slice %arg7[%add3A_284, %dma_wait3A_305] : memref<32x128xi32, #tpu.memory_space<vmem>> -> memref<1x128xi32, #tpu.memory_space<vmem>>
        %dma_wait3A_307 = tpu.memref_squeeze %dma_wait3A_306 : memref<1x128xi32, #tpu.memory_space<vmem>> -> memref<128xi32, #tpu.memory_space<vmem>>
        %dma_wait3A_308 = arith.constant 0 : i32
        %dma_wait3A_309 = arith.constant 0 : i32
        %dma_wait3A_310 = tpu.memref_slice %arg8[%dma_wait3A_308, %dma_wait3A_309] : memref<10240x128xf32, #tpu.memory_space<vmem_shared>> -> memref<10240x128xf32, #tpu.memory_space<vmem_shared>>
        tpu.wait_indirect_dma semaphore(%run_scoped3A : memref<!tpu.dma_semaphore, #tpu.memory_space<semaphore_mem>>) src(%arg10 : memref<128x128xf32, #tpu.memory_space<vmem>>) dst(%dma_wait3A_310 : memref<10240x128xf32, #tpu.memory_space<vmem_shared>>)
        tpu.yield
      }) : () -> ()
      %add3A_291 = arith.constant 2 : i32
      %add3A_292 = arith.addi %add3A_284, %add3A_291 : i32
      %dma_start3A_293 = arith.constant 0 : i32
      %dma_start3A_294 = tpu.memref_slice %arg6[%add3A_292, %dma_start3A_293] : memref<32x128xi32, #tpu.memory_space<vmem>> -> memref<1x128xi32, #tpu.memory_space<vmem>>
      %dma_start3A_295 = tpu.memref_squeeze %dma_start3A_294 : memref<1x128xi32, #tpu.memory_space<vmem>> -> memref<128xi32, #tpu.memory_space<vmem>>
      %dma_start3A_296 = arith.constant 0 : i32
      %dma_start3A_297 = arith.constant 0 : i32
      %dma_start3A_298 = tpu.memref_slice %arg2[%dma_start3A_296, %dma_start3A_297] : memref<10000x128xf32, #tpu.memory_space<hbm>> -> memref<10000x128xf32, #tpu.memory_space<hbm>>
      tpu.enqueue_indirect_dma source(%dma_start3A_298 : memref<10000x128xf32, #tpu.memory_space<hbm>>) target(%arg10 : memref<128x128xf32, #tpu.memory_space<vmem>>) offsets(%dma_start3A_295 : memref<128xi32, #tpu.memory_space<vmem>>) semaphore(%arg12 : memref<!tpu.dma_semaphore, #tpu.memory_space<semaphore_mem>>)
    }
    %while3A_233 = arith.constant 1 : i32
    scf.for %while3A_262 = %while3A_231 to %while3A_227 step %while3A_233  : i32 {
      %mul3A_263 = arith.constant 2 : i32
      %mul3A_264 = arith.muli %while3A_262, %mul3A_263 : i32
      %add3A_265 = arith.constant 0 : i32
      %add3A_266 = arith.addi %mul3A_264, %add3A_265 : i32
      %dma_wait3A_267 = arith.constant 0 : i32
      %dma_wait3A_268 = tpu.memref_slice %arg6[%add3A_266, %dma_wait3A_267] : memref<32x128xi32, #tpu.memory_space<vmem>> -> memref<1x128xi32, #tpu.memory_space<vmem>>
      %dma_wait3A_269 = tpu.memref_squeeze %dma_wait3A_268 : memref<1x128xi32, #tpu.memory_space<vmem>> -> memref<128xi32, #tpu.memory_space<vmem>>
      %dma_wait3A_270 = arith.constant 0 : i32
      %dma_wait3A_271 = arith.constant 0 : i32
      %dma_wait3A_272 = tpu.memref_slice %arg2[%dma_wait3A_270, %dma_wait3A_271] : memref<10000x128xf32, #tpu.memory_space<hbm>> -> memref<10000x128xf32, #tpu.memory_space<hbm>>
      tpu.wait_indirect_dma semaphore(%arg11 : memref<!tpu.dma_semaphore, #tpu.memory_space<semaphore_mem>>) src(%dma_wait3A_272 : memref<10000x128xf32, #tpu.memory_space<hbm>>) dst(%arg9 : memref<128x128xf32, #tpu.memory_space<vmem>>)
      "tpu.region"() ({
        %run_scoped3A = tpu.sem_alloc : memref<!tpu.dma_semaphore, #tpu.memory_space<semaphore_mem>>
        %dma_start3A_299 = arith.constant 0 : i32
        %dma_start3A_300 = tpu.memref_slice %arg7[%add3A_266, %dma_start3A_299] : memref<32x128xi32, #tpu.memory_space<vmem>> -> memref<1x128xi32, #tpu.memory_space<vmem>>
        %dma_start3A_301 = tpu.memref_squeeze %dma_start3A_300 : memref<1x128xi32, #tpu.memory_space<vmem>> -> memref<128xi32, #tpu.memory_space<vmem>>
        %dma_start3A_302 = arith.constant 0 : i32
        %dma_start3A_303 = arith.constant 0 : i32
        %dma_start3A_304 = tpu.memref_slice %arg8[%dma_start3A_302, %dma_start3A_303] : memref<10240x128xf32, #tpu.memory_space<vmem_shared>> -> memref<10240x128xf32, #tpu.memory_space<vmem_shared>>
        tpu.enqueue_indirect_dma source(%arg9 : memref<128x128xf32, #tpu.memory_space<vmem>>) target(%dma_start3A_304 : memref<10240x128xf32, #tpu.memory_space<vmem_shared>>) offsets(%dma_start3A_301 : memref<128xi32, #tpu.memory_space<vmem>>) semaphore(%run_scoped3A : memref<!tpu.dma_semaphore, #tpu.memory_space<semaphore_mem>>) {add = true}
        %dma_wait3A_305 = arith.constant 0 : i32
        %dma_wait3A_306 = tpu.memref_slice %arg7[%add3A_266, %dma_wait3A_305] : memref<32x128xi32, #tpu.memory_space<vmem>> -> memref<1x128xi32, #tpu.memory_space<vmem>>
        %dma_wait3A_307 = tpu.memref_squeeze %dma_wait3A_306 : memref<1x128xi32, #tpu.memory_space<vmem>> -> memref<128xi32, #tpu.memory_space<vmem>>
        %dma_wait3A_308 = arith.constant 0 : i32
        %dma_wait3A_309 = arith.constant 0 : i32
        %dma_wait3A_310 = tpu.memref_slice %arg8[%dma_wait3A_308, %dma_wait3A_309] : memref<10240x128xf32, #tpu.memory_space<vmem_shared>> -> memref<10240x128xf32, #tpu.memory_space<vmem_shared>>
        tpu.wait_indirect_dma semaphore(%run_scoped3A : memref<!tpu.dma_semaphore, #tpu.memory_space<semaphore_mem>>) src(%arg9 : memref<128x128xf32, #tpu.memory_space<vmem>>) dst(%dma_wait3A_310 : memref<10240x128xf32, #tpu.memory_space<vmem_shared>>)
        tpu.yield
      }) : () -> ()
      %add3A_273 = arith.constant 2 : i32
      %add3A_274 = arith.addi %add3A_266, %add3A_273 : i32
      %dma_start3A_275 = arith.constant 0 : i32
      %dma_start3A_276 = tpu.memref_slice %arg6[%add3A_274, %dma_start3A_275] : memref<32x128xi32, #tpu.memory_space<vmem>> -> memref<1x128xi32, #tpu.memory_space<vmem>>
      %dma_start3A_277 = tpu.memref_squeeze %dma_start3A_276 : memref<1x128xi32, #tpu.memory_space<vmem>> -> memref<128xi32, #tpu.memory_space<vmem>>
      %dma_start3A_278 = arith.constant 0 : i32
      %dma_start3A_279 = arith.constant 0 : i32
      %dma_start3A_280 = tpu.memref_slice %arg2[%dma_start3A_278, %dma_start3A_279] : memref<10000x128xf32, #tpu.memory_space<hbm>> -> memref<10000x128xf32, #tpu.memory_space<hbm>>
      tpu.enqueue_indirect_dma source(%dma_start3A_280 : memref<10000x128xf32, #tpu.memory_space<hbm>>) target(%arg9 : memref<128x128xf32, #tpu.memory_space<vmem>>) offsets(%dma_start3A_277 : memref<128xi32, #tpu.memory_space<vmem>>) semaphore(%arg11 : memref<!tpu.dma_semaphore, #tpu.memory_space<semaphore_mem>>)
      %mul3A_281 = arith.constant 2 : i32
      %mul3A_282 = arith.muli %while3A_262, %mul3A_281 : i32
      %add3A_283 = arith.constant 1 : i32
      %add3A_284 = arith.addi %mul3A_282, %add3A_283 : i32
      %dma_wait3A_285 = arith.constant 0 : i32
      %dma_wait3A_286 = tpu.memref_slice %arg6[%add3A_284, %dma_wait3A_285] : memref<32x128xi32, #tpu.memory_space<vmem>> -> memref<1x128xi32, #tpu.memory_space<vmem>>
      %dma_wait3A_287 = tpu.memref_squeeze %dma_wait3A_286 : memref<1x128xi32, #tpu.memory_space<vmem>> -> memref<128xi32, #tpu.memory_space<vmem>>
      %dma_wait3A_288 = arith.constant 0 : i32
      %dma_wait3A_289 = arith.constant 0 : i32
      %dma_wait3A_290 = tpu.memref_slice %arg2[%dma_wait3A_288, %dma_wait3A_289] : memref<10000x128xf32, #tpu.memory_space<hbm>> -> memref<10000x128xf32, #tpu.memory_space<hbm>>
      tpu.wait_indirect_dma semaphore(%arg12 : memref<!tpu.dma_semaphore, #tpu.memory_space<semaphore_mem>>) src(%dma_wait3A_290 : memref<10000x128xf32, #tpu.memory_space<hbm>>) dst(%arg10 : memref<128x128xf32, #tpu.memory_space<vmem>>)
      "tpu.region"() ({
        %run_scoped3A = tpu.sem_alloc : memref<!tpu.dma_semaphore, #tpu.memory_space<semaphore_mem>>
        %dma_start3A_299 = arith.constant 0 : i32
        %dma_start3A_300 = tpu.memref_slice %arg7[%add3A_284, %dma_start3A_299] : memref<32x128xi32, #tpu.memory_space<vmem>> -> memref<1x128xi32, #tpu.memory_space<vmem>>
        %dma_start3A_301 = tpu.memref_squeeze %dma_start3A_300 : memref<1x128xi32, #tpu.memory_space<vmem>> -> memref<128xi32, #tpu.memory_space<vmem>>
        %dma_start3A_302 = arith.constant 0 : i32
        %dma_start3A_303 = arith.constant 0 : i32
        %dma_start3A_304 = tpu.memref_slice %arg8[%dma_start3A_302, %dma_start3A_303] : memref<10240x128xf32, #tpu.memory_space<vmem_shared>> -> memref<10240x128xf32, #tpu.memory_space<vmem_shared>>
        tpu.enqueue_indirect_dma source(%arg10 : memref<128x128xf32, #tpu.memory_space<vmem>>) target(%dma_start3A_304 : memref<10240x128xf32, #tpu.memory_space<vmem_shared>>) offsets(%dma_start3A_301 : memref<128xi32, #tpu.memory_space<vmem>>) semaphore(%run_scoped3A : memref<!tpu.dma_semaphore, #tpu.memory_space<semaphore_mem>>) {add = true}
        %dma_wait3A_305 = arith.constant 0 : i32
        %dma_wait3A_306 = tpu.memref_slice %arg7[%add3A_284, %dma_wait3A_305] : memref<32x128xi32, #tpu.memory_space<vmem>> -> memref<1x128xi32, #tpu.memory_space<vmem>>
        %dma_wait3A_307 = tpu.memref_squeeze %dma_wait3A_306 : memref<1x128xi32, #tpu.memory_space<vmem>> -> memref<128xi32, #tpu.memory_space<vmem>>
        %dma_wait3A_308 = arith.constant 0 : i32
        %dma_wait3A_309 = arith.constant 0 : i32
        %dma_wait3A_310 = tpu.memref_slice %arg8[%dma_wait3A_308, %dma_wait3A_309] : memref<10240x128xf32, #tpu.memory_space<vmem_shared>> -> memref<10240x128xf32, #tpu.memory_space<vmem_shared>>
        tpu.wait_indirect_dma semaphore(%run_scoped3A : memref<!tpu.dma_semaphore, #tpu.memory_space<semaphore_mem>>) src(%arg10 : memref<128x128xf32, #tpu.memory_space<vmem>>) dst(%dma_wait3A_310 : memref<10240x128xf32, #tpu.memory_space<vmem_shared>>)
        tpu.yield
      }) : () -> ()
      %add3A_291 = arith.constant 2 : i32
      %add3A_292 = arith.addi %add3A_284, %add3A_291 : i32
      %dma_start3A_293 = arith.constant 0 : i32
      %dma_start3A_294 = tpu.memref_slice %arg6[%add3A_292, %dma_start3A_293] : memref<32x128xi32, #tpu.memory_space<vmem>> -> memref<1x128xi32, #tpu.memory_space<vmem>>
      %dma_start3A_295 = tpu.memref_squeeze %dma_start3A_294 : memref<1x128xi32, #tpu.memory_space<vmem>> -> memref<128xi32, #tpu.memory_space<vmem>>
      %dma_start3A_296 = arith.constant 0 : i32
      %dma_start3A_297 = arith.constant 0 : i32
      %dma_start3A_298 = tpu.memref_slice %arg2[%dma_start3A_296, %dma_start3A_297] : memref<10000x128xf32, #tpu.memory_space<hbm>> -> memref<10000x128xf32, #tpu.memory_space<hbm>>
      tpu.enqueue_indirect_dma source(%dma_start3A_298 : memref<10000x128xf32, #tpu.memory_space<hbm>>) target(%arg10 : memref<128x128xf32, #tpu.memory_space<vmem>>) offsets(%dma_start3A_295 : memref<128xi32, #tpu.memory_space<vmem>>) semaphore(%arg12 : memref<!tpu.dma_semaphore, #tpu.memory_space<semaphore_mem>>)
    }
    %sub3A_234 = arith.constant 1 : i32
    %sub3A_235 = arith.subi %select_n3A_45, %sub3A_234 : i32
    %mul3A_236 = arith.constant 2 : i32
    %mul3A_237 = arith.muli %sub3A_235, %mul3A_236 : i32
    %add3A_238 = arith.constant 0 : i32
    %add3A_239 = arith.addi %mul3A_237, %add3A_238 : i32
    %dma_wait3A_240 = arith.constant 0 : i32
    %dma_wait3A_241 = tpu.memref_slice %arg6[%add3A_239, %dma_wait3A_240] : memref<32x128xi32, #tpu.memory_space<vmem>> -> memref<1x128xi32, #tpu.memory_space<vmem>>
    %dma_wait3A_242 = tpu.memref_squeeze %dma_wait3A_241 : memref<1x128xi32, #tpu.memory_space<vmem>> -> memref<128xi32, #tpu.memory_space<vmem>>
    %dma_wait3A_243 = arith.constant 0 : i32
    %dma_wait3A_244 = arith.constant 0 : i32
    %dma_wait3A_245 = tpu.memref_slice %arg2[%dma_wait3A_243, %dma_wait3A_244] : memref<10000x128xf32, #tpu.memory_space<hbm>> -> memref<10000x128xf32, #tpu.memory_space<hbm>>
    tpu.wait_indirect_dma semaphore(%arg11 : memref<!tpu.dma_semaphore, #tpu.memory_space<semaphore_mem>>) src(%dma_wait3A_245 : memref<10000x128xf32, #tpu.memory_space<hbm>>) dst(%arg9 : memref<128x128xf32, #tpu.memory_space<vmem>>)
    "tpu.region"() ({
      %run_scoped3A = tpu.sem_alloc : memref<!tpu.dma_semaphore, #tpu.memory_space<semaphore_mem>>
      %dma_start3A_262 = arith.constant 0 : i32
      %dma_start3A_263 = tpu.memref_slice %arg7[%add3A_239, %dma_start3A_262] : memref<32x128xi32, #tpu.memory_space<vmem>> -> memref<1x128xi32, #tpu.memory_space<vmem>>
      %dma_start3A_264 = tpu.memref_squeeze %dma_start3A_263 : memref<1x128xi32, #tpu.memory_space<vmem>> -> memref<128xi32, #tpu.memory_space<vmem>>
      %dma_start3A_265 = arith.constant 0 : i32
      %dma_start3A_266 = arith.constant 0 : i32
      %dma_start3A_267 = tpu.memref_slice %arg8[%dma_start3A_265, %dma_start3A_266] : memref<10240x128xf32, #tpu.memory_space<vmem_shared>> -> memref<10240x128xf32, #tpu.memory_space<vmem_shared>>
      tpu.enqueue_indirect_dma source(%arg9 : memref<128x128xf32, #tpu.memory_space<vmem>>) target(%dma_start3A_267 : memref<10240x128xf32, #tpu.memory_space<vmem_shared>>) offsets(%dma_start3A_264 : memref<128xi32, #tpu.memory_space<vmem>>) semaphore(%run_scoped3A : memref<!tpu.dma_semaphore, #tpu.memory_space<semaphore_mem>>) {add = true}
      %dma_wait3A_268 = arith.constant 0 : i32
      %dma_wait3A_269 = tpu.memref_slice %arg7[%add3A_239, %dma_wait3A_268] : memref<32x128xi32, #tpu.memory_space<vmem>> -> memref<1x128xi32, #tpu.memory_space<vmem>>
      %dma_wait3A_270 = tpu.memref_squeeze %dma_wait3A_269 : memref<1x128xi32, #tpu.memory_space<vmem>> -> memref<128xi32, #tpu.memory_space<vmem>>
      %dma_wait3A_271 = arith.constant 0 : i32
      %dma_wait3A_272 = arith.constant 0 : i32
      %dma_wait3A_273 = tpu.memref_slice %arg8[%dma_wait3A_271, %dma_wait3A_272] : memref<10240x128xf32, #tpu.memory_space<vmem_shared>> -> memref<10240x128xf32, #tpu.memory_space<vmem_shared>>
      tpu.wait_indirect_dma semaphore(%run_scoped3A : memref<!tpu.dma_semaphore, #tpu.memory_space<semaphore_mem>>) src(%arg9 : memref<128x128xf32, #tpu.memory_space<vmem>>) dst(%dma_wait3A_273 : memref<10240x128xf32, #tpu.memory_space<vmem_shared>>)
      tpu.yield
    }) : () -> ()
    %sub3A_246 = arith.constant 1 : i32
    %sub3A_247 = arith.subi %select_n3A_45, %sub3A_246 : i32
    %mul3A_248 = arith.constant 2 : i32
    %mul3A_249 = arith.muli %sub3A_247, %mul3A_248 : i32
    %add3A_250 = arith.constant 1 : i32
    %add3A_251 = arith.addi %mul3A_249, %add3A_250 : i32
    %dma_wait3A_252 = arith.constant 0 : i32
    %dma_wait3A_253 = tpu.memref_slice %arg6[%add3A_251, %dma_wait3A_252] : memref<32x128xi32, #tpu.memory_space<vmem>> -> memref<1x128xi32, #tpu.memory_space<vmem>>
    %dma_wait3A_254 = tpu.memref_squeeze %dma_wait3A_253 : memref<1x128xi32, #tpu.memory_space<vmem>> -> memref<128xi32, #tpu.memory_space<vmem>>
    %dma_wait3A_255 = arith.constant 0 : i32
    %dma_wait3A_256 = arith.constant 0 : i32
    %dma_wait3A_257 = tpu.memref_slice %arg2[%dma_wait3A_255, %dma_wait3A_256] : memref<10000x128xf32, #tpu.memory_space<hbm>> -> memref<10000x128xf32, #tpu.memory_space<hbm>>
    tpu.wait_indirect_dma semaphore(%arg12 : memref<!tpu.dma_semaphore, #tpu.memory_space<semaphore_mem>>) src(%dma_wait3A_257 : memref<10000x128xf32, #tpu.memory_space<hbm>>) dst(%arg10 : memref<128x128xf32, #tpu.memory_space<vmem>>)
    "tpu.region"() ({
      %run_scoped3A = tpu.sem_alloc : memref<!tpu.dma_semaphore, #tpu.memory_space<semaphore_mem>>
      %dma_start3A_262 = arith.constant 0 : i32
      %dma_start3A_263 = tpu.memref_slice %arg7[%add3A_251, %dma_start3A_262] : memref<32x128xi32, #tpu.memory_space<vmem>> -> memref<1x128xi32, #tpu.memory_space<vmem>>
      %dma_start3A_264 = tpu.memref_squeeze %dma_start3A_263 : memref<1x128xi32, #tpu.memory_space<vmem>> -> memref<128xi32, #tpu.memory_space<vmem>>
      %dma_start3A_265 = arith.constant 0 : i32
      %dma_start3A_266 = arith.constant 0 : i32
      %dma_start3A_267 = tpu.memref_slice %arg8[%dma_start3A_265, %dma_start3A_266] : memref<10240x128xf32, #tpu.memory_space<vmem_shared>> -> memref<10240x128xf32, #tpu.memory_space<vmem_shared>>
      tpu.enqueue_indirect_dma source(%arg10 : memref<128x128xf32, #tpu.memory_space<vmem>>) target(%dma_start3A_267 : memref<10240x128xf32, #tpu.memory_space<vmem_shared>>) offsets(%dma_start3A_264 : memref<128xi32, #tpu.memory_space<vmem>>) semaphore(%run_scoped3A : memref<!tpu.dma_semaphore, #tpu.memory_space<semaphore_mem>>) {add = true}
      %dma_wait3A_268 = arith.constant 0 : i32
      %dma_wait3A_269 = tpu.memref_slice %arg7[%add3A_251, %dma_wait3A_268] : memref<32x128xi32, #tpu.memory_space<vmem>> -> memref<1x128xi32, #tpu.memory_space<vmem>>
      %dma_wait3A_270 = tpu.memref_squeeze %dma_wait3A_269 : memref<1x128xi32, #tpu.memory_space<vmem>> -> memref<128xi32, #tpu.memory_space<vmem>>
      %dma_wait3A_271 = arith.constant 0 : i32
      %dma_wait3A_272 = arith.constant 0 : i32
      %dma_wait3A_273 = tpu.memref_slice %arg8[%dma_wait3A_271, %dma_wait3A_272] : memref<10240x128xf32, #tpu.memory_space<vmem_shared>> -> memref<10240x128xf32, #tpu.memory_space<vmem_shared>>
      tpu.wait_indirect_dma semaphore(%run_scoped3A : memref<!tpu.dma_semaphore, #tpu.memory_space<semaphore_mem>>) src(%arg10 : memref<128x128xf32, #tpu.memory_space<vmem>>) dst(%dma_wait3A_273 : memref<10240x128xf32, #tpu.memory_space<vmem_shared>>)
      tpu.yield
    }) : () -> ()
    %barrier3A_258 = arith.constant 0 : index
    tpu.barrier barrier_id(%barrier3A_258)
    %mul3A_259 = arith.constant 10240 : i32
    %mul3A_260 = arith.muli %arg0, %mul3A_259 : i32
    %add3A_261 = arith.addi %mul3A_260, %mul3A_6 : i32
    "tpu.region"() ({
      %run_scoped3A = tpu.sem_alloc : memref<!tpu.dma_semaphore, #tpu.memory_space<semaphore_mem>>
      %dma_start3A_262 = arith.constant 0 : i32
      %dma_start3A_263 = tpu.memref_slice %arg5[%add3A_261, %dma_start3A_262] : memref<20480x128xf32, #tpu.memory_space<hbm>> -> memref<640x128xf32, #tpu.memory_space<hbm>>
      %dma_start3A_264 = arith.constant 0 : i32
      %dma_start3A_265 = tpu.memref_slice %arg8[%mul3A_6, %dma_start3A_264] : memref<10240x128xf32, #tpu.memory_space<vmem_shared>> -> memref<640x128xf32, #tpu.memory_space<vmem_shared>>
      tpu.enqueue_dma source(%dma_start3A_265 : memref<640x128xf32, #tpu.memory_space<vmem_shared>>) target(%dma_start3A_263 : memref<640x128xf32, #tpu.memory_space<hbm>>) target_semaphore(%run_scoped3A : memref<!tpu.dma_semaphore, #tpu.memory_space<semaphore_mem>>)
      %dma_wait3A_266 = arith.constant 0 : i32
      %dma_wait3A_267 = tpu.memref_slice %arg5[%add3A_261, %dma_wait3A_266] : memref<20480x128xf32, #tpu.memory_space<hbm>> -> memref<640x128xf32, #tpu.memory_space<hbm>>
      %dma_wait3A_268 = arith.constant 0 : i32
      %dma_wait3A_269 = tpu.memref_slice %arg8[%mul3A_6, %dma_wait3A_268] : memref<10240x128xf32, #tpu.memory_space<vmem_shared>> -> memref<640x128xf32, #tpu.memory_space<vmem_shared>>
      tpu.wait_dma2 semaphore(%run_scoped3A : memref<!tpu.dma_semaphore, #tpu.memory_space<semaphore_mem>>) src(%dma_wait3A_269 : memref<640x128xf32, #tpu.memory_space<vmem_shared>>) dst(%dma_wait3A_267 : memref<640x128xf32, #tpu.memory_space<hbm>>)
      tpu.yield
    }) : () -> ()
    return
  }
}

#map = affine_map<(d0, d1) -> (0, 0)>
module attributes {stable_mosaic.version = 14 : i64} {
  func.func @body(%arg0: i32, %arg1: i32, %arg2: memref<10000x128xf32, #tpu.memory_space<hbm>>, %arg3: memref<2592x128xi32, #tpu.memory_space<hbm>>, %arg4: memref<2592x128xi32, #tpu.memory_space<hbm>>, %arg5: memref<20480x128xf32, #tpu.memory_space<hbm>>, %arg6: memref<32x128xi32, #tpu.memory_space<vmem>>, %arg7: memref<32x128xi32, #tpu.memory_space<vmem>>, %arg8: memref<10240x128xf32, #tpu.memory_space<vmem_shared>>, %arg9: memref<128x128xf32, #tpu.memory_space<vmem>>, %arg10: memref<128x128xf32, #tpu.memory_space<vmem>>, %arg11: memref<!tpu.dma_semaphore, #tpu.memory_space<semaphore_mem>>, %arg12: memref<!tpu.dma_semaphore, #tpu.memory_space<semaphore_mem>>) attributes {dimension_semantics = [#tpu.dimension_semantics<core_parallel>, #tpu.dimension_semantics<subcore_parallel>], iteration_bounds = array<i64: 2, 16>, scalar_prefetch = 0 : i64, scratch_operands = 7 : i64, tpu.core_type = #tpu.core_type<sc_vector_subcore>, window_params = [{transform_indices = #map}, {transform_indices = #map}, {transform_indices = #map}, {transform_indices = #map}]} {
    %broadcast_in_dim3A = arith.constant 0.000000e+00 : f32
    %broadcast_in_dim3A_0 = vector.broadcast %broadcast_in_dim3A : f32 to vector<16xf32>
    %scan3A = arith.constant 0 : i32
    %scan3A_1 = arith.constant 0 : i32
    %scan3A_2 = arith.constant 128 : i32
    %scan3A_3 = arith.addi %scan3A_1, %scan3A_2 : i32
    %scan3A_4 = arith.constant 1 : i32
    scf.for %scan3A_262 = %scan3A_1 to %scan3A_3 step %scan3A_4  : i32 {
      %swap3A = arith.index_cast %scan3A_262 : i32 to index
      %swap3A_263 = arith.constant 0 : index
      %swap3A_264 = tpu.vector_load %arg9[%swap3A, %swap3A_263] {strides = array<i32>} : memref<128x128xf32, #tpu.memory_space<vmem>>, vector<1x16xf32>,
      %swap3A_265 = vector.shape_cast %swap3A_264 : vector<1x16xf32> to vector<16xf32>
      %swap3A_266 = vector.shape_cast %broadcast_in_dim3A_0 : vector<16xf32> to vector<1x16xf32>
      tpu.vector_store %arg9[%swap3A, %swap3A_263], %swap3A_266 {strides = array<i32>} : memref<128x128xf32, #tpu.memory_space<vmem>>, vector<1x16xf32>,
      %swap3A_267 = arith.index_cast %scan3A_262 : i32 to index
      %swap3A_268 = arith.constant 16 : index
      %swap3A_269 = tpu.vector_load %arg9[%swap3A_267, %swap3A_268] {strides = array<i32>} : memref<128x128xf32, #tpu.memory_space<vmem>>, vector<1x16xf32>,
      %swap3A_270 = vector.shape_cast %swap3A_269 : vector<1x16xf32> to vector<16xf32>
      %swap3A_271 = vector.shape_cast %broadcast_in_dim3A_0 : vector<16xf32> to vector<1x16xf32>
      tpu.vector_store %arg9[%swap3A_267, %swap3A_268], %swap3A_271 {strides = array<i32>} : memref<128x128xf32, #tpu.memory_space<vmem>>, vector<1x16xf32>,
      %swap3A_272 = arith.index_cast %scan3A_262 : i32 to index
      %swap3A_273 = arith.constant 32 : index
      %swap3A_274 = tpu.vector_load %arg9[%swap3A_272, %swap3A_273] {strides = array<i32>} : memref<128x128xf32, #tpu.memory_space<vmem>>, vector<1x16xf32>,
      %swap3A_275 = vector.shape_cast %swap3A_274 : vector<1x16xf32> to vector<16xf32>
      %swap3A_276 = vector.shape_cast %broadcast_in_dim3A_0 : vector<16xf32> to vector<1x16xf32>
      tpu.vector_store %arg9[%swap3A_272, %swap3A_273], %swap3A_276 {strides = array<i32>} : memref<128x128xf32, #tpu.memory_space<vmem>>, vector<1x16xf32>,
      %swap3A_277 = arith.index_cast %scan3A_262 : i32 to index
      %swap3A_278 = arith.constant 48 : index
      %swap3A_279 = tpu.vector_load %arg9[%swap3A_277, %swap3A_278] {strides = array<i32>} : memref<128x128xf32, #tpu.memory_space<vmem>>, vector<1x16xf32>,
      %swap3A_280 = vector.shape_cast %swap3A_279 : vector<1x16xf32> to vector<16xf32>
      %swap3A_281 = vector.shape_cast %broadcast_in_dim3A_0 : vector<16xf32> to vector<1x16xf32>
      tpu.vector_store %arg9[%swap3A_277, %swap3A_278], %swap3A_281 {strides = array<i32>} : memref<128x128xf32, #tpu.memory_space<vmem>>, vector<1x16xf32>,
      %swap3A_282 = arith.index_cast %scan3A_262 : i32 to index
      %swap3A_283 = arith.constant 64 : index
      %swap3A_284 = tpu.vector_load %arg9[%swap3A_282, %swap3A_283] {strides = array<i32>} : memref<128x128xf32, #tpu.memory_space<vmem>>, vector<1x16xf32>,
      %swap3A_285 = vector.shape_cast %swap3A_284 : vector<1x16xf32> to vector<16xf32>
      %swap3A_286 = vector.shape_cast %broadcast_in_dim3A_0 : vector<16xf32> to vector<1x16xf32>
      tpu.vector_store %arg9[%swap3A_282, %swap3A_283], %swap3A_286 {strides = array<i32>} : memref<128x128xf32, #tpu.memory_space<vmem>>, vector<1x16xf32>,
      %swap3A_287 = arith.index_cast %scan3A_262 : i32 to index
      %swap3A_288 = arith.constant 80 : index
      %swap3A_289 = tpu.vector_load %arg9[%swap3A_287, %swap3A_288] {strides = array<i32>} : memref<128x128xf32, #tpu.memory_space<vmem>>, vector<1x16xf32>,
      %swap3A_290 = vector.shape_cast %swap3A_289 : vector<1x16xf32> to vector<16xf32>
      %swap3A_291 = vector.shape_cast %broadcast_in_dim3A_0 : vector<16xf32> to vector<1x16xf32>
      tpu.vector_store %arg9[%swap3A_287, %swap3A_288], %swap3A_291 {strides = array<i32>} : memref<128x128xf32, #tpu.memory_space<vmem>>, vector<1x16xf32>,
      %swap3A_292 = arith.index_cast %scan3A_262 : i32 to index
      %swap3A_293 = arith.constant 96 : index
      %swap3A_294 = tpu.vector_load %arg9[%swap3A_292, %swap3A_293] {strides = array<i32>} : memref<128x128xf32, #tpu.memory_space<vmem>>, vector<1x16xf32>,
      %swap3A_295 = vector.shape_cast %swap3A_294 : vector<1x16xf32> to vector<16xf32>
      %swap3A_296 = vector.shape_cast %broadcast_in_dim3A_0 : vector<16xf32> to vector<1x16xf32>
      tpu.vector_store %arg9[%swap3A_292, %swap3A_293], %swap3A_296 {strides = array<i32>} : memref<128x128xf32, #tpu.memory_space<vmem>>, vector<1x16xf32>,
      %swap3A_297 = arith.index_cast %scan3A_262 : i32 to index
      %swap3A_298 = arith.constant 112 : index
      %swap3A_299 = tpu.vector_load %arg9[%swap3A_297, %swap3A_298] {strides = array<i32>} : memref<128x128xf32, #tpu.memory_space<vmem>>, vector<1x16xf32>,
      %swap3A_300 = vector.shape_cast %swap3A_299 : vector<1x16xf32> to vector<16xf32>
      %swap3A_301 = vector.shape_cast %broadcast_in_dim3A_0 : vector<16xf32> to vector<1x16xf32>
      tpu.vector_store %arg9[%swap3A_297, %swap3A_298], %swap3A_301 {strides = array<i32>} : memref<128x128xf32, #tpu.memory_space<vmem>>, vector<1x16xf32>,
    }
    %scan3A_5 = arith.constant 128 : i32
    %mul3A = arith.constant 640 : i32
    %mul3A_6 = arith.muli %arg1, %mul3A : i32
    %add3A = arith.constant 0 : i32
    %add3A_7 = arith.addi %mul3A_6, %add3A : i32
    "tpu.region"() ({
      %run_scoped3A = tpu.sem_alloc : memref<!tpu.dma_semaphore, #tpu.memory_space<semaphore_mem>>
      %dma_start3A_262 = arith.constant 0 : i32
      %dma_start3A_263 = tpu.memref_slice %arg8[%add3A_7, %dma_start3A_262] : memref<10240x128xf32, #tpu.memory_space<vmem_shared>> -> memref<128x128xf32, #tpu.memory_space<vmem_shared>>
      %dma_start3A_264 = arith.constant 0 : i32
      %dma_start3A_265 = tpu.memref_slice %arg8[%add3A_7, %dma_start3A_264] : memref<10240x128xf32, #tpu.memory_space<vmem_shared>> -> memref<128x128xf32, #tpu.memory_space<vmem_shared>>
      tpu.enqueue_dma source(%arg9 : memref<128x128xf32, #tpu.memory_space<vmem>>) target(%dma_start3A_265 : memref<128x128xf32, #tpu.memory_space<vmem_shared>>) target_semaphore(%run_scoped3A : memref<!tpu.dma_semaphore, #tpu.memory_space<semaphore_mem>>)
      %dma_wait3A_266 = arith.constant 0 : i32
      %dma_wait3A_267 = tpu.memref_slice %arg8[%add3A_7, %dma_wait3A_266] : memref<10240x128xf32, #tpu.memory_space<vmem_shared>> -> memref<128x128xf32, #tpu.memory_space<vmem_shared>>
      %dma_wait3A_268 = arith.constant 0 : i32
      %dma_wait3A_269 = tpu.memref_slice %arg8[%add3A_7, %dma_wait3A_268] : memref<10240x128xf32, #tpu.memory_space<vmem_shared>> -> memref<128x128xf32, #tpu.memory_space<vmem_shared>>
      tpu.wait_dma2 semaphore(%run_scoped3A : memref<!tpu.dma_semaphore, #tpu.memory_space<semaphore_mem>>) src(%arg9 : memref<128x128xf32, #tpu.memory_space<vmem>>) dst(%dma_wait3A_269 : memref<128x128xf32, #tpu.memory_space<vmem_shared>>)
      tpu.yield
    }) : () -> ()
    %add3A_8 = arith.constant 128 : i32
    %add3A_9 = arith.addi %mul3A_6, %add3A_8 : i32
    "tpu.region"() ({
      %run_scoped3A = tpu.sem_alloc : memref<!tpu.dma_semaphore, #tpu.memory_space<semaphore_mem>>
      %dma_start3A_262 = arith.constant 0 : i32
      %dma_start3A_263 = tpu.memref_slice %arg8[%add3A_9, %dma_start3A_262] : memref<10240x128xf32, #tpu.memory_space<vmem_shared>> -> memref<128x128xf32, #tpu.memory_space<vmem_shared>>
      %dma_start3A_264 = arith.constant 0 : i32
      %dma_start3A_265 = tpu.memref_slice %arg8[%add3A_9, %dma_start3A_264] : memref<10240x128xf32, #tpu.memory_space<vmem_shared>> -> memref<128x128xf32, #tpu.memory_space<vmem_shared>>
      tpu.enqueue_dma source(%arg9 : memref<128x128xf32, #tpu.memory_space<vmem>>) target(%dma_start3A_265 : memref<128x128xf32, #tpu.memory_space<vmem_shared>>) target_semaphore(%run_scoped3A : memref<!tpu.dma_semaphore, #tpu.memory_space<semaphore_mem>>)
      %dma_wait3A_266 = arith.constant 0 : i32
      %dma_wait3A_267 = tpu.memref_slice %arg8[%add3A_9, %dma_wait3A_266] : memref<10240x128xf32, #tpu.memory_space<vmem_shared>> -> memref<128x128xf32, #tpu.memory_space<vmem_shared>>
      %dma_wait3A_268 = arith.constant 0 : i32
      %dma_wait3A_269 = tpu.memref_slice %arg8[%add3A_9, %dma_wait3A_268] : memref<10240x128xf32, #tpu.memory_space<vmem_shared>> -> memref<128x128xf32, #tpu.memory_space<vmem_shared>>
      tpu.wait_dma2 semaphore(%run_scoped3A : memref<!tpu.dma_semaphore, #tpu.memory_space<semaphore_mem>>) src(%arg9 : memref<128x128xf32, #tpu.memory_space<vmem>>) dst(%dma_wait3A_269 : memref<128x128xf32, #tpu.memory_space<vmem_shared>>)
      tpu.yield
    }) : () -> ()
    %add3A_10 = arith.constant 256 : i32
    %add3A_11 = arith.addi %mul3A_6, %add3A_10 : i32
    "tpu.region"() ({
      %run_scoped3A = tpu.sem_alloc : memref<!tpu.dma_semaphore, #tpu.memory_space<semaphore_mem>>
      %dma_start3A_262 = arith.constant 0 : i32
      %dma_start3A_263 = tpu.memref_slice %arg8[%add3A_11, %dma_start3A_262] : memref<10240x128xf32, #tpu.memory_space<vmem_shared>> -> memref<128x128xf32, #tpu.memory_space<vmem_shared>>
      %dma_start3A_264 = arith.constant 0 : i32
      %dma_start3A_265 = tpu.memref_slice %arg8[%add3A_11, %dma_start3A_264] : memref<10240x128xf32, #tpu.memory_space<vmem_shared>> -> memref<128x128xf32, #tpu.memory_space<vmem_shared>>
      tpu.enqueue_dma source(%arg9 : memref<128x128xf32, #tpu.memory_space<vmem>>) target(%dma_start3A_265 : memref<128x128xf32, #tpu.memory_space<vmem_shared>>) target_semaphore(%run_scoped3A : memref<!tpu.dma_semaphore, #tpu.memory_space<semaphore_mem>>)
      %dma_wait3A_266 = arith.constant 0 : i32
      %dma_wait3A_267 = tpu.memref_slice %arg8[%add3A_11, %dma_wait3A_266] : memref<10240x128xf32, #tpu.memory_space<vmem_shared>> -> memref<128x128xf32, #tpu.memory_space<vmem_shared>>
      %dma_wait3A_268 = arith.constant 0 : i32
      %dma_wait3A_269 = tpu.memref_slice %arg8[%add3A_11, %dma_wait3A_268] : memref<10240x128xf32, #tpu.memory_space<vmem_shared>> -> memref<128x128xf32, #tpu.memory_space<vmem_shared>>
      tpu.wait_dma2 semaphore(%run_scoped3A : memref<!tpu.dma_semaphore, #tpu.memory_space<semaphore_mem>>) src(%arg9 : memref<128x128xf32, #tpu.memory_space<vmem>>) dst(%dma_wait3A_269 : memref<128x128xf32, #tpu.memory_space<vmem_shared>>)
      tpu.yield
    }) : () -> ()
    %add3A_12 = arith.constant 384 : i32
    %add3A_13 = arith.addi %mul3A_6, %add3A_12 : i32
    "tpu.region"() ({
      %run_scoped3A = tpu.sem_alloc : memref<!tpu.dma_semaphore, #tpu.memory_space<semaphore_mem>>
      %dma_start3A_262 = arith.constant 0 : i32
      %dma_start3A_263 = tpu.memref_slice %arg8[%add3A_13, %dma_start3A_262] : memref<10240x128xf32, #tpu.memory_space<vmem_shared>> -> memref<128x128xf32, #tpu.memory_space<vmem_shared>>
      %dma_start3A_264 = arith.constant 0 : i32
      %dma_start3A_265 = tpu.memref_slice %arg8[%add3A_13, %dma_start3A_264] : memref<10240x128xf32, #tpu.memory_space<vmem_shared>> -> memref<128x128xf32, #tpu.memory_space<vmem_shared>>
      tpu.enqueue_dma source(%arg9 : memref<128x128xf32, #tpu.memory_space<vmem>>) target(%dma_start3A_265 : memref<128x128xf32, #tpu.memory_space<vmem_shared>>) target_semaphore(%run_scoped3A : memref<!tpu.dma_semaphore, #tpu.memory_space<semaphore_mem>>)
      %dma_wait3A_266 = arith.constant 0 : i32
      %dma_wait3A_267 = tpu.memref_slice %arg8[%add3A_13, %dma_wait3A_266] : memref<10240x128xf32, #tpu.memory_space<vmem_shared>> -> memref<128x128xf32, #tpu.memory_space<vmem_shared>>
      %dma_wait3A_268 = arith.constant 0 : i32
      %dma_wait3A_269 = tpu.memref_slice %arg8[%add3A_13, %dma_wait3A_268] : memref<10240x128xf32, #tpu.memory_space<vmem_shared>> -> memref<128x128xf32, #tpu.memory_space<vmem_shared>>
      tpu.wait_dma2 semaphore(%run_scoped3A : memref<!tpu.dma_semaphore, #tpu.memory_space<semaphore_mem>>) src(%arg9 : memref<128x128xf32, #tpu.memory_space<vmem>>) dst(%dma_wait3A_269 : memref<128x128xf32, #tpu.memory_space<vmem_shared>>)
      tpu.yield
    }) : () -> ()
    %add3A_14 = arith.constant 512 : i32
    %add3A_15 = arith.addi %mul3A_6, %add3A_14 : i32
    "tpu.region"() ({
      %run_scoped3A = tpu.sem_alloc : memref<!tpu.dma_semaphore, #tpu.memory_space<semaphore_mem>>
      %dma_start3A_262 = arith.constant 0 : i32
      %dma_start3A_263 = tpu.memref_slice %arg8[%add3A_15, %dma_start3A_262] : memref<10240x128xf32, #tpu.memory_space<vmem_shared>> -> memref<128x128xf32, #tpu.memory_space<vmem_shared>>
      %dma_start3A_264 = arith.constant 0 : i32
      %dma_start3A_265 = tpu.memref_slice %arg8[%add3A_15, %dma_start3A_264] : memref<10240x128xf32, #tpu.memory_space<vmem_shared>> -> memref<128x128xf32, #tpu.memory_space<vmem_shared>>
      tpu.enqueue_dma source(%arg9 : memref<128x128xf32, #tpu.memory_space<vmem>>) target(%dma_start3A_265 : memref<128x128xf32, #tpu.memory_space<vmem_shared>>) target_semaphore(%run_scoped3A : memref<!tpu.dma_semaphore, #tpu.memory_space<semaphore_mem>>)
      %dma_wait3A_266 = arith.constant 0 : i32
      %dma_wait3A_267 = tpu.memref_slice %arg8[%add3A_15, %dma_wait3A_266] : memref<10240x128xf32, #tpu.memory_space<vmem_shared>> -> memref<128x128xf32, #tpu.memory_space<vmem_shared>>
      %dma_wait3A_268 = arith.constant 0 : i32
      %dma_wait3A_269 = tpu.memref_slice %arg8[%add3A_15, %dma_wait3A_268] : memref<10240x128xf32, #tpu.memory_space<vmem_shared>> -> memref<128x128xf32, #tpu.memory_space<vmem_shared>>
      tpu.wait_dma2 semaphore(%run_scoped3A : memref<!tpu.dma_semaphore, #tpu.memory_space<semaphore_mem>>) src(%arg9 : memref<128x128xf32, #tpu.memory_space<vmem>>) dst(%dma_wait3A_269 : memref<128x128xf32, #tpu.memory_space<vmem_shared>>)
      tpu.yield
    }) : () -> ()
    %barrier3A = arith.constant 0 : index
    tpu.barrier barrier_id(%barrier3A)
    %eq3A = arith.constant 0 : i32
    %eq3A_16 = arith.cmpi eq, %arg0, %eq3A : i32
    %jit3A = arith.constant 32 : i32
    %jit3A_17 = arith.constant 128 : i32
    %select_n3A = arith.select %eq3A_16, %jit3A, %jit3A_17 : i32
    %mul3A_18 = arith.constant 32 : i32
    %mul3A_19 = arith.muli %arg1, %mul3A_18 : i32
    %add3A_20 = arith.constant 2048 : i32
    %add3A_21 = arith.addi %add3A_20, %mul3A_19 : i32
    %mul3A_22 = arith.constant 128 : i32
    %mul3A_23 = arith.muli %arg1, %mul3A_22 : i32
    %select_n3A_24 = arith.select %eq3A_16, %add3A_21, %mul3A_23 : i32
    %jit3A_25 = arith.constant 4 : i32
    %div3A = arith.divsi %select_n3A, %jit3A_25 : i32
    %sign3A = arith.constant 0 : i32
    %sign3A_26 = arith.cmpi sgt, %select_n3A, %sign3A : i32
    %sign3A_27 = arith.extui %sign3A_26 : i1 to i32
    %sign3A_28 = arith.constant 0 : i32
    %sign3A_29 = arith.cmpi slt, %select_n3A, %sign3A_28 : i32
    %sign3A_30 = arith.extui %sign3A_29 : i1 to i32
    %sign3A_31 = arith.subi %sign3A_27, %sign3A_30 : i32
    %sign3A_32 = arith.constant 0 : i32
    %sign3A_33 = arith.cmpi sgt, %jit3A_25, %sign3A_32 : i32
    %sign3A_34 = arith.extui %sign3A_33 : i1 to i32
    %sign3A_35 = arith.constant 0 : i32
    %sign3A_36 = arith.cmpi slt, %jit3A_25, %sign3A_35 : i32
    %sign3A_37 = arith.extui %sign3A_36 : i1 to i32
    %sign3A_38 = arith.subi %sign3A_34, %sign3A_37 : i32
    %ne3A = arith.cmpi ne, %sign3A_31, %sign3A_38 : i32
    %rem3A = arith.remsi %select_n3A, %jit3A_25 : i32
    %ne3A_39 = arith.constant 0 : i32
    %ne3A_40 = arith.cmpi ne, %rem3A, %ne3A_39 : i32
    %and3A = arith.andi %ne3A, %ne3A_40 : i1
    %sub3A = arith.constant 1 : i32
    %sub3A_41 = arith.subi %div3A, %sub3A : i32
    %select_n3A_42 = arith.select %and3A, %sub3A_41, %div3A : i32
    %jit3A_43 = arith.constant 4 : i32
    %jit3A_44 = arith.constant 16 : i32
    %select_n3A_45 = arith.select %eq3A_16, %jit3A_43, %jit3A_44 : i32
    %mul3A_46 = arith.constant 0 : i32
    %mul3A_47 = arith.muli %mul3A_46, %select_n3A_42 : i32
    %add3A_48 = arith.addi %select_n3A_24, %mul3A_47 : i32
    %multiple_of3A = tpu.assume_multiple %add3A_48, 8 : i32
    "tpu.region"() ({
      %run_scoped3A = tpu.sem_alloc : memref<!tpu.dma_semaphore, #tpu.memory_space<semaphore_mem>>
      %dma_start3A_262 = arith.constant 0 : i32
      %dma_start3A_263 = tpu.memref_slice %arg3[%multiple_of3A, %dma_start3A_262] : memref<2592x128xi32, #tpu.memory_space<hbm>> -> memref<32x128xi32, #tpu.memory_space<hbm>>
      %dma_start3A_264 = arith.constant 0 : i32
      %dma_start3A_265 = tpu.memref_slice %arg3[%multiple_of3A, %dma_start3A_264] : memref<2592x128xi32, #tpu.memory_space<hbm>> -> memref<32x128xi32, #tpu.memory_space<hbm>>
      tpu.enqueue_dma source(%dma_start3A_265 : memref<32x128xi32, #tpu.memory_space<hbm>>) target(%arg6 : memref<32x128xi32, #tpu.memory_space<vmem>>) target_semaphore(%run_scoped3A : memref<!tpu.dma_semaphore, #tpu.memory_space<semaphore_mem>>)
      %dma_wait3A_266 = arith.constant 0 : i32
      %dma_wait3A_267 = tpu.memref_slice %arg3[%multiple_of3A, %dma_wait3A_266] : memref<2592x128xi32, #tpu.memory_space<hbm>> -> memref<32x128xi32, #tpu.memory_space<hbm>>
      %dma_wait3A_268 = arith.constant 0 : i32
      %dma_wait3A_269 = tpu.memref_slice %arg3[%multiple_of3A, %dma_wait3A_268] : memref<2592x128xi32, #tpu.memory_space<hbm>> -> memref<32x128xi32, #tpu.memory_space<hbm>>
      tpu.wait_dma2 semaphore(%run_scoped3A : memref<!tpu.dma_semaphore, #tpu.memory_space<semaphore_mem>>) src(%dma_wait3A_269 : memref<32x128xi32, #tpu.memory_space<hbm>>) dst(%arg6 : memref<32x128xi32, #tpu.memory_space<vmem>>)
      tpu.yield
    }) : () -> ()
    "tpu.region"() ({
      %run_scoped3A = tpu.sem_alloc : memref<!tpu.dma_semaphore, #tpu.memory_space<semaphore_mem>>
      %dma_start3A_262 = arith.constant 0 : i32
      %dma_start3A_263 = tpu.memref_slice %arg4[%multiple_of3A, %dma_start3A_262] : memref<2592x128xi32, #tpu.memory_space<hbm>> -> memref<32x128xi32, #tpu.memory_space<hbm>>
      %dma_start3A_264 = arith.constant 0 : i32
      %dma_start3A_265 = tpu.memref_slice %arg4[%multiple_of3A, %dma_start3A_264] : memref<2592x128xi32, #tpu.memory_space<hbm>> -> memref<32x128xi32, #tpu.memory_space<hbm>>
      tpu.enqueue_dma source(%dma_start3A_265 : memref<32x128xi32, #tpu.memory_space<hbm>>) target(%arg7 : memref<32x128xi32, #tpu.memory_space<vmem>>) target_semaphore(%run_scoped3A : memref<!tpu.dma_semaphore, #tpu.memory_space<semaphore_mem>>)
      %dma_wait3A_266 = arith.constant 0 : i32
      %dma_wait3A_267 = tpu.memref_slice %arg4[%multiple_of3A, %dma_wait3A_266] : memref<2592x128xi32, #tpu.memory_space<hbm>> -> memref<32x128xi32, #tpu.memory_space<hbm>>
      %dma_wait3A_268 = arith.constant 0 : i32
      %dma_wait3A_269 = tpu.memref_slice %arg4[%multiple_of3A, %dma_wait3A_268] : memref<2592x128xi32, #tpu.memory_space<hbm>> -> memref<32x128xi32, #tpu.memory_space<hbm>>
      tpu.wait_dma2 semaphore(%run_scoped3A : memref<!tpu.dma_semaphore, #tpu.memory_space<semaphore_mem>>) src(%dma_wait3A_269 : memref<32x128xi32, #tpu.memory_space<hbm>>) dst(%arg7 : memref<32x128xi32, #tpu.memory_space<vmem>>)
      tpu.yield
    }) : () -> ()
    %dma_start3A = arith.constant 0 : i32
    %dma_start3A_49 = arith.constant 0 : i32
    %dma_start3A_50 = tpu.memref_slice %arg6[%dma_start3A, %dma_start3A_49] : memref<32x128xi32, #tpu.memory_space<vmem>> -> memref<1x128xi32, #tpu.memory_space<vmem>>
    %dma_start3A_51 = tpu.memref_squeeze %dma_start3A_50 : memref<1x128xi32, #tpu.memory_space<vmem>> -> memref<128xi32, #tpu.memory_space<vmem>>
    %dma_start3A_52 = arith.constant 0 : i32
    %dma_start3A_53 = arith.constant 0 : i32
    %dma_start3A_54 = tpu.memref_slice %arg2[%dma_start3A_52, %dma_start3A_53] : memref<10000x128xf32, #tpu.memory_space<hbm>> -> memref<10000x128xf32, #tpu.memory_space<hbm>>
    tpu.enqueue_indirect_dma source(%dma_start3A_54 : memref<10000x128xf32, #tpu.memory_space<hbm>>) target(%arg9 : memref<128x128xf32, #tpu.memory_space<vmem>>) offsets(%dma_start3A_51 : memref<128xi32, #tpu.memory_space<vmem>>) semaphore(%arg11 : memref<!tpu.dma_semaphore, #tpu.memory_space<semaphore_mem>>)
    %dma_start3A_55 = arith.constant 1 : i32
    %dma_start3A_56 = arith.constant 0 : i32
    %dma_start3A_57 = tpu.memref_slice %arg6[%dma_start3A_55, %dma_start3A_56] : memref<32x128xi32, #tpu.memory_space<vmem>> -> memref<1x128xi32, #tpu.memory_space<vmem>>
    %dma_start3A_58 = tpu.memref_squeeze %dma_start3A_57 : memref<1x128xi32, #tpu.memory_space<vmem>> -> memref<128xi32, #tpu.memory_space<vmem>>
    %dma_start3A_59 = arith.constant 0 : i32
    %dma_start3A_60 = arith.constant 0 : i32
    %dma_start3A_61 = tpu.memref_slice %arg2[%dma_start3A_59, %dma_start3A_60] : memref<10000x128xf32, #tpu.memory_space<hbm>> -> memref<10000x128xf32, #tpu.memory_space<hbm>>
    tpu.enqueue_indirect_dma source(%dma_start3A_61 : memref<10000x128xf32, #tpu.memory_space<hbm>>) target(%arg10 : memref<128x128xf32, #tpu.memory_space<vmem>>) offsets(%dma_start3A_58 : memref<128xi32, #tpu.memory_space<vmem>>) semaphore(%arg12 : memref<!tpu.dma_semaphore, #tpu.memory_space<semaphore_mem>>)
    %sub3A_62 = arith.constant 1 : i32
    %sub3A_63 = arith.subi %select_n3A_45, %sub3A_62 : i32
    %while3A = arith.constant 0 : i32
    %while3A_64 = arith.constant 0 : i32
    %while3A_65 = arith.subi %sub3A_63, %while3A_64 : i32
    %while3A_66 = arith.addi %while3A_64, %while3A_65 : i32
    %while3A_67 = arith.constant 1 : i32
    %while3A_68 = arith.divsi %while3A_65, %while3A_67 : i32
    %while3A_69 = arith.muli %while3A_68, %while3A_67 : i32
    %while3A_70 = arith.addi %while3A_64, %while3A_69 : i32
    %while3A_71 = arith.constant 1 : i32
    scf.for %while3A_262 = %while3A_64 to %while3A_70 step %while3A_71  : i32 {
      %mul3A_263 = arith.constant 2 : i32
      %mul3A_264 = arith.muli %while3A_262, %mul3A_263 : i32
      %add3A_265 = arith.constant 0 : i32
      %add3A_266 = arith.addi %mul3A_264, %add3A_265 : i32
      %dma_wait3A_267 = arith.constant 0 : i32
      %dma_wait3A_268 = tpu.memref_slice %arg6[%add3A_266, %dma_wait3A_267] : memref<32x128xi32, #tpu.memory_space<vmem>> -> memref<1x128xi32, #tpu.memory_space<vmem>>
      %dma_wait3A_269 = tpu.memref_squeeze %dma_wait3A_268 : memref<1x128xi32, #tpu.memory_space<vmem>> -> memref<128xi32, #tpu.memory_space<vmem>>
      %dma_wait3A_270 = arith.constant 0 : i32
      %dma_wait3A_271 = arith.constant 0 : i32
      %dma_wait3A_272 = tpu.memref_slice %arg2[%dma_wait3A_270, %dma_wait3A_271] : memref<10000x128xf32, #tpu.memory_space<hbm>> -> memref<10000x128xf32, #tpu.memory_space<hbm>>
      tpu.wait_indirect_dma semaphore(%arg11 : memref<!tpu.dma_semaphore, #tpu.memory_space<semaphore_mem>>) src(%dma_wait3A_272 : memref<10000x128xf32, #tpu.memory_space<hbm>>) dst(%arg9 : memref<128x128xf32, #tpu.memory_space<vmem>>)
      "tpu.region"() ({
        %run_scoped3A = tpu.sem_alloc : memref<!tpu.dma_semaphore, #tpu.memory_space<semaphore_mem>>
        %dma_start3A_299 = arith.constant 0 : i32
        %dma_start3A_300 = tpu.memref_slice %arg7[%add3A_266, %dma_start3A_299] : memref<32x128xi32, #tpu.memory_space<vmem>> -> memref<1x128xi32, #tpu.memory_space<vmem>>
        %dma_start3A_301 = tpu.memref_squeeze %dma_start3A_300 : memref<1x128xi32, #tpu.memory_space<vmem>> -> memref<128xi32, #tpu.memory_space<vmem>>
        %dma_start3A_302 = arith.constant 0 : i32
        %dma_start3A_303 = arith.constant 0 : i32
        %dma_start3A_304 = tpu.memref_slice %arg8[%dma_start3A_302, %dma_start3A_303] : memref<10240x128xf32, #tpu.memory_space<vmem_shared>> -> memref<10240x128xf32, #tpu.memory_space<vmem_shared>>
        tpu.enqueue_indirect_dma source(%arg9 : memref<128x128xf32, #tpu.memory_space<vmem>>) target(%dma_start3A_304 : memref<10240x128xf32, #tpu.memory_space<vmem_shared>>) offsets(%dma_start3A_301 : memref<128xi32, #tpu.memory_space<vmem>>) semaphore(%run_scoped3A : memref<!tpu.dma_semaphore, #tpu.memory_space<semaphore_mem>>) {add = true}
        %dma_wait3A_305 = arith.constant 0 : i32
        %dma_wait3A_306 = tpu.memref_slice %arg7[%add3A_266, %dma_wait3A_305] : memref<32x128xi32, #tpu.memory_space<vmem>> -> memref<1x128xi32, #tpu.memory_space<vmem>>
        %dma_wait3A_307 = tpu.memref_squeeze %dma_wait3A_306 : memref<1x128xi32, #tpu.memory_space<vmem>> -> memref<128xi32, #tpu.memory_space<vmem>>
        %dma_wait3A_308 = arith.constant 0 : i32
        %dma_wait3A_309 = arith.constant 0 : i32
        %dma_wait3A_310 = tpu.memref_slice %arg8[%dma_wait3A_308, %dma_wait3A_309] : memref<10240x128xf32, #tpu.memory_space<vmem_shared>> -> memref<10240x128xf32, #tpu.memory_space<vmem_shared>>
        tpu.wait_indirect_dma semaphore(%run_scoped3A : memref<!tpu.dma_semaphore, #tpu.memory_space<semaphore_mem>>) src(%arg9 : memref<128x128xf32, #tpu.memory_space<vmem>>) dst(%dma_wait3A_310 : memref<10240x128xf32, #tpu.memory_space<vmem_shared>>)
        tpu.yield
      }) : () -> ()
      %add3A_273 = arith.constant 2 : i32
      %add3A_274 = arith.addi %add3A_266, %add3A_273 : i32
      %dma_start3A_275 = arith.constant 0 : i32
      %dma_start3A_276 = tpu.memref_slice %arg6[%add3A_274, %dma_start3A_275] : memref<32x128xi32, #tpu.memory_space<vmem>> -> memref<1x128xi32, #tpu.memory_space<vmem>>
      %dma_start3A_277 = tpu.memref_squeeze %dma_start3A_276 : memref<1x128xi32, #tpu.memory_space<vmem>> -> memref<128xi32, #tpu.memory_space<vmem>>
      %dma_start3A_278 = arith.constant 0 : i32
      %dma_start3A_279 = arith.constant 0 : i32
      %dma_start3A_280 = tpu.memref_slice %arg2[%dma_start3A_278, %dma_start3A_279] : memref<10000x128xf32, #tpu.memory_space<hbm>> -> memref<10000x128xf32, #tpu.memory_space<hbm>>
      tpu.enqueue_indirect_dma source(%dma_start3A_280 : memref<10000x128xf32, #tpu.memory_space<hbm>>) target(%arg9 : memref<128x128xf32, #tpu.memory_space<vmem>>) offsets(%dma_start3A_277 : memref<128xi32, #tpu.memory_space<vmem>>) semaphore(%arg11 : memref<!tpu.dma_semaphore, #tpu.memory_space<semaphore_mem>>)
      %mul3A_281 = arith.constant 2 : i32
      %mul3A_282 = arith.muli %while3A_262, %mul3A_281 : i32
      %add3A_283 = arith.constant 1 : i32
      %add3A_284 = arith.addi %mul3A_282, %add3A_283 : i32
      %dma_wait3A_285 = arith.constant 0 : i32
      %dma_wait3A_286 = tpu.memref_slice %arg6[%add3A_284, %dma_wait3A_285] : memref<32x128xi32, #tpu.memory_space<vmem>> -> memref<1x128xi32, #tpu.memory_space<vmem>>
      %dma_wait3A_287 = tpu.memref_squeeze %dma_wait3A_286 : memref<1x128xi32, #tpu.memory_space<vmem>> -> memref<128xi32, #tpu.memory_space<vmem>>
      %dma_wait3A_288 = arith.constant 0 : i32
      %dma_wait3A_289 = arith.constant 0 : i32
      %dma_wait3A_290 = tpu.memref_slice %arg2[%dma_wait3A_288, %dma_wait3A_289] : memref<10000x128xf32, #tpu.memory_space<hbm>> -> memref<10000x128xf32, #tpu.memory_space<hbm>>
      tpu.wait_indirect_dma semaphore(%arg12 : memref<!tpu.dma_semaphore, #tpu.memory_space<semaphore_mem>>) src(%dma_wait3A_290 : memref<10000x128xf32, #tpu.memory_space<hbm>>) dst(%arg10 : memref<128x128xf32, #tpu.memory_space<vmem>>)
      "tpu.region"() ({
        %run_scoped3A = tpu.sem_alloc : memref<!tpu.dma_semaphore, #tpu.memory_space<semaphore_mem>>
        %dma_start3A_299 = arith.constant 0 : i32
        %dma_start3A_300 = tpu.memref_slice %arg7[%add3A_284, %dma_start3A_299] : memref<32x128xi32, #tpu.memory_space<vmem>> -> memref<1x128xi32, #tpu.memory_space<vmem>>
        %dma_start3A_301 = tpu.memref_squeeze %dma_start3A_300 : memref<1x128xi32, #tpu.memory_space<vmem>> -> memref<128xi32, #tpu.memory_space<vmem>>
        %dma_start3A_302 = arith.constant 0 : i32
        %dma_start3A_303 = arith.constant 0 : i32
        %dma_start3A_304 = tpu.memref_slice %arg8[%dma_start3A_302, %dma_start3A_303] : memref<10240x128xf32, #tpu.memory_space<vmem_shared>> -> memref<10240x128xf32, #tpu.memory_space<vmem_shared>>
        tpu.enqueue_indirect_dma source(%arg10 : memref<128x128xf32, #tpu.memory_space<vmem>>) target(%dma_start3A_304 : memref<10240x128xf32, #tpu.memory_space<vmem_shared>>) offsets(%dma_start3A_301 : memref<128xi32, #tpu.memory_space<vmem>>) semaphore(%run_scoped3A : memref<!tpu.dma_semaphore, #tpu.memory_space<semaphore_mem>>) {add = true}
        %dma_wait3A_305 = arith.constant 0 : i32
        %dma_wait3A_306 = tpu.memref_slice %arg7[%add3A_284, %dma_wait3A_305] : memref<32x128xi32, #tpu.memory_space<vmem>> -> memref<1x128xi32, #tpu.memory_space<vmem>>
        %dma_wait3A_307 = tpu.memref_squeeze %dma_wait3A_306 : memref<1x128xi32, #tpu.memory_space<vmem>> -> memref<128xi32, #tpu.memory_space<vmem>>
        %dma_wait3A_308 = arith.constant 0 : i32
        %dma_wait3A_309 = arith.constant 0 : i32
        %dma_wait3A_310 = tpu.memref_slice %arg8[%dma_wait3A_308, %dma_wait3A_309] : memref<10240x128xf32, #tpu.memory_space<vmem_shared>> -> memref<10240x128xf32, #tpu.memory_space<vmem_shared>>
        tpu.wait_indirect_dma semaphore(%run_scoped3A : memref<!tpu.dma_semaphore, #tpu.memory_space<semaphore_mem>>) src(%arg10 : memref<128x128xf32, #tpu.memory_space<vmem>>) dst(%dma_wait3A_310 : memref<10240x128xf32, #tpu.memory_space<vmem_shared>>)
        tpu.yield
      }) : () -> ()
      %add3A_291 = arith.constant 2 : i32
      %add3A_292 = arith.addi %add3A_284, %add3A_291 : i32
      %dma_start3A_293 = arith.constant 0 : i32
      %dma_start3A_294 = tpu.memref_slice %arg6[%add3A_292, %dma_start3A_293] : memref<32x128xi32, #tpu.memory_space<vmem>> -> memref<1x128xi32, #tpu.memory_space<vmem>>
      %dma_start3A_295 = tpu.memref_squeeze %dma_start3A_294 : memref<1x128xi32, #tpu.memory_space<vmem>> -> memref<128xi32, #tpu.memory_space<vmem>>
      %dma_start3A_296 = arith.constant 0 : i32
      %dma_start3A_297 = arith.constant 0 : i32
      %dma_start3A_298 = tpu.memref_slice %arg2[%dma_start3A_296, %dma_start3A_297] : memref<10000x128xf32, #tpu.memory_space<hbm>> -> memref<10000x128xf32, #tpu.memory_space<hbm>>
      tpu.enqueue_indirect_dma source(%dma_start3A_298 : memref<10000x128xf32, #tpu.memory_space<hbm>>) target(%arg10 : memref<128x128xf32, #tpu.memory_space<vmem>>) offsets(%dma_start3A_295 : memref<128xi32, #tpu.memory_space<vmem>>) semaphore(%arg12 : memref<!tpu.dma_semaphore, #tpu.memory_space<semaphore_mem>>)
    }
    %while3A_72 = arith.constant 1 : i32
    scf.for %while3A_262 = %while3A_70 to %while3A_66 step %while3A_72  : i32 {
      %mul3A_263 = arith.constant 2 : i32
      %mul3A_264 = arith.muli %while3A_262, %mul3A_263 : i32
      %add3A_265 = arith.constant 0 : i32
      %add3A_266 = arith.addi %mul3A_264, %add3A_265 : i32
      %dma_wait3A_267 = arith.constant 0 : i32
      %dma_wait3A_268 = tpu.memref_slice %arg6[%add3A_266, %dma_wait3A_267] : memref<32x128xi32, #tpu.memory_space<vmem>> -> memref<1x128xi32, #tpu.memory_space<vmem>>
      %dma_wait3A_269 = tpu.memref_squeeze %dma_wait3A_268 : memref<1x128xi32, #tpu.memory_space<vmem>> -> memref<128xi32, #tpu.memory_space<vmem>>
      %dma_wait3A_270 = arith.constant 0 : i32
      %dma_wait3A_271 = arith.constant 0 : i32
      %dma_wait3A_272 = tpu.memref_slice %arg2[%dma_wait3A_270, %dma_wait3A_271] : memref<10000x128xf32, #tpu.memory_space<hbm>> -> memref<10000x128xf32, #tpu.memory_space<hbm>>
      tpu.wait_indirect_dma semaphore(%arg11 : memref<!tpu.dma_semaphore, #tpu.memory_space<semaphore_mem>>) src(%dma_wait3A_272 : memref<10000x128xf32, #tpu.memory_space<hbm>>) dst(%arg9 : memref<128x128xf32, #tpu.memory_space<vmem>>)
      "tpu.region"() ({
        %run_scoped3A = tpu.sem_alloc : memref<!tpu.dma_semaphore, #tpu.memory_space<semaphore_mem>>
        %dma_start3A_299 = arith.constant 0 : i32
        %dma_start3A_300 = tpu.memref_slice %arg7[%add3A_266, %dma_start3A_299] : memref<32x128xi32, #tpu.memory_space<vmem>> -> memref<1x128xi32, #tpu.memory_space<vmem>>
        %dma_start3A_301 = tpu.memref_squeeze %dma_start3A_300 : memref<1x128xi32, #tpu.memory_space<vmem>> -> memref<128xi32, #tpu.memory_space<vmem>>
        %dma_start3A_302 = arith.constant 0 : i32
        %dma_start3A_303 = arith.constant 0 : i32
        %dma_start3A_304 = tpu.memref_slice %arg8[%dma_start3A_302, %dma_start3A_303] : memref<10240x128xf32, #tpu.memory_space<vmem_shared>> -> memref<10240x128xf32, #tpu.memory_space<vmem_shared>>
        tpu.enqueue_indirect_dma source(%arg9 : memref<128x128xf32, #tpu.memory_space<vmem>>) target(%dma_start3A_304 : memref<10240x128xf32, #tpu.memory_space<vmem_shared>>) offsets(%dma_start3A_301 : memref<128xi32, #tpu.memory_space<vmem>>) semaphore(%run_scoped3A : memref<!tpu.dma_semaphore, #tpu.memory_space<semaphore_mem>>) {add = true}
        %dma_wait3A_305 = arith.constant 0 : i32
        %dma_wait3A_306 = tpu.memref_slice %arg7[%add3A_266, %dma_wait3A_305] : memref<32x128xi32, #tpu.memory_space<vmem>> -> memref<1x128xi32, #tpu.memory_space<vmem>>
        %dma_wait3A_307 = tpu.memref_squeeze %dma_wait3A_306 : memref<1x128xi32, #tpu.memory_space<vmem>> -> memref<128xi32, #tpu.memory_space<vmem>>
        %dma_wait3A_308 = arith.constant 0 : i32
        %dma_wait3A_309 = arith.constant 0 : i32
        %dma_wait3A_310 = tpu.memref_slice %arg8[%dma_wait3A_308, %dma_wait3A_309] : memref<10240x128xf32, #tpu.memory_space<vmem_shared>> -> memref<10240x128xf32, #tpu.memory_space<vmem_shared>>
        tpu.wait_indirect_dma semaphore(%run_scoped3A : memref<!tpu.dma_semaphore, #tpu.memory_space<semaphore_mem>>) src(%arg9 : memref<128x128xf32, #tpu.memory_space<vmem>>) dst(%dma_wait3A_310 : memref<10240x128xf32, #tpu.memory_space<vmem_shared>>)
        tpu.yield
      }) : () -> ()
      %add3A_273 = arith.constant 2 : i32
      %add3A_274 = arith.addi %add3A_266, %add3A_273 : i32
      %dma_start3A_275 = arith.constant 0 : i32
      %dma_start3A_276 = tpu.memref_slice %arg6[%add3A_274, %dma_start3A_275] : memref<32x128xi32, #tpu.memory_space<vmem>> -> memref<1x128xi32, #tpu.memory_space<vmem>>
      %dma_start3A_277 = tpu.memref_squeeze %dma_start3A_276 : memref<1x128xi32, #tpu.memory_space<vmem>> -> memref<128xi32, #tpu.memory_space<vmem>>
      %dma_start3A_278 = arith.constant 0 : i32
      %dma_start3A_279 = arith.constant 0 : i32
      %dma_start3A_280 = tpu.memref_slice %arg2[%dma_start3A_278, %dma_start3A_279] : memref<10000x128xf32, #tpu.memory_space<hbm>> -> memref<10000x128xf32, #tpu.memory_space<hbm>>
      tpu.enqueue_indirect_dma source(%dma_start3A_280 : memref<10000x128xf32, #tpu.memory_space<hbm>>) target(%arg9 : memref<128x128xf32, #tpu.memory_space<vmem>>) offsets(%dma_start3A_277 : memref<128xi32, #tpu.memory_space<vmem>>) semaphore(%arg11 : memref<!tpu.dma_semaphore, #tpu.memory_space<semaphore_mem>>)
      %mul3A_281 = arith.constant 2 : i32
      %mul3A_282 = arith.muli %while3A_262, %mul3A_281 : i32
      %add3A_283 = arith.constant 1 : i32
      %add3A_284 = arith.addi %mul3A_282, %add3A_283 : i32
      %dma_wait3A_285 = arith.constant 0 : i32
      %dma_wait3A_286 = tpu.memref_slice %arg6[%add3A_284, %dma_wait3A_285] : memref<32x128xi32, #tpu.memory_space<vmem>> -> memref<1x128xi32, #tpu.memory_space<vmem>>
      %dma_wait3A_287 = tpu.memref_squeeze %dma_wait3A_286 : memref<1x128xi32, #tpu.memory_space<vmem>> -> memref<128xi32, #tpu.memory_space<vmem>>
      %dma_wait3A_288 = arith.constant 0 : i32
      %dma_wait3A_289 = arith.constant 0 : i32
      %dma_wait3A_290 = tpu.memref_slice %arg2[%dma_wait3A_288, %dma_wait3A_289] : memref<10000x128xf32, #tpu.memory_space<hbm>> -> memref<10000x128xf32, #tpu.memory_space<hbm>>
      tpu.wait_indirect_dma semaphore(%arg12 : memref<!tpu.dma_semaphore, #tpu.memory_space<semaphore_mem>>) src(%dma_wait3A_290 : memref<10000x128xf32, #tpu.memory_space<hbm>>) dst(%arg10 : memref<128x128xf32, #tpu.memory_space<vmem>>)
      "tpu.region"() ({
        %run_scoped3A = tpu.sem_alloc : memref<!tpu.dma_semaphore, #tpu.memory_space<semaphore_mem>>
        %dma_start3A_299 = arith.constant 0 : i32
        %dma_start3A_300 = tpu.memref_slice %arg7[%add3A_284, %dma_start3A_299] : memref<32x128xi32, #tpu.memory_space<vmem>> -> memref<1x128xi32, #tpu.memory_space<vmem>>
        %dma_start3A_301 = tpu.memref_squeeze %dma_start3A_300 : memref<1x128xi32, #tpu.memory_space<vmem>> -> memref<128xi32, #tpu.memory_space<vmem>>
        %dma_start3A_302 = arith.constant 0 : i32
        %dma_start3A_303 = arith.constant 0 : i32
        %dma_start3A_304 = tpu.memref_slice %arg8[%dma_start3A_302, %dma_start3A_303] : memref<10240x128xf32, #tpu.memory_space<vmem_shared>> -> memref<10240x128xf32, #tpu.memory_space<vmem_shared>>
        tpu.enqueue_indirect_dma source(%arg10 : memref<128x128xf32, #tpu.memory_space<vmem>>) target(%dma_start3A_304 : memref<10240x128xf32, #tpu.memory_space<vmem_shared>>) offsets(%dma_start3A_301 : memref<128xi32, #tpu.memory_space<vmem>>) semaphore(%run_scoped3A : memref<!tpu.dma_semaphore, #tpu.memory_space<semaphore_mem>>) {add = true}
        %dma_wait3A_305 = arith.constant 0 : i32
        %dma_wait3A_306 = tpu.memref_slice %arg7[%add3A_284, %dma_wait3A_305] : memref<32x128xi32, #tpu.memory_space<vmem>> -> memref<1x128xi32, #tpu.memory_space<vmem>>
        %dma_wait3A_307 = tpu.memref_squeeze %dma_wait3A_306 : memref<1x128xi32, #tpu.memory_space<vmem>> -> memref<128xi32, #tpu.memory_space<vmem>>
        %dma_wait3A_308 = arith.constant 0 : i32
        %dma_wait3A_309 = arith.constant 0 : i32
        %dma_wait3A_310 = tpu.memref_slice %arg8[%dma_wait3A_308, %dma_wait3A_309] : memref<10240x128xf32, #tpu.memory_space<vmem_shared>> -> memref<10240x128xf32, #tpu.memory_space<vmem_shared>>
        tpu.wait_indirect_dma semaphore(%run_scoped3A : memref<!tpu.dma_semaphore, #tpu.memory_space<semaphore_mem>>) src(%arg10 : memref<128x128xf32, #tpu.memory_space<vmem>>) dst(%dma_wait3A_310 : memref<10240x128xf32, #tpu.memory_space<vmem_shared>>)
        tpu.yield
      }) : () -> ()
      %add3A_291 = arith.constant 2 : i32
      %add3A_292 = arith.addi %add3A_284, %add3A_291 : i32
      %dma_start3A_293 = arith.constant 0 : i32
      %dma_start3A_294 = tpu.memref_slice %arg6[%add3A_292, %dma_start3A_293] : memref<32x128xi32, #tpu.memory_space<vmem>> -> memref<1x128xi32, #tpu.memory_space<vmem>>
      %dma_start3A_295 = tpu.memref_squeeze %dma_start3A_294 : memref<1x128xi32, #tpu.memory_space<vmem>> -> memref<128xi32, #tpu.memory_space<vmem>>
      %dma_start3A_296 = arith.constant 0 : i32
      %dma_start3A_297 = arith.constant 0 : i32
      %dma_start3A_298 = tpu.memref_slice %arg2[%dma_start3A_296, %dma_start3A_297] : memref<10000x128xf32, #tpu.memory_space<hbm>> -> memref<10000x128xf32, #tpu.memory_space<hbm>>
      tpu.enqueue_indirect_dma source(%dma_start3A_298 : memref<10000x128xf32, #tpu.memory_space<hbm>>) target(%arg10 : memref<128x128xf32, #tpu.memory_space<vmem>>) offsets(%dma_start3A_295 : memref<128xi32, #tpu.memory_space<vmem>>) semaphore(%arg12 : memref<!tpu.dma_semaphore, #tpu.memory_space<semaphore_mem>>)
    }
    %sub3A_73 = arith.constant 1 : i32
    %sub3A_74 = arith.subi %select_n3A_45, %sub3A_73 : i32
    %mul3A_75 = arith.constant 2 : i32
    %mul3A_76 = arith.muli %sub3A_74, %mul3A_75 : i32
    %add3A_77 = arith.constant 0 : i32
    %add3A_78 = arith.addi %mul3A_76, %add3A_77 : i32
    %dma_wait3A = arith.constant 0 : i32
    %dma_wait3A_79 = tpu.memref_slice %arg6[%add3A_78, %dma_wait3A] : memref<32x128xi32, #tpu.memory_space<vmem>> -> memref<1x128xi32, #tpu.memory_space<vmem>>
    %dma_wait3A_80 = tpu.memref_squeeze %dma_wait3A_79 : memref<1x128xi32, #tpu.memory_space<vmem>> -> memref<128xi32, #tpu.memory_space<vmem>>
    %dma_wait3A_81 = arith.constant 0 : i32
    %dma_wait3A_82 = arith.constant 0 : i32
    %dma_wait3A_83 = tpu.memref_slice %arg2[%dma_wait3A_81, %dma_wait3A_82] : memref<10000x128xf32, #tpu.memory_space<hbm>> -> memref<10000x128xf32, #tpu.memory_space<hbm>>
    tpu.wait_indirect_dma semaphore(%arg11 : memref<!tpu.dma_semaphore, #tpu.memory_space<semaphore_mem>>) src(%dma_wait3A_83 : memref<10000x128xf32, #tpu.memory_space<hbm>>) dst(%arg9 : memref<128x128xf32, #tpu.memory_space<vmem>>)
    "tpu.region"() ({
      %run_scoped3A = tpu.sem_alloc : memref<!tpu.dma_semaphore, #tpu.memory_space<semaphore_mem>>
      %dma_start3A_262 = arith.constant 0 : i32
      %dma_start3A_263 = tpu.memref_slice %arg7[%add3A_78, %dma_start3A_262] : memref<32x128xi32, #tpu.memory_space<vmem>> -> memref<1x128xi32, #tpu.memory_space<vmem>>
      %dma_start3A_264 = tpu.memref_squeeze %dma_start3A_263 : memref<1x128xi32, #tpu.memory_space<vmem>> -> memref<128xi32, #tpu.memory_space<vmem>>
      %dma_start3A_265 = arith.constant 0 : i32
      %dma_start3A_266 = arith.constant 0 : i32
      %dma_start3A_267 = tpu.memref_slice %arg8[%dma_start3A_265, %dma_start3A_266] : memref<10240x128xf32, #tpu.memory_space<vmem_shared>> -> memref<10240x128xf32, #tpu.memory_space<vmem_shared>>
      tpu.enqueue_indirect_dma source(%arg9 : memref<128x128xf32, #tpu.memory_space<vmem>>) target(%dma_start3A_267 : memref<10240x128xf32, #tpu.memory_space<vmem_shared>>) offsets(%dma_start3A_264 : memref<128xi32, #tpu.memory_space<vmem>>) semaphore(%run_scoped3A : memref<!tpu.dma_semaphore, #tpu.memory_space<semaphore_mem>>) {add = true}
      %dma_wait3A_268 = arith.constant 0 : i32
      %dma_wait3A_269 = tpu.memref_slice %arg7[%add3A_78, %dma_wait3A_268] : memref<32x128xi32, #tpu.memory_space<vmem>> -> memref<1x128xi32, #tpu.memory_space<vmem>>
      %dma_wait3A_270 = tpu.memref_squeeze %dma_wait3A_269 : memref<1x128xi32, #tpu.memory_space<vmem>> -> memref<128xi32, #tpu.memory_space<vmem>>
      %dma_wait3A_271 = arith.constant 0 : i32
      %dma_wait3A_272 = arith.constant 0 : i32
      %dma_wait3A_273 = tpu.memref_slice %arg8[%dma_wait3A_271, %dma_wait3A_272] : memref<10240x128xf32, #tpu.memory_space<vmem_shared>> -> memref<10240x128xf32, #tpu.memory_space<vmem_shared>>
      tpu.wait_indirect_dma semaphore(%run_scoped3A : memref<!tpu.dma_semaphore, #tpu.memory_space<semaphore_mem>>) src(%arg9 : memref<128x128xf32, #tpu.memory_space<vmem>>) dst(%dma_wait3A_273 : memref<10240x128xf32, #tpu.memory_space<vmem_shared>>)
      tpu.yield
    }) : () -> ()
    %sub3A_84 = arith.constant 1 : i32
    %sub3A_85 = arith.subi %select_n3A_45, %sub3A_84 : i32
    %mul3A_86 = arith.constant 2 : i32
    %mul3A_87 = arith.muli %sub3A_85, %mul3A_86 : i32
    %add3A_88 = arith.constant 1 : i32
    %add3A_89 = arith.addi %mul3A_87, %add3A_88 : i32
    %dma_wait3A_90 = arith.constant 0 : i32
    %dma_wait3A_91 = tpu.memref_slice %arg6[%add3A_89, %dma_wait3A_90] : memref<32x128xi32, #tpu.memory_space<vmem>> -> memref<1x128xi32, #tpu.memory_space<vmem>>
    %dma_wait3A_92 = tpu.memref_squeeze %dma_wait3A_91 : memref<1x128xi32, #tpu.memory_space<vmem>> -> memref<128xi32, #tpu.memory_space<vmem>>
    %dma_wait3A_93 = arith.constant 0 : i32
    %dma_wait3A_94 = arith.constant 0 : i32
    %dma_wait3A_95 = tpu.memref_slice %arg2[%dma_wait3A_93, %dma_wait3A_94] : memref<10000x128xf32, #tpu.memory_space<hbm>> -> memref<10000x128xf32, #tpu.memory_space<hbm>>
    tpu.wait_indirect_dma semaphore(%arg12 : memref<!tpu.dma_semaphore, #tpu.memory_space<semaphore_mem>>) src(%dma_wait3A_95 : memref<10000x128xf32, #tpu.memory_space<hbm>>) dst(%arg10 : memref<128x128xf32, #tpu.memory_space<vmem>>)
    "tpu.region"() ({
      %run_scoped3A = tpu.sem_alloc : memref<!tpu.dma_semaphore, #tpu.memory_space<semaphore_mem>>
      %dma_start3A_262 = arith.constant 0 : i32
      %dma_start3A_263 = tpu.memref_slice %arg7[%add3A_89, %dma_start3A_262] : memref<32x128xi32, #tpu.memory_space<vmem>> -> memref<1x128xi32, #tpu.memory_space<vmem>>
      %dma_start3A_264 = tpu.memref_squeeze %dma_start3A_263 : memref<1x128xi32, #tpu.memory_space<vmem>> -> memref<128xi32, #tpu.memory_space<vmem>>
      %dma_start3A_265 = arith.constant 0 : i32
      %dma_start3A_266 = arith.constant 0 : i32
      %dma_start3A_267 = tpu.memref_slice %arg8[%dma_start3A_265, %dma_start3A_266] : memref<10240x128xf32, #tpu.memory_space<vmem_shared>> -> memref<10240x128xf32, #tpu.memory_space<vmem_shared>>
      tpu.enqueue_indirect_dma source(%arg10 : memref<128x128xf32, #tpu.memory_space<vmem>>) target(%dma_start3A_267 : memref<10240x128xf32, #tpu.memory_space<vmem_shared>>) offsets(%dma_start3A_264 : memref<128xi32, #tpu.memory_space<vmem>>) semaphore(%run_scoped3A : memref<!tpu.dma_semaphore, #tpu.memory_space<semaphore_mem>>) {add = true}
      %dma_wait3A_268 = arith.constant 0 : i32
      %dma_wait3A_269 = tpu.memref_slice %arg7[%add3A_89, %dma_wait3A_268] : memref<32x128xi32, #tpu.memory_space<vmem>> -> memref<1x128xi32, #tpu.memory_space<vmem>>
      %dma_wait3A_270 = tpu.memref_squeeze %dma_wait3A_269 : memref<1x128xi32, #tpu.memory_space<vmem>> -> memref<128xi32, #tpu.memory_space<vmem>>
      %dma_wait3A_271 = arith.constant 0 : i32
      %dma_wait3A_272 = arith.constant 0 : i32
      %dma_wait3A_273 = tpu.memref_slice %arg8[%dma_wait3A_271, %dma_wait3A_272] : memref<10240x128xf32, #tpu.memory_space<vmem_shared>> -> memref<10240x128xf32, #tpu.memory_space<vmem_shared>>
      tpu.wait_indirect_dma semaphore(%run_scoped3A : memref<!tpu.dma_semaphore, #tpu.memory_space<semaphore_mem>>) src(%arg10 : memref<128x128xf32, #tpu.memory_space<vmem>>) dst(%dma_wait3A_273 : memref<10240x128xf32, #tpu.memory_space<vmem_shared>>)
      tpu.yield
    }) : () -> ()
    %mul3A_96 = arith.constant 1 : i32
    %mul3A_97 = arith.muli %mul3A_96, %select_n3A_42 : i32
    %add3A_98 = arith.addi %select_n3A_24, %mul3A_97 : i32
    %multiple_of3A_99 = tpu.assume_multiple %add3A_98, 8 : i32
    "tpu.region"() ({
      %run_scoped3A = tpu.sem_alloc : memref<!tpu.dma_semaphore, #tpu.memory_space<semaphore_mem>>
      %dma_start3A_262 = arith.constant 0 : i32
      %dma_start3A_263 = tpu.memref_slice %arg3[%multiple_of3A_99, %dma_start3A_262] : memref<2592x128xi32, #tpu.memory_space<hbm>> -> memref<32x128xi32, #tpu.memory_space<hbm>>
      %dma_start3A_264 = arith.constant 0 : i32
      %dma_start3A_265 = tpu.memref_slice %arg3[%multiple_of3A_99, %dma_start3A_264] : memref<2592x128xi32, #tpu.memory_space<hbm>> -> memref<32x128xi32, #tpu.memory_space<hbm>>
      tpu.enqueue_dma source(%dma_start3A_265 : memref<32x128xi32, #tpu.memory_space<hbm>>) target(%arg6 : memref<32x128xi32, #tpu.memory_space<vmem>>) target_semaphore(%run_scoped3A : memref<!tpu.dma_semaphore, #tpu.memory_space<semaphore_mem>>)
      %dma_wait3A_266 = arith.constant 0 : i32
      %dma_wait3A_267 = tpu.memref_slice %arg3[%multiple_of3A_99, %dma_wait3A_266] : memref<2592x128xi32, #tpu.memory_space<hbm>> -> memref<32x128xi32, #tpu.memory_space<hbm>>
      %dma_wait3A_268 = arith.constant 0 : i32
      %dma_wait3A_269 = tpu.memref_slice %arg3[%multiple_of3A_99, %dma_wait3A_268] : memref<2592x128xi32, #tpu.memory_space<hbm>> -> memref<32x128xi32, #tpu.memory_space<hbm>>
      tpu.wait_dma2 semaphore(%run_scoped3A : memref<!tpu.dma_semaphore, #tpu.memory_space<semaphore_mem>>) src(%dma_wait3A_269 : memref<32x128xi32, #tpu.memory_space<hbm>>) dst(%arg6 : memref<32x128xi32, #tpu.memory_space<vmem>>)
      tpu.yield
    }) : () -> ()
    "tpu.region"() ({
      %run_scoped3A = tpu.sem_alloc : memref<!tpu.dma_semaphore, #tpu.memory_space<semaphore_mem>>
      %dma_start3A_262 = arith.constant 0 : i32
      %dma_start3A_263 = tpu.memref_slice %arg4[%multiple_of3A_99, %dma_start3A_262] : memref<2592x128xi32, #tpu.memory_space<hbm>> -> memref<32x128xi32, #tpu.memory_space<hbm>>
      %dma_start3A_264 = arith.constant 0 : i32
      %dma_start3A_265 = tpu.memref_slice %arg4[%multiple_of3A_99, %dma_start3A_264] : memref<2592x128xi32, #tpu.memory_space<hbm>> -> memref<32x128xi32, #tpu.memory_space<hbm>>
      tpu.enqueue_dma source(%dma_start3A_265 : memref<32x128xi32, #tpu.memory_space<hbm>>) target(%arg7 : memref<32x128xi32, #tpu.memory_space<vmem>>) target_semaphore(%run_scoped3A : memref<!tpu.dma_semaphore, #tpu.memory_space<semaphore_mem>>)
      %dma_wait3A_266 = arith.constant 0 : i32
      %dma_wait3A_267 = tpu.memref_slice %arg4[%multiple_of3A_99, %dma_wait3A_266] : memref<2592x128xi32, #tpu.memory_space<hbm>> -> memref<32x128xi32, #tpu.memory_space<hbm>>
      %dma_wait3A_268 = arith.constant 0 : i32
      %dma_wait3A_269 = tpu.memref_slice %arg4[%multiple_of3A_99, %dma_wait3A_268] : memref<2592x128xi32, #tpu.memory_space<hbm>> -> memref<32x128xi32, #tpu.memory_space<hbm>>
      tpu.wait_dma2 semaphore(%run_scoped3A : memref<!tpu.dma_semaphore, #tpu.memory_space<semaphore_mem>>) src(%dma_wait3A_269 : memref<32x128xi32, #tpu.memory_space<hbm>>) dst(%arg7 : memref<32x128xi32, #tpu.memory_space<vmem>>)
      tpu.yield
    }) : () -> ()
    %dma_start3A_100 = arith.constant 0 : i32
    %dma_start3A_101 = arith.constant 0 : i32
    %dma_start3A_102 = tpu.memref_slice %arg6[%dma_start3A_100, %dma_start3A_101] : memref<32x128xi32, #tpu.memory_space<vmem>> -> memref<1x128xi32, #tpu.memory_space<vmem>>
    %dma_start3A_103 = tpu.memref_squeeze %dma_start3A_102 : memref<1x128xi32, #tpu.memory_space<vmem>> -> memref<128xi32, #tpu.memory_space<vmem>>
    %dma_start3A_104 = arith.constant 0 : i32
    %dma_start3A_105 = arith.constant 0 : i32
    %dma_start3A_106 = tpu.memref_slice %arg2[%dma_start3A_104, %dma_start3A_105] : memref<10000x128xf32, #tpu.memory_space<hbm>> -> memref<10000x128xf32, #tpu.memory_space<hbm>>
    tpu.enqueue_indirect_dma source(%dma_start3A_106 : memref<10000x128xf32, #tpu.memory_space<hbm>>) target(%arg9 : memref<128x128xf32, #tpu.memory_space<vmem>>) offsets(%dma_start3A_103 : memref<128xi32, #tpu.memory_space<vmem>>) semaphore(%arg11 : memref<!tpu.dma_semaphore, #tpu.memory_space<semaphore_mem>>)
    %dma_start3A_107 = arith.constant 1 : i32
    %dma_start3A_108 = arith.constant 0 : i32
    %dma_start3A_109 = tpu.memref_slice %arg6[%dma_start3A_107, %dma_start3A_108] : memref<32x128xi32, #tpu.memory_space<vmem>> -> memref<1x128xi32, #tpu.memory_space<vmem>>
    %dma_start3A_110 = tpu.memref_squeeze %dma_start3A_109 : memref<1x128xi32, #tpu.memory_space<vmem>> -> memref<128xi32, #tpu.memory_space<vmem>>
    %dma_start3A_111 = arith.constant 0 : i32
    %dma_start3A_112 = arith.constant 0 : i32
    %dma_start3A_113 = tpu.memref_slice %arg2[%dma_start3A_111, %dma_start3A_112] : memref<10000x128xf32, #tpu.memory_space<hbm>> -> memref<10000x128xf32, #tpu.memory_space<hbm>>
    tpu.enqueue_indirect_dma source(%dma_start3A_113 : memref<10000x128xf32, #tpu.memory_space<hbm>>) target(%arg10 : memref<128x128xf32, #tpu.memory_space<vmem>>) offsets(%dma_start3A_110 : memref<128xi32, #tpu.memory_space<vmem>>) semaphore(%arg12 : memref<!tpu.dma_semaphore, #tpu.memory_space<semaphore_mem>>)
    %sub3A_114 = arith.constant 1 : i32
    %sub3A_115 = arith.subi %select_n3A_45, %sub3A_114 : i32
    %while3A_116 = arith.constant 0 : i32
    %while3A_117 = arith.constant 0 : i32
    %while3A_118 = arith.subi %sub3A_115, %while3A_117 : i32
    %while3A_119 = arith.addi %while3A_117, %while3A_118 : i32
    %while3A_120 = arith.constant 1 : i32
    %while3A_121 = arith.divsi %while3A_118, %while3A_120 : i32
    %while3A_122 = arith.muli %while3A_121, %while3A_120 : i32
    %while3A_123 = arith.addi %while3A_117, %while3A_122 : i32
    %while3A_124 = arith.constant 1 : i32
    scf.for %while3A_262 = %while3A_117 to %while3A_123 step %while3A_124  : i32 {
      %mul3A_263 = arith.constant 2 : i32
      %mul3A_264 = arith.muli %while3A_262, %mul3A_263 : i32
      %add3A_265 = arith.constant 0 : i32
      %add3A_266 = arith.addi %mul3A_264, %add3A_265 : i32
      %dma_wait3A_267 = arith.constant 0 : i32
      %dma_wait3A_268 = tpu.memref_slice %arg6[%add3A_266, %dma_wait3A_267] : memref<32x128xi32, #tpu.memory_space<vmem>> -> memref<1x128xi32, #tpu.memory_space<vmem>>
      %dma_wait3A_269 = tpu.memref_squeeze %dma_wait3A_268 : memref<1x128xi32, #tpu.memory_space<vmem>> -> memref<128xi32, #tpu.memory_space<vmem>>
      %dma_wait3A_270 = arith.constant 0 : i32
      %dma_wait3A_271 = arith.constant 0 : i32
      %dma_wait3A_272 = tpu.memref_slice %arg2[%dma_wait3A_270, %dma_wait3A_271] : memref<10000x128xf32, #tpu.memory_space<hbm>> -> memref<10000x128xf32, #tpu.memory_space<hbm>>
      tpu.wait_indirect_dma semaphore(%arg11 : memref<!tpu.dma_semaphore, #tpu.memory_space<semaphore_mem>>) src(%dma_wait3A_272 : memref<10000x128xf32, #tpu.memory_space<hbm>>) dst(%arg9 : memref<128x128xf32, #tpu.memory_space<vmem>>)
      "tpu.region"() ({
        %run_scoped3A = tpu.sem_alloc : memref<!tpu.dma_semaphore, #tpu.memory_space<semaphore_mem>>
        %dma_start3A_299 = arith.constant 0 : i32
        %dma_start3A_300 = tpu.memref_slice %arg7[%add3A_266, %dma_start3A_299] : memref<32x128xi32, #tpu.memory_space<vmem>> -> memref<1x128xi32, #tpu.memory_space<vmem>>
        %dma_start3A_301 = tpu.memref_squeeze %dma_start3A_300 : memref<1x128xi32, #tpu.memory_space<vmem>> -> memref<128xi32, #tpu.memory_space<vmem>>
        %dma_start3A_302 = arith.constant 0 : i32
        %dma_start3A_303 = arith.constant 0 : i32
        %dma_start3A_304 = tpu.memref_slice %arg8[%dma_start3A_302, %dma_start3A_303] : memref<10240x128xf32, #tpu.memory_space<vmem_shared>> -> memref<10240x128xf32, #tpu.memory_space<vmem_shared>>
        tpu.enqueue_indirect_dma source(%arg9 : memref<128x128xf32, #tpu.memory_space<vmem>>) target(%dma_start3A_304 : memref<10240x128xf32, #tpu.memory_space<vmem_shared>>) offsets(%dma_start3A_301 : memref<128xi32, #tpu.memory_space<vmem>>) semaphore(%run_scoped3A : memref<!tpu.dma_semaphore, #tpu.memory_space<semaphore_mem>>) {add = true}
        %dma_wait3A_305 = arith.constant 0 : i32
        %dma_wait3A_306 = tpu.memref_slice %arg7[%add3A_266, %dma_wait3A_305] : memref<32x128xi32, #tpu.memory_space<vmem>> -> memref<1x128xi32, #tpu.memory_space<vmem>>
        %dma_wait3A_307 = tpu.memref_squeeze %dma_wait3A_306 : memref<1x128xi32, #tpu.memory_space<vmem>> -> memref<128xi32, #tpu.memory_space<vmem>>
        %dma_wait3A_308 = arith.constant 0 : i32
        %dma_wait3A_309 = arith.constant 0 : i32
        %dma_wait3A_310 = tpu.memref_slice %arg8[%dma_wait3A_308, %dma_wait3A_309] : memref<10240x128xf32, #tpu.memory_space<vmem_shared>> -> memref<10240x128xf32, #tpu.memory_space<vmem_shared>>
        tpu.wait_indirect_dma semaphore(%run_scoped3A : memref<!tpu.dma_semaphore, #tpu.memory_space<semaphore_mem>>) src(%arg9 : memref<128x128xf32, #tpu.memory_space<vmem>>) dst(%dma_wait3A_310 : memref<10240x128xf32, #tpu.memory_space<vmem_shared>>)
        tpu.yield
      }) : () -> ()
      %add3A_273 = arith.constant 2 : i32
      %add3A_274 = arith.addi %add3A_266, %add3A_273 : i32
      %dma_start3A_275 = arith.constant 0 : i32
      %dma_start3A_276 = tpu.memref_slice %arg6[%add3A_274, %dma_start3A_275] : memref<32x128xi32, #tpu.memory_space<vmem>> -> memref<1x128xi32, #tpu.memory_space<vmem>>
      %dma_start3A_277 = tpu.memref_squeeze %dma_start3A_276 : memref<1x128xi32, #tpu.memory_space<vmem>> -> memref<128xi32, #tpu.memory_space<vmem>>
      %dma_start3A_278 = arith.constant 0 : i32
      %dma_start3A_279 = arith.constant 0 : i32
      %dma_start3A_280 = tpu.memref_slice %arg2[%dma_start3A_278, %dma_start3A_279] : memref<10000x128xf32, #tpu.memory_space<hbm>> -> memref<10000x128xf32, #tpu.memory_space<hbm>>
      tpu.enqueue_indirect_dma source(%dma_start3A_280 : memref<10000x128xf32, #tpu.memory_space<hbm>>) target(%arg9 : memref<128x128xf32, #tpu.memory_space<vmem>>) offsets(%dma_start3A_277 : memref<128xi32, #tpu.memory_space<vmem>>) semaphore(%arg11 : memref<!tpu.dma_semaphore, #tpu.memory_space<semaphore_mem>>)
      %mul3A_281 = arith.constant 2 : i32
      %mul3A_282 = arith.muli %while3A_262, %mul3A_281 : i32
      %add3A_283 = arith.constant 1 : i32
      %add3A_284 = arith.addi %mul3A_282, %add3A_283 : i32
      %dma_wait3A_285 = arith.constant 0 : i32
      %dma_wait3A_286 = tpu.memref_slice %arg6[%add3A_284, %dma_wait3A_285] : memref<32x128xi32, #tpu.memory_space<vmem>> -> memref<1x128xi32, #tpu.memory_space<vmem>>
      %dma_wait3A_287 = tpu.memref_squeeze %dma_wait3A_286 : memref<1x128xi32, #tpu.memory_space<vmem>> -> memref<128xi32, #tpu.memory_space<vmem>>
      %dma_wait3A_288 = arith.constant 0 : i32
      %dma_wait3A_289 = arith.constant 0 : i32
      %dma_wait3A_290 = tpu.memref_slice %arg2[%dma_wait3A_288, %dma_wait3A_289] : memref<10000x128xf32, #tpu.memory_space<hbm>> -> memref<10000x128xf32, #tpu.memory_space<hbm>>
      tpu.wait_indirect_dma semaphore(%arg12 : memref<!tpu.dma_semaphore, #tpu.memory_space<semaphore_mem>>) src(%dma_wait3A_290 : memref<10000x128xf32, #tpu.memory_space<hbm>>) dst(%arg10 : memref<128x128xf32, #tpu.memory_space<vmem>>)
      "tpu.region"() ({
        %run_scoped3A = tpu.sem_alloc : memref<!tpu.dma_semaphore, #tpu.memory_space<semaphore_mem>>
        %dma_start3A_299 = arith.constant 0 : i32
        %dma_start3A_300 = tpu.memref_slice %arg7[%add3A_284, %dma_start3A_299] : memref<32x128xi32, #tpu.memory_space<vmem>> -> memref<1x128xi32, #tpu.memory_space<vmem>>
        %dma_start3A_301 = tpu.memref_squeeze %dma_start3A_300 : memref<1x128xi32, #tpu.memory_space<vmem>> -> memref<128xi32, #tpu.memory_space<vmem>>
        %dma_start3A_302 = arith.constant 0 : i32
        %dma_start3A_303 = arith.constant 0 : i32
        %dma_start3A_304 = tpu.memref_slice %arg8[%dma_start3A_302, %dma_start3A_303] : memref<10240x128xf32, #tpu.memory_space<vmem_shared>> -> memref<10240x128xf32, #tpu.memory_space<vmem_shared>>
        tpu.enqueue_indirect_dma source(%arg10 : memref<128x128xf32, #tpu.memory_space<vmem>>) target(%dma_start3A_304 : memref<10240x128xf32, #tpu.memory_space<vmem_shared>>) offsets(%dma_start3A_301 : memref<128xi32, #tpu.memory_space<vmem>>) semaphore(%run_scoped3A : memref<!tpu.dma_semaphore, #tpu.memory_space<semaphore_mem>>) {add = true}
        %dma_wait3A_305 = arith.constant 0 : i32
        %dma_wait3A_306 = tpu.memref_slice %arg7[%add3A_284, %dma_wait3A_305] : memref<32x128xi32, #tpu.memory_space<vmem>> -> memref<1x128xi32, #tpu.memory_space<vmem>>
        %dma_wait3A_307 = tpu.memref_squeeze %dma_wait3A_306 : memref<1x128xi32, #tpu.memory_space<vmem>> -> memref<128xi32, #tpu.memory_space<vmem>>
        %dma_wait3A_308 = arith.constant 0 : i32
        %dma_wait3A_309 = arith.constant 0 : i32
        %dma_wait3A_310 = tpu.memref_slice %arg8[%dma_wait3A_308, %dma_wait3A_309] : memref<10240x128xf32, #tpu.memory_space<vmem_shared>> -> memref<10240x128xf32, #tpu.memory_space<vmem_shared>>
        tpu.wait_indirect_dma semaphore(%run_scoped3A : memref<!tpu.dma_semaphore, #tpu.memory_space<semaphore_mem>>) src(%arg10 : memref<128x128xf32, #tpu.memory_space<vmem>>) dst(%dma_wait3A_310 : memref<10240x128xf32, #tpu.memory_space<vmem_shared>>)
        tpu.yield
      }) : () -> ()
      %add3A_291 = arith.constant 2 : i32
      %add3A_292 = arith.addi %add3A_284, %add3A_291 : i32
      %dma_start3A_293 = arith.constant 0 : i32
      %dma_start3A_294 = tpu.memref_slice %arg6[%add3A_292, %dma_start3A_293] : memref<32x128xi32, #tpu.memory_space<vmem>> -> memref<1x128xi32, #tpu.memory_space<vmem>>
      %dma_start3A_295 = tpu.memref_squeeze %dma_start3A_294 : memref<1x128xi32, #tpu.memory_space<vmem>> -> memref<128xi32, #tpu.memory_space<vmem>>
      %dma_start3A_296 = arith.constant 0 : i32
      %dma_start3A_297 = arith.constant 0 : i32
      %dma_start3A_298 = tpu.memref_slice %arg2[%dma_start3A_296, %dma_start3A_297] : memref<10000x128xf32, #tpu.memory_space<hbm>> -> memref<10000x128xf32, #tpu.memory_space<hbm>>
      tpu.enqueue_indirect_dma source(%dma_start3A_298 : memref<10000x128xf32, #tpu.memory_space<hbm>>) target(%arg10 : memref<128x128xf32, #tpu.memory_space<vmem>>) offsets(%dma_start3A_295 : memref<128xi32, #tpu.memory_space<vmem>>) semaphore(%arg12 : memref<!tpu.dma_semaphore, #tpu.memory_space<semaphore_mem>>)
    }
    %while3A_125 = arith.constant 1 : i32
    scf.for %while3A_262 = %while3A_123 to %while3A_119 step %while3A_125  : i32 {
      %mul3A_263 = arith.constant 2 : i32
      %mul3A_264 = arith.muli %while3A_262, %mul3A_263 : i32
      %add3A_265 = arith.constant 0 : i32
      %add3A_266 = arith.addi %mul3A_264, %add3A_265 : i32
      %dma_wait3A_267 = arith.constant 0 : i32
      %dma_wait3A_268 = tpu.memref_slice %arg6[%add3A_266, %dma_wait3A_267] : memref<32x128xi32, #tpu.memory_space<vmem>> -> memref<1x128xi32, #tpu.memory_space<vmem>>
      %dma_wait3A_269 = tpu.memref_squeeze %dma_wait3A_268 : memref<1x128xi32, #tpu.memory_space<vmem>> -> memref<128xi32, #tpu.memory_space<vmem>>
      %dma_wait3A_270 = arith.constant 0 : i32
      %dma_wait3A_271 = arith.constant 0 : i32
      %dma_wait3A_272 = tpu.memref_slice %arg2[%dma_wait3A_270, %dma_wait3A_271] : memref<10000x128xf32, #tpu.memory_space<hbm>> -> memref<10000x128xf32, #tpu.memory_space<hbm>>
      tpu.wait_indirect_dma semaphore(%arg11 : memref<!tpu.dma_semaphore, #tpu.memory_space<semaphore_mem>>) src(%dma_wait3A_272 : memref<10000x128xf32, #tpu.memory_space<hbm>>) dst(%arg9 : memref<128x128xf32, #tpu.memory_space<vmem>>)
      "tpu.region"() ({
        %run_scoped3A = tpu.sem_alloc : memref<!tpu.dma_semaphore, #tpu.memory_space<semaphore_mem>>
        %dma_start3A_299 = arith.constant 0 : i32
        %dma_start3A_300 = tpu.memref_slice %arg7[%add3A_266, %dma_start3A_299] : memref<32x128xi32, #tpu.memory_space<vmem>> -> memref<1x128xi32, #tpu.memory_space<vmem>>
        %dma_start3A_301 = tpu.memref_squeeze %dma_start3A_300 : memref<1x128xi32, #tpu.memory_space<vmem>> -> memref<128xi32, #tpu.memory_space<vmem>>
        %dma_start3A_302 = arith.constant 0 : i32
        %dma_start3A_303 = arith.constant 0 : i32
        %dma_start3A_304 = tpu.memref_slice %arg8[%dma_start3A_302, %dma_start3A_303] : memref<10240x128xf32, #tpu.memory_space<vmem_shared>> -> memref<10240x128xf32, #tpu.memory_space<vmem_shared>>
        tpu.enqueue_indirect_dma source(%arg9 : memref<128x128xf32, #tpu.memory_space<vmem>>) target(%dma_start3A_304 : memref<10240x128xf32, #tpu.memory_space<vmem_shared>>) offsets(%dma_start3A_301 : memref<128xi32, #tpu.memory_space<vmem>>) semaphore(%run_scoped3A : memref<!tpu.dma_semaphore, #tpu.memory_space<semaphore_mem>>) {add = true}
        %dma_wait3A_305 = arith.constant 0 : i32
        %dma_wait3A_306 = tpu.memref_slice %arg7[%add3A_266, %dma_wait3A_305] : memref<32x128xi32, #tpu.memory_space<vmem>> -> memref<1x128xi32, #tpu.memory_space<vmem>>
        %dma_wait3A_307 = tpu.memref_squeeze %dma_wait3A_306 : memref<1x128xi32, #tpu.memory_space<vmem>> -> memref<128xi32, #tpu.memory_space<vmem>>
        %dma_wait3A_308 = arith.constant 0 : i32
        %dma_wait3A_309 = arith.constant 0 : i32
        %dma_wait3A_310 = tpu.memref_slice %arg8[%dma_wait3A_308, %dma_wait3A_309] : memref<10240x128xf32, #tpu.memory_space<vmem_shared>> -> memref<10240x128xf32, #tpu.memory_space<vmem_shared>>
        tpu.wait_indirect_dma semaphore(%run_scoped3A : memref<!tpu.dma_semaphore, #tpu.memory_space<semaphore_mem>>) src(%arg9 : memref<128x128xf32, #tpu.memory_space<vmem>>) dst(%dma_wait3A_310 : memref<10240x128xf32, #tpu.memory_space<vmem_shared>>)
        tpu.yield
      }) : () -> ()
      %add3A_273 = arith.constant 2 : i32
      %add3A_274 = arith.addi %add3A_266, %add3A_273 : i32
      %dma_start3A_275 = arith.constant 0 : i32
      %dma_start3A_276 = tpu.memref_slice %arg6[%add3A_274, %dma_start3A_275] : memref<32x128xi32, #tpu.memory_space<vmem>> -> memref<1x128xi32, #tpu.memory_space<vmem>>
      %dma_start3A_277 = tpu.memref_squeeze %dma_start3A_276 : memref<1x128xi32, #tpu.memory_space<vmem>> -> memref<128xi32, #tpu.memory_space<vmem>>
      %dma_start3A_278 = arith.constant 0 : i32
      %dma_start3A_279 = arith.constant 0 : i32
      %dma_start3A_280 = tpu.memref_slice %arg2[%dma_start3A_278, %dma_start3A_279] : memref<10000x128xf32, #tpu.memory_space<hbm>> -> memref<10000x128xf32, #tpu.memory_space<hbm>>
      tpu.enqueue_indirect_dma source(%dma_start3A_280 : memref<10000x128xf32, #tpu.memory_space<hbm>>) target(%arg9 : memref<128x128xf32, #tpu.memory_space<vmem>>) offsets(%dma_start3A_277 : memref<128xi32, #tpu.memory_space<vmem>>) semaphore(%arg11 : memref<!tpu.dma_semaphore, #tpu.memory_space<semaphore_mem>>)
      %mul3A_281 = arith.constant 2 : i32
      %mul3A_282 = arith.muli %while3A_262, %mul3A_281 : i32
      %add3A_283 = arith.constant 1 : i32
      %add3A_284 = arith.addi %mul3A_282, %add3A_283 : i32
      %dma_wait3A_285 = arith.constant 0 : i32
      %dma_wait3A_286 = tpu.memref_slice %arg6[%add3A_284, %dma_wait3A_285] : memref<32x128xi32, #tpu.memory_space<vmem>> -> memref<1x128xi32, #tpu.memory_space<vmem>>
      %dma_wait3A_287 = tpu.memref_squeeze %dma_wait3A_286 : memref<1x128xi32, #tpu.memory_space<vmem>> -> memref<128xi32, #tpu.memory_space<vmem>>
      %dma_wait3A_288 = arith.constant 0 : i32
      %dma_wait3A_289 = arith.constant 0 : i32
      %dma_wait3A_290 = tpu.memref_slice %arg2[%dma_wait3A_288, %dma_wait3A_289] : memref<10000x128xf32, #tpu.memory_space<hbm>> -> memref<10000x128xf32, #tpu.memory_space<hbm>>
      tpu.wait_indirect_dma semaphore(%arg12 : memref<!tpu.dma_semaphore, #tpu.memory_space<semaphore_mem>>) src(%dma_wait3A_290 : memref<10000x128xf32, #tpu.memory_space<hbm>>) dst(%arg10 : memref<128x128xf32, #tpu.memory_space<vmem>>)
      "tpu.region"() ({
        %run_scoped3A = tpu.sem_alloc : memref<!tpu.dma_semaphore, #tpu.memory_space<semaphore_mem>>
        %dma_start3A_299 = arith.constant 0 : i32
        %dma_start3A_300 = tpu.memref_slice %arg7[%add3A_284, %dma_start3A_299] : memref<32x128xi32, #tpu.memory_space<vmem>> -> memref<1x128xi32, #tpu.memory_space<vmem>>
        %dma_start3A_301 = tpu.memref_squeeze %dma_start3A_300 : memref<1x128xi32, #tpu.memory_space<vmem>> -> memref<128xi32, #tpu.memory_space<vmem>>
        %dma_start3A_302 = arith.constant 0 : i32
        %dma_start3A_303 = arith.constant 0 : i32
        %dma_start3A_304 = tpu.memref_slice %arg8[%dma_start3A_302, %dma_start3A_303] : memref<10240x128xf32, #tpu.memory_space<vmem_shared>> -> memref<10240x128xf32, #tpu.memory_space<vmem_shared>>
        tpu.enqueue_indirect_dma source(%arg10 : memref<128x128xf32, #tpu.memory_space<vmem>>) target(%dma_start3A_304 : memref<10240x128xf32, #tpu.memory_space<vmem_shared>>) offsets(%dma_start3A_301 : memref<128xi32, #tpu.memory_space<vmem>>) semaphore(%run_scoped3A : memref<!tpu.dma_semaphore, #tpu.memory_space<semaphore_mem>>) {add = true}
        %dma_wait3A_305 = arith.constant 0 : i32
        %dma_wait3A_306 = tpu.memref_slice %arg7[%add3A_284, %dma_wait3A_305] : memref<32x128xi32, #tpu.memory_space<vmem>> -> memref<1x128xi32, #tpu.memory_space<vmem>>
        %dma_wait3A_307 = tpu.memref_squeeze %dma_wait3A_306 : memref<1x128xi32, #tpu.memory_space<vmem>> -> memref<128xi32, #tpu.memory_space<vmem>>
        %dma_wait3A_308 = arith.constant 0 : i32
        %dma_wait3A_309 = arith.constant 0 : i32
        %dma_wait3A_310 = tpu.memref_slice %arg8[%dma_wait3A_308, %dma_wait3A_309] : memref<10240x128xf32, #tpu.memory_space<vmem_shared>> -> memref<10240x128xf32, #tpu.memory_space<vmem_shared>>
        tpu.wait_indirect_dma semaphore(%run_scoped3A : memref<!tpu.dma_semaphore, #tpu.memory_space<semaphore_mem>>) src(%arg10 : memref<128x128xf32, #tpu.memory_space<vmem>>) dst(%dma_wait3A_310 : memref<10240x128xf32, #tpu.memory_space<vmem_shared>>)
        tpu.yield
      }) : () -> ()
      %add3A_291 = arith.constant 2 : i32
      %add3A_292 = arith.addi %add3A_284, %add3A_291 : i32
      %dma_start3A_293 = arith.constant 0 : i32
      %dma_start3A_294 = tpu.memref_slice %arg6[%add3A_292, %dma_start3A_293] : memref<32x128xi32, #tpu.memory_space<vmem>> -> memref<1x128xi32, #tpu.memory_space<vmem>>
      %dma_start3A_295 = tpu.memref_squeeze %dma_start3A_294 : memref<1x128xi32, #tpu.memory_space<vmem>> -> memref<128xi32, #tpu.memory_space<vmem>>
      %dma_start3A_296 = arith.constant 0 : i32
      %dma_start3A_297 = arith.constant 0 : i32
      %dma_start3A_298 = tpu.memref_slice %arg2[%dma_start3A_296, %dma_start3A_297] : memref<10000x128xf32, #tpu.memory_space<hbm>> -> memref<10000x128xf32, #tpu.memory_space<hbm>>
      tpu.enqueue_indirect_dma source(%dma_start3A_298 : memref<10000x128xf32, #tpu.memory_space<hbm>>) target(%arg10 : memref<128x128xf32, #tpu.memory_space<vmem>>) offsets(%dma_start3A_295 : memref<128xi32, #tpu.memory_space<vmem>>) semaphore(%arg12 : memref<!tpu.dma_semaphore, #tpu.memory_space<semaphore_mem>>)
    }
    %sub3A_126 = arith.constant 1 : i32
    %sub3A_127 = arith.subi %select_n3A_45, %sub3A_126 : i32
    %mul3A_128 = arith.constant 2 : i32
    %mul3A_129 = arith.muli %sub3A_127, %mul3A_128 : i32
    %add3A_130 = arith.constant 0 : i32
    %add3A_131 = arith.addi %mul3A_129, %add3A_130 : i32
    %dma_wait3A_132 = arith.constant 0 : i32
    %dma_wait3A_133 = tpu.memref_slice %arg6[%add3A_131, %dma_wait3A_132] : memref<32x128xi32, #tpu.memory_space<vmem>> -> memref<1x128xi32, #tpu.memory_space<vmem>>
    %dma_wait3A_134 = tpu.memref_squeeze %dma_wait3A_133 : memref<1x128xi32, #tpu.memory_space<vmem>> -> memref<128xi32, #tpu.memory_space<vmem>>
    %dma_wait3A_135 = arith.constant 0 : i32
    %dma_wait3A_136 = arith.constant 0 : i32
    %dma_wait3A_137 = tpu.memref_slice %arg2[%dma_wait3A_135, %dma_wait3A_136] : memref<10000x128xf32, #tpu.memory_space<hbm>> -> memref<10000x128xf32, #tpu.memory_space<hbm>>
    tpu.wait_indirect_dma semaphore(%arg11 : memref<!tpu.dma_semaphore, #tpu.memory_space<semaphore_mem>>) src(%dma_wait3A_137 : memref<10000x128xf32, #tpu.memory_space<hbm>>) dst(%arg9 : memref<128x128xf32, #tpu.memory_space<vmem>>)
    "tpu.region"() ({
      %run_scoped3A = tpu.sem_alloc : memref<!tpu.dma_semaphore, #tpu.memory_space<semaphore_mem>>
      %dma_start3A_262 = arith.constant 0 : i32
      %dma_start3A_263 = tpu.memref_slice %arg7[%add3A_131, %dma_start3A_262] : memref<32x128xi32, #tpu.memory_space<vmem>> -> memref<1x128xi32, #tpu.memory_space<vmem>>
      %dma_start3A_264 = tpu.memref_squeeze %dma_start3A_263 : memref<1x128xi32, #tpu.memory_space<vmem>> -> memref<128xi32, #tpu.memory_space<vmem>>
      %dma_start3A_265 = arith.constant 0 : i32
      %dma_start3A_266 = arith.constant 0 : i32
      %dma_start3A_267 = tpu.memref_slice %arg8[%dma_start3A_265, %dma_start3A_266] : memref<10240x128xf32, #tpu.memory_space<vmem_shared>> -> memref<10240x128xf32, #tpu.memory_space<vmem_shared>>
      tpu.enqueue_indirect_dma source(%arg9 : memref<128x128xf32, #tpu.memory_space<vmem>>) target(%dma_start3A_267 : memref<10240x128xf32, #tpu.memory_space<vmem_shared>>) offsets(%dma_start3A_264 : memref<128xi32, #tpu.memory_space<vmem>>) semaphore(%run_scoped3A : memref<!tpu.dma_semaphore, #tpu.memory_space<semaphore_mem>>) {add = true}
      %dma_wait3A_268 = arith.constant 0 : i32
      %dma_wait3A_269 = tpu.memref_slice %arg7[%add3A_131, %dma_wait3A_268] : memref<32x128xi32, #tpu.memory_space<vmem>> -> memref<1x128xi32, #tpu.memory_space<vmem>>
      %dma_wait3A_270 = tpu.memref_squeeze %dma_wait3A_269 : memref<1x128xi32, #tpu.memory_space<vmem>> -> memref<128xi32, #tpu.memory_space<vmem>>
      %dma_wait3A_271 = arith.constant 0 : i32
      %dma_wait3A_272 = arith.constant 0 : i32
      %dma_wait3A_273 = tpu.memref_slice %arg8[%dma_wait3A_271, %dma_wait3A_272] : memref<10240x128xf32, #tpu.memory_space<vmem_shared>> -> memref<10240x128xf32, #tpu.memory_space<vmem_shared>>
      tpu.wait_indirect_dma semaphore(%run_scoped3A : memref<!tpu.dma_semaphore, #tpu.memory_space<semaphore_mem>>) src(%arg9 : memref<128x128xf32, #tpu.memory_space<vmem>>) dst(%dma_wait3A_273 : memref<10240x128xf32, #tpu.memory_space<vmem_shared>>)
      tpu.yield
    }) : () -> ()
    %sub3A_138 = arith.constant 1 : i32
    %sub3A_139 = arith.subi %select_n3A_45, %sub3A_138 : i32
    %mul3A_140 = arith.constant 2 : i32
    %mul3A_141 = arith.muli %sub3A_139, %mul3A_140 : i32
    %add3A_142 = arith.constant 1 : i32
    %add3A_143 = arith.addi %mul3A_141, %add3A_142 : i32
    %dma_wait3A_144 = arith.constant 0 : i32
    %dma_wait3A_145 = tpu.memref_slice %arg6[%add3A_143, %dma_wait3A_144] : memref<32x128xi32, #tpu.memory_space<vmem>> -> memref<1x128xi32, #tpu.memory_space<vmem>>
    %dma_wait3A_146 = tpu.memref_squeeze %dma_wait3A_145 : memref<1x128xi32, #tpu.memory_space<vmem>> -> memref<128xi32, #tpu.memory_space<vmem>>
    %dma_wait3A_147 = arith.constant 0 : i32
    %dma_wait3A_148 = arith.constant 0 : i32
    %dma_wait3A_149 = tpu.memref_slice %arg2[%dma_wait3A_147, %dma_wait3A_148] : memref<10000x128xf32, #tpu.memory_space<hbm>> -> memref<10000x128xf32, #tpu.memory_space<hbm>>
    tpu.wait_indirect_dma semaphore(%arg12 : memref<!tpu.dma_semaphore, #tpu.memory_space<semaphore_mem>>) src(%dma_wait3A_149 : memref<10000x128xf32, #tpu.memory_space<hbm>>) dst(%arg10 : memref<128x128xf32, #tpu.memory_space<vmem>>)
    "tpu.region"() ({
      %run_scoped3A = tpu.sem_alloc : memref<!tpu.dma_semaphore, #tpu.memory_space<semaphore_mem>>
      %dma_start3A_262 = arith.constant 0 : i32
      %dma_start3A_263 = tpu.memref_slice %arg7[%add3A_143, %dma_start3A_262] : memref<32x128xi32, #tpu.memory_space<vmem>> -> memref<1x128xi32, #tpu.memory_space<vmem>>
      %dma_start3A_264 = tpu.memref_squeeze %dma_start3A_263 : memref<1x128xi32, #tpu.memory_space<vmem>> -> memref<128xi32, #tpu.memory_space<vmem>>
      %dma_start3A_265 = arith.constant 0 : i32
      %dma_start3A_266 = arith.constant 0 : i32
      %dma_start3A_267 = tpu.memref_slice %arg8[%dma_start3A_265, %dma_start3A_266] : memref<10240x128xf32, #tpu.memory_space<vmem_shared>> -> memref<10240x128xf32, #tpu.memory_space<vmem_shared>>
      tpu.enqueue_indirect_dma source(%arg10 : memref<128x128xf32, #tpu.memory_space<vmem>>) target(%dma_start3A_267 : memref<10240x128xf32, #tpu.memory_space<vmem_shared>>) offsets(%dma_start3A_264 : memref<128xi32, #tpu.memory_space<vmem>>) semaphore(%run_scoped3A : memref<!tpu.dma_semaphore, #tpu.memory_space<semaphore_mem>>) {add = true}
      %dma_wait3A_268 = arith.constant 0 : i32
      %dma_wait3A_269 = tpu.memref_slice %arg7[%add3A_143, %dma_wait3A_268] : memref<32x128xi32, #tpu.memory_space<vmem>> -> memref<1x128xi32, #tpu.memory_space<vmem>>
      %dma_wait3A_270 = tpu.memref_squeeze %dma_wait3A_269 : memref<1x128xi32, #tpu.memory_space<vmem>> -> memref<128xi32, #tpu.memory_space<vmem>>
      %dma_wait3A_271 = arith.constant 0 : i32
      %dma_wait3A_272 = arith.constant 0 : i32
      %dma_wait3A_273 = tpu.memref_slice %arg8[%dma_wait3A_271, %dma_wait3A_272] : memref<10240x128xf32, #tpu.memory_space<vmem_shared>> -> memref<10240x128xf32, #tpu.memory_space<vmem_shared>>
      tpu.wait_indirect_dma semaphore(%run_scoped3A : memref<!tpu.dma_semaphore, #tpu.memory_space<semaphore_mem>>) src(%arg10 : memref<128x128xf32, #tpu.memory_space<vmem>>) dst(%dma_wait3A_273 : memref<10240x128xf32, #tpu.memory_space<vmem_shared>>)
      tpu.yield
    }) : () -> ()
    %mul3A_150 = arith.constant 2 : i32
    %mul3A_151 = arith.muli %mul3A_150, %select_n3A_42 : i32
    %add3A_152 = arith.addi %select_n3A_24, %mul3A_151 : i32
    %multiple_of3A_153 = tpu.assume_multiple %add3A_152, 8 : i32
    "tpu.region"() ({
      %run_scoped3A = tpu.sem_alloc : memref<!tpu.dma_semaphore, #tpu.memory_space<semaphore_mem>>
      %dma_start3A_262 = arith.constant 0 : i32
      %dma_start3A_263 = tpu.memref_slice %arg3[%multiple_of3A_153, %dma_start3A_262] : memref<2592x128xi32, #tpu.memory_space<hbm>> -> memref<32x128xi32, #tpu.memory_space<hbm>>
      %dma_start3A_264 = arith.constant 0 : i32
      %dma_start3A_265 = tpu.memref_slice %arg3[%multiple_of3A_153, %dma_start3A_264] : memref<2592x128xi32, #tpu.memory_space<hbm>> -> memref<32x128xi32, #tpu.memory_space<hbm>>
      tpu.enqueue_dma source(%dma_start3A_265 : memref<32x128xi32, #tpu.memory_space<hbm>>) target(%arg6 : memref<32x128xi32, #tpu.memory_space<vmem>>) target_semaphore(%run_scoped3A : memref<!tpu.dma_semaphore, #tpu.memory_space<semaphore_mem>>)
      %dma_wait3A_266 = arith.constant 0 : i32
      %dma_wait3A_267 = tpu.memref_slice %arg3[%multiple_of3A_153, %dma_wait3A_266] : memref<2592x128xi32, #tpu.memory_space<hbm>> -> memref<32x128xi32, #tpu.memory_space<hbm>>
      %dma_wait3A_268 = arith.constant 0 : i32
      %dma_wait3A_269 = tpu.memref_slice %arg3[%multiple_of3A_153, %dma_wait3A_268] : memref<2592x128xi32, #tpu.memory_space<hbm>> -> memref<32x128xi32, #tpu.memory_space<hbm>>
      tpu.wait_dma2 semaphore(%run_scoped3A : memref<!tpu.dma_semaphore, #tpu.memory_space<semaphore_mem>>) src(%dma_wait3A_269 : memref<32x128xi32, #tpu.memory_space<hbm>>) dst(%arg6 : memref<32x128xi32, #tpu.memory_space<vmem>>)
      tpu.yield
    }) : () -> ()
    "tpu.region"() ({
      %run_scoped3A = tpu.sem_alloc : memref<!tpu.dma_semaphore, #tpu.memory_space<semaphore_mem>>
      %dma_start3A_262 = arith.constant 0 : i32
      %dma_start3A_263 = tpu.memref_slice %arg4[%multiple_of3A_153, %dma_start3A_262] : memref<2592x128xi32, #tpu.memory_space<hbm>> -> memref<32x128xi32, #tpu.memory_space<hbm>>
      %dma_start3A_264 = arith.constant 0 : i32
      %dma_start3A_265 = tpu.memref_slice %arg4[%multiple_of3A_153, %dma_start3A_264] : memref<2592x128xi32, #tpu.memory_space<hbm>> -> memref<32x128xi32, #tpu.memory_space<hbm>>
      tpu.enqueue_dma source(%dma_start3A_265 : memref<32x128xi32, #tpu.memory_space<hbm>>) target(%arg7 : memref<32x128xi32, #tpu.memory_space<vmem>>) target_semaphore(%run_scoped3A : memref<!tpu.dma_semaphore, #tpu.memory_space<semaphore_mem>>)
      %dma_wait3A_266 = arith.constant 0 : i32
      %dma_wait3A_267 = tpu.memref_slice %arg4[%multiple_of3A_153, %dma_wait3A_266] : memref<2592x128xi32, #tpu.memory_space<hbm>> -> memref<32x128xi32, #tpu.memory_space<hbm>>
      %dma_wait3A_268 = arith.constant 0 : i32
      %dma_wait3A_269 = tpu.memref_slice %arg4[%multiple_of3A_153, %dma_wait3A_268] : memref<2592x128xi32, #tpu.memory_space<hbm>> -> memref<32x128xi32, #tpu.memory_space<hbm>>
      tpu.wait_dma2 semaphore(%run_scoped3A : memref<!tpu.dma_semaphore, #tpu.memory_space<semaphore_mem>>) src(%dma_wait3A_269 : memref<32x128xi32, #tpu.memory_space<hbm>>) dst(%arg7 : memref<32x128xi32, #tpu.memory_space<vmem>>)
      tpu.yield
    }) : () -> ()
    %dma_start3A_154 = arith.constant 0 : i32
    %dma_start3A_155 = arith.constant 0 : i32
    %dma_start3A_156 = tpu.memref_slice %arg6[%dma_start3A_154, %dma_start3A_155] : memref<32x128xi32, #tpu.memory_space<vmem>> -> memref<1x128xi32, #tpu.memory_space<vmem>>
    %dma_start3A_157 = tpu.memref_squeeze %dma_start3A_156 : memref<1x128xi32, #tpu.memory_space<vmem>> -> memref<128xi32, #tpu.memory_space<vmem>>
    %dma_start3A_158 = arith.constant 0 : i32
    %dma_start3A_159 = arith.constant 0 : i32
    %dma_start3A_160 = tpu.memref_slice %arg2[%dma_start3A_158, %dma_start3A_159] : memref<10000x128xf32, #tpu.memory_space<hbm>> -> memref<10000x128xf32, #tpu.memory_space<hbm>>
    tpu.enqueue_indirect_dma source(%dma_start3A_160 : memref<10000x128xf32, #tpu.memory_space<hbm>>) target(%arg9 : memref<128x128xf32, #tpu.memory_space<vmem>>) offsets(%dma_start3A_157 : memref<128xi32, #tpu.memory_space<vmem>>) semaphore(%arg11 : memref<!tpu.dma_semaphore, #tpu.memory_space<semaphore_mem>>)
    %dma_start3A_161 = arith.constant 1 : i32
    %dma_start3A_162 = arith.constant 0 : i32
    %dma_start3A_163 = tpu.memref_slice %arg6[%dma_start3A_161, %dma_start3A_162] : memref<32x128xi32, #tpu.memory_space<vmem>> -> memref<1x128xi32, #tpu.memory_space<vmem>>
    %dma_start3A_164 = tpu.memref_squeeze %dma_start3A_163 : memref<1x128xi32, #tpu.memory_space<vmem>> -> memref<128xi32, #tpu.memory_space<vmem>>
    %dma_start3A_165 = arith.constant 0 : i32
    %dma_start3A_166 = arith.constant 0 : i32
    %dma_start3A_167 = tpu.memref_slice %arg2[%dma_start3A_165, %dma_start3A_166] : memref<10000x128xf32, #tpu.memory_space<hbm>> -> memref<10000x128xf32, #tpu.memory_space<hbm>>
    tpu.enqueue_indirect_dma source(%dma_start3A_167 : memref<10000x128xf32, #tpu.memory_space<hbm>>) target(%arg10 : memref<128x128xf32, #tpu.memory_space<vmem>>) offsets(%dma_start3A_164 : memref<128xi32, #tpu.memory_space<vmem>>) semaphore(%arg12 : memref<!tpu.dma_semaphore, #tpu.memory_space<semaphore_mem>>)
    %sub3A_168 = arith.constant 1 : i32
    %sub3A_169 = arith.subi %select_n3A_45, %sub3A_168 : i32
    %while3A_170 = arith.constant 0 : i32
    %while3A_171 = arith.constant 0 : i32
    %while3A_172 = arith.subi %sub3A_169, %while3A_171 : i32
    %while3A_173 = arith.addi %while3A_171, %while3A_172 : i32
    %while3A_174 = arith.constant 1 : i32
    %while3A_175 = arith.divsi %while3A_172, %while3A_174 : i32
    %while3A_176 = arith.muli %while3A_175, %while3A_174 : i32
    %while3A_177 = arith.addi %while3A_171, %while3A_176 : i32
    %while3A_178 = arith.constant 1 : i32
    scf.for %while3A_262 = %while3A_171 to %while3A_177 step %while3A_178  : i32 {
      %mul3A_263 = arith.constant 2 : i32
      %mul3A_264 = arith.muli %while3A_262, %mul3A_263 : i32
      %add3A_265 = arith.constant 0 : i32
      %add3A_266 = arith.addi %mul3A_264, %add3A_265 : i32
      %dma_wait3A_267 = arith.constant 0 : i32
      %dma_wait3A_268 = tpu.memref_slice %arg6[%add3A_266, %dma_wait3A_267] : memref<32x128xi32, #tpu.memory_space<vmem>> -> memref<1x128xi32, #tpu.memory_space<vmem>>
      %dma_wait3A_269 = tpu.memref_squeeze %dma_wait3A_268 : memref<1x128xi32, #tpu.memory_space<vmem>> -> memref<128xi32, #tpu.memory_space<vmem>>
      %dma_wait3A_270 = arith.constant 0 : i32
      %dma_wait3A_271 = arith.constant 0 : i32
      %dma_wait3A_272 = tpu.memref_slice %arg2[%dma_wait3A_270, %dma_wait3A_271] : memref<10000x128xf32, #tpu.memory_space<hbm>> -> memref<10000x128xf32, #tpu.memory_space<hbm>>
      tpu.wait_indirect_dma semaphore(%arg11 : memref<!tpu.dma_semaphore, #tpu.memory_space<semaphore_mem>>) src(%dma_wait3A_272 : memref<10000x128xf32, #tpu.memory_space<hbm>>) dst(%arg9 : memref<128x128xf32, #tpu.memory_space<vmem>>)
      "tpu.region"() ({
        %run_scoped3A = tpu.sem_alloc : memref<!tpu.dma_semaphore, #tpu.memory_space<semaphore_mem>>
        %dma_start3A_299 = arith.constant 0 : i32
        %dma_start3A_300 = tpu.memref_slice %arg7[%add3A_266, %dma_start3A_299] : memref<32x128xi32, #tpu.memory_space<vmem>> -> memref<1x128xi32, #tpu.memory_space<vmem>>
        %dma_start3A_301 = tpu.memref_squeeze %dma_start3A_300 : memref<1x128xi32, #tpu.memory_space<vmem>> -> memref<128xi32, #tpu.memory_space<vmem>>
        %dma_start3A_302 = arith.constant 0 : i32
        %dma_start3A_303 = arith.constant 0 : i32
        %dma_start3A_304 = tpu.memref_slice %arg8[%dma_start3A_302, %dma_start3A_303] : memref<10240x128xf32, #tpu.memory_space<vmem_shared>> -> memref<10240x128xf32, #tpu.memory_space<vmem_shared>>
        tpu.enqueue_indirect_dma source(%arg9 : memref<128x128xf32, #tpu.memory_space<vmem>>) target(%dma_start3A_304 : memref<10240x128xf32, #tpu.memory_space<vmem_shared>>) offsets(%dma_start3A_301 : memref<128xi32, #tpu.memory_space<vmem>>) semaphore(%run_scoped3A : memref<!tpu.dma_semaphore, #tpu.memory_space<semaphore_mem>>) {add = true}
        %dma_wait3A_305 = arith.constant 0 : i32
        %dma_wait3A_306 = tpu.memref_slice %arg7[%add3A_266, %dma_wait3A_305] : memref<32x128xi32, #tpu.memory_space<vmem>> -> memref<1x128xi32, #tpu.memory_space<vmem>>
        %dma_wait3A_307 = tpu.memref_squeeze %dma_wait3A_306 : memref<1x128xi32, #tpu.memory_space<vmem>> -> memref<128xi32, #tpu.memory_space<vmem>>
        %dma_wait3A_308 = arith.constant 0 : i32
        %dma_wait3A_309 = arith.constant 0 : i32
        %dma_wait3A_310 = tpu.memref_slice %arg8[%dma_wait3A_308, %dma_wait3A_309] : memref<10240x128xf32, #tpu.memory_space<vmem_shared>> -> memref<10240x128xf32, #tpu.memory_space<vmem_shared>>
        tpu.wait_indirect_dma semaphore(%run_scoped3A : memref<!tpu.dma_semaphore, #tpu.memory_space<semaphore_mem>>) src(%arg9 : memref<128x128xf32, #tpu.memory_space<vmem>>) dst(%dma_wait3A_310 : memref<10240x128xf32, #tpu.memory_space<vmem_shared>>)
        tpu.yield
      }) : () -> ()
      %add3A_273 = arith.constant 2 : i32
      %add3A_274 = arith.addi %add3A_266, %add3A_273 : i32
      %dma_start3A_275 = arith.constant 0 : i32
      %dma_start3A_276 = tpu.memref_slice %arg6[%add3A_274, %dma_start3A_275] : memref<32x128xi32, #tpu.memory_space<vmem>> -> memref<1x128xi32, #tpu.memory_space<vmem>>
      %dma_start3A_277 = tpu.memref_squeeze %dma_start3A_276 : memref<1x128xi32, #tpu.memory_space<vmem>> -> memref<128xi32, #tpu.memory_space<vmem>>
      %dma_start3A_278 = arith.constant 0 : i32
      %dma_start3A_279 = arith.constant 0 : i32
      %dma_start3A_280 = tpu.memref_slice %arg2[%dma_start3A_278, %dma_start3A_279] : memref<10000x128xf32, #tpu.memory_space<hbm>> -> memref<10000x128xf32, #tpu.memory_space<hbm>>
      tpu.enqueue_indirect_dma source(%dma_start3A_280 : memref<10000x128xf32, #tpu.memory_space<hbm>>) target(%arg9 : memref<128x128xf32, #tpu.memory_space<vmem>>) offsets(%dma_start3A_277 : memref<128xi32, #tpu.memory_space<vmem>>) semaphore(%arg11 : memref<!tpu.dma_semaphore, #tpu.memory_space<semaphore_mem>>)
      %mul3A_281 = arith.constant 2 : i32
      %mul3A_282 = arith.muli %while3A_262, %mul3A_281 : i32
      %add3A_283 = arith.constant 1 : i32
      %add3A_284 = arith.addi %mul3A_282, %add3A_283 : i32
      %dma_wait3A_285 = arith.constant 0 : i32
      %dma_wait3A_286 = tpu.memref_slice %arg6[%add3A_284, %dma_wait3A_285] : memref<32x128xi32, #tpu.memory_space<vmem>> -> memref<1x128xi32, #tpu.memory_space<vmem>>
      %dma_wait3A_287 = tpu.memref_squeeze %dma_wait3A_286 : memref<1x128xi32, #tpu.memory_space<vmem>> -> memref<128xi32, #tpu.memory_space<vmem>>
      %dma_wait3A_288 = arith.constant 0 : i32
      %dma_wait3A_289 = arith.constant 0 : i32
      %dma_wait3A_290 = tpu.memref_slice %arg2[%dma_wait3A_288, %dma_wait3A_289] : memref<10000x128xf32, #tpu.memory_space<hbm>> -> memref<10000x128xf32, #tpu.memory_space<hbm>>
      tpu.wait_indirect_dma semaphore(%arg12 : memref<!tpu.dma_semaphore, #tpu.memory_space<semaphore_mem>>) src(%dma_wait3A_290 : memref<10000x128xf32, #tpu.memory_space<hbm>>) dst(%arg10 : memref<128x128xf32, #tpu.memory_space<vmem>>)
      "tpu.region"() ({
        %run_scoped3A = tpu.sem_alloc : memref<!tpu.dma_semaphore, #tpu.memory_space<semaphore_mem>>
        %dma_start3A_299 = arith.constant 0 : i32
        %dma_start3A_300 = tpu.memref_slice %arg7[%add3A_284, %dma_start3A_299] : memref<32x128xi32, #tpu.memory_space<vmem>> -> memref<1x128xi32, #tpu.memory_space<vmem>>
        %dma_start3A_301 = tpu.memref_squeeze %dma_start3A_300 : memref<1x128xi32, #tpu.memory_space<vmem>> -> memref<128xi32, #tpu.memory_space<vmem>>
        %dma_start3A_302 = arith.constant 0 : i32
        %dma_start3A_303 = arith.constant 0 : i32
        %dma_start3A_304 = tpu.memref_slice %arg8[%dma_start3A_302, %dma_start3A_303] : memref<10240x128xf32, #tpu.memory_space<vmem_shared>> -> memref<10240x128xf32, #tpu.memory_space<vmem_shared>>
        tpu.enqueue_indirect_dma source(%arg10 : memref<128x128xf32, #tpu.memory_space<vmem>>) target(%dma_start3A_304 : memref<10240x128xf32, #tpu.memory_space<vmem_shared>>) offsets(%dma_start3A_301 : memref<128xi32, #tpu.memory_space<vmem>>) semaphore(%run_scoped3A : memref<!tpu.dma_semaphore, #tpu.memory_space<semaphore_mem>>) {add = true}
        %dma_wait3A_305 = arith.constant 0 : i32
        %dma_wait3A_306 = tpu.memref_slice %arg7[%add3A_284, %dma_wait3A_305] : memref<32x128xi32, #tpu.memory_space<vmem>> -> memref<1x128xi32, #tpu.memory_space<vmem>>
        %dma_wait3A_307 = tpu.memref_squeeze %dma_wait3A_306 : memref<1x128xi32, #tpu.memory_space<vmem>> -> memref<128xi32, #tpu.memory_space<vmem>>
        %dma_wait3A_308 = arith.constant 0 : i32
        %dma_wait3A_309 = arith.constant 0 : i32
        %dma_wait3A_310 = tpu.memref_slice %arg8[%dma_wait3A_308, %dma_wait3A_309] : memref<10240x128xf32, #tpu.memory_space<vmem_shared>> -> memref<10240x128xf32, #tpu.memory_space<vmem_shared>>
        tpu.wait_indirect_dma semaphore(%run_scoped3A : memref<!tpu.dma_semaphore, #tpu.memory_space<semaphore_mem>>) src(%arg10 : memref<128x128xf32, #tpu.memory_space<vmem>>) dst(%dma_wait3A_310 : memref<10240x128xf32, #tpu.memory_space<vmem_shared>>)
        tpu.yield
      }) : () -> ()
      %add3A_291 = arith.constant 2 : i32
      %add3A_292 = arith.addi %add3A_284, %add3A_291 : i32
      %dma_start3A_293 = arith.constant 0 : i32
      %dma_start3A_294 = tpu.memref_slice %arg6[%add3A_292, %dma_start3A_293] : memref<32x128xi32, #tpu.memory_space<vmem>> -> memref<1x128xi32, #tpu.memory_space<vmem>>
      %dma_start3A_295 = tpu.memref_squeeze %dma_start3A_294 : memref<1x128xi32, #tpu.memory_space<vmem>> -> memref<128xi32, #tpu.memory_space<vmem>>
      %dma_start3A_296 = arith.constant 0 : i32
      %dma_start3A_297 = arith.constant 0 : i32
      %dma_start3A_298 = tpu.memref_slice %arg2[%dma_start3A_296, %dma_start3A_297] : memref<10000x128xf32, #tpu.memory_space<hbm>> -> memref<10000x128xf32, #tpu.memory_space<hbm>>
      tpu.enqueue_indirect_dma source(%dma_start3A_298 : memref<10000x128xf32, #tpu.memory_space<hbm>>) target(%arg10 : memref<128x128xf32, #tpu.memory_space<vmem>>) offsets(%dma_start3A_295 : memref<128xi32, #tpu.memory_space<vmem>>) semaphore(%arg12 : memref<!tpu.dma_semaphore, #tpu.memory_space<semaphore_mem>>)
    }
    %while3A_179 = arith.constant 1 : i32
    scf.for %while3A_262 = %while3A_177 to %while3A_173 step %while3A_179  : i32 {
      %mul3A_263 = arith.constant 2 : i32
      %mul3A_264 = arith.muli %while3A_262, %mul3A_263 : i32
      %add3A_265 = arith.constant 0 : i32
      %add3A_266 = arith.addi %mul3A_264, %add3A_265 : i32
      %dma_wait3A_267 = arith.constant 0 : i32
      %dma_wait3A_268 = tpu.memref_slice %arg6[%add3A_266, %dma_wait3A_267] : memref<32x128xi32, #tpu.memory_space<vmem>> -> memref<1x128xi32, #tpu.memory_space<vmem>>
      %dma_wait3A_269 = tpu.memref_squeeze %dma_wait3A_268 : memref<1x128xi32, #tpu.memory_space<vmem>> -> memref<128xi32, #tpu.memory_space<vmem>>
      %dma_wait3A_270 = arith.constant 0 : i32
      %dma_wait3A_271 = arith.constant 0 : i32
      %dma_wait3A_272 = tpu.memref_slice %arg2[%dma_wait3A_270, %dma_wait3A_271] : memref<10000x128xf32, #tpu.memory_space<hbm>> -> memref<10000x128xf32, #tpu.memory_space<hbm>>
      tpu.wait_indirect_dma semaphore(%arg11 : memref<!tpu.dma_semaphore, #tpu.memory_space<semaphore_mem>>) src(%dma_wait3A_272 : memref<10000x128xf32, #tpu.memory_space<hbm>>) dst(%arg9 : memref<128x128xf32, #tpu.memory_space<vmem>>)
      "tpu.region"() ({
        %run_scoped3A = tpu.sem_alloc : memref<!tpu.dma_semaphore, #tpu.memory_space<semaphore_mem>>
        %dma_start3A_299 = arith.constant 0 : i32
        %dma_start3A_300 = tpu.memref_slice %arg7[%add3A_266, %dma_start3A_299] : memref<32x128xi32, #tpu.memory_space<vmem>> -> memref<1x128xi32, #tpu.memory_space<vmem>>
        %dma_start3A_301 = tpu.memref_squeeze %dma_start3A_300 : memref<1x128xi32, #tpu.memory_space<vmem>> -> memref<128xi32, #tpu.memory_space<vmem>>
        %dma_start3A_302 = arith.constant 0 : i32
        %dma_start3A_303 = arith.constant 0 : i32
        %dma_start3A_304 = tpu.memref_slice %arg8[%dma_start3A_302, %dma_start3A_303] : memref<10240x128xf32, #tpu.memory_space<vmem_shared>> -> memref<10240x128xf32, #tpu.memory_space<vmem_shared>>
        tpu.enqueue_indirect_dma source(%arg9 : memref<128x128xf32, #tpu.memory_space<vmem>>) target(%dma_start3A_304 : memref<10240x128xf32, #tpu.memory_space<vmem_shared>>) offsets(%dma_start3A_301 : memref<128xi32, #tpu.memory_space<vmem>>) semaphore(%run_scoped3A : memref<!tpu.dma_semaphore, #tpu.memory_space<semaphore_mem>>) {add = true}
        %dma_wait3A_305 = arith.constant 0 : i32
        %dma_wait3A_306 = tpu.memref_slice %arg7[%add3A_266, %dma_wait3A_305] : memref<32x128xi32, #tpu.memory_space<vmem>> -> memref<1x128xi32, #tpu.memory_space<vmem>>
        %dma_wait3A_307 = tpu.memref_squeeze %dma_wait3A_306 : memref<1x128xi32, #tpu.memory_space<vmem>> -> memref<128xi32, #tpu.memory_space<vmem>>
        %dma_wait3A_308 = arith.constant 0 : i32
        %dma_wait3A_309 = arith.constant 0 : i32
        %dma_wait3A_310 = tpu.memref_slice %arg8[%dma_wait3A_308, %dma_wait3A_309] : memref<10240x128xf32, #tpu.memory_space<vmem_shared>> -> memref<10240x128xf32, #tpu.memory_space<vmem_shared>>
        tpu.wait_indirect_dma semaphore(%run_scoped3A : memref<!tpu.dma_semaphore, #tpu.memory_space<semaphore_mem>>) src(%arg9 : memref<128x128xf32, #tpu.memory_space<vmem>>) dst(%dma_wait3A_310 : memref<10240x128xf32, #tpu.memory_space<vmem_shared>>)
        tpu.yield
      }) : () -> ()
      %add3A_273 = arith.constant 2 : i32
      %add3A_274 = arith.addi %add3A_266, %add3A_273 : i32
      %dma_start3A_275 = arith.constant 0 : i32
      %dma_start3A_276 = tpu.memref_slice %arg6[%add3A_274, %dma_start3A_275] : memref<32x128xi32, #tpu.memory_space<vmem>> -> memref<1x128xi32, #tpu.memory_space<vmem>>
      %dma_start3A_277 = tpu.memref_squeeze %dma_start3A_276 : memref<1x128xi32, #tpu.memory_space<vmem>> -> memref<128xi32, #tpu.memory_space<vmem>>
      %dma_start3A_278 = arith.constant 0 : i32
      %dma_start3A_279 = arith.constant 0 : i32
      %dma_start3A_280 = tpu.memref_slice %arg2[%dma_start3A_278, %dma_start3A_279] : memref<10000x128xf32, #tpu.memory_space<hbm>> -> memref<10000x128xf32, #tpu.memory_space<hbm>>
      tpu.enqueue_indirect_dma source(%dma_start3A_280 : memref<10000x128xf32, #tpu.memory_space<hbm>>) target(%arg9 : memref<128x128xf32, #tpu.memory_space<vmem>>) offsets(%dma_start3A_277 : memref<128xi32, #tpu.memory_space<vmem>>) semaphore(%arg11 : memref<!tpu.dma_semaphore, #tpu.memory_space<semaphore_mem>>)
      %mul3A_281 = arith.constant 2 : i32
      %mul3A_282 = arith.muli %while3A_262, %mul3A_281 : i32
      %add3A_283 = arith.constant 1 : i32
      %add3A_284 = arith.addi %mul3A_282, %add3A_283 : i32
      %dma_wait3A_285 = arith.constant 0 : i32
      %dma_wait3A_286 = tpu.memref_slice %arg6[%add3A_284, %dma_wait3A_285] : memref<32x128xi32, #tpu.memory_space<vmem>> -> memref<1x128xi32, #tpu.memory_space<vmem>>
      %dma_wait3A_287 = tpu.memref_squeeze %dma_wait3A_286 : memref<1x128xi32, #tpu.memory_space<vmem>> -> memref<128xi32, #tpu.memory_space<vmem>>
      %dma_wait3A_288 = arith.constant 0 : i32
      %dma_wait3A_289 = arith.constant 0 : i32
      %dma_wait3A_290 = tpu.memref_slice %arg2[%dma_wait3A_288, %dma_wait3A_289] : memref<10000x128xf32, #tpu.memory_space<hbm>> -> memref<10000x128xf32, #tpu.memory_space<hbm>>
      tpu.wait_indirect_dma semaphore(%arg12 : memref<!tpu.dma_semaphore, #tpu.memory_space<semaphore_mem>>) src(%dma_wait3A_290 : memref<10000x128xf32, #tpu.memory_space<hbm>>) dst(%arg10 : memref<128x128xf32, #tpu.memory_space<vmem>>)
      "tpu.region"() ({
        %run_scoped3A = tpu.sem_alloc : memref<!tpu.dma_semaphore, #tpu.memory_space<semaphore_mem>>
        %dma_start3A_299 = arith.constant 0 : i32
        %dma_start3A_300 = tpu.memref_slice %arg7[%add3A_284, %dma_start3A_299] : memref<32x128xi32, #tpu.memory_space<vmem>> -> memref<1x128xi32, #tpu.memory_space<vmem>>
        %dma_start3A_301 = tpu.memref_squeeze %dma_start3A_300 : memref<1x128xi32, #tpu.memory_space<vmem>> -> memref<128xi32, #tpu.memory_space<vmem>>
        %dma_start3A_302 = arith.constant 0 : i32
        %dma_start3A_303 = arith.constant 0 : i32
        %dma_start3A_304 = tpu.memref_slice %arg8[%dma_start3A_302, %dma_start3A_303] : memref<10240x128xf32, #tpu.memory_space<vmem_shared>> -> memref<10240x128xf32, #tpu.memory_space<vmem_shared>>
        tpu.enqueue_indirect_dma source(%arg10 : memref<128x128xf32, #tpu.memory_space<vmem>>) target(%dma_start3A_304 : memref<10240x128xf32, #tpu.memory_space<vmem_shared>>) offsets(%dma_start3A_301 : memref<128xi32, #tpu.memory_space<vmem>>) semaphore(%run_scoped3A : memref<!tpu.dma_semaphore, #tpu.memory_space<semaphore_mem>>) {add = true}
        %dma_wait3A_305 = arith.constant 0 : i32
        %dma_wait3A_306 = tpu.memref_slice %arg7[%add3A_284, %dma_wait3A_305] : memref<32x128xi32, #tpu.memory_space<vmem>> -> memref<1x128xi32, #tpu.memory_space<vmem>>
        %dma_wait3A_307 = tpu.memref_squeeze %dma_wait3A_306 : memref<1x128xi32, #tpu.memory_space<vmem>> -> memref<128xi32, #tpu.memory_space<vmem>>
        %dma_wait3A_308 = arith.constant 0 : i32
        %dma_wait3A_309 = arith.constant 0 : i32
        %dma_wait3A_310 = tpu.memref_slice %arg8[%dma_wait3A_308, %dma_wait3A_309] : memref<10240x128xf32, #tpu.memory_space<vmem_shared>> -> memref<10240x128xf32, #tpu.memory_space<vmem_shared>>
        tpu.wait_indirect_dma semaphore(%run_scoped3A : memref<!tpu.dma_semaphore, #tpu.memory_space<semaphore_mem>>) src(%arg10 : memref<128x128xf32, #tpu.memory_space<vmem>>) dst(%dma_wait3A_310 : memref<10240x128xf32, #tpu.memory_space<vmem_shared>>)
        tpu.yield
      }) : () -> ()
      %add3A_291 = arith.constant 2 : i32
      %add3A_292 = arith.addi %add3A_284, %add3A_291 : i32
      %dma_start3A_293 = arith.constant 0 : i32
      %dma_start3A_294 = tpu.memref_slice %arg6[%add3A_292, %dma_start3A_293] : memref<32x128xi32, #tpu.memory_space<vmem>> -> memref<1x128xi32, #tpu.memory_space<vmem>>
      %dma_start3A_295 = tpu.memref_squeeze %dma_start3A_294 : memref<1x128xi32, #tpu.memory_space<vmem>> -> memref<128xi32, #tpu.memory_space<vmem>>
      %dma_start3A_296 = arith.constant 0 : i32
      %dma_start3A_297 = arith.constant 0 : i32
      %dma_start3A_298 = tpu.memref_slice %arg2[%dma_start3A_296, %dma_start3A_297] : memref<10000x128xf32, #tpu.memory_space<hbm>> -> memref<10000x128xf32, #tpu.memory_space<hbm>>
      tpu.enqueue_indirect_dma source(%dma_start3A_298 : memref<10000x128xf32, #tpu.memory_space<hbm>>) target(%arg10 : memref<128x128xf32, #tpu.memory_space<vmem>>) offsets(%dma_start3A_295 : memref<128xi32, #tpu.memory_space<vmem>>) semaphore(%arg12 : memref<!tpu.dma_semaphore, #tpu.memory_space<semaphore_mem>>)
    }
    %sub3A_180 = arith.constant 1 : i32
    %sub3A_181 = arith.subi %select_n3A_45, %sub3A_180 : i32
    %mul3A_182 = arith.constant 2 : i32
    %mul3A_183 = arith.muli %sub3A_181, %mul3A_182 : i32
    %add3A_184 = arith.constant 0 : i32
    %add3A_185 = arith.addi %mul3A_183, %add3A_184 : i32
    %dma_wait3A_186 = arith.constant 0 : i32
    %dma_wait3A_187 = tpu.memref_slice %arg6[%add3A_185, %dma_wait3A_186] : memref<32x128xi32, #tpu.memory_space<vmem>> -> memref<1x128xi32, #tpu.memory_space<vmem>>
    %dma_wait3A_188 = tpu.memref_squeeze %dma_wait3A_187 : memref<1x128xi32, #tpu.memory_space<vmem>> -> memref<128xi32, #tpu.memory_space<vmem>>
    %dma_wait3A_189 = arith.constant 0 : i32
    %dma_wait3A_190 = arith.constant 0 : i32
    %dma_wait3A_191 = tpu.memref_slice %arg2[%dma_wait3A_189, %dma_wait3A_190] : memref<10000x128xf32, #tpu.memory_space<hbm>> -> memref<10000x128xf32, #tpu.memory_space<hbm>>
    tpu.wait_indirect_dma semaphore(%arg11 : memref<!tpu.dma_semaphore, #tpu.memory_space<semaphore_mem>>) src(%dma_wait3A_191 : memref<10000x128xf32, #tpu.memory_space<hbm>>) dst(%arg9 : memref<128x128xf32, #tpu.memory_space<vmem>>)
    "tpu.region"() ({
      %run_scoped3A = tpu.sem_alloc : memref<!tpu.dma_semaphore, #tpu.memory_space<semaphore_mem>>
      %dma_start3A_262 = arith.constant 0 : i32
      %dma_start3A_263 = tpu.memref_slice %arg7[%add3A_185, %dma_start3A_262] : memref<32x128xi32, #tpu.memory_space<vmem>> -> memref<1x128xi32, #tpu.memory_space<vmem>>
      %dma_start3A_264 = tpu.memref_squeeze %dma_start3A_263 : memref<1x128xi32, #tpu.memory_space<vmem>> -> memref<128xi32, #tpu.memory_space<vmem>>
      %dma_start3A_265 = arith.constant 0 : i32
      %dma_start3A_266 = arith.constant 0 : i32
      %dma_start3A_267 = tpu.memref_slice %arg8[%dma_start3A_265, %dma_start3A_266] : memref<10240x128xf32, #tpu.memory_space<vmem_shared>> -> memref<10240x128xf32, #tpu.memory_space<vmem_shared>>
      tpu.enqueue_indirect_dma source(%arg9 : memref<128x128xf32, #tpu.memory_space<vmem>>) target(%dma_start3A_267 : memref<10240x128xf32, #tpu.memory_space<vmem_shared>>) offsets(%dma_start3A_264 : memref<128xi32, #tpu.memory_space<vmem>>) semaphore(%run_scoped3A : memref<!tpu.dma_semaphore, #tpu.memory_space<semaphore_mem>>) {add = true}
      %dma_wait3A_268 = arith.constant 0 : i32
      %dma_wait3A_269 = tpu.memref_slice %arg7[%add3A_185, %dma_wait3A_268] : memref<32x128xi32, #tpu.memory_space<vmem>> -> memref<1x128xi32, #tpu.memory_space<vmem>>
      %dma_wait3A_270 = tpu.memref_squeeze %dma_wait3A_269 : memref<1x128xi32, #tpu.memory_space<vmem>> -> memref<128xi32, #tpu.memory_space<vmem>>
      %dma_wait3A_271 = arith.constant 0 : i32
      %dma_wait3A_272 = arith.constant 0 : i32
      %dma_wait3A_273 = tpu.memref_slice %arg8[%dma_wait3A_271, %dma_wait3A_272] : memref<10240x128xf32, #tpu.memory_space<vmem_shared>> -> memref<10240x128xf32, #tpu.memory_space<vmem_shared>>
      tpu.wait_indirect_dma semaphore(%run_scoped3A : memref<!tpu.dma_semaphore, #tpu.memory_space<semaphore_mem>>) src(%arg9 : memref<128x128xf32, #tpu.memory_space<vmem>>) dst(%dma_wait3A_273 : memref<10240x128xf32, #tpu.memory_space<vmem_shared>>)
      tpu.yield
    }) : () -> ()
    %sub3A_192 = arith.constant 1 : i32
    %sub3A_193 = arith.subi %select_n3A_45, %sub3A_192 : i32
    %mul3A_194 = arith.constant 2 : i32
    %mul3A_195 = arith.muli %sub3A_193, %mul3A_194 : i32
    %add3A_196 = arith.constant 1 : i32
    %add3A_197 = arith.addi %mul3A_195, %add3A_196 : i32
    %dma_wait3A_198 = arith.constant 0 : i32
    %dma_wait3A_199 = tpu.memref_slice %arg6[%add3A_197, %dma_wait3A_198] : memref<32x128xi32, #tpu.memory_space<vmem>> -> memref<1x128xi32, #tpu.memory_space<vmem>>
    %dma_wait3A_200 = tpu.memref_squeeze %dma_wait3A_199 : memref<1x128xi32, #tpu.memory_space<vmem>> -> memref<128xi32, #tpu.memory_space<vmem>>
    %dma_wait3A_201 = arith.constant 0 : i32
    %dma_wait3A_202 = arith.constant 0 : i32
    %dma_wait3A_203 = tpu.memref_slice %arg2[%dma_wait3A_201, %dma_wait3A_202] : memref<10000x128xf32, #tpu.memory_space<hbm>> -> memref<10000x128xf32, #tpu.memory_space<hbm>>
    tpu.wait_indirect_dma semaphore(%arg12 : memref<!tpu.dma_semaphore, #tpu.memory_space<semaphore_mem>>) src(%dma_wait3A_203 : memref<10000x128xf32, #tpu.memory_space<hbm>>) dst(%arg10 : memref<128x128xf32, #tpu.memory_space<vmem>>)
    "tpu.region"() ({
      %run_scoped3A = tpu.sem_alloc : memref<!tpu.dma_semaphore, #tpu.memory_space<semaphore_mem>>
      %dma_start3A_262 = arith.constant 0 : i32
      %dma_start3A_263 = tpu.memref_slice %arg7[%add3A_197, %dma_start3A_262] : memref<32x128xi32, #tpu.memory_space<vmem>> -> memref<1x128xi32, #tpu.memory_space<vmem>>
      %dma_start3A_264 = tpu.memref_squeeze %dma_start3A_263 : memref<1x128xi32, #tpu.memory_space<vmem>> -> memref<128xi32, #tpu.memory_space<vmem>>
      %dma_start3A_265 = arith.constant 0 : i32
      %dma_start3A_266 = arith.constant 0 : i32
      %dma_start3A_267 = tpu.memref_slice %arg8[%dma_start3A_265, %dma_start3A_266] : memref<10240x128xf32, #tpu.memory_space<vmem_shared>> -> memref<10240x128xf32, #tpu.memory_space<vmem_shared>>
      tpu.enqueue_indirect_dma source(%arg10 : memref<128x128xf32, #tpu.memory_space<vmem>>) target(%dma_start3A_267 : memref<10240x128xf32, #tpu.memory_space<vmem_shared>>) offsets(%dma_start3A_264 : memref<128xi32, #tpu.memory_space<vmem>>) semaphore(%run_scoped3A : memref<!tpu.dma_semaphore, #tpu.memory_space<semaphore_mem>>) {add = true}
      %dma_wait3A_268 = arith.constant 0 : i32
      %dma_wait3A_269 = tpu.memref_slice %arg7[%add3A_197, %dma_wait3A_268] : memref<32x128xi32, #tpu.memory_space<vmem>> -> memref<1x128xi32, #tpu.memory_space<vmem>>
      %dma_wait3A_270 = tpu.memref_squeeze %dma_wait3A_269 : memref<1x128xi32, #tpu.memory_space<vmem>> -> memref<128xi32, #tpu.memory_space<vmem>>
      %dma_wait3A_271 = arith.constant 0 : i32
      %dma_wait3A_272 = arith.constant 0 : i32
      %dma_wait3A_273 = tpu.memref_slice %arg8[%dma_wait3A_271, %dma_wait3A_272] : memref<10240x128xf32, #tpu.memory_space<vmem_shared>> -> memref<10240x128xf32, #tpu.memory_space<vmem_shared>>
      tpu.wait_indirect_dma semaphore(%run_scoped3A : memref<!tpu.dma_semaphore, #tpu.memory_space<semaphore_mem>>) src(%arg10 : memref<128x128xf32, #tpu.memory_space<vmem>>) dst(%dma_wait3A_273 : memref<10240x128xf32, #tpu.memory_space<vmem_shared>>)
      tpu.yield
    }) : () -> ()
    %mul3A_204 = arith.constant 3 : i32
    %mul3A_205 = arith.muli %mul3A_204, %select_n3A_42 : i32
    %add3A_206 = arith.addi %select_n3A_24, %mul3A_205 : i32
    %multiple_of3A_207 = tpu.assume_multiple %add3A_206, 8 : i32
    "tpu.region"() ({
      %run_scoped3A = tpu.sem_alloc : memref<!tpu.dma_semaphore, #tpu.memory_space<semaphore_mem>>
      %dma_start3A_262 = arith.constant 0 : i32
      %dma_start3A_263 = tpu.memref_slice %arg3[%multiple_of3A_207, %dma_start3A_262] : memref<2592x128xi32, #tpu.memory_space<hbm>> -> memref<32x128xi32, #tpu.memory_space<hbm>>
      %dma_start3A_264 = arith.constant 0 : i32
      %dma_start3A_265 = tpu.memref_slice %arg3[%multiple_of3A_207, %dma_start3A_264] : memref<2592x128xi32, #tpu.memory_space<hbm>> -> memref<32x128xi32, #tpu.memory_space<hbm>>
      tpu.enqueue_dma source(%dma_start3A_265 : memref<32x128xi32, #tpu.memory_space<hbm>>) target(%arg6 : memref<32x128xi32, #tpu.memory_space<vmem>>) target_semaphore(%run_scoped3A : memref<!tpu.dma_semaphore, #tpu.memory_space<semaphore_mem>>)
      %dma_wait3A_266 = arith.constant 0 : i32
      %dma_wait3A_267 = tpu.memref_slice %arg3[%multiple_of3A_207, %dma_wait3A_266] : memref<2592x128xi32, #tpu.memory_space<hbm>> -> memref<32x128xi32, #tpu.memory_space<hbm>>
      %dma_wait3A_268 = arith.constant 0 : i32
      %dma_wait3A_269 = tpu.memref_slice %arg3[%multiple_of3A_207, %dma_wait3A_268] : memref<2592x128xi32, #tpu.memory_space<hbm>> -> memref<32x128xi32, #tpu.memory_space<hbm>>
      tpu.wait_dma2 semaphore(%run_scoped3A : memref<!tpu.dma_semaphore, #tpu.memory_space<semaphore_mem>>) src(%dma_wait3A_269 : memref<32x128xi32, #tpu.memory_space<hbm>>) dst(%arg6 : memref<32x128xi32, #tpu.memory_space<vmem>>)
      tpu.yield
    }) : () -> ()
    "tpu.region"() ({
      %run_scoped3A = tpu.sem_alloc : memref<!tpu.dma_semaphore, #tpu.memory_space<semaphore_mem>>
      %dma_start3A_262 = arith.constant 0 : i32
      %dma_start3A_263 = tpu.memref_slice %arg4[%multiple_of3A_207, %dma_start3A_262] : memref<2592x128xi32, #tpu.memory_space<hbm>> -> memref<32x128xi32, #tpu.memory_space<hbm>>
      %dma_start3A_264 = arith.constant 0 : i32
      %dma_start3A_265 = tpu.memref_slice %arg4[%multiple_of3A_207, %dma_start3A_264] : memref<2592x128xi32, #tpu.memory_space<hbm>> -> memref<32x128xi32, #tpu.memory_space<hbm>>
      tpu.enqueue_dma source(%dma_start3A_265 : memref<32x128xi32, #tpu.memory_space<hbm>>) target(%arg7 : memref<32x128xi32, #tpu.memory_space<vmem>>) target_semaphore(%run_scoped3A : memref<!tpu.dma_semaphore, #tpu.memory_space<semaphore_mem>>)
      %dma_wait3A_266 = arith.constant 0 : i32
      %dma_wait3A_267 = tpu.memref_slice %arg4[%multiple_of3A_207, %dma_wait3A_266] : memref<2592x128xi32, #tpu.memory_space<hbm>> -> memref<32x128xi32, #tpu.memory_space<hbm>>
      %dma_wait3A_268 = arith.constant 0 : i32
      %dma_wait3A_269 = tpu.memref_slice %arg4[%multiple_of3A_207, %dma_wait3A_268] : memref<2592x128xi32, #tpu.memory_space<hbm>> -> memref<32x128xi32, #tpu.memory_space<hbm>>
      tpu.wait_dma2 semaphore(%run_scoped3A : memref<!tpu.dma_semaphore, #tpu.memory_space<semaphore_mem>>) src(%dma_wait3A_269 : memref<32x128xi32, #tpu.memory_space<hbm>>) dst(%arg7 : memref<32x128xi32, #tpu.memory_space<vmem>>)
      tpu.yield
    }) : () -> ()
    %dma_start3A_208 = arith.constant 0 : i32
    %dma_start3A_209 = arith.constant 0 : i32
    %dma_start3A_210 = tpu.memref_slice %arg6[%dma_start3A_208, %dma_start3A_209] : memref<32x128xi32, #tpu.memory_space<vmem>> -> memref<1x128xi32, #tpu.memory_space<vmem>>
    %dma_start3A_211 = tpu.memref_squeeze %dma_start3A_210 : memref<1x128xi32, #tpu.memory_space<vmem>> -> memref<128xi32, #tpu.memory_space<vmem>>
    %dma_start3A_212 = arith.constant 0 : i32
    %dma_start3A_213 = arith.constant 0 : i32
    %dma_start3A_214 = tpu.memref_slice %arg2[%dma_start3A_212, %dma_start3A_213] : memref<10000x128xf32, #tpu.memory_space<hbm>> -> memref<10000x128xf32, #tpu.memory_space<hbm>>
    tpu.enqueue_indirect_dma source(%dma_start3A_214 : memref<10000x128xf32, #tpu.memory_space<hbm>>) target(%arg9 : memref<128x128xf32, #tpu.memory_space<vmem>>) offsets(%dma_start3A_211 : memref<128xi32, #tpu.memory_space<vmem>>) semaphore(%arg11 : memref<!tpu.dma_semaphore, #tpu.memory_space<semaphore_mem>>)
    %dma_start3A_215 = arith.constant 1 : i32
    %dma_start3A_216 = arith.constant 0 : i32
    %dma_start3A_217 = tpu.memref_slice %arg6[%dma_start3A_215, %dma_start3A_216] : memref<32x128xi32, #tpu.memory_space<vmem>> -> memref<1x128xi32, #tpu.memory_space<vmem>>
    %dma_start3A_218 = tpu.memref_squeeze %dma_start3A_217 : memref<1x128xi32, #tpu.memory_space<vmem>> -> memref<128xi32, #tpu.memory_space<vmem>>
    %dma_start3A_219 = arith.constant 0 : i32
    %dma_start3A_220 = arith.constant 0 : i32
    %dma_start3A_221 = tpu.memref_slice %arg2[%dma_start3A_219, %dma_start3A_220] : memref<10000x128xf32, #tpu.memory_space<hbm>> -> memref<10000x128xf32, #tpu.memory_space<hbm>>
    tpu.enqueue_indirect_dma source(%dma_start3A_221 : memref<10000x128xf32, #tpu.memory_space<hbm>>) target(%arg10 : memref<128x128xf32, #tpu.memory_space<vmem>>) offsets(%dma_start3A_218 : memref<128xi32, #tpu.memory_space<vmem>>) semaphore(%arg12 : memref<!tpu.dma_semaphore, #tpu.memory_space<semaphore_mem>>)
    %sub3A_222 = arith.constant 1 : i32
    %sub3A_223 = arith.subi %select_n3A_45, %sub3A_222 : i32
    %while3A_224 = arith.constant 0 : i32
    %while3A_225 = arith.constant 0 : i32
    %while3A_226 = arith.subi %sub3A_223, %while3A_225 : i32
    %while3A_227 = arith.addi %while3A_225, %while3A_226 : i32
    %while3A_228 = arith.constant 1 : i32
    %while3A_229 = arith.divsi %while3A_226, %while3A_228 : i32
    %while3A_230 = arith.muli %while3A_229, %while3A_228 : i32
    %while3A_231 = arith.addi %while3A_225, %while3A_230 : i32
    %while3A_232 = arith.constant 1 : i32
    scf.for %while3A_262 = %while3A_225 to %while3A_231 step %while3A_232  : i32 {
      %mul3A_263 = arith.constant 2 : i32
      %mul3A_264 = arith.muli %while3A_262, %mul3A_263 : i32
      %add3A_265 = arith.constant 0 : i32
      %add3A_266 = arith.addi %mul3A_264, %add3A_265 : i32
      %dma_wait3A_267 = arith.constant 0 : i32
      %dma_wait3A_268 = tpu.memref_slice %arg6[%add3A_266, %dma_wait3A_267] : memref<32x128xi32, #tpu.memory_space<vmem>> -> memref<1x128xi32, #tpu.memory_space<vmem>>
      %dma_wait3A_269 = tpu.memref_squeeze %dma_wait3A_268 : memref<1x128xi32, #tpu.memory_space<vmem>> -> memref<128xi32, #tpu.memory_space<vmem>>
      %dma_wait3A_270 = arith.constant 0 : i32
      %dma_wait3A_271 = arith.constant 0 : i32
      %dma_wait3A_272 = tpu.memref_slice %arg2[%dma_wait3A_270, %dma_wait3A_271] : memref<10000x128xf32, #tpu.memory_space<hbm>> -> memref<10000x128xf32, #tpu.memory_space<hbm>>
      tpu.wait_indirect_dma semaphore(%arg11 : memref<!tpu.dma_semaphore, #tpu.memory_space<semaphore_mem>>) src(%dma_wait3A_272 : memref<10000x128xf32, #tpu.memory_space<hbm>>) dst(%arg9 : memref<128x128xf32, #tpu.memory_space<vmem>>)
      "tpu.region"() ({
        %run_scoped3A = tpu.sem_alloc : memref<!tpu.dma_semaphore, #tpu.memory_space<semaphore_mem>>
        %dma_start3A_299 = arith.constant 0 : i32
        %dma_start3A_300 = tpu.memref_slice %arg7[%add3A_266, %dma_start3A_299] : memref<32x128xi32, #tpu.memory_space<vmem>> -> memref<1x128xi32, #tpu.memory_space<vmem>>
        %dma_start3A_301 = tpu.memref_squeeze %dma_start3A_300 : memref<1x128xi32, #tpu.memory_space<vmem>> -> memref<128xi32, #tpu.memory_space<vmem>>
        %dma_start3A_302 = arith.constant 0 : i32
        %dma_start3A_303 = arith.constant 0 : i32
        %dma_start3A_304 = tpu.memref_slice %arg8[%dma_start3A_302, %dma_start3A_303] : memref<10240x128xf32, #tpu.memory_space<vmem_shared>> -> memref<10240x128xf32, #tpu.memory_space<vmem_shared>>
        tpu.enqueue_indirect_dma source(%arg9 : memref<128x128xf32, #tpu.memory_space<vmem>>) target(%dma_start3A_304 : memref<10240x128xf32, #tpu.memory_space<vmem_shared>>) offsets(%dma_start3A_301 : memref<128xi32, #tpu.memory_space<vmem>>) semaphore(%run_scoped3A : memref<!tpu.dma_semaphore, #tpu.memory_space<semaphore_mem>>) {add = true}
        %dma_wait3A_305 = arith.constant 0 : i32
        %dma_wait3A_306 = tpu.memref_slice %arg7[%add3A_266, %dma_wait3A_305] : memref<32x128xi32, #tpu.memory_space<vmem>> -> memref<1x128xi32, #tpu.memory_space<vmem>>
        %dma_wait3A_307 = tpu.memref_squeeze %dma_wait3A_306 : memref<1x128xi32, #tpu.memory_space<vmem>> -> memref<128xi32, #tpu.memory_space<vmem>>
        %dma_wait3A_308 = arith.constant 0 : i32
        %dma_wait3A_309 = arith.constant 0 : i32
        %dma_wait3A_310 = tpu.memref_slice %arg8[%dma_wait3A_308, %dma_wait3A_309] : memref<10240x128xf32, #tpu.memory_space<vmem_shared>> -> memref<10240x128xf32, #tpu.memory_space<vmem_shared>>
        tpu.wait_indirect_dma semaphore(%run_scoped3A : memref<!tpu.dma_semaphore, #tpu.memory_space<semaphore_mem>>) src(%arg9 : memref<128x128xf32, #tpu.memory_space<vmem>>) dst(%dma_wait3A_310 : memref<10240x128xf32, #tpu.memory_space<vmem_shared>>)
        tpu.yield
      }) : () -> ()
      %add3A_273 = arith.constant 2 : i32
      %add3A_274 = arith.addi %add3A_266, %add3A_273 : i32
      %dma_start3A_275 = arith.constant 0 : i32
      %dma_start3A_276 = tpu.memref_slice %arg6[%add3A_274, %dma_start3A_275] : memref<32x128xi32, #tpu.memory_space<vmem>> -> memref<1x128xi32, #tpu.memory_space<vmem>>
      %dma_start3A_277 = tpu.memref_squeeze %dma_start3A_276 : memref<1x128xi32, #tpu.memory_space<vmem>> -> memref<128xi32, #tpu.memory_space<vmem>>
      %dma_start3A_278 = arith.constant 0 : i32
      %dma_start3A_279 = arith.constant 0 : i32
      %dma_start3A_280 = tpu.memref_slice %arg2[%dma_start3A_278, %dma_start3A_279] : memref<10000x128xf32, #tpu.memory_space<hbm>> -> memref<10000x128xf32, #tpu.memory_space<hbm>>
      tpu.enqueue_indirect_dma source(%dma_start3A_280 : memref<10000x128xf32, #tpu.memory_space<hbm>>) target(%arg9 : memref<128x128xf32, #tpu.memory_space<vmem>>) offsets(%dma_start3A_277 : memref<128xi32, #tpu.memory_space<vmem>>) semaphore(%arg11 : memref<!tpu.dma_semaphore, #tpu.memory_space<semaphore_mem>>)
      %mul3A_281 = arith.constant 2 : i32
      %mul3A_282 = arith.muli %while3A_262, %mul3A_281 : i32
      %add3A_283 = arith.constant 1 : i32
      %add3A_284 = arith.addi %mul3A_282, %add3A_283 : i32
      %dma_wait3A_285 = arith.constant 0 : i32
      %dma_wait3A_286 = tpu.memref_slice %arg6[%add3A_284, %dma_wait3A_285] : memref<32x128xi32, #tpu.memory_space<vmem>> -> memref<1x128xi32, #tpu.memory_space<vmem>>
      %dma_wait3A_287 = tpu.memref_squeeze %dma_wait3A_286 : memref<1x128xi32, #tpu.memory_space<vmem>> -> memref<128xi32, #tpu.memory_space<vmem>>
      %dma_wait3A_288 = arith.constant 0 : i32
      %dma_wait3A_289 = arith.constant 0 : i32
      %dma_wait3A_290 = tpu.memref_slice %arg2[%dma_wait3A_288, %dma_wait3A_289] : memref<10000x128xf32, #tpu.memory_space<hbm>> -> memref<10000x128xf32, #tpu.memory_space<hbm>>
      tpu.wait_indirect_dma semaphore(%arg12 : memref<!tpu.dma_semaphore, #tpu.memory_space<semaphore_mem>>) src(%dma_wait3A_290 : memref<10000x128xf32, #tpu.memory_space<hbm>>) dst(%arg10 : memref<128x128xf32, #tpu.memory_space<vmem>>)
      "tpu.region"() ({
        %run_scoped3A = tpu.sem_alloc : memref<!tpu.dma_semaphore, #tpu.memory_space<semaphore_mem>>
        %dma_start3A_299 = arith.constant 0 : i32
        %dma_start3A_300 = tpu.memref_slice %arg7[%add3A_284, %dma_start3A_299] : memref<32x128xi32, #tpu.memory_space<vmem>> -> memref<1x128xi32, #tpu.memory_space<vmem>>
        %dma_start3A_301 = tpu.memref_squeeze %dma_start3A_300 : memref<1x128xi32, #tpu.memory_space<vmem>> -> memref<128xi32, #tpu.memory_space<vmem>>
        %dma_start3A_302 = arith.constant 0 : i32
        %dma_start3A_303 = arith.constant 0 : i32
        %dma_start3A_304 = tpu.memref_slice %arg8[%dma_start3A_302, %dma_start3A_303] : memref<10240x128xf32, #tpu.memory_space<vmem_shared>> -> memref<10240x128xf32, #tpu.memory_space<vmem_shared>>
        tpu.enqueue_indirect_dma source(%arg10 : memref<128x128xf32, #tpu.memory_space<vmem>>) target(%dma_start3A_304 : memref<10240x128xf32, #tpu.memory_space<vmem_shared>>) offsets(%dma_start3A_301 : memref<128xi32, #tpu.memory_space<vmem>>) semaphore(%run_scoped3A : memref<!tpu.dma_semaphore, #tpu.memory_space<semaphore_mem>>) {add = true}
        %dma_wait3A_305 = arith.constant 0 : i32
        %dma_wait3A_306 = tpu.memref_slice %arg7[%add3A_284, %dma_wait3A_305] : memref<32x128xi32, #tpu.memory_space<vmem>> -> memref<1x128xi32, #tpu.memory_space<vmem>>
        %dma_wait3A_307 = tpu.memref_squeeze %dma_wait3A_306 : memref<1x128xi32, #tpu.memory_space<vmem>> -> memref<128xi32, #tpu.memory_space<vmem>>
        %dma_wait3A_308 = arith.constant 0 : i32
        %dma_wait3A_309 = arith.constant 0 : i32
        %dma_wait3A_310 = tpu.memref_slice %arg8[%dma_wait3A_308, %dma_wait3A_309] : memref<10240x128xf32, #tpu.memory_space<vmem_shared>> -> memref<10240x128xf32, #tpu.memory_space<vmem_shared>>
        tpu.wait_indirect_dma semaphore(%run_scoped3A : memref<!tpu.dma_semaphore, #tpu.memory_space<semaphore_mem>>) src(%arg10 : memref<128x128xf32, #tpu.memory_space<vmem>>) dst(%dma_wait3A_310 : memref<10240x128xf32, #tpu.memory_space<vmem_shared>>)
        tpu.yield
      }) : () -> ()
      %add3A_291 = arith.constant 2 : i32
      %add3A_292 = arith.addi %add3A_284, %add3A_291 : i32
      %dma_start3A_293 = arith.constant 0 : i32
      %dma_start3A_294 = tpu.memref_slice %arg6[%add3A_292, %dma_start3A_293] : memref<32x128xi32, #tpu.memory_space<vmem>> -> memref<1x128xi32, #tpu.memory_space<vmem>>
      %dma_start3A_295 = tpu.memref_squeeze %dma_start3A_294 : memref<1x128xi32, #tpu.memory_space<vmem>> -> memref<128xi32, #tpu.memory_space<vmem>>
      %dma_start3A_296 = arith.constant 0 : i32
      %dma_start3A_297 = arith.constant 0 : i32
      %dma_start3A_298 = tpu.memref_slice %arg2[%dma_start3A_296, %dma_start3A_297] : memref<10000x128xf32, #tpu.memory_space<hbm>> -> memref<10000x128xf32, #tpu.memory_space<hbm>>
      tpu.enqueue_indirect_dma source(%dma_start3A_298 : memref<10000x128xf32, #tpu.memory_space<hbm>>) target(%arg10 : memref<128x128xf32, #tpu.memory_space<vmem>>) offsets(%dma_start3A_295 : memref<128xi32, #tpu.memory_space<vmem>>) semaphore(%arg12 : memref<!tpu.dma_semaphore, #tpu.memory_space<semaphore_mem>>)
    }
    %while3A_233 = arith.constant 1 : i32
    scf.for %while3A_262 = %while3A_231 to %while3A_227 step %while3A_233  : i32 {
      %mul3A_263 = arith.constant 2 : i32
      %mul3A_264 = arith.muli %while3A_262, %mul3A_263 : i32
      %add3A_265 = arith.constant 0 : i32
      %add3A_266 = arith.addi %mul3A_264, %add3A_265 : i32
      %dma_wait3A_267 = arith.constant 0 : i32
      %dma_wait3A_268 = tpu.memref_slice %arg6[%add3A_266, %dma_wait3A_267] : memref<32x128xi32, #tpu.memory_space<vmem>> -> memref<1x128xi32, #tpu.memory_space<vmem>>
      %dma_wait3A_269 = tpu.memref_squeeze %dma_wait3A_268 : memref<1x128xi32, #tpu.memory_space<vmem>> -> memref<128xi32, #tpu.memory_space<vmem>>
      %dma_wait3A_270 = arith.constant 0 : i32
      %dma_wait3A_271 = arith.constant 0 : i32
      %dma_wait3A_272 = tpu.memref_slice %arg2[%dma_wait3A_270, %dma_wait3A_271] : memref<10000x128xf32, #tpu.memory_space<hbm>> -> memref<10000x128xf32, #tpu.memory_space<hbm>>
      tpu.wait_indirect_dma semaphore(%arg11 : memref<!tpu.dma_semaphore, #tpu.memory_space<semaphore_mem>>) src(%dma_wait3A_272 : memref<10000x128xf32, #tpu.memory_space<hbm>>) dst(%arg9 : memref<128x128xf32, #tpu.memory_space<vmem>>)
      "tpu.region"() ({
        %run_scoped3A = tpu.sem_alloc : memref<!tpu.dma_semaphore, #tpu.memory_space<semaphore_mem>>
        %dma_start3A_299 = arith.constant 0 : i32
        %dma_start3A_300 = tpu.memref_slice %arg7[%add3A_266, %dma_start3A_299] : memref<32x128xi32, #tpu.memory_space<vmem>> -> memref<1x128xi32, #tpu.memory_space<vmem>>
        %dma_start3A_301 = tpu.memref_squeeze %dma_start3A_300 : memref<1x128xi32, #tpu.memory_space<vmem>> -> memref<128xi32, #tpu.memory_space<vmem>>
        %dma_start3A_302 = arith.constant 0 : i32
        %dma_start3A_303 = arith.constant 0 : i32
        %dma_start3A_304 = tpu.memref_slice %arg8[%dma_start3A_302, %dma_start3A_303] : memref<10240x128xf32, #tpu.memory_space<vmem_shared>> -> memref<10240x128xf32, #tpu.memory_space<vmem_shared>>
        tpu.enqueue_indirect_dma source(%arg9 : memref<128x128xf32, #tpu.memory_space<vmem>>) target(%dma_start3A_304 : memref<10240x128xf32, #tpu.memory_space<vmem_shared>>) offsets(%dma_start3A_301 : memref<128xi32, #tpu.memory_space<vmem>>) semaphore(%run_scoped3A : memref<!tpu.dma_semaphore, #tpu.memory_space<semaphore_mem>>) {add = true}
        %dma_wait3A_305 = arith.constant 0 : i32
        %dma_wait3A_306 = tpu.memref_slice %arg7[%add3A_266, %dma_wait3A_305] : memref<32x128xi32, #tpu.memory_space<vmem>> -> memref<1x128xi32, #tpu.memory_space<vmem>>
        %dma_wait3A_307 = tpu.memref_squeeze %dma_wait3A_306 : memref<1x128xi32, #tpu.memory_space<vmem>> -> memref<128xi32, #tpu.memory_space<vmem>>
        %dma_wait3A_308 = arith.constant 0 : i32
        %dma_wait3A_309 = arith.constant 0 : i32
        %dma_wait3A_310 = tpu.memref_slice %arg8[%dma_wait3A_308, %dma_wait3A_309] : memref<10240x128xf32, #tpu.memory_space<vmem_shared>> -> memref<10240x128xf32, #tpu.memory_space<vmem_shared>>
        tpu.wait_indirect_dma semaphore(%run_scoped3A : memref<!tpu.dma_semaphore, #tpu.memory_space<semaphore_mem>>) src(%arg9 : memref<128x128xf32, #tpu.memory_space<vmem>>) dst(%dma_wait3A_310 : memref<10240x128xf32, #tpu.memory_space<vmem_shared>>)
        tpu.yield
      }) : () -> ()
      %add3A_273 = arith.constant 2 : i32
      %add3A_274 = arith.addi %add3A_266, %add3A_273 : i32
      %dma_start3A_275 = arith.constant 0 : i32
      %dma_start3A_276 = tpu.memref_slice %arg6[%add3A_274, %dma_start3A_275] : memref<32x128xi32, #tpu.memory_space<vmem>> -> memref<1x128xi32, #tpu.memory_space<vmem>>
      %dma_start3A_277 = tpu.memref_squeeze %dma_start3A_276 : memref<1x128xi32, #tpu.memory_space<vmem>> -> memref<128xi32, #tpu.memory_space<vmem>>
      %dma_start3A_278 = arith.constant 0 : i32
      %dma_start3A_279 = arith.constant 0 : i32
      %dma_start3A_280 = tpu.memref_slice %arg2[%dma_start3A_278, %dma_start3A_279] : memref<10000x128xf32, #tpu.memory_space<hbm>> -> memref<10000x128xf32, #tpu.memory_space<hbm>>
      tpu.enqueue_indirect_dma source(%dma_start3A_280 : memref<10000x128xf32, #tpu.memory_space<hbm>>) target(%arg9 : memref<128x128xf32, #tpu.memory_space<vmem>>) offsets(%dma_start3A_277 : memref<128xi32, #tpu.memory_space<vmem>>) semaphore(%arg11 : memref<!tpu.dma_semaphore, #tpu.memory_space<semaphore_mem>>)
      %mul3A_281 = arith.constant 2 : i32
      %mul3A_282 = arith.muli %while3A_262, %mul3A_281 : i32
      %add3A_283 = arith.constant 1 : i32
      %add3A_284 = arith.addi %mul3A_282, %add3A_283 : i32
      %dma_wait3A_285 = arith.constant 0 : i32
      %dma_wait3A_286 = tpu.memref_slice %arg6[%add3A_284, %dma_wait3A_285] : memref<32x128xi32, #tpu.memory_space<vmem>> -> memref<1x128xi32, #tpu.memory_space<vmem>>
      %dma_wait3A_287 = tpu.memref_squeeze %dma_wait3A_286 : memref<1x128xi32, #tpu.memory_space<vmem>> -> memref<128xi32, #tpu.memory_space<vmem>>
      %dma_wait3A_288 = arith.constant 0 : i32
      %dma_wait3A_289 = arith.constant 0 : i32
      %dma_wait3A_290 = tpu.memref_slice %arg2[%dma_wait3A_288, %dma_wait3A_289] : memref<10000x128xf32, #tpu.memory_space<hbm>> -> memref<10000x128xf32, #tpu.memory_space<hbm>>
      tpu.wait_indirect_dma semaphore(%arg12 : memref<!tpu.dma_semaphore, #tpu.memory_space<semaphore_mem>>) src(%dma_wait3A_290 : memref<10000x128xf32, #tpu.memory_space<hbm>>) dst(%arg10 : memref<128x128xf32, #tpu.memory_space<vmem>>)
      "tpu.region"() ({
        %run_scoped3A = tpu.sem_alloc : memref<!tpu.dma_semaphore, #tpu.memory_space<semaphore_mem>>
        %dma_start3A_299 = arith.constant 0 : i32
        %dma_start3A_300 = tpu.memref_slice %arg7[%add3A_284, %dma_start3A_299] : memref<32x128xi32, #tpu.memory_space<vmem>> -> memref<1x128xi32, #tpu.memory_space<vmem>>
        %dma_start3A_301 = tpu.memref_squeeze %dma_start3A_300 : memref<1x128xi32, #tpu.memory_space<vmem>> -> memref<128xi32, #tpu.memory_space<vmem>>
        %dma_start3A_302 = arith.constant 0 : i32
        %dma_start3A_303 = arith.constant 0 : i32
        %dma_start3A_304 = tpu.memref_slice %arg8[%dma_start3A_302, %dma_start3A_303] : memref<10240x128xf32, #tpu.memory_space<vmem_shared>> -> memref<10240x128xf32, #tpu.memory_space<vmem_shared>>
        tpu.enqueue_indirect_dma source(%arg10 : memref<128x128xf32, #tpu.memory_space<vmem>>) target(%dma_start3A_304 : memref<10240x128xf32, #tpu.memory_space<vmem_shared>>) offsets(%dma_start3A_301 : memref<128xi32, #tpu.memory_space<vmem>>) semaphore(%run_scoped3A : memref<!tpu.dma_semaphore, #tpu.memory_space<semaphore_mem>>) {add = true}
        %dma_wait3A_305 = arith.constant 0 : i32
        %dma_wait3A_306 = tpu.memref_slice %arg7[%add3A_284, %dma_wait3A_305] : memref<32x128xi32, #tpu.memory_space<vmem>> -> memref<1x128xi32, #tpu.memory_space<vmem>>
        %dma_wait3A_307 = tpu.memref_squeeze %dma_wait3A_306 : memref<1x128xi32, #tpu.memory_space<vmem>> -> memref<128xi32, #tpu.memory_space<vmem>>
        %dma_wait3A_308 = arith.constant 0 : i32
        %dma_wait3A_309 = arith.constant 0 : i32
        %dma_wait3A_310 = tpu.memref_slice %arg8[%dma_wait3A_308, %dma_wait3A_309] : memref<10240x128xf32, #tpu.memory_space<vmem_shared>> -> memref<10240x128xf32, #tpu.memory_space<vmem_shared>>
        tpu.wait_indirect_dma semaphore(%run_scoped3A : memref<!tpu.dma_semaphore, #tpu.memory_space<semaphore_mem>>) src(%arg10 : memref<128x128xf32, #tpu.memory_space<vmem>>) dst(%dma_wait3A_310 : memref<10240x128xf32, #tpu.memory_space<vmem_shared>>)
        tpu.yield
      }) : () -> ()
      %add3A_291 = arith.constant 2 : i32
      %add3A_292 = arith.addi %add3A_284, %add3A_291 : i32
      %dma_start3A_293 = arith.constant 0 : i32
      %dma_start3A_294 = tpu.memref_slice %arg6[%add3A_292, %dma_start3A_293] : memref<32x128xi32, #tpu.memory_space<vmem>> -> memref<1x128xi32, #tpu.memory_space<vmem>>
      %dma_start3A_295 = tpu.memref_squeeze %dma_start3A_294 : memref<1x128xi32, #tpu.memory_space<vmem>> -> memref<128xi32, #tpu.memory_space<vmem>>
      %dma_start3A_296 = arith.constant 0 : i32
      %dma_start3A_297 = arith.constant 0 : i32
      %dma_start3A_298 = tpu.memref_slice %arg2[%dma_start3A_296, %dma_start3A_297] : memref<10000x128xf32, #tpu.memory_space<hbm>> -> memref<10000x128xf32, #tpu.memory_space<hbm>>
      tpu.enqueue_indirect_dma source(%dma_start3A_298 : memref<10000x128xf32, #tpu.memory_space<hbm>>) target(%arg10 : memref<128x128xf32, #tpu.memory_space<vmem>>) offsets(%dma_start3A_295 : memref<128xi32, #tpu.memory_space<vmem>>) semaphore(%arg12 : memref<!tpu.dma_semaphore, #tpu.memory_space<semaphore_mem>>)
    }
    %sub3A_234 = arith.constant 1 : i32
    %sub3A_235 = arith.subi %select_n3A_45, %sub3A_234 : i32
    %mul3A_236 = arith.constant 2 : i32
    %mul3A_237 = arith.muli %sub3A_235, %mul3A_236 : i32
    %add3A_238 = arith.constant 0 : i32
    %add3A_239 = arith.addi %mul3A_237, %add3A_238 : i32
    %dma_wait3A_240 = arith.constant 0 : i32
    %dma_wait3A_241 = tpu.memref_slice %arg6[%add3A_239, %dma_wait3A_240] : memref<32x128xi32, #tpu.memory_space<vmem>> -> memref<1x128xi32, #tpu.memory_space<vmem>>
    %dma_wait3A_242 = tpu.memref_squeeze %dma_wait3A_241 : memref<1x128xi32, #tpu.memory_space<vmem>> -> memref<128xi32, #tpu.memory_space<vmem>>
    %dma_wait3A_243 = arith.constant 0 : i32
    %dma_wait3A_244 = arith.constant 0 : i32
    %dma_wait3A_245 = tpu.memref_slice %arg2[%dma_wait3A_243, %dma_wait3A_244] : memref<10000x128xf32, #tpu.memory_space<hbm>> -> memref<10000x128xf32, #tpu.memory_space<hbm>>
    tpu.wait_indirect_dma semaphore(%arg11 : memref<!tpu.dma_semaphore, #tpu.memory_space<semaphore_mem>>) src(%dma_wait3A_245 : memref<10000x128xf32, #tpu.memory_space<hbm>>) dst(%arg9 : memref<128x128xf32, #tpu.memory_space<vmem>>)
    "tpu.region"() ({
      %run_scoped3A = tpu.sem_alloc : memref<!tpu.dma_semaphore, #tpu.memory_space<semaphore_mem>>
      %dma_start3A_262 = arith.constant 0 : i32
      %dma_start3A_263 = tpu.memref_slice %arg7[%add3A_239, %dma_start3A_262] : memref<32x128xi32, #tpu.memory_space<vmem>> -> memref<1x128xi32, #tpu.memory_space<vmem>>
      %dma_start3A_264 = tpu.memref_squeeze %dma_start3A_263 : memref<1x128xi32, #tpu.memory_space<vmem>> -> memref<128xi32, #tpu.memory_space<vmem>>
      %dma_start3A_265 = arith.constant 0 : i32
      %dma_start3A_266 = arith.constant 0 : i32
      %dma_start3A_267 = tpu.memref_slice %arg8[%dma_start3A_265, %dma_start3A_266] : memref<10240x128xf32, #tpu.memory_space<vmem_shared>> -> memref<10240x128xf32, #tpu.memory_space<vmem_shared>>
      tpu.enqueue_indirect_dma source(%arg9 : memref<128x128xf32, #tpu.memory_space<vmem>>) target(%dma_start3A_267 : memref<10240x128xf32, #tpu.memory_space<vmem_shared>>) offsets(%dma_start3A_264 : memref<128xi32, #tpu.memory_space<vmem>>) semaphore(%run_scoped3A : memref<!tpu.dma_semaphore, #tpu.memory_space<semaphore_mem>>) {add = true}
      %dma_wait3A_268 = arith.constant 0 : i32
      %dma_wait3A_269 = tpu.memref_slice %arg7[%add3A_239, %dma_wait3A_268] : memref<32x128xi32, #tpu.memory_space<vmem>> -> memref<1x128xi32, #tpu.memory_space<vmem>>
      %dma_wait3A_270 = tpu.memref_squeeze %dma_wait3A_269 : memref<1x128xi32, #tpu.memory_space<vmem>> -> memref<128xi32, #tpu.memory_space<vmem>>
      %dma_wait3A_271 = arith.constant 0 : i32
      %dma_wait3A_272 = arith.constant 0 : i32
      %dma_wait3A_273 = tpu.memref_slice %arg8[%dma_wait3A_271, %dma_wait3A_272] : memref<10240x128xf32, #tpu.memory_space<vmem_shared>> -> memref<10240x128xf32, #tpu.memory_space<vmem_shared>>
      tpu.wait_indirect_dma semaphore(%run_scoped3A : memref<!tpu.dma_semaphore, #tpu.memory_space<semaphore_mem>>) src(%arg9 : memref<128x128xf32, #tpu.memory_space<vmem>>) dst(%dma_wait3A_273 : memref<10240x128xf32, #tpu.memory_space<vmem_shared>>)
      tpu.yield
    }) : () -> ()
    %sub3A_246 = arith.constant 1 : i32
    %sub3A_247 = arith.subi %select_n3A_45, %sub3A_246 : i32
    %mul3A_248 = arith.constant 2 : i32
    %mul3A_249 = arith.muli %sub3A_247, %mul3A_248 : i32
    %add3A_250 = arith.constant 1 : i32
    %add3A_251 = arith.addi %mul3A_249, %add3A_250 : i32
    %dma_wait3A_252 = arith.constant 0 : i32
    %dma_wait3A_253 = tpu.memref_slice %arg6[%add3A_251, %dma_wait3A_252] : memref<32x128xi32, #tpu.memory_space<vmem>> -> memref<1x128xi32, #tpu.memory_space<vmem>>
    %dma_wait3A_254 = tpu.memref_squeeze %dma_wait3A_253 : memref<1x128xi32, #tpu.memory_space<vmem>> -> memref<128xi32, #tpu.memory_space<vmem>>
    %dma_wait3A_255 = arith.constant 0 : i32
    %dma_wait3A_256 = arith.constant 0 : i32
    %dma_wait3A_257 = tpu.memref_slice %arg2[%dma_wait3A_255, %dma_wait3A_256] : memref<10000x128xf32, #tpu.memory_space<hbm>> -> memref<10000x128xf32, #tpu.memory_space<hbm>>
    tpu.wait_indirect_dma semaphore(%arg12 : memref<!tpu.dma_semaphore, #tpu.memory_space<semaphore_mem>>) src(%dma_wait3A_257 : memref<10000x128xf32, #tpu.memory_space<hbm>>) dst(%arg10 : memref<128x128xf32, #tpu.memory_space<vmem>>)
    "tpu.region"() ({
      %run_scoped3A = tpu.sem_alloc : memref<!tpu.dma_semaphore, #tpu.memory_space<semaphore_mem>>
      %dma_start3A_262 = arith.constant 0 : i32
      %dma_start3A_263 = tpu.memref_slice %arg7[%add3A_251, %dma_start3A_262] : memref<32x128xi32, #tpu.memory_space<vmem>> -> memref<1x128xi32, #tpu.memory_space<vmem>>
      %dma_start3A_264 = tpu.memref_squeeze %dma_start3A_263 : memref<1x128xi32, #tpu.memory_space<vmem>> -> memref<128xi32, #tpu.memory_space<vmem>>
      %dma_start3A_265 = arith.constant 0 : i32
      %dma_start3A_266 = arith.constant 0 : i32
      %dma_start3A_267 = tpu.memref_slice %arg8[%dma_start3A_265, %dma_start3A_266] : memref<10240x128xf32, #tpu.memory_space<vmem_shared>> -> memref<10240x128xf32, #tpu.memory_space<vmem_shared>>
      tpu.enqueue_indirect_dma source(%arg10 : memref<128x128xf32, #tpu.memory_space<vmem>>) target(%dma_start3A_267 : memref<10240x128xf32, #tpu.memory_space<vmem_shared>>) offsets(%dma_start3A_264 : memref<128xi32, #tpu.memory_space<vmem>>) semaphore(%run_scoped3A : memref<!tpu.dma_semaphore, #tpu.memory_space<semaphore_mem>>) {add = true}
      %dma_wait3A_268 = arith.constant 0 : i32
      %dma_wait3A_269 = tpu.memref_slice %arg7[%add3A_251, %dma_wait3A_268] : memref<32x128xi32, #tpu.memory_space<vmem>> -> memref<1x128xi32, #tpu.memory_space<vmem>>
      %dma_wait3A_270 = tpu.memref_squeeze %dma_wait3A_269 : memref<1x128xi32, #tpu.memory_space<vmem>> -> memref<128xi32, #tpu.memory_space<vmem>>
      %dma_wait3A_271 = arith.constant 0 : i32
      %dma_wait3A_272 = arith.constant 0 : i32
      %dma_wait3A_273 = tpu.memref_slice %arg8[%dma_wait3A_271, %dma_wait3A_272] : memref<10240x128xf32, #tpu.memory_space<vmem_shared>> -> memref<10240x128xf32, #tpu.memory_space<vmem_shared>>
      tpu.wait_indirect_dma semaphore(%run_scoped3A : memref<!tpu.dma_semaphore, #tpu.memory_space<semaphore_mem>>) src(%arg10 : memref<128x128xf32, #tpu.memory_space<vmem>>) dst(%dma_wait3A_273 : memref<10240x128xf32, #tpu.memory_space<vmem_shared>>)
      tpu.yield
    }) : () -> ()
    %barrier3A_258 = arith.constant 0 : index
    tpu.barrier barrier_id(%barrier3A_258)
    %mul3A_259 = arith.constant 10240 : i32
    %mul3A_260 = arith.muli %arg0, %mul3A_259 : i32
    %add3A_261 = arith.addi %mul3A_260, %mul3A_6 : i32
    "tpu.region"() ({
      %run_scoped3A = tpu.sem_alloc : memref<!tpu.dma_semaphore, #tpu.memory_space<semaphore_mem>>
      %dma_start3A_262 = arith.constant 0 : i32
      %dma_start3A_263 = tpu.memref_slice %arg5[%add3A_261, %dma_start3A_262] : memref<20480x128xf32, #tpu.memory_space<hbm>> -> memref<640x128xf32, #tpu.memory_space<hbm>>
      %dma_start3A_264 = arith.constant 0 : i32
      %dma_start3A_265 = tpu.memref_slice %arg8[%mul3A_6, %dma_start3A_264] : memref<10240x128xf32, #tpu.memory_space<vmem_shared>> -> memref<640x128xf32, #tpu.memory_space<vmem_shared>>
      tpu.enqueue_dma source(%dma_start3A_265 : memref<640x128xf32, #tpu.memory_space<vmem_shared>>) target(%dma_start3A_263 : memref<640x128xf32, #tpu.memory_space<hbm>>) target_semaphore(%run_scoped3A : memref<!tpu.dma_semaphore, #tpu.memory_space<semaphore_mem>>)
      %dma_wait3A_266 = arith.constant 0 : i32
      %dma_wait3A_267 = tpu.memref_slice %arg5[%add3A_261, %dma_wait3A_266] : memref<20480x128xf32, #tpu.memory_space<hbm>> -> memref<640x128xf32, #tpu.memory_space<hbm>>
      %dma_wait3A_268 = arith.constant 0 : i32
      %dma_wait3A_269 = tpu.memref_slice %arg8[%mul3A_6, %dma_wait3A_268] : memref<10240x128xf32, #tpu.memory_space<vmem_shared>> -> memref<640x128xf32, #tpu.memory_space<vmem_shared>>
      tpu.wait_dma2 semaphore(%run_scoped3A : memref<!tpu.dma_semaphore, #tpu.memory_space<semaphore_mem>>) src(%dma_wait3A_269 : memref<640x128xf32, #tpu.memory_space<vmem_shared>>) dst(%dma_wait3A_267 : memref<640x128xf32, #tpu.memory_space<hbm>>)
      tpu.yield
    }) : () -> ()
    return
  }
}

module attributes {stable_mosaic.version = 14 : i64} {
  func.func @body(%arg0: i32, %arg1: memref<2x2000x128xf32, #tpu.memory_space<vmem>>, %arg2: memref<2x2000x128xf32, #tpu.memory_space<vmem>>, %arg3: memref<2000x128xf32, #tpu.memory_space<vmem>>, %arg4: memref<128x256xf32, #tpu.memory_space<vmem>>, %arg5: memref<1x256xf32, #tpu.memory_space<vmem>>, %arg6: memref<128x256xf32, #tpu.memory_space<vmem>>, %arg7: memref<256x128xf32, #tpu.memory_space<vmem>>, %arg8: memref<2000x256xf32, #tpu.memory_space<vmem>>, %arg9: memref<2000x128xf32, #tpu.memory_space<vmem>>) attributes {dimension_semantics = [#tpu.dimension_semantics<arbitrary>], iteration_bounds = array<i64: 5>, scalar_prefetch = 0 : i64, scratch_operands = 0 : i64, tpu.core_type = #tpu.core_type<tc>, window_params = [{transform_indices = @transform_0, window_bounds = array<i64: 2, 2000, 128>}, {transform_indices = @transform_1, window_bounds = array<i64: 2, 2000, 128>}, {transform_indices = @transform_2, window_bounds = array<i64: 2000, 128>}, {pipeline_mode = #tpu.pipeline_mode<synchronous>, transform_indices = @transform_3, window_bounds = array<i64: 128, 256>}, {pipeline_mode = #tpu.pipeline_mode<synchronous>, transform_indices = @transform_4, window_bounds = array<i64: 1, 256>}, {pipeline_mode = #tpu.pipeline_mode<synchronous>, transform_indices = @transform_5, window_bounds = array<i64: 128, 256>}, {pipeline_mode = #tpu.pipeline_mode<synchronous>, transform_indices = @transform_6, window_bounds = array<i64: 256, 128>}, {transform_indices = @transform_7, window_bounds = array<i64: 2000, 256>}, {transform_indices = @transform_8, window_bounds = array<i64: 2000, 128>}]} {
    %get3A = arith.constant 0 : index
    %get3A_0 = arith.constant 0 : index
    %get3A_1 = arith.constant 0 : index
    %get3A_2 = vector.load %arg1[%get3A, %get3A_0, %get3A_1] : memref<2x2000x128xf32, #tpu.memory_space<vmem>>, vector<1x2000x128xf32>
    %get3A_3 = vector.shape_cast %get3A_2 : vector<1x2000x128xf32> to vector<2000x128xf32>
    %get3A_4 = arith.constant 0 : index
    %get3A_5 = arith.constant 0 : index
    %get3A_6 = arith.constant 0 : index
    %get3A_7 = vector.load %arg2[%get3A_4, %get3A_5, %get3A_6] : memref<2x2000x128xf32, #tpu.memory_space<vmem>>, vector<1x2000x1xf32>
    %get3A_8 = vector.shape_cast %get3A_7 : vector<1x2000x1xf32> to vector<2000x1xf32>
    %get3A_9 = arith.constant 1 : index
    %get3A_10 = arith.constant 0 : index
    %get3A_11 = arith.constant 0 : index
    %get3A_12 = vector.load %arg1[%get3A_9, %get3A_10, %get3A_11] : memref<2x2000x128xf32, #tpu.memory_space<vmem>>, vector<1x2000x128xf32>
    %get3A_13 = vector.shape_cast %get3A_12 : vector<1x2000x128xf32> to vector<2000x128xf32>
    %add3A = arith.addf %get3A_3, %get3A_13 : vector<2000x128xf32>
    %get3A_14 = arith.constant 1 : index
    %get3A_15 = arith.constant 0 : index
    %get3A_16 = arith.constant 0 : index
    %get3A_17 = vector.load %arg2[%get3A_14, %get3A_15, %get3A_16] : memref<2x2000x128xf32, #tpu.memory_space<vmem>>, vector<1x2000x1xf32>
    %get3A_18 = vector.shape_cast %get3A_17 : vector<1x2000x1xf32> to vector<2000x1xf32>
    %add3A_19 = arith.addf %get3A_8, %get3A_18 : vector<2000x1xf32>
    %max3A = arith.constant 1.000000e+00 : f32
    %max3A_20 = vector.broadcast %max3A : f32 to vector<2000x1xf32>
    %max3A_21 = arith.maximumf %add3A_19, %max3A_20 : vector<2000x1xf32>
    %div3A = vector.broadcast %max3A_21 : vector<2000x1xf32> to vector<2000x128xf32>
    %div3A_22 = arith.divf %add3A, %div3A : vector<2000x128xf32>
    %get3A_23 = arith.constant 0 : index
    %get3A_24 = arith.constant 0 : index
    %get3A_25 = vector.load %arg4[%get3A_23, %get3A_24] : memref<128x256xf32, #tpu.memory_space<vmem>>, vector<128x256xf32>
    %dot_general3A = arith.constant dense<0.000000e+00> : vector<2000x256xf32>
    %dot_general3A_26 = tpu.matmul %div3A_22, %get3A_25, %dot_general3A {dimension_numbers = #tpu.dot_dimension_numbers<[1], [0], [0], [1], [0, 0, 1, 1], [], []>, transpose_lhs_hint = false} : vector<2000x128xf32>, vector<128x256xf32>, vector<2000x256xf32> -> vector<2000x256xf32>
    %get3A_27 = arith.constant 0 : index
    %get3A_28 = arith.constant 0 : index
    %get3A_29 = vector.load %arg5[%get3A_27, %get3A_28] : memref<1x256xf32, #tpu.memory_space<vmem>>, vector<1x256xf32>
    %add3A_30 = vector.broadcast %get3A_29 : vector<1x256xf32> to vector<2000x256xf32>
    %add3A_31 = arith.addf %dot_general3A_26, %add3A_30 : vector<2000x256xf32>
    %get3A_32 = arith.constant 0 : index
    %get3A_33 = arith.constant 0 : index
    %get3A_34 = vector.load %arg3[%get3A_32, %get3A_33] : memref<2000x128xf32, #tpu.memory_space<vmem>>, vector<2000x128xf32>
    %get3A_35 = arith.constant 0 : index
    %get3A_36 = arith.constant 0 : index
    %get3A_37 = vector.load %arg6[%get3A_35, %get3A_36] : memref<128x256xf32, #tpu.memory_space<vmem>>, vector<128x256xf32>
    %dot_general3A_38 = arith.constant dense<0.000000e+00> : vector<2000x256xf32>
    %dot_general3A_39 = tpu.matmul %get3A_34, %get3A_37, %dot_general3A_38 {dimension_numbers = #tpu.dot_dimension_numbers<[1], [0], [0], [1], [0, 0, 1, 1], [], []>, transpose_lhs_hint = false} : vector<2000x128xf32>, vector<128x256xf32>, vector<2000x256xf32> -> vector<2000x256xf32>
    %add3A_40 = arith.addf %add3A_31, %dot_general3A_39 : vector<2000x256xf32>
    %mul3A = arith.mulf %add3A_40, %add3A_40 : vector<2000x256xf32>
    %reduce_sum3A = arith.constant dense<0.000000e+00> : vector<2000xf32>
    %reduce_sum3A_41 = vector.multi_reduction <add>, %mul3A, %reduce_sum3A [1] : vector<2000x256xf32> to vector<2000xf32>
    %broadcast_in_dim3A = vector.shape_cast %reduce_sum3A_41 : vector<2000xf32> to vector<2000x1xf32>
    %sqrt3A = math.sqrt %broadcast_in_dim3A : vector<2000x1xf32>
    %max3A_42 = arith.constant 9.99999996E-13 : f32
    %max3A_43 = vector.broadcast %max3A_42 : f32 to vector<2000x1xf32>
    %max3A_44 = arith.maximumf %sqrt3A, %max3A_43 : vector<2000x1xf32>
    %div3A_45 = vector.broadcast %max3A_44 : vector<2000x1xf32> to vector<2000x256xf32>
    %div3A_46 = arith.divf %add3A_40, %div3A_45 : vector<2000x256xf32>
    %max3A_47 = arith.constant 0.000000e+00 : f32
    %max3A_48 = vector.broadcast %max3A_47 : f32 to vector<2000x256xf32>
    %max3A_49 = arith.maximumf %div3A_46, %max3A_48 : vector<2000x256xf32>
    %swap3A = arith.constant 0 : index
    %swap3A_50 = arith.constant 0 : index
    %swap3A_51 = vector.load %arg8[%swap3A, %swap3A_50] : memref<2000x256xf32, #tpu.memory_space<vmem>>, vector<2000x256xf32>
    tpu.vector_store %arg8[%swap3A, %swap3A_50], %max3A_49 {strides = array<i32>} : memref<2000x256xf32, #tpu.memory_space<vmem>>, vector<2000x256xf32>,
    %get3A_52 = arith.constant 0 : index
    %get3A_53 = arith.constant 0 : index
    %get3A_54 = vector.load %arg7[%get3A_52, %get3A_53] : memref<256x128xf32, #tpu.memory_space<vmem>>, vector<256x128xf32>
    %dot_general3A_55 = arith.constant dense<0.000000e+00> : vector<2000x128xf32>
    %dot_general3A_56 = tpu.matmul %max3A_49, %get3A_54, %dot_general3A_55 {dimension_numbers = #tpu.dot_dimension_numbers<[1], [0], [0], [1], [0, 0, 1, 1], [], []>, transpose_lhs_hint = false} : vector<2000x256xf32>, vector<256x128xf32>, vector<2000x128xf32> -> vector<2000x128xf32>
    %swap3A_57 = arith.constant 0 : index
    %swap3A_58 = arith.constant 0 : index
    %swap3A_59 = vector.load %arg9[%swap3A_57, %swap3A_58] : memref<2000x128xf32, #tpu.memory_space<vmem>>, vector<2000x128xf32>
    tpu.vector_store %arg9[%swap3A_57, %swap3A_58], %dot_general3A_56 {strides = array<i32>} : memref<2000x128xf32, #tpu.memory_space<vmem>>, vector<2000x128xf32>,
    return
  }
  func.func @transform_0(%arg0: i32) -> (i32, i32, i32) {
    %c0_i32 = arith.constant 0 : i32
    %c0_i32_0 = arith.constant 0 : i32
    %c0_i32_1 = arith.constant 0 : i32
    return %c0_i32, %arg0, %c0_i32_0 : i32, i32, i32
  }
  func.func @transform_1(%arg0: i32) -> (i32, i32, i32) {
    %c0_i32 = arith.constant 0 : i32
    %c0_i32_0 = arith.constant 0 : i32
    %c0_i32_1 = arith.constant 0 : i32
    return %c0_i32, %arg0, %c0_i32_0 : i32, i32, i32
  }
  func.func @transform_2(%arg0: i32) -> (i32, i32) {
    %c0_i32 = arith.constant 0 : i32
    %c0_i32_0 = arith.constant 0 : i32
    return %arg0, %c0_i32 : i32, i32
  }
  func.func @transform_3(%arg0: i32) -> (i32, i32) {
    %c0_i32 = arith.constant 0 : i32
    %c0_i32_0 = arith.constant 0 : i32
    %c0_i32_1 = arith.constant 0 : i32
    return %c0_i32, %c0_i32_0 : i32, i32
  }
  func.func @transform_4(%arg0: i32) -> (i32, i32) {
    %c0_i32 = arith.constant 0 : i32
    %c0_i32_0 = arith.constant 0 : i32
    %c0_i32_1 = arith.constant 0 : i32
    return %c0_i32, %c0_i32_0 : i32, i32
  }
  func.func @transform_5(%arg0: i32) -> (i32, i32) {
    %c0_i32 = arith.constant 0 : i32
    %c0_i32_0 = arith.constant 0 : i32
    %c0_i32_1 = arith.constant 0 : i32
    return %c0_i32, %c0_i32_0 : i32, i32
  }
  func.func @transform_6(%arg0: i32) -> (i32, i32) {
    %c0_i32 = arith.constant 0 : i32
    %c0_i32_0 = arith.constant 0 : i32
    %c0_i32_1 = arith.constant 0 : i32
    return %c0_i32, %c0_i32_0 : i32, i32
  }
  func.func @transform_7(%arg0: i32) -> (i32, i32) {
    %c0_i32 = arith.constant 0 : i32
    %c0_i32_0 = arith.constant 0 : i32
    return %arg0, %c0_i32 : i32, i32
  }
  func.func @transform_8(%arg0: i32) -> (i32, i32) {
    %c0_i32 = arith.constant 0 : i32
    %c0_i32_0 = arith.constant 0 : i32
    return %arg0, %c0_i32 : i32, i32
  }
}

module attributes {stable_mosaic.version = 14 : i64} {
  func.func @body(%arg0: i32, %arg1: memref<2x2000x128xf32, #tpu.memory_space<vmem>>, %arg2: memref<2x2000x128xf32, #tpu.memory_space<vmem>>, %arg3: memref<2000x256xf32, #tpu.memory_space<vmem>>, %arg4: memref<256x128xf32, #tpu.memory_space<vmem>>, %arg5: memref<1x128xf32, #tpu.memory_space<vmem>>, %arg6: memref<2000x128xf32, #tpu.memory_space<vmem>>) attributes {dimension_semantics = [#tpu.dimension_semantics<arbitrary>], iteration_bounds = array<i64: 5>, scalar_prefetch = 0 : i64, scratch_operands = 0 : i64, tpu.core_type = #tpu.core_type<tc>, window_params = [{transform_indices = @transform_0, window_bounds = array<i64: 2, 2000, 128>}, {transform_indices = @transform_1, window_bounds = array<i64: 2, 2000, 128>}, {transform_indices = @transform_2, window_bounds = array<i64: 2000, 256>}, {pipeline_mode = #tpu.pipeline_mode<synchronous>, transform_indices = @transform_3, window_bounds = array<i64: 256, 128>}, {pipeline_mode = #tpu.pipeline_mode<synchronous>, transform_indices = @transform_4, window_bounds = array<i64: 1, 128>}, {transform_indices = @transform_5, window_bounds = array<i64: 2000, 128>}]} {
    %get3A = arith.constant 0 : index
    %get3A_0 = arith.constant 0 : index
    %get3A_1 = arith.constant 0 : index
    %get3A_2 = vector.load %arg1[%get3A, %get3A_0, %get3A_1] : memref<2x2000x128xf32, #tpu.memory_space<vmem>>, vector<1x2000x128xf32>
    %get3A_3 = vector.shape_cast %get3A_2 : vector<1x2000x128xf32> to vector<2000x128xf32>
    %get3A_4 = arith.constant 0 : index
    %get3A_5 = arith.constant 0 : index
    %get3A_6 = arith.constant 0 : index
    %get3A_7 = vector.load %arg2[%get3A_4, %get3A_5, %get3A_6] : memref<2x2000x128xf32, #tpu.memory_space<vmem>>, vector<1x2000x1xf32>
    %get3A_8 = vector.shape_cast %get3A_7 : vector<1x2000x1xf32> to vector<2000x1xf32>
    %get3A_9 = arith.constant 1 : index
    %get3A_10 = arith.constant 0 : index
    %get3A_11 = arith.constant 0 : index
    %get3A_12 = vector.load %arg1[%get3A_9, %get3A_10, %get3A_11] : memref<2x2000x128xf32, #tpu.memory_space<vmem>>, vector<1x2000x128xf32>
    %get3A_13 = vector.shape_cast %get3A_12 : vector<1x2000x128xf32> to vector<2000x128xf32>
    %add3A = arith.addf %get3A_3, %get3A_13 : vector<2000x128xf32>
    %get3A_14 = arith.constant 1 : index
    %get3A_15 = arith.constant 0 : index
    %get3A_16 = arith.constant 0 : index
    %get3A_17 = vector.load %arg2[%get3A_14, %get3A_15, %get3A_16] : memref<2x2000x128xf32, #tpu.memory_space<vmem>>, vector<1x2000x1xf32>
    %get3A_18 = vector.shape_cast %get3A_17 : vector<1x2000x1xf32> to vector<2000x1xf32>
    %add3A_19 = arith.addf %get3A_8, %get3A_18 : vector<2000x1xf32>
    %max3A = arith.constant 1.000000e+00 : f32
    %max3A_20 = vector.broadcast %max3A : f32 to vector<2000x1xf32>
    %max3A_21 = arith.maximumf %add3A_19, %max3A_20 : vector<2000x1xf32>
    %div3A = vector.broadcast %max3A_21 : vector<2000x1xf32> to vector<2000x128xf32>
    %div3A_22 = arith.divf %add3A, %div3A : vector<2000x128xf32>
    %get3A_23 = arith.constant 0 : index
    %get3A_24 = arith.constant 0 : index
    %get3A_25 = vector.load %arg5[%get3A_23, %get3A_24] : memref<1x128xf32, #tpu.memory_space<vmem>>, vector<1x128xf32>
    %add3A_26 = vector.broadcast %get3A_25 : vector<1x128xf32> to vector<2000x128xf32>
    %add3A_27 = arith.addf %div3A_22, %add3A_26 : vector<2000x128xf32>
    %get3A_28 = arith.constant 0 : index
    %get3A_29 = arith.constant 0 : index
    %get3A_30 = vector.load %arg3[%get3A_28, %get3A_29] : memref<2000x256xf32, #tpu.memory_space<vmem>>, vector<2000x256xf32>
    %get3A_31 = arith.constant 0 : index
    %get3A_32 = arith.constant 0 : index
    %get3A_33 = vector.load %arg4[%get3A_31, %get3A_32] : memref<256x128xf32, #tpu.memory_space<vmem>>, vector<256x128xf32>
    %dot_general3A = arith.constant dense<0.000000e+00> : vector<2000x128xf32>
    %dot_general3A_34 = tpu.matmul %get3A_30, %get3A_33, %dot_general3A {dimension_numbers = #tpu.dot_dimension_numbers<[1], [0], [0], [1], [0, 0, 1, 1], [], []>, transpose_lhs_hint = false} : vector<2000x256xf32>, vector<256x128xf32>, vector<2000x128xf32> -> vector<2000x128xf32>
    %add3A_35 = arith.addf %add3A_27, %dot_general3A_34 : vector<2000x128xf32>
    %mul3A = arith.mulf %add3A_35, %add3A_35 : vector<2000x128xf32>
    %reduce_sum3A = arith.constant dense<0.000000e+00> : vector<2000xf32>
    %reduce_sum3A_36 = vector.multi_reduction <add>, %mul3A, %reduce_sum3A [1] : vector<2000x128xf32> to vector<2000xf32>
    %broadcast_in_dim3A = vector.shape_cast %reduce_sum3A_36 : vector<2000xf32> to vector<2000x1xf32>
    %sqrt3A = math.sqrt %broadcast_in_dim3A : vector<2000x1xf32>
    %max3A_37 = arith.constant 9.99999996E-13 : f32
    %max3A_38 = vector.broadcast %max3A_37 : f32 to vector<2000x1xf32>
    %max3A_39 = arith.maximumf %sqrt3A, %max3A_38 : vector<2000x1xf32>
    %div3A_40 = vector.broadcast %max3A_39 : vector<2000x1xf32> to vector<2000x128xf32>
    %div3A_41 = arith.divf %add3A_35, %div3A_40 : vector<2000x128xf32>
    %swap3A = arith.constant 0 : index
    %swap3A_42 = arith.constant 0 : index
    %swap3A_43 = vector.load %arg6[%swap3A, %swap3A_42] : memref<2000x128xf32, #tpu.memory_space<vmem>>, vector<2000x128xf32>
    tpu.vector_store %arg6[%swap3A, %swap3A_42], %div3A_41 {strides = array<i32>} : memref<2000x128xf32, #tpu.memory_space<vmem>>, vector<2000x128xf32>,
    return
  }
  func.func @transform_0(%arg0: i32) -> (i32, i32, i32) {
    %c0_i32 = arith.constant 0 : i32
    %c0_i32_0 = arith.constant 0 : i32
    %c0_i32_1 = arith.constant 0 : i32
    return %c0_i32, %arg0, %c0_i32_0 : i32, i32, i32
  }
  func.func @transform_1(%arg0: i32) -> (i32, i32, i32) {
    %c0_i32 = arith.constant 0 : i32
    %c0_i32_0 = arith.constant 0 : i32
    %c0_i32_1 = arith.constant 0 : i32
    return %c0_i32, %arg0, %c0_i32_0 : i32, i32, i32
  }
  func.func @transform_2(%arg0: i32) -> (i32, i32) {
    %c0_i32 = arith.constant 0 : i32
    %c0_i32_0 = arith.constant 0 : i32
    return %arg0, %c0_i32 : i32, i32
  }
  func.func @transform_3(%arg0: i32) -> (i32, i32) {
    %c0_i32 = arith.constant 0 : i32
    %c0_i32_0 = arith.constant 0 : i32
    %c0_i32_1 = arith.constant 0 : i32
    return %c0_i32, %c0_i32_0 : i32, i32
  }
  func.func @transform_4(%arg0: i32) -> (i32, i32) {
    %c0_i32 = arith.constant 0 : i32
    %c0_i32_0 = arith.constant 0 : i32
    %c0_i32_1 = arith.constant 0 : i32
    return %c0_i32, %c0_i32_0 : i32, i32
  }
  func.func @transform_5(%arg0: i32) -> (i32, i32) {
    %c0_i32 = arith.constant 0 : i32
    %c0_i32_0 = arith.constant 0 : i32
    return %arg0, %c0_i32 : i32, i32
  }
}

</mosaic_0001>

<sc_bundles>
// kernel: kernel.10.cloned.1.call-start
scs
__scs_entry_jumppad:
0x0: {  	(pc) =	sbr.rel $0x88, $3  }
0x1: {  	(tag) =	ssettag $0x0;
	lr =	simm.s32 $0x1  }
0x2: {  	[smem:$0x3F99] =	sst lr;
	_ =	strace $0xD0000000  }
0x3: {  	_ = 	snop  }
0x4: {  	_ = 	snop  }
0x5: {  	_ = 	snop  }
0x6: {  	_ = 	snop  }
0x7: {  	_ = 	snop  }
__scs_overlays_trampoline_lowered:
0x8: {  	[smem:$0x3FA8] =	sst s0  }
0x9: {  	[smem:$0x3FA9] =	sst s1  }
0xa: {  	[smem:$0x3FAA] =	sst s2  }
0xb: {  	[smem:$0x3FAB] =	sst s3  }
0xc: {  	[smem:$0x3FAC] =	sst s4  }
0xd: {  	[smem:$0x3FAD] =	sst s5  }
0xe: {  	[smem:$0x3FAE] =	sst s6  }
0xf: {  	[smem:$0x3FAF] =	sst s7  }
0x10: {  	[smem:$0x3FB0] =	sst s8  }
0x11: {  	[smem:$0x3FB1] =	sst s9;
	s0 =	simm.s32 @!p0 $0x0  }
0x12: {  	s1 =	sld [smem:$0x3F97];
	s0 =	simm.s32 @p0 $0x1  }
0x13: {  	[smem:$0x3FB2] =	sst s0;
	s0 =	simm.s32 @!p1 $0x0  }
0x14: {  	s2 =	sld [smem:$0x3F96];
	s0 =	simm.s32 @p1 $0x1  }
0x15: {  	[smem:$0x3FB3] =	sst s0;
	s0 =	simm.s32 @!p2 $0x0  }
0x16: {  	s3 =	sld [smem:$0x3FDB];
	s0 =	simm.s32 @p2 $0x1  }
0x17: {  	s4 =	simm.s32 $0x1BF5;
	[smem:$0x3FB5] =	sst s0  }
0x18: {  	s0 =	sld [smem:$0x3F98];
	_ =	swait.ge [sflag:s4], $0x0  }
0x19: {  	s7 =	sld [smem:$0x3F99]  }
0x1a: {  	s8 =	sadd.s32 $0xFFFFE003, lr  }
0x1b: {  	s9 =	sadd.s32 $0xFFFFFEF7, lr;
	s5 =	simm.s32 $0xFFFFFFFF;
	p2 =	slt.u32 s8, $0xFFFFF086  }
0x1c: {  	p1 =	slt.u32 s9, $0xF7A;
	s5 =	simm.s32 @!p2 $0x0  }
0x1d: {  	s5 =	simm.s32 @p1 $0x1;
	p0 =	seq.s32 s7, s2  }
0x1e: {  	s7 =	smul.u32 @!p0 $0xF7A, s2;
	p2 =	seq.s32 @!p0 s5, $0x0  }
0x1f: {  	s9 =	smul.u32 $0xF7A, s1;
	s8 =	simm.s32 @!p0 $0x1BF5;
	p2 =	por !p2, p0  }
0x20: {  	[sflag:s8] =	ssyncset.s32 @!p0 $0xFFFFF086;
	s6 =	sadd.s32 @!p0 s3, s7;
	s7 =	simm.s32 @!p0 $0x108  }
0x21: {  	s3 =	sadd.s32 s3, s9;
	s6 =	sadd.s32 @!p0 $0x88, s6;
	s7 =	simm.s32 @p2 $0x1082  }
0x22: {  	[simem:s7], [sflag:s8] =	dma.local @!p0 [hbm:s6], $0xF7A  }
0x23: {  	s9 =	sor.u32 $0xD0000000, s2;
	s6 =	simm.s32 $0x108;
	_ =	swait.ge @!p0 [sflag:s8], $0x0  }
0x24: {  	s3 =	sadd.s32 $0x88, s3;
	s6 =	simm.s32 @!p1 $0x1082;
	[sflag:s4] =	ssyncset.s32 $0xFFFFF086  }
0x25: {  	[simem:s6], [sflag:s4] =	dma.local [hbm:s3], $0xF7A  }
0x26: {  	[smem:$0x3F99] =	sst s1;
	(tag) =	ssettag s2;
	_ =	strace s9  }
0x27: {  	s1 =	sld [smem:$0x3FA9]  }
0x28: {  	s2 =	sld [smem:$0x3FAA]  }
0x29: {  	s4 =	sld [smem:$0x3FAC]  }
0x2a: {  	p0 =	seq.s32 s5, $0x0;
	s5 =	sld [smem:$0x3FAD]  }
0x2b: {  	s6 =	sld [smem:$0x3FAE]  }
0x2c: {  	s7 =	sld [smem:$0x3FAF]  }
0x2d: {  	s3 =	simm.s32 $0x108;
	s8 =	sld [smem:$0x3FB0]  }
0x2e: {  	s3 =	simm.s32 @!p0 $0x1082;
	s9 =	sld [smem:$0x3FB1]  }
0x2f: {  	lr =	sadd.s32 s0, s3;
	s0 =	sld [smem:$0x3FA8]  }
0x30: {  	s3 =	sld [smem:$0x3FAB]  }
0x31: {  	[smem:$0x3FB4] =	sst s10  }
0x32: {  	s10 =	sld [smem:$0x3FB2];
	_ =	sdelay $0x3  }
0x33: {  	p0 =	seq.s32 s10, $0x1;
	s10 =	sld [smem:$0x3FB4];
	_ =	sdelay $0x3  }
0x34: {  	[smem:$0x3FB4] =	sst s10  }
0x35: {  	s10 =	sld [smem:$0x3FB3];
	_ =	sdelay $0x3  }
0x36: {  	p1 =	seq.s32 s10, $0x1;
	s10 =	sld [smem:$0x3FB4];
	_ =	sdelay $0x3  }
0x37: {  	[smem:$0x3FB4] =	sst s10  }
0x38: {  	s10 =	sld [smem:$0x3FB5]  }
0x39: {  	_ = 	snop;
	(pc) =	sbr.ind lr, $3  }
0x3a: {  	_ = 	snop  }
0x3b: {  	_ = 	snop  }
0x3c: {  	p2 =	seq.s32 s10, $0x1;
	s10 =	sld [smem:$0x3FB4]  }
0x3d: {  	_ =	shalt  }
0x3e: {  	_ =	shalt  }
0x3f: {  	_ =	shalt  }
0x40: {  	_ =	shalt  }
0x41: {  	_ =	shalt  }
0x42: {  	_ =	shalt  }
0x43: {  	_ =	shalt  }
0x44: {  	_ =	shalt  }
0x45: {  	_ =	shalt  }
0x46: {  	_ =	shalt  }
0x47: {  	_ =	shalt  }
0x48: {  	_ =	shalt  }
0x49: {  	_ =	shalt  }
0x4a: {  	_ =	shalt  }
0x4b: {  	_ =	shalt  }
0x4c: {  	_ =	shalt  }
0x4d: {  	_ =	shalt  }
0x4e: {  	_ =	shalt  }
0x4f: {  	_ =	shalt  }
0x50: {  	_ =	shalt  }
0x51: {  	_ =	shalt  }
0x52: {  	_ =	shalt  }
0x53: {  	_ =	shalt  }
0x54: {  	_ =	shalt  }
0x55: {  	_ =	shalt  }
0x56: {  	_ =	shalt  }
0x57: {  	_ =	shalt  }
0x58: {  	_ =	shalt  }
0x59: {  	_ =	shalt  }
0x5a: {  	_ =	shalt  }
0x5b: {  	_ =	shalt  }
0x5c: {  	_ =	shalt  }
0x5d: {  	_ =	shalt  }
0x5e: {  	_ =	shalt  }
0x5f: {  	_ =	shalt  }
0x60: {  	_ =	shalt  }
0x61: {  	_ =	shalt  }
0x62: {  	_ =	shalt  }
0x63: {  	_ =	shalt  }
0x64: {  	_ =	shalt  }
0x65: {  	_ =	shalt  }
0x66: {  	_ =	shalt  }
0x67: {  	_ =	shalt  }
0x68: {  	_ =	shalt  }
0x69: {  	_ =	shalt  }
0x6a: {  	_ =	shalt  }
0x6b: {  	_ =	shalt  }
0x6c: {  	_ =	shalt  }
0x6d: {  	_ =	shalt  }
0x6e: {  	_ =	shalt  }
0x6f: {  	_ =	shalt  }
0x70: {  	_ =	shalt  }
0x71: {  	_ =	shalt  }
0x72: {  	_ =	shalt  }
0x73: {  	_ =	shalt  }
0x74: {  	_ =	shalt  }
0x75: {  	_ =	shalt  }
0x76: {  	_ =	shalt  }
0x77: {  	_ =	shalt  }
0x78: {  	_ =	shalt  }
0x79: {  	_ =	shalt  }
0x7a: {  	_ =	shalt  }
0x7b: {  	_ =	shalt  }
0x7c: {  	_ =	shalt  }
0x7d: {  	_ =	shalt  }
0x7e: {  	_ =	shalt  }
0x7f: {  	_ =	shalt  }
0x80: {  	_ =	shalt  }
0x81: {  	_ =	shalt  }
0x82: {  	_ =	shalt  }
0x83: {  	_ =	shalt  }
0x84: {  	_ =	shalt  }
0x85: {  	_ =	shalt  }
0x86: {  	_ =	shalt  }
0x87: {  	_ =	shalt  }
.Lfunc_end0:
.L_simem_size_0:
called_computation.1_lowered:
.L_overlay_start_0:
0x88: {  	s2 =	sld [smem:$0x3FD9]  }
0x89: {  	s3 =	sld [smem:$0x3FFE];
	_ =	sdelay $0x1  }
0x8a: {  	s1 =	srdreg.scid  }
0x8b: {  	s0 =	sand.u32 $0x1, s1  }
0x8c: {  	s17 =	sshll.u32 s0, $0xA;
	s2 =	sadd.s32 s3, s2  }
0x8d: {  	s2 =	sadd.s32 s2, s17  }
0x8e: {  	[smem:$0x3FC0] =	sst s2  }
0x8f: {  	_ = 	snop  }
0x90: {  	s2 =	sld [smem:$0x3FC9];
	(tm) =	ssettm $0x1  }
0x91: {  	s18 =	sld [smem:$0x3FFB];
	_ =	sdelay $0x3  }
0x92: {  	_ =	strace s18  }
0x93: {  	s3 =	sld [smem:$0x3FFC];
	_ =	sdelay $0x3  }
0x94: {  	_ =	strace s3  }
0x95: {  	s3 =	sld [smem:$0x3FFD];
	_ =	sdelay $0x3  }
0x96: {  	_ =	strace s3  }
0x97: {  	_ =	strace $0x8FFFFFFF  }
0x98: {  	s19 =	sld [smem:$0x3FDB];
	_ =	sdelay $0x1  }
0x99: {  	s4 =	simm.s32 $_scs_section_size  }
0x9a: {  	s5 =	simm.s32 $_size__tile_overlayer_lowered;
	s6 =	simm.s32 $_tile_overlayer_lowered  }
0x9b: {  	s22 =	simm.s32 $0x1BFF;
	s21 =	sshll.u32 s6, $0x1;
	s3 =	sadd.s32 s4, s19  }
0x9c: {  	s7 =	simm.s32 $0x0;
	s20 =	sshll.u32 s5, $0x1;
	s5 =	sadd.s32 s21, s3  }
0x9d: {  	[timem:s7], [sflag:s22] =	dma.local [hbm:s5], s20  }
0x9e: {  	_ =	swait.ge [sflag:s22], s20  }
0x9f: {  	s4 =	ssub.s32 $0x0, s20;
	[sflag:s22] =	ssyncset.done $0x0  }
0xa0: {  	[sflag:s22] =	ssyncadd.s32 s4;
	_ =	sdelay $0x1  }
0xa1: {  	s23 =	simm.s32 $0x1B8B  }
0xa2: {  	_ =	swait.ge [sflag:s23], $0x1  }
0xa3: {  	[sflag:s23] =	ssyncset.done $0x0  }
0xa4: {  	s25 =	simm.s32 $0x1B8E;
	s24 =	sld [smem:$0x3FFE];
	[sflag:s23] =	ssyncadd.s32 $0xFFFFFFFF  }
0xa5: {  	s26 =	simm.s32 $execute0_lowered;
	[smem:$0x3FD2] =	sst s25  }
0xa6: {  	s5 =	sshll.u32 s26, $0x1;
	_ =	strace $0x80000046;
	[dreg:$0x1] =	wrdreg $0xFFFFFFFF  }
0xa7: {  	s28 =	simm.s32 $_size_execute0_lowered;
	s3 =	sadd.s32 s3, s5;
	[dreg:$0x0] =	wrdreg $0x0  }
0xa8: {  	s5 =	sshll.u32 s28, $0x1;
	[dreg:$0x2] =	wrdreg s3  }
0xa9: {  	[dreg:$0x3] =	wrdreg s5  }
0xaa: {  	[dreg:$0x4] =	wrdreg $0xC0  }
0xab: {  	_ =	task [dreg:s7], $0x5FFFF  }
0xac: {  	[dreg:$0x1] =	wrdreg $0xFFFFFFFF  }
0xad: {  	[dreg:$0x0] =	wrdreg $0x60  }
0xae: {  	[dreg:$0x2] =	wrdreg s2  }
0xaf: {  	[dreg:$0x3] =	wrdreg s24  }
0xb0: {  	[dreg:$0x4] =	wrdreg $0x20000  }
0xb1: {  	[dreg:$0x5] =	wrdreg $0xA  }
0xb2: {  	_ =	task.clear_ibuf [dreg:s7], $0x6FFFF;
	_ =	strace $0x90000046  }
0xb3: {  	s29 =	simm.s32 $0xA;
	_ =	strace $0x80000048  }
0xb4: {  	_ =	swait.ge [sflag:s29], $0x1  }
0xb5: {  	[sflag:s29] =	ssyncadd.s32 $0xFFFFFFFF  }
0xb6: {  	_ =	strace $0x90000048  }
0xb7: {  	_ =	sfence  }
0xb8: {  	s30 =	sld [smem:$0x0];
	_ =	sdelay $0x2  }
0xb9: {  	s31 =	sshll.u32 s1, $0xD;
	s1 =	sshrl.u32 s1, $0x2  }
0xba: {  	s3 =	sand.u32 $0x4000, s31;
	s1 =	sadd.s32 s1, s30  }
0xbb: {  	s0 =	sor.u32 s3, s0;
	s1 =	sshll.u32 s1, $0x11  }
0xbc: {  	s0 =	sor.u32 s1, s0  }
0xbd: {  	s0 =	sadd.s32 $0x8F2B, s0  }
0xbe: {  	[sflag:s0] =	ssyncadd.remote.s32 $0x1  }
0xbf: {  	_ =	sfence.sel $0xFFFF  }
0xc0: {  	[dreg:$0x0] =	wrdreg $0xFFFFFFFF;
	(pc) =	sbr.abs _section_cstart, $3  }
0xc1: {  	[dreg:$0x1] =	wrdreg $0xFFFFFFFF  }
0xc2: {  	_ =	task.clear_ibuf [dreg:s7], $0x2FFFF;
	_ =	strace $0x9FFFFFFF  }
0xc3: {  	(tm) =	ssettm $0x7FFFFFFF  }
tec
execute0_lowered:
.L_overlay_start_1:
0x0: {  	(tag) =	ssettag $0x1  }
0x1: {  	s1 =	rddreg [dreg:$0x0]  }
0x2: {  	s0 =	rddreg [dreg:$0x1]  }
0x3: {  	s3 =	rddreg [dreg:$0x2];
	s4 =	simm.s32 $0x0  }
0x4: {  	s2 =	srdreg.scid;
	s11 =	stileid.u32;
	s28 =	simm.s32 $0x1A000  }
0x5: {  	s29 =	simm.s32 $0x1;
	s30 =	simm.s32 $0x2;
	s31 =	simm.s32 $0x0  }
0x6: {  	[smem:$0x7FF] =	sst s4;
	s2 =	sand.u32 $0x1, s2;
	s5 =	smul.u32 $0x2800, s11  }
0x7: {  	s7 =	sadd.s32 $0x2000, s0;
	s9 =	smul.u32 $0x50000, s11;
	s10 =	sadd.s32 $0xC200, s0  }
0x8: {  	s20 =	sshll.u32 s11, $0x5;
	s21 =	sshll.u32 s11, $0x7;
	_ =	strace $0x80000047  }
0x9: {  	s6 =	smul.u32 $0x28000, s2;
	s8 =	ssub.s32 $0x2, s2;
	p0 =	seq.s32 s2, $0x0  }
0xa: {  	s2 =	sor.u32 $0x800, s20;
	s11 =	smov.u32 s21;
	s16 =	sor.u32 $0x808, s20  }
0xb: {  	s17 =	sor.u32 $0x20, s21;
	s18 =	sshrl.u32 s8, $0x1;
	s19 =	sshrl.u32 s9, $0x2  }
0xc: {  	s11 =	smov.u32 @p0 s2;
	s2 =	simm.s32 $0x100;
	s17 =	smov.u32 @p0 s16  }
0xd: {  	s9 =	sor.u32 $0x60, s21;
	s5 =	sadd.s32 s5, s6;
	s6 =	ssub.s32 s8, s18  }
0xe: {  	s25 =	sshll.u32 s11, $0x4;
	s2 =	simm.s32 @!p0 $0x400;
	s17 =	sshll.u32 s17, $0x4  }
0xf: {  	s8 =	sor.u32 $0x818, s20;
	s0 =	sadd.s32 s5, s0;
	s5 =	sadd.s32 s19, s3  }
0x10: {  	s11 =	sadd.s32 s7, s25;
	s13 =	sadd.s32 s10, s25;
	s26 =	sadd.s32 s7, s17  }
0x11: {  	s2 =	sadd.s32 s2, s25;
	s9 =	smov.u32 @p0 s8;
	[dreg:$0x8] =	wrdreg s11  }
0x12: {  	s17 =	sadd.s32 s10, s17;
	s25 =	simm.s32 $0x1000;
	[dreg:$0x9] =	wrdreg s13  }
0x13: {  	s22 =	sadd.s32 $0x4000, s5;
	s12 =	sadd.s32 $0x8000, s5;
	[dreg:$0xa] =	wrdreg s26  }
0x14: {  	s23 =	sadd.s32 $0xC000, s5;
	s24 =	sadd.s32 $0x10000, s5;
	[dreg:$0x4] =	wrdreg s22  }
0x15: {  	s11 =	simm.s32 $0x3;
	s13 =	simm.s32 $0x3;
	[dreg:$0x5] =	wrdreg s12  }
0x16: {  	s18 =	sadd.s32 s7, s2;
	s8 =	sshll.u32 s9, $0x4;
	[dreg:$0x6] =	wrdreg s23  }
0x17: {  	s19 =	sadd.s32 s10, s2;
	s26 =	simm.s32 $0x80;
	[dreg:$0x7] =	wrdreg s24  }
0x18: {  	s11 =	simm.s32 @!p0 $0xF;
	s20 =	sadd.s32 s7, s8;
	s21 =	sadd.s32 s10, s8  }
0x19: {  	s22 =	sadd.s32 $0x16400, s0;
	s23 =	smax.u32 s6, $0x1;
	s15 =	sshll.u32 s11, $0x8  }
0x1a: {  	v0 =	vimm.f32 $0.0e+00;
	s24 =	simm.s32 $0x16000;
	s14 =	sor.u32 $0x1000, s15;
	s15 =	sor.u32 $0x1080, s15  }
.LBB2_1:
0x1b: {  	s0 =	simm.s32 $0x0;
	s2 =	simm.s32 $0x200  }
.LBB2_2:
0x1c: {  	p0 =	sne.s32 s2, $0xFE00;
	[tilespmem:s0+$0x16070] =	vst v0  }
0x1d: {  	[tilespmem:s0+$0x16000] =	vst v0  }
0x1e: {  	[tilespmem:s0+$0x16010] =	vst v0  }
.Ltmp0:
0x1f: {  	[tilespmem:s0+$0x16020] =	vst v0;
	(pc) =	sbr.rel @p0 .LBB2_2-.Ltmp0, $4  }
0x20: {  	[tilespmem:s0+$0x16030] =	vst v0  }
0x21: {  	[tilespmem:s0+$0x16040] =	vst v0  }
0x22: {  	[tilespmem:s0+$0x16050] =	vst v0  }
0x23: {  	[tilespmem:s0+$0x16060] =	vst v0;
	s0 =	sshra.s32 s2, $0x2;
	s2 =	sadd.s32 $0x200, s2  }
0x24: {  	[tilespmem:s0+$0x16070] =	vst v0  }
0x25: {  	[tilespmem:s0+$0x16000] =	vst v0  }
0x26: {  	[tilespmem:s0+$0x16010] =	vst v0  }
0x27: {  	[tilespmem:s0+$0x16020] =	vst v0  }
0x28: {  	[tilespmem:s0+$0x16030] =	vst v0  }
0x29: {  	[tilespmem:s0+$0x16040] =	vst v0  }
0x2a: {  	[tilespmem:s0+$0x16050] =	vst v0  }
0x2b: {  	[tilespmem:s0+$0x16060] =	vst v0  }
0x2c: {  	[spmem:s5] =	stream.linear.scatter [tilespmem:s24], [sflag:$0x3], $0x4000, $0x38;
	[tilespmem:$0x1E000] =	vst v63  }
0x2d: {  	_ =	swait.ge [sflag:s13], $0x4000  }
0x2e: {  	[sflag:s13] =	ssyncset.done $0x0  }
0x2f: {  	s7 =	rddreg [dreg:$0x4];
	[sflag:s13] =	ssyncadd.s32 $0xFFFFC000  }
0x30: {  	[spmem:s7] =	stream.linear.scatter [tilespmem:s24], [sflag:$0x3], $0x4000, $0x38;
	[tilespmem:$0x1E000] =	vst v63  }
0x31: {  	_ =	swait.ge [sflag:s13], $0x4000  }
0x32: {  	[sflag:s13] =	ssyncset.done $0x0  }
0x33: {  	s8 =	rddreg [dreg:$0x5];
	[sflag:s13] =	ssyncadd.s32 $0xFFFFC000  }
0x34: {  	[spmem:s8] =	stream.linear.scatter [tilespmem:s24], [sflag:$0x3], $0x4000, $0x38;
	[tilespmem:$0x1E000] =	vst v63  }
0x35: {  	_ =	swait.ge [sflag:s13], $0x4000  }
0x36: {  	[sflag:s13] =	ssyncset.done $0x0  }
0x37: {  	s9 =	rddreg [dreg:$0x6];
	[sflag:s13] =	ssyncadd.s32 $0xFFFFC000  }
0x38: {  	[spmem:s9] =	stream.linear.scatter [tilespmem:s24], [sflag:$0x3], $0x4000, $0x38;
	[tilespmem:$0x1E000] =	vst v63  }
0x39: {  	_ =	swait.ge [sflag:s13], $0x4000  }
0x3a: {  	[sflag:s13] =	ssyncset.done $0x0  }
0x3b: {  	s10 =	rddreg [dreg:$0x7];
	[sflag:s13] =	ssyncadd.s32 $0xFFFFC000  }
0x3c: {  	[spmem:s10] =	stream.linear.scatter [tilespmem:s24], [sflag:$0x3], $0x4000, $0x38;
	[tilespmem:$0x1E000] =	vst v63  }
0x3d: {  	_ =	swait.ge [sflag:s13], $0x4000  }
0x3e: {  	[sflag:s13] =	ssyncset.done $0x0  }
0x3f: {  	[sflag:s13] =	ssyncadd.s32 $0xFFFFC000  }
0x40: {  	[bflag:$0x0] =	sbarrier.arrive $0xFFFF  }
0x41: {  	s12 =	rddreg [dreg:$0x8]  }
0x42: {  	[tilespmem:s4], [sflag:$0x3] =	stream.linear.gather [hbm4b:s12+s4], $0x1000, $0x38;
	[tilespmem:$0x1E000] =	vst v63  }
0x43: {  	_ =	swait.ge [sflag:s13], $0x1000  }
0x44: {  	[sflag:s13] =	ssyncset.done $0x0  }
0x45: {  	s16 =	rddreg [dreg:$0x9];
	[sflag:s13] =	ssyncadd.s32 $0xFFFFF000  }
0x46: {  	[tilespmem:s25], [sflag:$0x3] =	stream.linear.gather [hbm4b:s16+s4], $0x1000, $0x38;
	[tilespmem:$0x1E000] =	vst v63  }
0x47: {  	_ =	swait.ge [sflag:s13], $0x1000  }
0x48: {  	[sflag:s13] =	ssyncset.done $0x0  }
0x49: {  	[sflag:s13] =	ssyncadd.s32 $0xFFFFF000  }
0x4a: {  	[tilespmem:s24], [sflag:$0x1] =	stream.indirect.gather [hbm4b:s1+s26], $0x80, s4, s26, $0xb8;
	[tilespmem:$0x1E000] =	vst v63  }
0x4b: {  	_ = 	snop  }
0x4c: {  	[tilespmem:s28], [sflag:$0x2] =	stream.indirect.gather [hbm4b:s1+s26], $0x80, s26, s26, $0xb8;
	[tilespmem:$0x1E000] =	vst v63  }
0x4d: {  	_ =	swait.ge [sflag:s29], $0x4000  }
0x4e: {  	[sflag:s29] =	ssyncset.done $0x0  }
0x4f: {  	s2 =	simm.s32 $0x1000;
	[sflag:s29] =	ssyncadd.s32 $0xFFFFC000  }
0x50: {  	[spmem:s3] =	stream.indirect.scatter.add.f32 [tilespmem:s24], [sflag:$0x3], $0x80, s2, s26, $0xb8;
	[tilespmem:$0x1E000] =	vst v63  }
0x51: {  	_ =	swait.ge [sflag:s13], $0x4000  }
0x52: {  	[sflag:s13] =	ssyncset.done $0x0  }
0x53: {  	s7 =	simm.s32 $0x100;
	[sflag:s13] =	ssyncadd.s32 $0xFFFFC000  }
0x54: {  	[tilespmem:s24], [sflag:$0x1] =	stream.indirect.gather [hbm4b:s1+s26], $0x80, s7, s26, $0xb8;
	[tilespmem:$0x1E000] =	vst v63  }
0x55: {  	_ =	swait.ge [sflag:s30], $0x4000  }
0x56: {  	p0 =	sne.s32 s11, $0x1;
	[sflag:s30] =	ssyncset.done $0x0  }
.Ltmp1:
0x57: {  	s6 =	simm.s32 $0x1080;
	[sflag:s30] =	ssyncadd.s32 $0xFFFFC000;
	(pc) =	sbr.rel @!p0 .LBB2_5-.Ltmp1, $4  }
0x58: {  	[spmem:s3] =	stream.indirect.scatter.add.f32 [tilespmem:s28], [sflag:$0x3], $0x80, s6, s26, $0xb8;
	[tilespmem:$0x1E000] =	vst v63  }
0x59: {  	s0 =	simm.s32 $0x180;
	_ =	swait.ge [sflag:s13], $0x4000  }
0x5a: {  	s8 =	sadd.s32 $0xFFFFFFFF, s11;
	s9 =	simm.s32 $0x280;
	[sflag:s13] =	ssyncset.done $0x0  }
0x5b: {  	s10 =	simm.s32 $0x1180;
	s12 =	simm.s32 $0x180;
	[sflag:s13] =	ssyncadd.s32 $0xFFFFC000  }
.LBB2_4:
0x5c: {  	[tilespmem:s28], [sflag:$0x2] =	stream.indirect.gather [hbm4b:s1+s26], $0x80, s12, s26, $0xb8;
	[tilespmem:$0x1E000] =	vst v63  }
0x5d: {  	p1 =	sne.s32 s8, $0x1;
	s8 =	sadd.s32 $0xFFFFFFFF, s8;
	_ =	swait.ge [sflag:s29], $0x4000  }
0x5e: {  	s12 =	smov.u32 s9;
	[sflag:s29] =	ssyncset.done $0x0  }
0x5f: {  	s16 =	sadd.s32 $0xFFFFFF80, s10;
	[sflag:s29] =	ssyncadd.s32 $0xFFFFC000  }
0x60: {  	[spmem:s3] =	stream.indirect.scatter.add.f32 [tilespmem:s24], [sflag:$0x3], $0x80, s16, s26, $0xb8;
	[tilespmem:$0x1E000] =	vst v63  }
0x61: {  	_ =	swait.ge [sflag:s13], $0x4000  }
0x62: {  	[sflag:s13] =	ssyncset.done $0x0  }
0x63: {  	s16 =	sadd.s32 $0xFFFFFF80, s9;
	[sflag:s13] =	ssyncadd.s32 $0xFFFFC000  }
0x64: {  	[tilespmem:s24], [sflag:$0x1] =	stream.indirect.gather [hbm4b:s1+s26], $0x80, s16, s26, $0xb8;
	[tilespmem:$0x1E000] =	vst v63  }
0x65: {  	_ =	swait.ge [sflag:s30], $0x4000  }
0x66: {  	[sflag:s30] =	ssyncset.done $0x0  }
.Ltmp2:
0x67: {  	[sflag:s30] =	ssyncadd.s32 $0xFFFFC000;
	(pc) =	sbr.rel @p1 .LBB2_4-.Ltmp2, $4  }
0x68: {  	[spmem:s3] =	stream.indirect.scatter.add.f32 [tilespmem:s28], [sflag:$0x3], $0x80, s10, s26, $0xb8;
	[tilespmem:$0x1E000] =	vst v63  }
0x69: {  	_ =	swait.ge [sflag:s13], $0x4000  }
0x6a: {  	[sflag:s13] =	ssyncset.done $0x0  }
0x6b: {  	s9 =	sadd.s32 $0x100, s9;
	s10 =	sadd.s32 $0x100, s10;
	[sflag:s13] =	ssyncadd.s32 $0xFFFFC000  }
.LBB2_5:
0x6c: {  	[tilespmem:s28], [sflag:$0x2] =	stream.indirect.gather [hbm4b:s1+s26], $0x80, s12, s26, $0xb8;
	[tilespmem:$0x1E000] =	vst v63  }
0x6d: {  	_ =	swait.ge [sflag:s29], $0x4000  }
0x6e: {  	[sflag:s29] =	ssyncset.done $0x0  }
0x6f: {  	[sflag:s29] =	ssyncadd.s32 $0xFFFFC000  }
0x70: {  	[spmem:s3] =	stream.indirect.scatter.add.f32 [tilespmem:s24], [sflag:$0x3], $0x80, s14, s26, $0xb8;
	[tilespmem:$0x1E000] =	vst v63  }
0x71: {  	_ =	swait.ge [sflag:s13], $0x4000  }
0x72: {  	[sflag:s13] =	ssyncset.done $0x0  }
0x73: {  	[sflag:s13] =	ssyncadd.s32 $0xFFFFC000  }
0x74: {  	_ =	swait.ge [sflag:s30], $0x4000  }
0x75: {  	[sflag:s30] =	ssyncset.done $0x0  }
0x76: {  	[sflag:s30] =	ssyncadd.s32 $0xFFFFC000  }
0x77: {  	[spmem:s3] =	stream.indirect.scatter.add.f32 [tilespmem:s28], [sflag:$0x3], $0x80, s15, s26, $0xb8;
	[tilespmem:$0x1E000] =	vst v63  }
0x78: {  	_ =	swait.ge [sflag:s13], $0x4000  }
0x79: {  	[sflag:s13] =	ssyncset.done $0x0  }
0x7a: {  	s8 =	rddreg [dreg:$0xa];
	[sflag:s13] =	ssyncadd.s32 $0xFFFFC000  }
0x7b: {  	[tilespmem:s4], [sflag:$0x3] =	stream.linear.gather [hbm4b:s8+s4], $0x1000, $0x38;
	[tilespmem:$0x1E000] =	vst v63  }
0x7c: {  	_ =	swait.ge [sflag:s13], $0x1000  }
0x7d: {  	[sflag:s13] =	ssyncset.done $0x0  }
0x7e: {  	[sflag:s13] =	ssyncadd.s32 $0xFFFFF000  }
0x7f: {  	[tilespmem:s25], [sflag:$0x3] =	stream.linear.gather [hbm4b:s17+s4], $0x1000, $0x38;
	[tilespmem:$0x1E000] =	vst v63  }
0x80: {  	_ =	swait.ge [sflag:s13], $0x1000  }
0x81: {  	[sflag:s13] =	ssyncset.done $0x0  }
0x82: {  	[sflag:s13] =	ssyncadd.s32 $0xFFFFF000  }
0x83: {  	[tilespmem:s24], [sflag:$0x1] =	stream.indirect.gather [hbm4b:s1+s26], $0x80, s4, s26, $0xb8;
	[tilespmem:$0x1E000] =	vst v63  }
0x84: {  	_ = 	snop  }
0x85: {  	[tilespmem:s28], [sflag:$0x2] =	stream.indirect.gather [hbm4b:s1+s26], $0x80, s26, s26, $0xb8;
	[tilespmem:$0x1E000] =	vst v63  }
0x86: {  	_ =	swait.ge [sflag:s29], $0x4000  }
0x87: {  	[sflag:s29] =	ssyncset.done $0x0  }
0x88: {  	[sflag:s29] =	ssyncadd.s32 $0xFFFFC000  }
0x89: {  	[spmem:s3] =	stream.indirect.scatter.add.f32 [tilespmem:s24], [sflag:$0x3], $0x80, s2, s26, $0xb8;
	[tilespmem:$0x1E000] =	vst v63  }
0x8a: {  	_ =	swait.ge [sflag:s13], $0x4000  }
0x8b: {  	[sflag:s13] =	ssyncset.done $0x0  }
0x8c: {  	[sflag:s13] =	ssyncadd.s32 $0xFFFFC000  }
0x8d: {  	[tilespmem:s24], [sflag:$0x1] =	stream.indirect.gather [hbm4b:s1+s26], $0x80, s7, s26, $0xb8;
	[tilespmem:$0x1E000] =	vst v63  }
0x8e: {  	_ =	swait.ge [sflag:s30], $0x4000  }
0x8f: {  	[sflag:s30] =	ssyncset.done $0x0  }
.Ltmp3:
0x90: {  	[sflag:s30] =	ssyncadd.s32 $0xFFFFC000;
	(pc) =	sbr.rel @!p0 .LBB2_7-.Ltmp3, $4  }
0x91: {  	[spmem:s3] =	stream.indirect.scatter.add.f32 [tilespmem:s28], [sflag:$0x3], $0x80, s6, s26, $0xb8;
	[tilespmem:$0x1E000] =	vst v63  }
0x92: {  	_ =	swait.ge [sflag:s13], $0x4000  }
0x93: {  	s2 =	sadd.s32 $0xFFFFFFFF, s11;
	[sflag:s13] =	ssyncset.done $0x0  }
0x94: {  	s7 =	simm.s32 $0x1180;
	s6 =	simm.s32 $0x280;
	[sflag:s13] =	ssyncadd.s32 $0xFFFFC000  }
.LBB2_6:
0x95: {  	[tilespmem:s28], [sflag:$0x2] =	stream.indirect.gather [hbm4b:s1+s26], $0x80, s0, s26, $0xb8;
	[tilespmem:$0x1E000] =	vst v63  }
0x96: {  	p1 =	sne.s32 s2, $0x1;
	s2 =	sadd.s32 $0xFFFFFFFF, s2;
	_ =	swait.ge [sflag:s29], $0x4000  }
0x97: {  	s0 =	smov.u32 s6;
	[sflag:s29] =	ssyncset.done $0x0  }
0x98: {  	s8 =	sadd.s32 $0xFFFFFF80, s7;
	[sflag:s29] =	ssyncadd.s32 $0xFFFFC000  }
0x99: {  	[spmem:s3] =	stream.indirect.scatter.add.f32 [tilespmem:s24], [sflag:$0x3], $0x80, s8, s26, $0xb8;
	[tilespmem:$0x1E000] =	vst v63  }
0x9a: {  	_ =	swait.ge [sflag:s13], $0x4000  }
0x9b: {  	[sflag:s13] =	ssyncset.done $0x0  }
0x9c: {  	s8 =	sadd.s32 $0xFFFFFF80, s6;
	[sflag:s13] =	ssyncadd.s32 $0xFFFFC000  }
0x9d: {  	[tilespmem:s24], [sflag:$0x1] =	stream.indirect.gather [hbm4b:s1+s26], $0x80, s8, s26, $0xb8;
	[tilespmem:$0x1E000] =	vst v63  }
0x9e: {  	_ =	swait.ge [sflag:s30], $0x4000  }
0x9f: {  	[sflag:s30] =	ssyncset.done $0x0  }
.Ltmp4:
0xa0: {  	[sflag:s30] =	ssyncadd.s32 $0xFFFFC000;
	(pc) =	sbr.rel @p1 .LBB2_6-.Ltmp4, $4  }
0xa1: {  	[spmem:s3] =	stream.indirect.scatter.add.f32 [tilespmem:s28], [sflag:$0x3], $0x80, s7, s26, $0xb8;
	[tilespmem:$0x1E000] =	vst v63  }
0xa2: {  	_ =	swait.ge [sflag:s13], $0x4000  }
0xa3: {  	[sflag:s13] =	ssyncset.done $0x0  }
0xa4: {  	s6 =	sadd.s32 $0x100, s6;
	s7 =	sadd.s32 $0x100, s7;
	[sflag:s13] =	ssyncadd.s32 $0xFFFFC000  }
.LBB2_7:
0xa5: {  	[tilespmem:s28], [sflag:$0x2] =	stream.indirect.gather [hbm4b:s1+s26], $0x80, s0, s26, $0xb8;
	[tilespmem:$0x1E000] =	vst v63  }
0xa6: {  	_ =	swait.ge [sflag:s29], $0x4000  }
0xa7: {  	[sflag:s29] =	ssyncset.done $0x0  }
0xa8: {  	[sflag:s29] =	ssyncadd.s32 $0xFFFFC000  }
0xa9: {  	[spmem:s3] =	stream.indirect.scatter.add.f32 [tilespmem:s24], [sflag:$0x3], $0x80, s14, s26, $0xb8;
	[tilespmem:$0x1E000] =	vst v63  }
0xaa: {  	_ =	swait.ge [sflag:s13], $0x4000  }
0xab: {  	[sflag:s13] =	ssyncset.done $0x0  }
0xac: {  	[sflag:s13] =	ssyncadd.s32 $0xFFFFC000  }
0xad: {  	_ =	swait.ge [sflag:s30], $0x4000  }
0xae: {  	[sflag:s30] =	ssyncset.done $0x0  }
0xaf: {  	[sflag:s30] =	ssyncadd.s32 $0xFFFFC000  }
0xb0: {  	[spmem:s3] =	stream.indirect.scatter.add.f32 [tilespmem:s28], [sflag:$0x3], $0x80, s15, s26, $0xb8;
	[tilespmem:$0x1E000] =	vst v63  }
0xb1: {  	_ =	swait.ge [sflag:s13], $0x4000  }
0xb2: {  	[sflag:s13] =	ssyncset.done $0x0  }
0xb3: {  	[sflag:s13] =	ssyncadd.s32 $0xFFFFC000  }
0xb4: {  	[tilespmem:s4], [sflag:$0x3] =	stream.linear.gather [hbm4b:s18+s4], $0x1000, $0x38;
	[tilespmem:$0x1E000] =	vst v63  }
0xb5: {  	_ =	swait.ge [sflag:s13], $0x1000  }
0xb6: {  	[sflag:s13] =	ssyncset.done $0x0  }
0xb7: {  	[sflag:s13] =	ssyncadd.s32 $0xFFFFF000  }
0xb8: {  	[tilespmem:s25], [sflag:$0x3] =	stream.linear.gather [hbm4b:s19+s4], $0x1000, $0x38;
	[tilespmem:$0x1E000] =	vst v63  }
0xb9: {  	_ =	swait.ge [sflag:s13], $0x1000  }
0xba: {  	[sflag:s13] =	ssyncset.done $0x0  }
0xbb: {  	[sflag:s13] =	ssyncadd.s32 $0xFFFFF000  }
0xbc: {  	[tilespmem:s24], [sflag:$0x1] =	stream.indirect.gather [hbm4b:s1+s26], $0x80, s4, s26, $0xb8;
	[tilespmem:$0x1E000] =	vst v63  }
0xbd: {  	_ = 	snop  }
0xbe: {  	[tilespmem:s28], [sflag:$0x2] =	stream.indirect.gather [hbm4b:s1+s26], $0x80, s26, s26, $0xb8;
	[tilespmem:$0x1E000] =	vst v63  }
0xbf: {  	_ =	swait.ge [sflag:s29], $0x4000  }
0xc0: {  	[sflag:s29] =	ssyncset.done $0x0  }
0xc1: {  	s2 =	simm.s32 $0x1000;
	[sflag:s29] =	ssyncadd.s32 $0xFFFFC000  }
0xc2: {  	[spmem:s3] =	stream.indirect.scatter.add.f32 [tilespmem:s24], [sflag:$0x3], $0x80, s2, s26, $0xb8;
	[tilespmem:$0x1E000] =	vst v63  }
0xc3: {  	_ =	swait.ge [sflag:s13], $0x4000  }
0xc4: {  	[sflag:s13] =	ssyncset.done $0x0  }
0xc5: {  	s7 =	simm.s32 $0x100;
	[sflag:s13] =	ssyncadd.s32 $0xFFFFC000  }
0xc6: {  	[tilespmem:s24], [sflag:$0x1] =	stream.indirect.gather [hbm4b:s1+s26], $0x80, s7, s26, $0xb8;
	[tilespmem:$0x1E000] =	vst v63  }
0xc7: {  	_ =	swait.ge [sflag:s30], $0x4000  }
0xc8: {  	[sflag:s30] =	ssyncset.done $0x0  }
.Ltmp5:
0xc9: {  	s6 =	simm.s32 $0x1080;
	[sflag:s30] =	ssyncadd.s32 $0xFFFFC000;
	(pc) =	sbr.rel @!p0 .LBB2_9-.Ltmp5, $4  }
0xca: {  	[spmem:s3] =	stream.indirect.scatter.add.f32 [tilespmem:s28], [sflag:$0x3], $0x80, s6, s26, $0xb8;
	[tilespmem:$0x1E000] =	vst v63  }
0xcb: {  	s0 =	simm.s32 $0x180;
	_ =	swait.ge [sflag:s13], $0x4000  }
0xcc: {  	s8 =	sadd.s32 $0xFFFFFFFF, s11;
	s9 =	simm.s32 $0x280;
	[sflag:s13] =	ssyncset.done $0x0  }
0xcd: {  	s10 =	simm.s32 $0x1180;
	s12 =	simm.s32 $0x180;
	[sflag:s13] =	ssyncadd.s32 $0xFFFFC000  }
.LBB2_8:
0xce: {  	[tilespmem:s28], [sflag:$0x2] =	stream.indirect.gather [hbm4b:s1+s26], $0x80, s12, s26, $0xb8;
	[tilespmem:$0x1E000] =	vst v63  }
0xcf: {  	p1 =	sne.s32 s8, $0x1;
	s8 =	sadd.s32 $0xFFFFFFFF, s8;
	_ =	swait.ge [sflag:s29], $0x4000  }
0xd0: {  	s12 =	smov.u32 s9;
	[sflag:s29] =	ssyncset.done $0x0  }
0xd1: {  	s16 =	sadd.s32 $0xFFFFFF80, s10;
	[sflag:s29] =	ssyncadd.s32 $0xFFFFC000  }
0xd2: {  	[spmem:s3] =	stream.indirect.scatter.add.f32 [tilespmem:s24], [sflag:$0x3], $0x80, s16, s26, $0xb8;
	[tilespmem:$0x1E000] =	vst v63  }
0xd3: {  	_ =	swait.ge [sflag:s13], $0x4000  }
0xd4: {  	[sflag:s13] =	ssyncset.done $0x0  }
0xd5: {  	s16 =	sadd.s32 $0xFFFFFF80, s9;
	[sflag:s13] =	ssyncadd.s32 $0xFFFFC000  }
0xd6: {  	[tilespmem:s24], [sflag:$0x1] =	stream.indirect.gather [hbm4b:s1+s26], $0x80, s16, s26, $0xb8;
	[tilespmem:$0x1E000] =	vst v63  }
0xd7: {  	_ =	swait.ge [sflag:s30], $0x4000  }
0xd8: {  	[sflag:s30] =	ssyncset.done $0x0  }
.Ltmp6:
0xd9: {  	[sflag:s30] =	ssyncadd.s32 $0xFFFFC000;
	(pc) =	sbr.rel @p1 .LBB2_8-.Ltmp6, $4  }
0xda: {  	[spmem:s3] =	stream.indirect.scatter.add.f32 [tilespmem:s28], [sflag:$0x3], $0x80, s10, s26, $0xb8;
	[tilespmem:$0x1E000] =	vst v63  }
0xdb: {  	_ =	swait.ge [sflag:s13], $0x4000  }
0xdc: {  	[sflag:s13] =	ssyncset.done $0x0  }
0xdd: {  	s9 =	sadd.s32 $0x100, s9;
	s10 =	sadd.s32 $0x100, s10;
	[sflag:s13] =	ssyncadd.s32 $0xFFFFC000  }
.LBB2_9:
0xde: {  	[tilespmem:s28], [sflag:$0x2] =	stream.indirect.gather [hbm4b:s1+s26], $0x80, s12, s26, $0xb8;
	[tilespmem:$0x1E000] =	vst v63  }
0xdf: {  	_ =	swait.ge [sflag:s29], $0x4000  }
0xe0: {  	[sflag:s29] =	ssyncset.done $0x0  }
0xe1: {  	[sflag:s29] =	ssyncadd.s32 $0xFFFFC000  }
0xe2: {  	[spmem:s3] =	stream.indirect.scatter.add.f32 [tilespmem:s24], [sflag:$0x3], $0x80, s14, s26, $0xb8;
	[tilespmem:$0x1E000] =	vst v63  }
0xe3: {  	_ =	swait.ge [sflag:s13], $0x4000  }
0xe4: {  	[sflag:s13] =	ssyncset.done $0x0  }
0xe5: {  	[sflag:s13] =	ssyncadd.s32 $0xFFFFC000  }
0xe6: {  	_ =	swait.ge [sflag:s30], $0x4000  }
0xe7: {  	[sflag:s30] =	ssyncset.done $0x0  }
0xe8: {  	[sflag:s30] =	ssyncadd.s32 $0xFFFFC000  }
0xe9: {  	[spmem:s3] =	stream.indirect.scatter.add.f32 [tilespmem:s28], [sflag:$0x3], $0x80, s15, s26, $0xb8;
	[tilespmem:$0x1E000] =	vst v63  }
0xea: {  	_ =	swait.ge [sflag:s13], $0x4000  }
0xeb: {  	[sflag:s13] =	ssyncset.done $0x0  }
0xec: {  	[sflag:s13] =	ssyncadd.s32 $0xFFFFC000  }
0xed: {  	[tilespmem:s4], [sflag:$0x3] =	stream.linear.gather [hbm4b:s20+s4], $0x1000, $0x38;
	[tilespmem:$0x1E000] =	vst v63  }
0xee: {  	_ =	swait.ge [sflag:s13], $0x1000  }
0xef: {  	[sflag:s13] =	ssyncset.done $0x0  }
0xf0: {  	[sflag:s13] =	ssyncadd.s32 $0xFFFFF000  }
0xf1: {  	[tilespmem:s25], [sflag:$0x3] =	stream.linear.gather [hbm4b:s21+s4], $0x1000, $0x38;
	[tilespmem:$0x1E000] =	vst v63  }
0xf2: {  	_ =	swait.ge [sflag:s13], $0x1000  }
0xf3: {  	[sflag:s13] =	ssyncset.done $0x0  }
0xf4: {  	[sflag:s13] =	ssyncadd.s32 $0xFFFFF000  }
0xf5: {  	[tilespmem:s24], [sflag:$0x1] =	stream.indirect.gather [hbm4b:s1+s26], $0x80, s4, s26, $0xb8;
	[tilespmem:$0x1E000] =	vst v63  }
0xf6: {  	_ = 	snop  }
0xf7: {  	[tilespmem:s28], [sflag:$0x2] =	stream.indirect.gather [hbm4b:s1+s26], $0x80, s26, s26, $0xb8;
	[tilespmem:$0x1E000] =	vst v63  }
0xf8: {  	_ =	swait.ge [sflag:s29], $0x4000  }
0xf9: {  	[sflag:s29] =	ssyncset.done $0x0  }
0xfa: {  	[sflag:s29] =	ssyncadd.s32 $0xFFFFC000  }
0xfb: {  	[spmem:s3] =	stream.indirect.scatter.add.f32 [tilespmem:s24], [sflag:$0x3], $0x80, s2, s26, $0xb8;
	[tilespmem:$0x1E000] =	vst v63  }
0xfc: {  	_ =	swait.ge [sflag:s13], $0x4000  }
0xfd: {  	[sflag:s13] =	ssyncset.done $0x0  }
0xfe: {  	[sflag:s13] =	ssyncadd.s32 $0xFFFFC000  }
0xff: {  	[tilespmem:s24], [sflag:$0x1] =	stream.indirect.gather [hbm4b:s1+s26], $0x80, s7, s26, $0xb8;
	[tilespmem:$0x1E000] =	vst v63  }
0x100: {  	_ =	swait.ge [sflag:s30], $0x4000  }
0x101: {  	[sflag:s30] =	ssyncset.done $0x0  }
.Ltmp7:
0x102: {  	[sflag:s30] =	ssyncadd.s32 $0xFFFFC000;
	(pc) =	sbr.rel @!p0 .LBB2_11-.Ltmp7, $4  }
0x103: {  	[spmem:s3] =	stream.indirect.scatter.add.f32 [tilespmem:s28], [sflag:$0x3], $0x80, s6, s26, $0xb8;
	[tilespmem:$0x1E000] =	vst v63  }
0x104: {  	_ =	swait.ge [sflag:s13], $0x4000  }
0x105: {  	s2 =	sadd.s32 $0xFFFFFFFF, s11;
	[sflag:s13] =	ssyncset.done $0x0  }
0x106: {  	s7 =	simm.s32 $0x1180;
	s6 =	simm.s32 $0x280;
	[sflag:s13] =	ssyncadd.s32 $0xFFFFC000  }
.LBB2_10:
0x107: {  	[tilespmem:s28], [sflag:$0x2] =	stream.indirect.gather [hbm4b:s1+s26], $0x80, s0, s26, $0xb8;
	[tilespmem:$0x1E000] =	vst v63  }
0x108: {  	p0 =	sne.s32 s2, $0x1;
	s2 =	sadd.s32 $0xFFFFFFFF, s2;
	_ =	swait.ge [sflag:s29], $0x4000  }
0x109: {  	s0 =	smov.u32 s6;
	[sflag:s29] =	ssyncset.done $0x0  }
0x10a: {  	s8 =	sadd.s32 $0xFFFFFF80, s7;
	[sflag:s29] =	ssyncadd.s32 $0xFFFFC000  }
0x10b: {  	[spmem:s3] =	stream.indirect.scatter.add.f32 [tilespmem:s24], [sflag:$0x3], $0x80, s8, s26, $0xb8;
	[tilespmem:$0x1E000] =	vst v63  }
0x10c: {  	_ =	swait.ge [sflag:s13], $0x4000  }
0x10d: {  	[sflag:s13] =	ssyncset.done $0x0  }
0x10e: {  	s8 =	sadd.s32 $0xFFFFFF80, s6;
	[sflag:s13] =	ssyncadd.s32 $0xFFFFC000  }
0x10f: {  	[tilespmem:s24], [sflag:$0x1] =	stream.indirect.gather [hbm4b:s1+s26], $0x80, s8, s26, $0xb8;
	[tilespmem:$0x1E000] =	vst v63  }
0x110: {  	_ =	swait.ge [sflag:s30], $0x4000  }
0x111: {  	[sflag:s30] =	ssyncset.done $0x0  }
.Ltmp8:
0x112: {  	[sflag:s30] =	ssyncadd.s32 $0xFFFFC000;
	(pc) =	sbr.rel @p0 .LBB2_10-.Ltmp8, $4  }
0x113: {  	[spmem:s3] =	stream.indirect.scatter.add.f32 [tilespmem:s28], [sflag:$0x3], $0x80, s7, s26, $0xb8;
	[tilespmem:$0x1E000] =	vst v63  }
0x114: {  	_ =	swait.ge [sflag:s13], $0x4000  }
0x115: {  	[sflag:s13] =	ssyncset.done $0x0  }
0x116: {  	s6 =	sadd.s32 $0x100, s6;
	s7 =	sadd.s32 $0x100, s7;
	[sflag:s13] =	ssyncadd.s32 $0xFFFFC000  }
.LBB2_11:
0x117: {  	[tilespmem:s28], [sflag:$0x2] =	stream.indirect.gather [hbm4b:s1+s26], $0x80, s0, s26, $0xb8;
	[tilespmem:$0x1E000] =	vst v63  }
0x118: {  	_ =	swait.ge [sflag:s29], $0x4000  }
0x119: {  	[sflag:s29] =	ssyncset.done $0x0  }
0x11a: {  	[sflag:s29] =	ssyncadd.s32 $0xFFFFC000  }
0x11b: {  	[spmem:s3] =	stream.indirect.scatter.add.f32 [tilespmem:s24], [sflag:$0x3], $0x80, s14, s26, $0xb8;
	[tilespmem:$0x1E000] =	vst v63  }
0x11c: {  	_ =	swait.ge [sflag:s13], $0x4000  }
0x11d: {  	[sflag:s13] =	ssyncset.done $0x0  }
0x11e: {  	[sflag:s13] =	ssyncadd.s32 $0xFFFFC000  }
0x11f: {  	_ =	swait.ge [sflag:s30], $0x4000  }
0x120: {  	[sflag:s30] =	ssyncset.done $0x0  }
0x121: {  	[sflag:s30] =	ssyncadd.s32 $0xFFFFC000  }
0x122: {  	[spmem:s3] =	stream.indirect.scatter.add.f32 [tilespmem:s28], [sflag:$0x3], $0x80, s15, s26, $0xb8;
	[tilespmem:$0x1E000] =	vst v63  }
0x123: {  	s16 =	stileid.u32;
	_ =	swait.ge [sflag:s13], $0x4000  }
0x124: {  	s2 =	sshrl.u32 s5, $0x3;
	s31 =	sadd.s32 $0x1, s31;
	[sflag:s13] =	ssyncset.done $0x0  }
0x125: {  	s0 =	sshll.u32 s16, $0x6;
	p0 =	sne.s32 s31, s23;
	[sflag:s13] =	ssyncadd.s32 $0xFFFFC000  }
.Ltmp9:
0x126: {  	s0 =	sor.u32 $0x1C03, s0;
	[bflag:$0x0] =	sbarrier.arrive $0xFFFF;
	(pc) =	sbr.rel @p0 .LBB2_1-.Ltmp9, $4  }
0x127: {  	[hbm:s22], [sflag:s0] =	dma.local [spmem:s2], $0x2800  }
0x128: {  	_ =	swait.ge [sflag:s13], $0x2800  }
0x129: {  	[sflag:s13] =	ssyncset.done $0x0  }
0x12a: {  	[sflag:s13] =	ssyncadd.s32 $0xFFFFD800  }
0x12b: {  	_ =	sfence.sel $0x180000  }
0x12c: {  	[bflag:$0x0] =	sbarrier.arrive $0xFFFF  }
0x12d: {  	_ =	strace $0x90000047  }
0x12e: {  	s0 =	stileid.u32;
	[bflag:$0x2] =	sbarrier.arrive $0xFFFF  }
0x12f: {  	p0 =	sne.s32 s0, $0x0;
	s0 =	rddreg [dreg:$0x3]  }
0x130: {  	s0 =	sadd.s32 @!p0 $0x100000, s0  }
0x131: {  	[sflag:s0] =	ssyncadd.tile.s32 @!p0 $0x1;
	_ =	shalt  }
.Lfunc_end2:
_tile_overlayer_lowered:
.L_overlay_start_2:
0x132: {  	(tag) =	ssettag $0x2  }
0x133: {  	s0 =	rddreg [dreg:$0x0];
	s2 =	stileid.u32  }
0x134: {  	s1 =	rddreg [dreg:$0x1];
	p0 =	sne.s32 s2, $0x0  }
0x135: {  	s3 =	rddreg [dreg:$0x2];
	[bflag:$0x3] =	sbarrier.arrive $0xFFFF;
	s2 =	simm.s32 @!p0 $0x1C03  }
0x136: {  	[timem:s3], [sflag:s2] =	dma.local @!p0 [hbm:s0], s1  }
0x137: {  	s0 =	simm.s32 @!p0 $0x3  }
0x138: {  	_ =	swait.ge @!p0 [sflag:s0], s1  }
0x139: {  	s1 =	ssub.s32 @!p0 $0x0, s1;
	[sflag:s0] =	ssyncset.done @!p0 $0x0  }
0x13a: {  	[sflag:s0] =	ssyncadd.s32 @!p0 s1  }
0x13b: {  	[bflag:$0x3] =	sbarrier.arrive $0xFFFF  }
0x13c: {  	_ =	shalt  }

// kernel: kernel.13.cloned.1.call-start
scs
__scs_entry_jumppad:
0x0: {  	(pc) =	sbr.rel $0x88, $3  }
0x1: {  	(tag) =	ssettag $0x0;
	lr =	simm.s32 $0x1  }
0x2: {  	[smem:$0x3F99] =	sst lr;
	_ =	strace $0xD0000000  }
0x3: {  	_ = 	snop  }
0x4: {  	_ = 	snop  }
0x5: {  	_ = 	snop  }
0x6: {  	_ = 	snop  }
0x7: {  	_ = 	snop  }
__scs_overlays_trampoline_lowered:
0x8: {  	[smem:$0x3FA8] =	sst s0  }
0x9: {  	[smem:$0x3FA9] =	sst s1  }
0xa: {  	[smem:$0x3FAA] =	sst s2  }
0xb: {  	[smem:$0x3FAB] =	sst s3  }
0xc: {  	[smem:$0x3FAC] =	sst s4  }
0xd: {  	[smem:$0x3FAD] =	sst s5  }
0xe: {  	[smem:$0x3FAE] =	sst s6  }
0xf: {  	[smem:$0x3FAF] =	sst s7  }
0x10: {  	[smem:$0x3FB0] =	sst s8  }
0x11: {  	[smem:$0x3FB1] =	sst s9;
	s0 =	simm.s32 @!p0 $0x0  }
0x12: {  	s1 =	sld [smem:$0x3F97];
	s0 =	simm.s32 @p0 $0x1  }
0x13: {  	[smem:$0x3FB2] =	sst s0;
	s0 =	simm.s32 @!p1 $0x0  }
0x14: {  	s2 =	sld [smem:$0x3F96];
	s0 =	simm.s32 @p1 $0x1  }
0x15: {  	[smem:$0x3FB3] =	sst s0;
	s0 =	simm.s32 @!p2 $0x0  }
0x16: {  	s3 =	sld [smem:$0x3FDB];
	s0 =	simm.s32 @p2 $0x1  }
0x17: {  	s4 =	simm.s32 $0x1BF5;
	[smem:$0x3FB5] =	sst s0  }
0x18: {  	s0 =	sld [smem:$0x3F98];
	_ =	swait.ge [sflag:s4], $0x0  }
0x19: {  	s7 =	sld [smem:$0x3F99]  }
0x1a: {  	s8 =	sadd.s32 $0xFFFFE003, lr  }
0x1b: {  	s9 =	sadd.s32 $0xFFFFFEF7, lr;
	s5 =	simm.s32 $0xFFFFFFFF;
	p2 =	slt.u32 s8, $0xFFFFF086  }
0x1c: {  	p1 =	slt.u32 s9, $0xF7A;
	s5 =	simm.s32 @!p2 $0x0  }
0x1d: {  	s5 =	simm.s32 @p1 $0x1;
	p0 =	seq.s32 s7, s2  }
0x1e: {  	s7 =	smul.u32 @!p0 $0xF7A, s2;
	p2 =	seq.s32 @!p0 s5, $0x0  }
0x1f: {  	s9 =	smul.u32 $0xF7A, s1;
	s8 =	simm.s32 @!p0 $0x1BF5;
	p2 =	por !p2, p0  }
0x20: {  	[sflag:s8] =	ssyncset.s32 @!p0 $0xFFFFF086;
	s6 =	sadd.s32 @!p0 s3, s7;
	s7 =	simm.s32 @!p0 $0x108  }
0x21: {  	s3 =	sadd.s32 s3, s9;
	s6 =	sadd.s32 @!p0 $0x88, s6;
	s7 =	simm.s32 @p2 $0x1082  }
0x22: {  	[simem:s7], [sflag:s8] =	dma.local @!p0 [hbm:s6], $0xF7A  }
0x23: {  	s9 =	sor.u32 $0xD0000000, s2;
	s6 =	simm.s32 $0x108;
	_ =	swait.ge @!p0 [sflag:s8], $0x0  }
0x24: {  	s3 =	sadd.s32 $0x88, s3;
	s6 =	simm.s32 @!p1 $0x1082;
	[sflag:s4] =	ssyncset.s32 $0xFFFFF086  }
0x25: {  	[simem:s6], [sflag:s4] =	dma.local [hbm:s3], $0xF7A  }
0x26: {  	[smem:$0x3F99] =	sst s1;
	(tag) =	ssettag s2;
	_ =	strace s9  }
0x27: {  	s1 =	sld [smem:$0x3FA9]  }
0x28: {  	s2 =	sld [smem:$0x3FAA]  }
0x29: {  	s4 =	sld [smem:$0x3FAC]  }
0x2a: {  	p0 =	seq.s32 s5, $0x0;
	s5 =	sld [smem:$0x3FAD]  }
0x2b: {  	s6 =	sld [smem:$0x3FAE]  }
0x2c: {  	s7 =	sld [smem:$0x3FAF]  }
0x2d: {  	s3 =	simm.s32 $0x108;
	s8 =	sld [smem:$0x3FB0]  }
0x2e: {  	s3 =	simm.s32 @!p0 $0x1082;
	s9 =	sld [smem:$0x3FB1]  }
0x2f: {  	lr =	sadd.s32 s0, s3;
	s0 =	sld [smem:$0x3FA8]  }
0x30: {  	s3 =	sld [smem:$0x3FAB]  }
0x31: {  	[smem:$0x3FB4] =	sst s10  }
0x32: {  	s10 =	sld [smem:$0x3FB2];
	_ =	sdelay $0x3  }
0x33: {  	p0 =	seq.s32 s10, $0x1;
	s10 =	sld [smem:$0x3FB4];
	_ =	sdelay $0x3  }
0x34: {  	[smem:$0x3FB4] =	sst s10  }
0x35: {  	s10 =	sld [smem:$0x3FB3];
	_ =	sdelay $0x3  }
0x36: {  	p1 =	seq.s32 s10, $0x1;
	s10 =	sld [smem:$0x3FB4];
	_ =	sdelay $0x3  }
0x37: {  	[smem:$0x3FB4] =	sst s10  }
0x38: {  	s10 =	sld [smem:$0x3FB5]  }
0x39: {  	_ = 	snop;
	(pc) =	sbr.ind lr, $3  }
0x3a: {  	_ = 	snop  }
0x3b: {  	_ = 	snop  }
0x3c: {  	p2 =	seq.s32 s10, $0x1;
	s10 =	sld [smem:$0x3FB4]  }
0x3d: {  	_ =	shalt  }
0x3e: {  	_ =	shalt  }
0x3f: {  	_ =	shalt  }
0x40: {  	_ =	shalt  }
0x41: {  	_ =	shalt  }
0x42: {  	_ =	shalt  }
0x43: {  	_ =	shalt  }
0x44: {  	_ =	shalt  }
0x45: {  	_ =	shalt  }
0x46: {  	_ =	shalt  }
0x47: {  	_ =	shalt  }
0x48: {  	_ =	shalt  }
0x49: {  	_ =	shalt  }
0x4a: {  	_ =	shalt  }
0x4b: {  	_ =	shalt  }
0x4c: {  	_ =	shalt  }
0x4d: {  	_ =	shalt  }
0x4e: {  	_ =	shalt  }
0x4f: {  	_ =	shalt  }
0x50: {  	_ =	shalt  }
0x51: {  	_ =	shalt  }
0x52: {  	_ =	shalt  }
0x53: {  	_ =	shalt  }
0x54: {  	_ =	shalt  }
0x55: {  	_ =	shalt  }
0x56: {  	_ =	shalt  }
0x57: {  	_ =	shalt  }
0x58: {  	_ =	shalt  }
0x59: {  	_ =	shalt  }
0x5a: {  	_ =	shalt  }
0x5b: {  	_ =	shalt  }
0x5c: {  	_ =	shalt  }
0x5d: {  	_ =	shalt  }
0x5e: {  	_ =	shalt  }
0x5f: {  	_ =	shalt  }
0x60: {  	_ =	shalt  }
0x61: {  	_ =	shalt  }
0x62: {  	_ =	shalt  }
0x63: {  	_ =	shalt  }
0x64: {  	_ =	shalt  }
0x65: {  	_ =	shalt  }
0x66: {  	_ =	shalt  }
0x67: {  	_ =	shalt  }
0x68: {  	_ =	shalt  }
0x69: {  	_ =	shalt  }
0x6a: {  	_ =	shalt  }
0x6b: {  	_ =	shalt  }
0x6c: {  	_ =	shalt  }
0x6d: {  	_ =	shalt  }
0x6e: {  	_ =	shalt  }
0x6f: {  	_ =	shalt  }
0x70: {  	_ =	shalt  }
0x71: {  	_ =	shalt  }
0x72: {  	_ =	shalt  }
0x73: {  	_ =	shalt  }
0x74: {  	_ =	shalt  }
0x75: {  	_ =	shalt  }
0x76: {  	_ =	shalt  }
0x77: {  	_ =	shalt  }
0x78: {  	_ =	shalt  }
0x79: {  	_ =	shalt  }
0x7a: {  	_ =	shalt  }
0x7b: {  	_ =	shalt  }
0x7c: {  	_ =	shalt  }
0x7d: {  	_ =	shalt  }
0x7e: {  	_ =	shalt  }
0x7f: {  	_ =	shalt  }
0x80: {  	_ =	shalt  }
0x81: {  	_ =	shalt  }
0x82: {  	_ =	shalt  }
0x83: {  	_ =	shalt  }
0x84: {  	_ =	shalt  }
0x85: {  	_ =	shalt  }
0x86: {  	_ =	shalt  }
0x87: {  	_ =	shalt  }
.Lfunc_end0:
.L_simem_size_0:
called_computation.2_lowered:
.L_overlay_start_0:
0x88: {  	s2 =	sld [smem:$0x3FD9]  }
0x89: {  	s3 =	sld [smem:$0x3FFE];
	_ =	sdelay $0x1  }
0x8a: {  	s1 =	srdreg.scid  }
0x8b: {  	s0 =	sand.u32 $0x1, s1  }
0x8c: {  	s17 =	sshll.u32 s0, $0xA;
	s2 =	sadd.s32 s3, s2  }
0x8d: {  	s2 =	sadd.s32 s2, s17  }
0x8e: {  	[smem:$0x3FC0] =	sst s2  }
0x8f: {  	_ = 	snop  }
0x90: {  	s2 =	sld [smem:$0x3FD0];
	(tm) =	ssettm $0x1  }
0x91: {  	s18 =	sld [smem:$0x3FFB];
	_ =	sdelay $0x3  }
0x92: {  	_ =	strace s18  }
0x93: {  	s3 =	sld [smem:$0x3FFC];
	_ =	sdelay $0x3  }
0x94: {  	_ =	strace s3  }
0x95: {  	s3 =	sld [smem:$0x3FFD];
	_ =	sdelay $0x3  }
0x96: {  	_ =	strace s3  }
0x97: {  	_ =	strace $0x8FFFFFFF  }
0x98: {  	s19 =	sld [smem:$0x3FDB];
	_ =	sdelay $0x1  }
0x99: {  	s4 =	simm.s32 $_scs_section_size  }
0x9a: {  	s5 =	simm.s32 $_size__tile_overlayer_lowered;
	s6 =	simm.s32 $_tile_overlayer_lowered  }
0x9b: {  	s22 =	simm.s32 $0x1BFF;
	s21 =	sshll.u32 s6, $0x1;
	s3 =	sadd.s32 s4, s19  }
0x9c: {  	s7 =	simm.s32 $0x0;
	s20 =	sshll.u32 s5, $0x1;
	s5 =	sadd.s32 s21, s3  }
0x9d: {  	[timem:s7], [sflag:s22] =	dma.local [hbm:s5], s20  }
0x9e: {  	_ =	swait.ge [sflag:s22], s20  }
0x9f: {  	s4 =	ssub.s32 $0x0, s20;
	[sflag:s22] =	ssyncset.done $0x0  }
0xa0: {  	[sflag:s22] =	ssyncadd.s32 s4;
	_ =	sdelay $0x1  }
0xa1: {  	s23 =	simm.s32 $0x1B8B  }
0xa2: {  	_ =	swait.ge [sflag:s23], $0x1  }
0xa3: {  	[sflag:s23] =	ssyncset.done $0x0  }
0xa4: {  	s25 =	simm.s32 $0x1B8E;
	s24 =	sld [smem:$0x3FFE];
	[sflag:s23] =	ssyncadd.s32 $0xFFFFFFFF  }
0xa5: {  	s26 =	simm.s32 $execute0_lowered;
	[smem:$0x3FD2] =	sst s25  }
0xa6: {  	s5 =	sshll.u32 s26, $0x1;
	_ =	strace $0x8000004C;
	[dreg:$0x1] =	wrdreg $0xFFFFFFFF  }
0xa7: {  	s28 =	simm.s32 $_size_execute0_lowered;
	s3 =	sadd.s32 s3, s5;
	[dreg:$0x0] =	wrdreg $0x0  }
0xa8: {  	s5 =	sshll.u32 s28, $0x1;
	[dreg:$0x2] =	wrdreg s3  }
0xa9: {  	[dreg:$0x3] =	wrdreg s5  }
0xaa: {  	[dreg:$0x4] =	wrdreg $0xC0  }
0xab: {  	_ =	task [dreg:s7], $0x5FFFF  }
0xac: {  	[dreg:$0x1] =	wrdreg $0xFFFFFFFF  }
0xad: {  	[dreg:$0x0] =	wrdreg $0x60  }
0xae: {  	[dreg:$0x2] =	wrdreg s2  }
0xaf: {  	[dreg:$0x3] =	wrdreg s24  }
0xb0: {  	[dreg:$0x4] =	wrdreg $0x20000  }
0xb1: {  	[dreg:$0x5] =	wrdreg $0x9  }
0xb2: {  	_ =	task.clear_ibuf [dreg:s7], $0x6FFFF;
	_ =	strace $0x9000004C  }
0xb3: {  	s29 =	simm.s32 $0x9;
	_ =	strace $0x8000004E  }
0xb4: {  	_ =	swait.ge [sflag:s29], $0x1  }
0xb5: {  	[sflag:s29] =	ssyncadd.s32 $0xFFFFFFFF  }
0xb6: {  	_ =	strace $0x9000004E  }
0xb7: {  	_ =	sfence  }
0xb8: {  	s30 =	sld [smem:$0x0];
	_ =	sdelay $0x2  }
0xb9: {  	s31 =	sshll.u32 s1, $0xD;
	s1 =	sshrl.u32 s1, $0x2  }
0xba: {  	s3 =	sand.u32 $0x4000, s31;
	s1 =	sadd.s32 s1, s30  }
0xbb: {  	s0 =	sor.u32 s3, s0;
	s1 =	sshll.u32 s1, $0x11  }
0xbc: {  	s0 =	sor.u32 s1, s0  }
0xbd: {  	s0 =	sadd.s32 $0x8F2B, s0  }
0xbe: {  	[sflag:s0] =	ssyncadd.remote.s32 $0x1  }
0xbf: {  	_ =	sfence.sel $0xFFFF  }
0xc0: {  	[dreg:$0x0] =	wrdreg $0xFFFFFFFF;
	(pc) =	sbr.abs _section_cstart, $3  }
0xc1: {  	[dreg:$0x1] =	wrdreg $0xFFFFFFFF  }
0xc2: {  	_ =	task.clear_ibuf [dreg:s7], $0x2FFFF;
	_ =	strace $0x9FFFFFFF  }
0xc3: {  	(tm) =	ssettm $0x7FFFFFFF  }
tec
execute0_lowered:
.L_overlay_start_1:
0x0: {  	(tag) =	ssettag $0x1  }
0x1: {  	s1 =	rddreg [dreg:$0x0]  }
0x2: {  	s0 =	rddreg [dreg:$0x1]  }
0x3: {  	s3 =	rddreg [dreg:$0x2];
	s4 =	simm.s32 $0x0  }
0x4: {  	s2 =	srdreg.scid;
	s11 =	stileid.u32;
	s28 =	simm.s32 $0x1A000  }
0x5: {  	s29 =	simm.s32 $0x1;
	s30 =	simm.s32 $0x2;
	s31 =	simm.s32 $0x0  }
0x6: {  	[smem:$0x7FF] =	sst s4;
	s2 =	sand.u32 $0x1, s2;
	s5 =	smul.u32 $0x2800, s11  }
0x7: {  	s7 =	sadd.s32 $0x2000, s0;
	s9 =	smul.u32 $0x50000, s11;
	s10 =	sadd.s32 $0xC200, s0  }
0x8: {  	s20 =	sshll.u32 s11, $0x5;
	s21 =	sshll.u32 s11, $0x7;
	_ =	strace $0x8000004D  }
0x9: {  	s6 =	smul.u32 $0x28000, s2;
	s8 =	ssub.s32 $0x2, s2;
	p0 =	seq.s32 s2, $0x0  }
0xa: {  	s2 =	sor.u32 $0x800, s20;
	s11 =	smov.u32 s21;
	s16 =	sor.u32 $0x808, s20  }
0xb: {  	s17 =	sor.u32 $0x20, s21;
	s18 =	sshrl.u32 s8, $0x1;
	s19 =	sshrl.u32 s9, $0x2  }
0xc: {  	s11 =	smov.u32 @p0 s2;
	s2 =	simm.s32 $0x100;
	s17 =	smov.u32 @p0 s16  }
0xd: {  	s9 =	sor.u32 $0x60, s21;
	s5 =	sadd.s32 s5, s6;
	s6 =	ssub.s32 s8, s18  }
0xe: {  	s25 =	sshll.u32 s11, $0x4;
	s2 =	simm.s32 @!p0 $0x400;
	s17 =	sshll.u32 s17, $0x4  }
0xf: {  	s8 =	sor.u32 $0x818, s20;
	s0 =	sadd.s32 s5, s0;
	s5 =	sadd.s32 s19, s3  }
0x10: {  	s11 =	sadd.s32 s7, s25;
	s13 =	sadd.s32 s10, s25;
	s26 =	sadd.s32 s7, s17  }
0x11: {  	s2 =	sadd.s32 s2, s25;
	s9 =	smov.u32 @p0 s8;
	[dreg:$0x8] =	wrdreg s11  }
0x12: {  	s17 =	sadd.s32 s10, s17;
	s25 =	simm.s32 $0x1000;
	[dreg:$0x9] =	wrdreg s13  }
0x13: {  	s22 =	sadd.s32 $0x4000, s5;
	s12 =	sadd.s32 $0x8000, s5;
	[dreg:$0xa] =	wrdreg s26  }
0x14: {  	s23 =	sadd.s32 $0xC000, s5;
	s24 =	sadd.s32 $0x10000, s5;
	[dreg:$0x4] =	wrdreg s22  }
0x15: {  	s11 =	simm.s32 $0x3;
	s13 =	simm.s32 $0x3;
	[dreg:$0x5] =	wrdreg s12  }
0x16: {  	s18 =	sadd.s32 s7, s2;
	s8 =	sshll.u32 s9, $0x4;
	[dreg:$0x6] =	wrdreg s23  }
0x17: {  	s19 =	sadd.s32 s10, s2;
	s26 =	simm.s32 $0x80;
	[dreg:$0x7] =	wrdreg s24  }
0x18: {  	s11 =	simm.s32 @!p0 $0xF;
	s20 =	sadd.s32 s7, s8;
	s21 =	sadd.s32 s10, s8  }
0x19: {  	s22 =	sadd.s32 $0x16400, s0;
	s23 =	smax.u32 s6, $0x1;
	s15 =	sshll.u32 s11, $0x8  }
0x1a: {  	v0 =	vimm.f32 $0.0e+00;
	s24 =	simm.s32 $0x16000;
	s14 =	sor.u32 $0x1000, s15;
	s15 =	sor.u32 $0x1080, s15  }
.LBB2_1:
0x1b: {  	s0 =	simm.s32 $0x0;
	s2 =	simm.s32 $0x200  }
.LBB2_2:
0x1c: {  	p0 =	sne.s32 s2, $0xFE00;
	[tilespmem:s0+$0x16070] =	vst v0  }
0x1d: {  	[tilespmem:s0+$0x16000] =	vst v0  }
0x1e: {  	[tilespmem:s0+$0x16010] =	vst v0  }
.Ltmp0:
0x1f: {  	[tilespmem:s0+$0x16020] =	vst v0;
	(pc) =	sbr.rel @p0 .LBB2_2-.Ltmp0, $4  }
0x20: {  	[tilespmem:s0+$0x16030] =	vst v0  }
0x21: {  	[tilespmem:s0+$0x16040] =	vst v0  }
0x22: {  	[tilespmem:s0+$0x16050] =	vst v0  }
0x23: {  	[tilespmem:s0+$0x16060] =	vst v0;
	s0 =	sshra.s32 s2, $0x2;
	s2 =	sadd.s32 $0x200, s2  }
0x24: {  	[tilespmem:s0+$0x16070] =	vst v0  }
0x25: {  	[tilespmem:s0+$0x16000] =	vst v0  }
0x26: {  	[tilespmem:s0+$0x16010] =	vst v0  }
0x27: {  	[tilespmem:s0+$0x16020] =	vst v0  }
0x28: {  	[tilespmem:s0+$0x16030] =	vst v0  }
0x29: {  	[tilespmem:s0+$0x16040] =	vst v0  }
0x2a: {  	[tilespmem:s0+$0x16050] =	vst v0  }
0x2b: {  	[tilespmem:s0+$0x16060] =	vst v0  }
0x2c: {  	[spmem:s5] =	stream.linear.scatter [tilespmem:s24], [sflag:$0x3], $0x4000, $0x38;
	[tilespmem:$0x1E000] =	vst v63  }
0x2d: {  	_ =	swait.ge [sflag:s13], $0x4000  }
0x2e: {  	[sflag:s13] =	ssyncset.done $0x0  }
0x2f: {  	s7 =	rddreg [dreg:$0x4];
	[sflag:s13] =	ssyncadd.s32 $0xFFFFC000  }
0x30: {  	[spmem:s7] =	stream.linear.scatter [tilespmem:s24], [sflag:$0x3], $0x4000, $0x38;
	[tilespmem:$0x1E000] =	vst v63  }
0x31: {  	_ =	swait.ge [sflag:s13], $0x4000  }
0x32: {  	[sflag:s13] =	ssyncset.done $0x0  }
0x33: {  	s8 =	rddreg [dreg:$0x5];
	[sflag:s13] =	ssyncadd.s32 $0xFFFFC000  }
0x34: {  	[spmem:s8] =	stream.linear.scatter [tilespmem:s24], [sflag:$0x3], $0x4000, $0x38;
	[tilespmem:$0x1E000] =	vst v63  }
0x35: {  	_ =	swait.ge [sflag:s13], $0x4000  }
0x36: {  	[sflag:s13] =	ssyncset.done $0x0  }
0x37: {  	s9 =	rddreg [dreg:$0x6];
	[sflag:s13] =	ssyncadd.s32 $0xFFFFC000  }
0x38: {  	[spmem:s9] =	stream.linear.scatter [tilespmem:s24], [sflag:$0x3], $0x4000, $0x38;
	[tilespmem:$0x1E000] =	vst v63  }
0x39: {  	_ =	swait.ge [sflag:s13], $0x4000  }
0x3a: {  	[sflag:s13] =	ssyncset.done $0x0  }
0x3b: {  	s10 =	rddreg [dreg:$0x7];
	[sflag:s13] =	ssyncadd.s32 $0xFFFFC000  }
0x3c: {  	[spmem:s10] =	stream.linear.scatter [tilespmem:s24], [sflag:$0x3], $0x4000, $0x38;
	[tilespmem:$0x1E000] =	vst v63  }
0x3d: {  	_ =	swait.ge [sflag:s13], $0x4000  }
0x3e: {  	[sflag:s13] =	ssyncset.done $0x0  }
0x3f: {  	[sflag:s13] =	ssyncadd.s32 $0xFFFFC000  }
0x40: {  	[bflag:$0x0] =	sbarrier.arrive $0xFFFF  }
0x41: {  	s12 =	rddreg [dreg:$0x8]  }
0x42: {  	[tilespmem:s4], [sflag:$0x3] =	stream.linear.gather [hbm4b:s12+s4], $0x1000, $0x38;
	[tilespmem:$0x1E000] =	vst v63  }
0x43: {  	_ =	swait.ge [sflag:s13], $0x1000  }
0x44: {  	[sflag:s13] =	ssyncset.done $0x0  }
0x45: {  	s16 =	rddreg [dreg:$0x9];
	[sflag:s13] =	ssyncadd.s32 $0xFFFFF000  }
0x46: {  	[tilespmem:s25], [sflag:$0x3] =	stream.linear.gather [hbm4b:s16+s4], $0x1000, $0x38;
	[tilespmem:$0x1E000] =	vst v63  }
0x47: {  	_ =	swait.ge [sflag:s13], $0x1000  }
0x48: {  	[sflag:s13] =	ssyncset.done $0x0  }
0x49: {  	[sflag:s13] =	ssyncadd.s32 $0xFFFFF000  }
0x4a: {  	[tilespmem:s24], [sflag:$0x1] =	stream.indirect.gather [hbm4b:s1+s26], $0x80, s4, s26, $0xb8;
	[tilespmem:$0x1E000] =	vst v63  }
0x4b: {  	_ = 	snop  }
0x4c: {  	[tilespmem:s28], [sflag:$0x2] =	stream.indirect.gather [hbm4b:s1+s26], $0x80, s26, s26, $0xb8;
	[tilespmem:$0x1E000] =	vst v63  }
0x4d: {  	_ =	swait.ge [sflag:s29], $0x4000  }
0x4e: {  	[sflag:s29] =	ssyncset.done $0x0  }
0x4f: {  	s2 =	simm.s32 $0x1000;
	[sflag:s29] =	ssyncadd.s32 $0xFFFFC000  }
0x50: {  	[spmem:s3] =	stream.indirect.scatter.add.f32 [tilespmem:s24], [sflag:$0x3], $0x80, s2, s26, $0xb8;
	[tilespmem:$0x1E000] =	vst v63  }
0x51: {  	_ =	swait.ge [sflag:s13], $0x4000  }
0x52: {  	[sflag:s13] =	ssyncset.done $0x0  }
0x53: {  	s7 =	simm.s32 $0x100;
	[sflag:s13] =	ssyncadd.s32 $0xFFFFC000  }
0x54: {  	[tilespmem:s24], [sflag:$0x1] =	stream.indirect.gather [hbm4b:s1+s26], $0x80, s7, s26, $0xb8;
	[tilespmem:$0x1E000] =	vst v63  }
0x55: {  	_ =	swait.ge [sflag:s30], $0x4000  }
0x56: {  	p0 =	sne.s32 s11, $0x1;
	[sflag:s30] =	ssyncset.done $0x0  }
.Ltmp1:
0x57: {  	s6 =	simm.s32 $0x1080;
	[sflag:s30] =	ssyncadd.s32 $0xFFFFC000;
	(pc) =	sbr.rel @!p0 .LBB2_5-.Ltmp1, $4  }
0x58: {  	[spmem:s3] =	stream.indirect.scatter.add.f32 [tilespmem:s28], [sflag:$0x3], $0x80, s6, s26, $0xb8;
	[tilespmem:$0x1E000] =	vst v63  }
0x59: {  	s0 =	simm.s32 $0x180;
	_ =	swait.ge [sflag:s13], $0x4000  }
0x5a: {  	s8 =	sadd.s32 $0xFFFFFFFF, s11;
	s9 =	simm.s32 $0x280;
	[sflag:s13] =	ssyncset.done $0x0  }
0x5b: {  	s10 =	simm.s32 $0x1180;
	s12 =	simm.s32 $0x180;
	[sflag:s13] =	ssyncadd.s32 $0xFFFFC000  }
.LBB2_4:
0x5c: {  	[tilespmem:s28], [sflag:$0x2] =	stream.indirect.gather [hbm4b:s1+s26], $0x80, s12, s26, $0xb8;
	[tilespmem:$0x1E000] =	vst v63  }
0x5d: {  	p1 =	sne.s32 s8, $0x1;
	s8 =	sadd.s32 $0xFFFFFFFF, s8;
	_ =	swait.ge [sflag:s29], $0x4000  }
0x5e: {  	s12 =	smov.u32 s9;
	[sflag:s29] =	ssyncset.done $0x0  }
0x5f: {  	s16 =	sadd.s32 $0xFFFFFF80, s10;
	[sflag:s29] =	ssyncadd.s32 $0xFFFFC000  }
0x60: {  	[spmem:s3] =	stream.indirect.scatter.add.f32 [tilespmem:s24], [sflag:$0x3], $0x80, s16, s26, $0xb8;
	[tilespmem:$0x1E000] =	vst v63  }
0x61: {  	_ =	swait.ge [sflag:s13], $0x4000  }
0x62: {  	[sflag:s13] =	ssyncset.done $0x0  }
0x63: {  	s16 =	sadd.s32 $0xFFFFFF80, s9;
	[sflag:s13] =	ssyncadd.s32 $0xFFFFC000  }
0x64: {  	[tilespmem:s24], [sflag:$0x1] =	stream.indirect.gather [hbm4b:s1+s26], $0x80, s16, s26, $0xb8;
	[tilespmem:$0x1E000] =	vst v63  }
0x65: {  	_ =	swait.ge [sflag:s30], $0x4000  }
0x66: {  	[sflag:s30] =	ssyncset.done $0x0  }
.Ltmp2:
0x67: {  	[sflag:s30] =	ssyncadd.s32 $0xFFFFC000;
	(pc) =	sbr.rel @p1 .LBB2_4-.Ltmp2, $4  }
0x68: {  	[spmem:s3] =	stream.indirect.scatter.add.f32 [tilespmem:s28], [sflag:$0x3], $0x80, s10, s26, $0xb8;
	[tilespmem:$0x1E000] =	vst v63  }
0x69: {  	_ =	swait.ge [sflag:s13], $0x4000  }
0x6a: {  	[sflag:s13] =	ssyncset.done $0x0  }
0x6b: {  	s9 =	sadd.s32 $0x100, s9;
	s10 =	sadd.s32 $0x100, s10;
	[sflag:s13] =	ssyncadd.s32 $0xFFFFC000  }
.LBB2_5:
0x6c: {  	[tilespmem:s28], [sflag:$0x2] =	stream.indirect.gather [hbm4b:s1+s26], $0x80, s12, s26, $0xb8;
	[tilespmem:$0x1E000] =	vst v63  }
0x6d: {  	_ =	swait.ge [sflag:s29], $0x4000  }
0x6e: {  	[sflag:s29] =	ssyncset.done $0x0  }
0x6f: {  	[sflag:s29] =	ssyncadd.s32 $0xFFFFC000  }
0x70: {  	[spmem:s3] =	stream.indirect.scatter.add.f32 [tilespmem:s24], [sflag:$0x3], $0x80, s14, s26, $0xb8;
	[tilespmem:$0x1E000] =	vst v63  }
0x71: {  	_ =	swait.ge [sflag:s13], $0x4000  }
0x72: {  	[sflag:s13] =	ssyncset.done $0x0  }
0x73: {  	[sflag:s13] =	ssyncadd.s32 $0xFFFFC000  }
0x74: {  	_ =	swait.ge [sflag:s30], $0x4000  }
0x75: {  	[sflag:s30] =	ssyncset.done $0x0  }
0x76: {  	[sflag:s30] =	ssyncadd.s32 $0xFFFFC000  }
0x77: {  	[spmem:s3] =	stream.indirect.scatter.add.f32 [tilespmem:s28], [sflag:$0x3], $0x80, s15, s26, $0xb8;
	[tilespmem:$0x1E000] =	vst v63  }
0x78: {  	_ =	swait.ge [sflag:s13], $0x4000  }
0x79: {  	[sflag:s13] =	ssyncset.done $0x0  }
0x7a: {  	s8 =	rddreg [dreg:$0xa];
	[sflag:s13] =	ssyncadd.s32 $0xFFFFC000  }
0x7b: {  	[tilespmem:s4], [sflag:$0x3] =	stream.linear.gather [hbm4b:s8+s4], $0x1000, $0x38;
	[tilespmem:$0x1E000] =	vst v63  }
0x7c: {  	_ =	swait.ge [sflag:s13], $0x1000  }
0x7d: {  	[sflag:s13] =	ssyncset.done $0x0  }
0x7e: {  	[sflag:s13] =	ssyncadd.s32 $0xFFFFF000  }
0x7f: {  	[tilespmem:s25], [sflag:$0x3] =	stream.linear.gather [hbm4b:s17+s4], $0x1000, $0x38;
	[tilespmem:$0x1E000] =	vst v63  }
0x80: {  	_ =	swait.ge [sflag:s13], $0x1000  }
0x81: {  	[sflag:s13] =	ssyncset.done $0x0  }
0x82: {  	[sflag:s13] =	ssyncadd.s32 $0xFFFFF000  }
0x83: {  	[tilespmem:s24], [sflag:$0x1] =	stream.indirect.gather [hbm4b:s1+s26], $0x80, s4, s26, $0xb8;
	[tilespmem:$0x1E000] =	vst v63  }
0x84: {  	_ = 	snop  }
0x85: {  	[tilespmem:s28], [sflag:$0x2] =	stream.indirect.gather [hbm4b:s1+s26], $0x80, s26, s26, $0xb8;
	[tilespmem:$0x1E000] =	vst v63  }
0x86: {  	_ =	swait.ge [sflag:s29], $0x4000  }
0x87: {  	[sflag:s29] =	ssyncset.done $0x0  }
0x88: {  	[sflag:s29] =	ssyncadd.s32 $0xFFFFC000  }
0x89: {  	[spmem:s3] =	stream.indirect.scatter.add.f32 [tilespmem:s24], [sflag:$0x3], $0x80, s2, s26, $0xb8;
	[tilespmem:$0x1E000] =	vst v63  }
0x8a: {  	_ =	swait.ge [sflag:s13], $0x4000  }
0x8b: {  	[sflag:s13] =	ssyncset.done $0x0  }
0x8c: {  	[sflag:s13] =	ssyncadd.s32 $0xFFFFC000  }
0x8d: {  	[tilespmem:s24], [sflag:$0x1] =	stream.indirect.gather [hbm4b:s1+s26], $0x80, s7, s26, $0xb8;
	[tilespmem:$0x1E000] =	vst v63  }
0x8e: {  	_ =	swait.ge [sflag:s30], $0x4000  }
0x8f: {  	[sflag:s30] =	ssyncset.done $0x0  }
.Ltmp3:
0x90: {  	[sflag:s30] =	ssyncadd.s32 $0xFFFFC000;
	(pc) =	sbr.rel @!p0 .LBB2_7-.Ltmp3, $4  }
0x91: {  	[spmem:s3] =	stream.indirect.scatter.add.f32 [tilespmem:s28], [sflag:$0x3], $0x80, s6, s26, $0xb8;
	[tilespmem:$0x1E000] =	vst v63  }
0x92: {  	_ =	swait.ge [sflag:s13], $0x4000  }
0x93: {  	s2 =	sadd.s32 $0xFFFFFFFF, s11;
	[sflag:s13] =	ssyncset.done $0x0  }
0x94: {  	s7 =	simm.s32 $0x1180;
	s6 =	simm.s32 $0x280;
	[sflag:s13] =	ssyncadd.s32 $0xFFFFC000  }
.LBB2_6:
0x95: {  	[tilespmem:s28], [sflag:$0x2] =	stream.indirect.gather [hbm4b:s1+s26], $0x80, s0, s26, $0xb8;
	[tilespmem:$0x1E000] =	vst v63  }
0x96: {  	p1 =	sne.s32 s2, $0x1;
	s2 =	sadd.s32 $0xFFFFFFFF, s2;
	_ =	swait.ge [sflag:s29], $0x4000  }
0x97: {  	s0 =	smov.u32 s6;
	[sflag:s29] =	ssyncset.done $0x0  }
0x98: {  	s8 =	sadd.s32 $0xFFFFFF80, s7;
	[sflag:s29] =	ssyncadd.s32 $0xFFFFC000  }
0x99: {  	[spmem:s3] =	stream.indirect.scatter.add.f32 [tilespmem:s24], [sflag:$0x3], $0x80, s8, s26, $0xb8;
	[tilespmem:$0x1E000] =	vst v63  }
0x9a: {  	_ =	swait.ge [sflag:s13], $0x4000  }
0x9b: {  	[sflag:s13] =	ssyncset.done $0x0  }
0x9c: {  	s8 =	sadd.s32 $0xFFFFFF80, s6;
	[sflag:s13] =	ssyncadd.s32 $0xFFFFC000  }
0x9d: {  	[tilespmem:s24], [sflag:$0x1] =	stream.indirect.gather [hbm4b:s1+s26], $0x80, s8, s26, $0xb8;
	[tilespmem:$0x1E000] =	vst v63  }
0x9e: {  	_ =	swait.ge [sflag:s30], $0x4000  }
0x9f: {  	[sflag:s30] =	ssyncset.done $0x0  }
.Ltmp4:
0xa0: {  	[sflag:s30] =	ssyncadd.s32 $0xFFFFC000;
	(pc) =	sbr.rel @p1 .LBB2_6-.Ltmp4, $4  }
0xa1: {  	[spmem:s3] =	stream.indirect.scatter.add.f32 [tilespmem:s28], [sflag:$0x3], $0x80, s7, s26, $0xb8;
	[tilespmem:$0x1E000] =	vst v63  }
0xa2: {  	_ =	swait.ge [sflag:s13], $0x4000  }
0xa3: {  	[sflag:s13] =	ssyncset.done $0x0  }
0xa4: {  	s6 =	sadd.s32 $0x100, s6;
	s7 =	sadd.s32 $0x100, s7;
	[sflag:s13] =	ssyncadd.s32 $0xFFFFC000  }
.LBB2_7:
0xa5: {  	[tilespmem:s28], [sflag:$0x2] =	stream.indirect.gather [hbm4b:s1+s26], $0x80, s0, s26, $0xb8;
	[tilespmem:$0x1E000] =	vst v63  }
0xa6: {  	_ =	swait.ge [sflag:s29], $0x4000  }
0xa7: {  	[sflag:s29] =	ssyncset.done $0x0  }
0xa8: {  	[sflag:s29] =	ssyncadd.s32 $0xFFFFC000  }
0xa9: {  	[spmem:s3] =	stream.indirect.scatter.add.f32 [tilespmem:s24], [sflag:$0x3], $0x80, s14, s26, $0xb8;
	[tilespmem:$0x1E000] =	vst v63  }
0xaa: {  	_ =	swait.ge [sflag:s13], $0x4000  }
0xab: {  	[sflag:s13] =	ssyncset.done $0x0  }
0xac: {  	[sflag:s13] =	ssyncadd.s32 $0xFFFFC000  }
0xad: {  	_ =	swait.ge [sflag:s30], $0x4000  }
0xae: {  	[sflag:s30] =	ssyncset.done $0x0  }
0xaf: {  	[sflag:s30] =	ssyncadd.s32 $0xFFFFC000  }
0xb0: {  	[spmem:s3] =	stream.indirect.scatter.add.f32 [tilespmem:s28], [sflag:$0x3], $0x80, s15, s26, $0xb8;
	[tilespmem:$0x1E000] =	vst v63  }
0xb1: {  	_ =	swait.ge [sflag:s13], $0x4000  }
0xb2: {  	[sflag:s13] =	ssyncset.done $0x0  }
0xb3: {  	[sflag:s13] =	ssyncadd.s32 $0xFFFFC000  }
0xb4: {  	[tilespmem:s4], [sflag:$0x3] =	stream.linear.gather [hbm4b:s18+s4], $0x1000, $0x38;
	[tilespmem:$0x1E000] =	vst v63  }
0xb5: {  	_ =	swait.ge [sflag:s13], $0x1000  }
0xb6: {  	[sflag:s13] =	ssyncset.done $0x0  }
0xb7: {  	[sflag:s13] =	ssyncadd.s32 $0xFFFFF000  }
0xb8: {  	[tilespmem:s25], [sflag:$0x3] =	stream.linear.gather [hbm4b:s19+s4], $0x1000, $0x38;
	[tilespmem:$0x1E000] =	vst v63  }
0xb9: {  	_ =	swait.ge [sflag:s13], $0x1000  }
0xba: {  	[sflag:s13] =	ssyncset.done $0x0  }
0xbb: {  	[sflag:s13] =	ssyncadd.s32 $0xFFFFF000  }
0xbc: {  	[tilespmem:s24], [sflag:$0x1] =	stream.indirect.gather [hbm4b:s1+s26], $0x80, s4, s26, $0xb8;
	[tilespmem:$0x1E000] =	vst v63  }
0xbd: {  	_ = 	snop  }
0xbe: {  	[tilespmem:s28], [sflag:$0x2] =	stream.indirect.gather [hbm4b:s1+s26], $0x80, s26, s26, $0xb8;
	[tilespmem:$0x1E000] =	vst v63  }
0xbf: {  	_ =	swait.ge [sflag:s29], $0x4000  }
0xc0: {  	[sflag:s29] =	ssyncset.done $0x0  }
0xc1: {  	s2 =	simm.s32 $0x1000;
	[sflag:s29] =	ssyncadd.s32 $0xFFFFC000  }
0xc2: {  	[spmem:s3] =	stream.indirect.scatter.add.f32 [tilespmem:s24], [sflag:$0x3], $0x80, s2, s26, $0xb8;
	[tilespmem:$0x1E000] =	vst v63  }
0xc3: {  	_ =	swait.ge [sflag:s13], $0x4000  }
0xc4: {  	[sflag:s13] =	ssyncset.done $0x0  }
0xc5: {  	s7 =	simm.s32 $0x100;
	[sflag:s13] =	ssyncadd.s32 $0xFFFFC000  }
0xc6: {  	[tilespmem:s24], [sflag:$0x1] =	stream.indirect.gather [hbm4b:s1+s26], $0x80, s7, s26, $0xb8;
	[tilespmem:$0x1E000] =	vst v63  }
0xc7: {  	_ =	swait.ge [sflag:s30], $0x4000  }
0xc8: {  	[sflag:s30] =	ssyncset.done $0x0  }
.Ltmp5:
0xc9: {  	s6 =	simm.s32 $0x1080;
	[sflag:s30] =	ssyncadd.s32 $0xFFFFC000;
	(pc) =	sbr.rel @!p0 .LBB2_9-.Ltmp5, $4  }
0xca: {  	[spmem:s3] =	stream.indirect.scatter.add.f32 [tilespmem:s28], [sflag:$0x3], $0x80, s6, s26, $0xb8;
	[tilespmem:$0x1E000] =	vst v63  }
0xcb: {  	s0 =	simm.s32 $0x180;
	_ =	swait.ge [sflag:s13], $0x4000  }
0xcc: {  	s8 =	sadd.s32 $0xFFFFFFFF, s11;
	s9 =	simm.s32 $0x280;
	[sflag:s13] =	ssyncset.done $0x0  }
0xcd: {  	s10 =	simm.s32 $0x1180;
	s12 =	simm.s32 $0x180;
	[sflag:s13] =	ssyncadd.s32 $0xFFFFC000  }
.LBB2_8:
0xce: {  	[tilespmem:s28], [sflag:$0x2] =	stream.indirect.gather [hbm4b:s1+s26], $0x80, s12, s26, $0xb8;
	[tilespmem:$0x1E000] =	vst v63  }
0xcf: {  	p1 =	sne.s32 s8, $0x1;
	s8 =	sadd.s32 $0xFFFFFFFF, s8;
	_ =	swait.ge [sflag:s29], $0x4000  }
0xd0: {  	s12 =	smov.u32 s9;
	[sflag:s29] =	ssyncset.done $0x0  }
0xd1: {  	s16 =	sadd.s32 $0xFFFFFF80, s10;
	[sflag:s29] =	ssyncadd.s32 $0xFFFFC000  }
0xd2: {  	[spmem:s3] =	stream.indirect.scatter.add.f32 [tilespmem:s24], [sflag:$0x3], $0x80, s16, s26, $0xb8;
	[tilespmem:$0x1E000] =	vst v63  }
0xd3: {  	_ =	swait.ge [sflag:s13], $0x4000  }
0xd4: {  	[sflag:s13] =	ssyncset.done $0x0  }
0xd5: {  	s16 =	sadd.s32 $0xFFFFFF80, s9;
	[sflag:s13] =	ssyncadd.s32 $0xFFFFC000  }
0xd6: {  	[tilespmem:s24], [sflag:$0x1] =	stream.indirect.gather [hbm4b:s1+s26], $0x80, s16, s26, $0xb8;
	[tilespmem:$0x1E000] =	vst v63  }
0xd7: {  	_ =	swait.ge [sflag:s30], $0x4000  }
0xd8: {  	[sflag:s30] =	ssyncset.done $0x0  }
.Ltmp6:
0xd9: {  	[sflag:s30] =	ssyncadd.s32 $0xFFFFC000;
	(pc) =	sbr.rel @p1 .LBB2_8-.Ltmp6, $4  }
0xda: {  	[spmem:s3] =	stream.indirect.scatter.add.f32 [tilespmem:s28], [sflag:$0x3], $0x80, s10, s26, $0xb8;
	[tilespmem:$0x1E000] =	vst v63  }
0xdb: {  	_ =	swait.ge [sflag:s13], $0x4000  }
0xdc: {  	[sflag:s13] =	ssyncset.done $0x0  }
0xdd: {  	s9 =	sadd.s32 $0x100, s9;
	s10 =	sadd.s32 $0x100, s10;
	[sflag:s13] =	ssyncadd.s32 $0xFFFFC000  }
.LBB2_9:
0xde: {  	[tilespmem:s28], [sflag:$0x2] =	stream.indirect.gather [hbm4b:s1+s26], $0x80, s12, s26, $0xb8;
	[tilespmem:$0x1E000] =	vst v63  }
0xdf: {  	_ =	swait.ge [sflag:s29], $0x4000  }
0xe0: {  	[sflag:s29] =	ssyncset.done $0x0  }
0xe1: {  	[sflag:s29] =	ssyncadd.s32 $0xFFFFC000  }
0xe2: {  	[spmem:s3] =	stream.indirect.scatter.add.f32 [tilespmem:s24], [sflag:$0x3], $0x80, s14, s26, $0xb8;
	[tilespmem:$0x1E000] =	vst v63  }
0xe3: {  	_ =	swait.ge [sflag:s13], $0x4000  }
0xe4: {  	[sflag:s13] =	ssyncset.done $0x0  }
0xe5: {  	[sflag:s13] =	ssyncadd.s32 $0xFFFFC000  }
0xe6: {  	_ =	swait.ge [sflag:s30], $0x4000  }
0xe7: {  	[sflag:s30] =	ssyncset.done $0x0  }
0xe8: {  	[sflag:s30] =	ssyncadd.s32 $0xFFFFC000  }
0xe9: {  	[spmem:s3] =	stream.indirect.scatter.add.f32 [tilespmem:s28], [sflag:$0x3], $0x80, s15, s26, $0xb8;
	[tilespmem:$0x1E000] =	vst v63  }
0xea: {  	_ =	swait.ge [sflag:s13], $0x4000  }
0xeb: {  	[sflag:s13] =	ssyncset.done $0x0  }
0xec: {  	[sflag:s13] =	ssyncadd.s32 $0xFFFFC000  }
0xed: {  	[tilespmem:s4], [sflag:$0x3] =	stream.linear.gather [hbm4b:s20+s4], $0x1000, $0x38;
	[tilespmem:$0x1E000] =	vst v63  }
0xee: {  	_ =	swait.ge [sflag:s13], $0x1000  }
0xef: {  	[sflag:s13] =	ssyncset.done $0x0  }
0xf0: {  	[sflag:s13] =	ssyncadd.s32 $0xFFFFF000  }
0xf1: {  	[tilespmem:s25], [sflag:$0x3] =	stream.linear.gather [hbm4b:s21+s4], $0x1000, $0x38;
	[tilespmem:$0x1E000] =	vst v63  }
0xf2: {  	_ =	swait.ge [sflag:s13], $0x1000  }
0xf3: {  	[sflag:s13] =	ssyncset.done $0x0  }
0xf4: {  	[sflag:s13] =	ssyncadd.s32 $0xFFFFF000  }
0xf5: {  	[tilespmem:s24], [sflag:$0x1] =	stream.indirect.gather [hbm4b:s1+s26], $0x80, s4, s26, $0xb8;
	[tilespmem:$0x1E000] =	vst v63  }
0xf6: {  	_ = 	snop  }
0xf7: {  	[tilespmem:s28], [sflag:$0x2] =	stream.indirect.gather [hbm4b:s1+s26], $0x80, s26, s26, $0xb8;
	[tilespmem:$0x1E000] =	vst v63  }
0xf8: {  	_ =	swait.ge [sflag:s29], $0x4000  }
0xf9: {  	[sflag:s29] =	ssyncset.done $0x0  }
0xfa: {  	[sflag:s29] =	ssyncadd.s32 $0xFFFFC000  }
0xfb: {  	[spmem:s3] =	stream.indirect.scatter.add.f32 [tilespmem:s24], [sflag:$0x3], $0x80, s2, s26, $0xb8;
	[tilespmem:$0x1E000] =	vst v63  }
0xfc: {  	_ =	swait.ge [sflag:s13], $0x4000  }
0xfd: {  	[sflag:s13] =	ssyncset.done $0x0  }
0xfe: {  	[sflag:s13] =	ssyncadd.s32 $0xFFFFC000  }
0xff: {  	[tilespmem:s24], [sflag:$0x1] =	stream.indirect.gather [hbm4b:s1+s26], $0x80, s7, s26, $0xb8;
	[tilespmem:$0x1E000] =	vst v63  }
0x100: {  	_ =	swait.ge [sflag:s30], $0x4000  }
0x101: {  	[sflag:s30] =	ssyncset.done $0x0  }
.Ltmp7:
0x102: {  	[sflag:s30] =	ssyncadd.s32 $0xFFFFC000;
	(pc) =	sbr.rel @!p0 .LBB2_11-.Ltmp7, $4  }
0x103: {  	[spmem:s3] =	stream.indirect.scatter.add.f32 [tilespmem:s28], [sflag:$0x3], $0x80, s6, s26, $0xb8;
	[tilespmem:$0x1E000] =	vst v63  }
0x104: {  	_ =	swait.ge [sflag:s13], $0x4000  }
0x105: {  	s2 =	sadd.s32 $0xFFFFFFFF, s11;
	[sflag:s13] =	ssyncset.done $0x0  }
0x106: {  	s7 =	simm.s32 $0x1180;
	s6 =	simm.s32 $0x280;
	[sflag:s13] =	ssyncadd.s32 $0xFFFFC000  }
.LBB2_10:
0x107: {  	[tilespmem:s28], [sflag:$0x2] =	stream.indirect.gather [hbm4b:s1+s26], $0x80, s0, s26, $0xb8;
	[tilespmem:$0x1E000] =	vst v63  }
0x108: {  	p0 =	sne.s32 s2, $0x1;
	s2 =	sadd.s32 $0xFFFFFFFF, s2;
	_ =	swait.ge [sflag:s29], $0x4000  }
0x109: {  	s0 =	smov.u32 s6;
	[sflag:s29] =	ssyncset.done $0x0  }
0x10a: {  	s8 =	sadd.s32 $0xFFFFFF80, s7;
	[sflag:s29] =	ssyncadd.s32 $0xFFFFC000  }
0x10b: {  	[spmem:s3] =	stream.indirect.scatter.add.f32 [tilespmem:s24], [sflag:$0x3], $0x80, s8, s26, $0xb8;
	[tilespmem:$0x1E000] =	vst v63  }
0x10c: {  	_ =	swait.ge [sflag:s13], $0x4000  }
0x10d: {  	[sflag:s13] =	ssyncset.done $0x0  }
0x10e: {  	s8 =	sadd.s32 $0xFFFFFF80, s6;
	[sflag:s13] =	ssyncadd.s32 $0xFFFFC000  }
0x10f: {  	[tilespmem:s24], [sflag:$0x1] =	stream.indirect.gather [hbm4b:s1+s26], $0x80, s8, s26, $0xb8;
	[tilespmem:$0x1E000] =	vst v63  }
0x110: {  	_ =	swait.ge [sflag:s30], $0x4000  }
0x111: {  	[sflag:s30] =	ssyncset.done $0x0  }
.Ltmp8:
0x112: {  	[sflag:s30] =	ssyncadd.s32 $0xFFFFC000;
	(pc) =	sbr.rel @p0 .LBB2_10-.Ltmp8, $4  }
0x113: {  	[spmem:s3] =	stream.indirect.scatter.add.f32 [tilespmem:s28], [sflag:$0x3], $0x80, s7, s26, $0xb8;
	[tilespmem:$0x1E000] =	vst v63  }
0x114: {  	_ =	swait.ge [sflag:s13], $0x4000  }
0x115: {  	[sflag:s13] =	ssyncset.done $0x0  }
0x116: {  	s6 =	sadd.s32 $0x100, s6;
	s7 =	sadd.s32 $0x100, s7;
	[sflag:s13] =	ssyncadd.s32 $0xFFFFC000  }
.LBB2_11:
0x117: {  	[tilespmem:s28], [sflag:$0x2] =	stream.indirect.gather [hbm4b:s1+s26], $0x80, s0, s26, $0xb8;
	[tilespmem:$0x1E000] =	vst v63  }
0x118: {  	_ =	swait.ge [sflag:s29], $0x4000  }
0x119: {  	[sflag:s29] =	ssyncset.done $0x0  }
0x11a: {  	[sflag:s29] =	ssyncadd.s32 $0xFFFFC000  }
0x11b: {  	[spmem:s3] =	stream.indirect.scatter.add.f32 [tilespmem:s24], [sflag:$0x3], $0x80, s14, s26, $0xb8;
	[tilespmem:$0x1E000] =	vst v63  }
0x11c: {  	_ =	swait.ge [sflag:s13], $0x4000  }
0x11d: {  	[sflag:s13] =	ssyncset.done $0x0  }
0x11e: {  	[sflag:s13] =	ssyncadd.s32 $0xFFFFC000  }
0x11f: {  	_ =	swait.ge [sflag:s30], $0x4000  }
0x120: {  	[sflag:s30] =	ssyncset.done $0x0  }
0x121: {  	[sflag:s30] =	ssyncadd.s32 $0xFFFFC000  }
0x122: {  	[spmem:s3] =	stream.indirect.scatter.add.f32 [tilespmem:s28], [sflag:$0x3], $0x80, s15, s26, $0xb8;
	[tilespmem:$0x1E000] =	vst v63  }
0x123: {  	s16 =	stileid.u32;
	_ =	swait.ge [sflag:s13], $0x4000  }
0x124: {  	s2 =	sshrl.u32 s5, $0x3;
	s31 =	sadd.s32 $0x1, s31;
	[sflag:s13] =	ssyncset.done $0x0  }
0x125: {  	s0 =	sshll.u32 s16, $0x6;
	p0 =	sne.s32 s31, s23;
	[sflag:s13] =	ssyncadd.s32 $0xFFFFC000  }
.Ltmp9:
0x126: {  	s0 =	sor.u32 $0x1C03, s0;
	[bflag:$0x0] =	sbarrier.arrive $0xFFFF;
	(pc) =	sbr.rel @p0 .LBB2_1-.Ltmp9, $4  }
0x127: {  	[hbm:s22], [sflag:s0] =	dma.local [spmem:s2], $0x2800  }
0x128: {  	_ =	swait.ge [sflag:s13], $0x2800  }
0x129: {  	[sflag:s13] =	ssyncset.done $0x0  }
0x12a: {  	[sflag:s13] =	ssyncadd.s32 $0xFFFFD800  }
0x12b: {  	_ =	sfence.sel $0x180000  }
0x12c: {  	[bflag:$0x0] =	sbarrier.arrive $0xFFFF  }
0x12d: {  	_ =	strace $0x9000004D  }
0x12e: {  	s0 =	stileid.u32;
	[bflag:$0x2] =	sbarrier.arrive $0xFFFF  }
0x12f: {  	p0 =	sne.s32 s0, $0x0;
	s0 =	rddreg [dreg:$0x3]  }
0x130: {  	s0 =	sadd.s32 @!p0 $0x100000, s0  }
0x131: {  	[sflag:s0] =	ssyncadd.tile.s32 @!p0 $0x1;
	_ =	shalt  }
.Lfunc_end2:
_tile_overlayer_lowered:
.L_overlay_start_2:
0x132: {  	(tag) =	ssettag $0x2  }
0x133: {  	s0 =	rddreg [dreg:$0x0];
	s2 =	stileid.u32  }
0x134: {  	s1 =	rddreg [dreg:$0x1];
	p0 =	sne.s32 s2, $0x0  }
0x135: {  	s3 =	rddreg [dreg:$0x2];
	[bflag:$0x3] =	sbarrier.arrive $0xFFFF;
	s2 =	simm.s32 @!p0 $0x1C03  }
0x136: {  	[timem:s3], [sflag:s2] =	dma.local @!p0 [hbm:s0], s1  }
0x137: {  	s0 =	simm.s32 @!p0 $0x3  }
0x138: {  	_ =	swait.ge @!p0 [sflag:s0], s1  }
0x139: {  	s1 =	ssub.s32 @!p0 $0x0, s1;
	[sflag:s0] =	ssyncset.done @!p0 $0x0  }
0x13a: {  	[sflag:s0] =	ssyncadd.s32 @!p0 s1  }
0x13b: {  	[bflag:$0x3] =	sbarrier.arrive $0xFFFF  }
0x13c: {  	_ =	shalt  }

// kernel: kernel.7.cloned.1.call-start
scs
__scs_entry_jumppad:
0x0: {  	(pc) =	sbr.rel $0x88, $3  }
0x1: {  	(tag) =	ssettag $0x0;
	lr =	simm.s32 $0x1  }
0x2: {  	[smem:$0x3F99] =	sst lr;
	_ =	strace $0xD0000000  }
0x3: {  	_ = 	snop  }
0x4: {  	_ = 	snop  }
0x5: {  	_ = 	snop  }
0x6: {  	_ = 	snop  }
0x7: {  	_ = 	snop  }
__scs_overlays_trampoline_lowered:
0x8: {  	[smem:$0x3FA8] =	sst s0  }
0x9: {  	[smem:$0x3FA9] =	sst s1  }
0xa: {  	[smem:$0x3FAA] =	sst s2  }
0xb: {  	[smem:$0x3FAB] =	sst s3  }
0xc: {  	[smem:$0x3FAC] =	sst s4  }
0xd: {  	[smem:$0x3FAD] =	sst s5  }
0xe: {  	[smem:$0x3FAE] =	sst s6  }
0xf: {  	[smem:$0x3FAF] =	sst s7  }
0x10: {  	[smem:$0x3FB0] =	sst s8  }
0x11: {  	[smem:$0x3FB1] =	sst s9;
	s0 =	simm.s32 @!p0 $0x0  }
0x12: {  	s1 =	sld [smem:$0x3F97];
	s0 =	simm.s32 @p0 $0x1  }
0x13: {  	[smem:$0x3FB2] =	sst s0;
	s0 =	simm.s32 @!p1 $0x0  }
0x14: {  	s2 =	sld [smem:$0x3F96];
	s0 =	simm.s32 @p1 $0x1  }
0x15: {  	[smem:$0x3FB3] =	sst s0;
	s0 =	simm.s32 @!p2 $0x0  }
0x16: {  	s3 =	sld [smem:$0x3FDB];
	s0 =	simm.s32 @p2 $0x1  }
0x17: {  	s4 =	simm.s32 $0x1BF5;
	[smem:$0x3FB5] =	sst s0  }
0x18: {  	s0 =	sld [smem:$0x3F98];
	_ =	swait.ge [sflag:s4], $0x0  }
0x19: {  	s7 =	sld [smem:$0x3F99]  }
0x1a: {  	s8 =	sadd.s32 $0xFFFFE003, lr  }
0x1b: {  	s9 =	sadd.s32 $0xFFFFFEF7, lr;
	s5 =	simm.s32 $0xFFFFFFFF;
	p2 =	slt.u32 s8, $0xFFFFF086  }
0x1c: {  	p1 =	slt.u32 s9, $0xF7A;
	s5 =	simm.s32 @!p2 $0x0  }
0x1d: {  	s5 =	simm.s32 @p1 $0x1;
	p0 =	seq.s32 s7, s2  }
0x1e: {  	s7 =	smul.u32 @!p0 $0xF7A, s2;
	p2 =	seq.s32 @!p0 s5, $0x0  }
0x1f: {  	s9 =	smul.u32 $0xF7A, s1;
	s8 =	simm.s32 @!p0 $0x1BF5;
	p2 =	por !p2, p0  }
0x20: {  	[sflag:s8] =	ssyncset.s32 @!p0 $0xFFFFF086;
	s6 =	sadd.s32 @!p0 s3, s7;
	s7 =	simm.s32 @!p0 $0x108  }
0x21: {  	s3 =	sadd.s32 s3, s9;
	s6 =	sadd.s32 @!p0 $0x88, s6;
	s7 =	simm.s32 @p2 $0x1082  }
0x22: {  	[simem:s7], [sflag:s8] =	dma.local @!p0 [hbm:s6], $0xF7A  }
0x23: {  	s9 =	sor.u32 $0xD0000000, s2;
	s6 =	simm.s32 $0x108;
	_ =	swait.ge @!p0 [sflag:s8], $0x0  }
0x24: {  	s3 =	sadd.s32 $0x88, s3;
	s6 =	simm.s32 @!p1 $0x1082;
	[sflag:s4] =	ssyncset.s32 $0xFFFFF086  }
0x25: {  	[simem:s6], [sflag:s4] =	dma.local [hbm:s3], $0xF7A  }
0x26: {  	[smem:$0x3F99] =	sst s1;
	(tag) =	ssettag s2;
	_ =	strace s9  }
0x27: {  	s1 =	sld [smem:$0x3FA9]  }
0x28: {  	s2 =	sld [smem:$0x3FAA]  }
0x29: {  	s4 =	sld [smem:$0x3FAC]  }
0x2a: {  	p0 =	seq.s32 s5, $0x0;
	s5 =	sld [smem:$0x3FAD]  }
0x2b: {  	s6 =	sld [smem:$0x3FAE]  }
0x2c: {  	s7 =	sld [smem:$0x3FAF]  }
0x2d: {  	s3 =	simm.s32 $0x108;
	s8 =	sld [smem:$0x3FB0]  }
0x2e: {  	s3 =	simm.s32 @!p0 $0x1082;
	s9 =	sld [smem:$0x3FB1]  }
0x2f: {  	lr =	sadd.s32 s0, s3;
	s0 =	sld [smem:$0x3FA8]  }
0x30: {  	s3 =	sld [smem:$0x3FAB]  }
0x31: {  	[smem:$0x3FB4] =	sst s10  }
0x32: {  	s10 =	sld [smem:$0x3FB2];
	_ =	sdelay $0x3  }
0x33: {  	p0 =	seq.s32 s10, $0x1;
	s10 =	sld [smem:$0x3FB4];
	_ =	sdelay $0x3  }
0x34: {  	[smem:$0x3FB4] =	sst s10  }
0x35: {  	s10 =	sld [smem:$0x3FB3];
	_ =	sdelay $0x3  }
0x36: {  	p1 =	seq.s32 s10, $0x1;
	s10 =	sld [smem:$0x3FB4];
	_ =	sdelay $0x3  }
0x37: {  	[smem:$0x3FB4] =	sst s10  }
0x38: {  	s10 =	sld [smem:$0x3FB5]  }
0x39: {  	_ = 	snop;
	(pc) =	sbr.ind lr, $3  }
0x3a: {  	_ = 	snop  }
0x3b: {  	_ = 	snop  }
0x3c: {  	p2 =	seq.s32 s10, $0x1;
	s10 =	sld [smem:$0x3FB4]  }
0x3d: {  	_ =	shalt  }
0x3e: {  	_ =	shalt  }
0x3f: {  	_ =	shalt  }
0x40: {  	_ =	shalt  }
0x41: {  	_ =	shalt  }
0x42: {  	_ =	shalt  }
0x43: {  	_ =	shalt  }
0x44: {  	_ =	shalt  }
0x45: {  	_ =	shalt  }
0x46: {  	_ =	shalt  }
0x47: {  	_ =	shalt  }
0x48: {  	_ =	shalt  }
0x49: {  	_ =	shalt  }
0x4a: {  	_ =	shalt  }
0x4b: {  	_ =	shalt  }
0x4c: {  	_ =	shalt  }
0x4d: {  	_ =	shalt  }
0x4e: {  	_ =	shalt  }
0x4f: {  	_ =	shalt  }
0x50: {  	_ =	shalt  }
0x51: {  	_ =	shalt  }
0x52: {  	_ =	shalt  }
0x53: {  	_ =	shalt  }
0x54: {  	_ =	shalt  }
0x55: {  	_ =	shalt  }
0x56: {  	_ =	shalt  }
0x57: {  	_ =	shalt  }
0x58: {  	_ =	shalt  }
0x59: {  	_ =	shalt  }
0x5a: {  	_ =	shalt  }
0x5b: {  	_ =	shalt  }
0x5c: {  	_ =	shalt  }
0x5d: {  	_ =	shalt  }
0x5e: {  	_ =	shalt  }
0x5f: {  	_ =	shalt  }
0x60: {  	_ =	shalt  }
0x61: {  	_ =	shalt  }
0x62: {  	_ =	shalt  }
0x63: {  	_ =	shalt  }
0x64: {  	_ =	shalt  }
0x65: {  	_ =	shalt  }
0x66: {  	_ =	shalt  }
0x67: {  	_ =	shalt  }
0x68: {  	_ =	shalt  }
0x69: {  	_ =	shalt  }
0x6a: {  	_ =	shalt  }
0x6b: {  	_ =	shalt  }
0x6c: {  	_ =	shalt  }
0x6d: {  	_ =	shalt  }
0x6e: {  	_ =	shalt  }
0x6f: {  	_ =	shalt  }
0x70: {  	_ =	shalt  }
0x71: {  	_ =	shalt  }
0x72: {  	_ =	shalt  }
0x73: {  	_ =	shalt  }
0x74: {  	_ =	shalt  }
0x75: {  	_ =	shalt  }
0x76: {  	_ =	shalt  }
0x77: {  	_ =	shalt  }
0x78: {  	_ =	shalt  }
0x79: {  	_ =	shalt  }
0x7a: {  	_ =	shalt  }
0x7b: {  	_ =	shalt  }
0x7c: {  	_ =	shalt  }
0x7d: {  	_ =	shalt  }
0x7e: {  	_ =	shalt  }
0x7f: {  	_ =	shalt  }
0x80: {  	_ =	shalt  }
0x81: {  	_ =	shalt  }
0x82: {  	_ =	shalt  }
0x83: {  	_ =	shalt  }
0x84: {  	_ =	shalt  }
0x85: {  	_ =	shalt  }
0x86: {  	_ =	shalt  }
0x87: {  	_ =	shalt  }
.Lfunc_end0:
.L_simem_size_0:
called_computation_lowered:
.L_overlay_start_0:
0x88: {  	s2 =	sld [smem:$0x3FD9]  }
0x89: {  	s3 =	sld [smem:$0x3FFE];
	_ =	sdelay $0x1  }
0x8a: {  	s1 =	srdreg.scid  }
0x8b: {  	s0 =	sand.u32 $0x1, s1  }
0x8c: {  	s17 =	sshll.u32 s0, $0xA;
	s2 =	sadd.s32 s3, s2  }
0x8d: {  	s2 =	sadd.s32 s2, s17  }
0x8e: {  	[smem:$0x3FC0] =	sst s2  }
0x8f: {  	_ = 	snop  }
0x90: {  	s18 =	sld [smem:$0x3FD0];
	(tm) =	ssettm $0x1  }
0x91: {  	s19 =	sld [smem:$0x3FFB];
	_ =	sdelay $0x3  }
0x92: {  	_ =	strace s19  }
0x93: {  	s2 =	sld [smem:$0x3FFC];
	_ =	sdelay $0x3  }
0x94: {  	_ =	strace s2  }
0x95: {  	s2 =	sld [smem:$0x3FFD];
	_ =	sdelay $0x3  }
0x96: {  	_ =	strace s2  }
0x97: {  	_ =	strace $0x8FFFFFFF  }
0x98: {  	s20 =	sld [smem:$0x3FDB];
	_ =	sdelay $0x1  }
0x99: {  	s4 =	simm.s32 $_scs_section_size  }
0x9a: {  	s5 =	simm.s32 $_size__tile_overlayer_lowered;
	s6 =	simm.s32 $_tile_overlayer_lowered  }
0x9b: {  	s7 =	simm.s32 $0x1BFF;
	s21 =	sshll.u32 s6, $0x1;
	s4 =	sadd.s32 s4, s20  }
0x9c: {  	s22 =	simm.s32 $0x0;
	s5 =	sshll.u32 s5, $0x1;
	s6 =	sadd.s32 s21, s4  }
0x9d: {  	[timem:s22], [sflag:s7] =	dma.local [hbm:s6], s5  }
0x9e: {  	_ =	swait.ge [sflag:s7], s5  }
0x9f: {  	s5 =	ssub.s32 $0x0, s5;
	[sflag:s7] =	ssyncset.done $0x0  }
0xa0: {  	[sflag:s7] =	ssyncadd.s32 s5;
	_ =	sdelay $0x1  }
0xa1: {  	s23 =	simm.s32 $0x1B8B  }
0xa2: {  	_ =	swait.ge [sflag:s23], $0x1  }
0xa3: {  	[sflag:s23] =	ssyncset.done $0x0  }
0xa4: {  	[sflag:s23] =	ssyncadd.s32 $0xFFFFFFFF  }
0xa5: {  	s5 =	sld [smem:$0x0]  }
0xa6: {  	s6 =	sand.u32 $0xFFFFFFFE, s1  }
0xa7: {  	p0 =	sne.s32 s1, s6  }
0xa8: {  	s6 =	sshll.u32 @p0 s6, $0xE  }
0xa9: {  	s6 =	sadd.s32 @p0 $0x11B8D, s6;
	s7 =	sshll.u32 @p0 s5, $0x11  }
0xaa: {  	s6 =	sor.u32 @p0 s7, s6  }
0xab: {  	[sflag:s6] =	ssyncadd.remote.s32 @p0 $0x1;
	_ =	sdelay $0x1  }
0xac: {  	s6 =	simm.s32 @p0 $0x1B8D  }
0xad: {  	_ =	swait.eq @p0 [sflag:s6], $0x1  }
0xae: {  	[sflag:s6] =	ssyncadd.s32 @p0 $0xFFFFFFFF  }
0xaf: {  	s7 =	sshll.u32 @!p0 s1, $0xE  }
0xb0: {  	s7 =	sor.u32 @!p0 $0x4000, s7;
	s6 =	simm.s32 @!p0 $0x1B8D  }
0xb1: {  	s5 =	sshll.u32 @!p0 s5, $0x11;
	s7 =	sadd.s32 @!p0 $0x11B8D, s7;
	_ =	swait.eq @!p0 [sflag:s6], $0x1  }
0xb2: {  	s5 =	sor.u32 @!p0 s5, s7;
	[sflag:s6] =	ssyncadd.s32 @!p0 $0xFFFFFFFF  }
0xb3: {  	s25 =	simm.s32 $0x1B8E;
	s24 =	sld [smem:$0x3FFE];
	[sflag:s5] =	ssyncadd.remote.s32 @!p0 $0x1  }
0xb4: {  	s26 =	simm.s32 $execute0_lowered;
	[smem:$0x3FD2] =	sst s25  }
0xb5: {  	s6 =	sshll.u32 s26, $0x1;
	_ =	strace $0x80000049;
	[dreg:$0x1] =	wrdreg $0xFFFFFFFF  }
0xb6: {  	s28 =	simm.s32 $_size_execute0_lowered;
	s4 =	sadd.s32 s4, s6;
	[dreg:$0x0] =	wrdreg $0x0  }
0xb7: {  	s6 =	sshll.u32 s28, $0x1;
	[dreg:$0x2] =	wrdreg s4  }
0xb8: {  	[dreg:$0x3] =	wrdreg s6  }
0xb9: {  	[dreg:$0x4] =	wrdreg $0xC0  }
0xba: {  	_ =	task [dreg:s22], $0x5FFFF  }
0xbb: {  	[dreg:$0x1] =	wrdreg $0xFFFFFFFF  }
0xbc: {  	[dreg:$0x0] =	wrdreg $0x60  }
0xbd: {  	[dreg:$0x2] =	wrdreg s18  }
0xbe: {  	[dreg:$0x3] =	wrdreg s24  }
0xbf: {  	[dreg:$0x4] =	wrdreg $0x68000  }
0xc0: {  	[dreg:$0x5] =	wrdreg $0x9  }
0xc1: {  	_ =	task.clear_ibuf [dreg:s22], $0x6FFFF;
	_ =	strace $0x90000049  }
0xc2: {  	s29 =	simm.s32 $0x9;
	_ =	strace $0x8000004B  }
0xc3: {  	_ =	swait.ge [sflag:s29], $0x1  }
0xc4: {  	[sflag:s29] =	ssyncadd.s32 $0xFFFFFFFF  }
0xc5: {  	_ =	strace $0x9000004B  }
0xc6: {  	_ =	sfence  }
0xc7: {  	s30 =	sld [smem:$0x0];
	_ =	sdelay $0x2  }
0xc8: {  	s31 =	sshll.u32 s1, $0xD;
	s1 =	sshrl.u32 s1, $0x2  }
0xc9: {  	s4 =	sand.u32 $0x4000, s31;
	s1 =	sadd.s32 s1, s30  }
0xca: {  	s0 =	sor.u32 s4, s0;
	s1 =	sshll.u32 s1, $0x11  }
0xcb: {  	s0 =	sor.u32 s1, s0  }
0xcc: {  	s0 =	sadd.s32 $0x8F2B, s0  }
0xcd: {  	[sflag:s0] =	ssyncadd.remote.s32 $0x1  }
0xce: {  	_ =	sfence.sel $0xFFFF  }
0xcf: {  	[dreg:$0x0] =	wrdreg $0xFFFFFFFF;
	(pc) =	sbr.abs _section_cstart, $3  }
0xd0: {  	[dreg:$0x1] =	wrdreg $0xFFFFFFFF  }
0xd1: {  	_ =	task.clear_ibuf [dreg:s22], $0x2FFFF;
	_ =	strace $0x9FFFFFFF  }
0xd2: {  	(tm) =	ssettm $0x7FFFFFFF  }
0xd3: {  	_ =	shalt  }
tec
execute0_lowered:
.L_overlay_start_1:
0x0: {  	(tag) =	ssettag $0x1  }
0x1: {  	s5 =	rddreg [dreg:$0x0]  }
0x2: {  	s4 =	rddreg [dreg:$0x1]  }
0x3: {  	s2 =	rddreg [dreg:$0x2]  }
0x4: {  	s0 =	rddreg [dreg:$0x3];
	s6 =	srdreg.scid  }
0x5: {  	s1 =	stileid.u32;
	s3 =	simm.s32 $0x0;
	s13 =	simm.s32 $0x2800  }
0x6: {  	s14 =	simm.s32 $0x80;
	s15 =	simm.s32 $0x1;
	s7 =	smul.u32 $0x2800, s1  }
0x7: {  	s18 =	simm.s32 $0x0;
	s6 =	sand.u32 $0x1, s6;
	s10 =	smul.u32 $0x50000, s1  }
0x8: {  	[smem:$0x7FF] =	sst s3;
	s16 =	sshll.u32 s1, $0x6;
	s8 =	smul.u32 $0x28000, s6  }
0x9: {  	_ =	strace $0x8000004A;
	s9 =	sshll.u32 s6, $0x4;
	s6 =	ssub.s32 $0x2, s6  }
0xa: {  	s16 =	sor.u32 $0x1C02, s16;
	s30 =	sor.u32 s1, s9;
	s31 =	sshrl.u32 s6, $0x1  }
0xb: {  	s10 =	sshrl.u32 s10, $0x2;
	s7 =	sadd.s32 s7, s8;
	s8 =	smul.u32 $0x500, s30  }
0xc: {  	s12 =	ssub.s32 s6, s31;
	s11 =	sadd.s32 s7, s4;
	s4 =	sadd.s32 s10, s2  }
0xd: {  	s5 =	sadd.s32 s5, s8;
	s6 =	sadd.s32 $0x4000, s4;
	s7 =	sadd.s32 $0x8000, s4  }
0xe: {  	s8 =	sadd.s32 $0xC000, s4;
	s9 =	sadd.s32 $0x10000, s4;
	s10 =	sadd.s32 $0x66400, s11  }
0xf: {  	v0 =	vimm.f32 $0.0e+00;
	v1 =	vimm.f32 $1.000000000e+00;
	s11 =	smax.u32 s12, $0x1;
	s12 =	simm.s32 $0x2;
	s17 =	sshrl.u32 s4, $0x3  }
.LBB2_1:
0x10: {  	[tilespmem:s3], [sflag:$0x2] =	stream.linear.gather [hbm4b:s5+s3], $0x2800, $0x38;
	[tilespmem:$0x1A800] =	vst v63  }
0x11: {  	_ =	swait.ge [sflag:s12], $0x2800  }
0x12: {  	[sflag:s12] =	ssyncset.done $0x0  }
0x13: {  	s19 =	simm.s32 $0x0;
	s20 =	simm.s32 $0x200;
	[sflag:s12] =	ssyncadd.s32 $0xFFFFD800  }
.LBB2_2:
0x14: {  	p0 =	sne.s32 s20, $0xFE00;
	[tilespmem:s19+$0x2870] =	vst v0  }
0x15: {  	[tilespmem:s19+$0x2800] =	vst v0  }
0x16: {  	[tilespmem:s19+$0x2810] =	vst v0  }
.Ltmp0:
0x17: {  	[tilespmem:s19+$0x2820] =	vst v0;
	(pc) =	sbr.rel @p0 .LBB2_2-.Ltmp0, $4  }
0x18: {  	[tilespmem:s19+$0x2830] =	vst v0  }
0x19: {  	[tilespmem:s19+$0x2840] =	vst v0  }
0x1a: {  	[tilespmem:s19+$0x2850] =	vst v0  }
0x1b: {  	[tilespmem:s19+$0x2860] =	vst v0;
	s19 =	sshra.s32 s20, $0x2;
	s20 =	sadd.s32 $0x200, s20  }
0x1c: {  	[tilespmem:s19+$0x2870] =	vst v0  }
0x1d: {  	[tilespmem:s19+$0x2800] =	vst v0  }
0x1e: {  	[tilespmem:s19+$0x2810] =	vst v0  }
0x1f: {  	[tilespmem:s19+$0x2820] =	vst v0  }
0x20: {  	[tilespmem:s19+$0x2830] =	vst v0  }
0x21: {  	[tilespmem:s19+$0x2840] =	vst v0  }
0x22: {  	[tilespmem:s19+$0x2850] =	vst v0  }
0x23: {  	[tilespmem:s19+$0x2860] =	vst v0  }
0x24: {  	[spmem:s4] =	stream.linear.scatter [tilespmem:s13], [sflag:$0x2], $0x4000, $0x38;
	[tilespmem:$0x1A800] =	vst v63  }
0x25: {  	_ =	swait.ge [sflag:s12], $0x4000  }
0x26: {  	[sflag:s12] =	ssyncset.done $0x0  }
0x27: {  	[sflag:s12] =	ssyncadd.s32 $0xFFFFC000  }
0x28: {  	[spmem:s6] =	stream.linear.scatter [tilespmem:s13], [sflag:$0x2], $0x4000, $0x38;
	[tilespmem:$0x1A800] =	vst v63  }
0x29: {  	_ =	swait.ge [sflag:s12], $0x4000  }
0x2a: {  	[sflag:s12] =	ssyncset.done $0x0  }
0x2b: {  	[sflag:s12] =	ssyncadd.s32 $0xFFFFC000  }
0x2c: {  	[spmem:s7] =	stream.linear.scatter [tilespmem:s13], [sflag:$0x2], $0x4000, $0x38;
	[tilespmem:$0x1A800] =	vst v63  }
0x2d: {  	_ =	swait.ge [sflag:s12], $0x4000  }
0x2e: {  	[sflag:s12] =	ssyncset.done $0x0  }
0x2f: {  	[sflag:s12] =	ssyncadd.s32 $0xFFFFC000  }
0x30: {  	[spmem:s8] =	stream.linear.scatter [tilespmem:s13], [sflag:$0x2], $0x4000, $0x38;
	[tilespmem:$0x1A800] =	vst v63  }
0x31: {  	_ =	swait.ge [sflag:s12], $0x4000  }
0x32: {  	[sflag:s12] =	ssyncset.done $0x0  }
0x33: {  	[sflag:s12] =	ssyncadd.s32 $0xFFFFC000  }
0x34: {  	[spmem:s9] =	stream.linear.scatter [tilespmem:s13], [sflag:$0x2], $0x4000, $0x38;
	[tilespmem:$0x1A800] =	vst v63  }
0x35: {  	_ =	swait.ge [sflag:s12], $0x4000  }
0x36: {  	[sflag:s12] =	ssyncset.done $0x0  }
0x37: {  	s19 =	simm.s32 $0x0;
	s20 =	simm.s32 $0x200;
	[sflag:s12] =	ssyncadd.s32 $0xFFFFC000  }
.LBB2_4:
0x38: {  	p0 =	sne.s32 s20, $0xFE00;
	[tilespmem:s19+$0x2870] =	vst v1  }
0x39: {  	[tilespmem:s19+$0x2800] =	vst v1  }
0x3a: {  	[tilespmem:s19+$0x2810] =	vst v1  }
.Ltmp1:
0x3b: {  	[tilespmem:s19+$0x2820] =	vst v1;
	(pc) =	sbr.rel @p0 .LBB2_4-.Ltmp1, $4  }
0x3c: {  	[tilespmem:s19+$0x2830] =	vst v1  }
0x3d: {  	[tilespmem:s19+$0x2840] =	vst v1  }
0x3e: {  	[tilespmem:s19+$0x2850] =	vst v1  }
0x3f: {  	[tilespmem:s19+$0x2860] =	vst v1;
	s19 =	sshra.s32 s20, $0x2;
	s20 =	sadd.s32 $0x200, s20  }
0x40: {  	[tilespmem:s19+$0x2870] =	vst v1  }
0x41: {  	[tilespmem:s19+$0x2800] =	vst v1  }
0x42: {  	[tilespmem:s19+$0x2810] =	vst v1  }
0x43: {  	[tilespmem:s19+$0x2820] =	vst v1  }
0x44: {  	[tilespmem:s19+$0x2830] =	vst v1  }
0x45: {  	[tilespmem:s19+$0x2840] =	vst v1  }
0x46: {  	[tilespmem:s19+$0x2850] =	vst v1  }
0x47: {  	[tilespmem:s19+$0x2860] =	vst v1  }
0x48: {  	s30 =	simm.s32 $0x0;
	[bflag:$0x0] =	sbarrier.arrive $0xFFFF  }
0x49: {  	[spmem:s2] =	stream.indirect.scatter.add.f32 [tilespmem:s13], [sflag:$0x1], $0x80, s30, s14, $0xb8;
	[tilespmem:$0x1A800] =	vst v63  }
0x4a: {  	s31 =	simm.s32 $0x80  }
0x4b: {  	[spmem:s2] =	stream.indirect.scatter.add.f32 [tilespmem:s13], [sflag:$0x1], $0x80, s31, s14, $0xb8;
	[tilespmem:$0x1A800] =	vst v63  }
0x4c: {  	_ =	swait.ge [sflag:s15], $0x4000  }
0x4d: {  	[sflag:s15] =	ssyncset.done $0x0  }
0x4e: {  	[sflag:s15] =	ssyncadd.s32 $0xFFFFC000  }
0x4f: {  	_ =	swait.ge [sflag:s15], $0x4000  }
0x50: {  	s19 =	simm.s32 $0x400;
	s20 =	simm.s32 $0x800;
	[sflag:s15] =	ssyncset.done $0x0  }
.LBB2_6:
0x51: {  	s21 =	sshra.s32 s19, $0x2  }
0x52: {  	[sflag:s15] =	ssyncadd.s32 $0xFFFFC000;
	s19 =	smov.u32 s20;
	s22 =	sadd.s32 $0x400, s20  }
0x53: {  	[spmem:s2] =	stream.indirect.scatter.add.f32 [tilespmem:s13], [sflag:$0x1], $0x80, s21, s14, $0xb8;
	[tilespmem:$0x1A800] =	vst v63  }
0x54: {  	p0 =	sne.s32 s20, $0x9C00;
	s20 =	sadd.s32 $0x80, s21  }
0x55: {  	[spmem:s2] =	stream.indirect.scatter.add.f32 [tilespmem:s13], [sflag:$0x1], $0x80, s20, s14, $0xb8;
	[tilespmem:$0x1A800] =	vst v63  }
.Ltmp2:
0x56: {  	_ =	swait.ge [sflag:s15], $0x4000;
	(pc) =	sbr.rel @p0 .LBB2_6-.Ltmp2, $4  }
0x57: {  	[sflag:s15] =	ssyncset.done $0x0  }
0x58: {  	[sflag:s15] =	ssyncadd.s32 $0xFFFFC000  }
0x59: {  	_ =	swait.ge [sflag:s15], $0x4000  }
0x5a: {  	s20 =	smov.u32 s22;
	[sflag:s15] =	ssyncset.done $0x0  }
0x5b: {  	s19 =	sshra.s32 s19, $0x2;
	[sflag:s15] =	ssyncadd.s32 $0xFFFFC000  }
0x5c: {  	[spmem:s2] =	stream.indirect.scatter.add.f32 [tilespmem:s13], [sflag:$0x1], $0x80, s19, s14, $0xb8;
	[tilespmem:$0x1A800] =	vst v63  }
0x5d: {  	s19 =	sadd.s32 $0x80, s19  }
0x5e: {  	[spmem:s2] =	stream.indirect.scatter.add.f32 [tilespmem:s13], [sflag:$0x1], $0x80, s19, s14, $0xb8;
	[tilespmem:$0x1A800] =	vst v63  }
0x5f: {  	_ =	swait.ge [sflag:s15], $0x4000  }
0x60: {  	[sflag:s15] =	ssyncset.done $0x0  }
0x61: {  	[sflag:s15] =	ssyncadd.s32 $0xFFFFC000  }
0x62: {  	_ =	swait.ge [sflag:s15], $0x4000  }
0x63: {  	s18 =	sadd.s32 $0x1, s18;
	[sflag:s15] =	ssyncset.done $0x0  }
0x64: {  	p0 =	sne.s32 s18, s11;
	[sflag:s15] =	ssyncadd.s32 $0xFFFFC000  }
.Ltmp3:
0x65: {  	[bflag:$0x0] =	sbarrier.arrive $0xFFFF;
	(pc) =	sbr.rel @p0 .LBB2_1-.Ltmp3, $4  }
0x66: {  	[hbm:s10], [sflag:s16] =	dma.local [spmem:s17], $0x2800  }
0x67: {  	_ =	swait.ge [sflag:s12], $0x2800  }
0x68: {  	[sflag:s12] =	ssyncset.done $0x0  }
0x69: {  	[sflag:s12] =	ssyncadd.s32 $0xFFFFD800  }
0x6a: {  	_ =	sfence.sel $0x180000  }
0x6b: {  	[bflag:$0x0] =	sbarrier.arrive $0xFFFF  }
0x6c: {  	p0 =	sne.s32 s1, $0x0;
	_ =	strace $0x9000004A  }
0x6d: {  	s0 =	sadd.s32 @!p0 $0x100000, s0;
	[bflag:$0x2] =	sbarrier.arrive $0xFFFF  }
0x6e: {  	[sflag:s0] =	ssyncadd.tile.s32 @!p0 $0x1;
	_ =	shalt  }
.Lfunc_end2:
_tile_overlayer_lowered:
.L_overlay_start_2:
0x6f: {  	(tag) =	ssettag $0x2  }
0x70: {  	s0 =	rddreg [dreg:$0x0];
	s2 =	stileid.u32  }
0x71: {  	s1 =	rddreg [dreg:$0x1];
	p0 =	sne.s32 s2, $0x0  }
0x72: {  	s3 =	rddreg [dreg:$0x2];
	[bflag:$0x3] =	sbarrier.arrive $0xFFFF;
	s2 =	simm.s32 @!p0 $0x1C02  }
0x73: {  	[timem:s3], [sflag:s2] =	dma.local @!p0 [hbm:s0], s1  }
0x74: {  	s0 =	simm.s32 @!p0 $0x2  }
0x75: {  	_ =	swait.ge @!p0 [sflag:s0], s1  }
0x76: {  	s1 =	ssub.s32 @!p0 $0x0, s1;
	[sflag:s0] =	ssyncset.done @!p0 $0x0  }
0x77: {  	[sflag:s0] =	ssyncadd.s32 @!p0 s1  }
0x78: {  	[bflag:$0x3] =	sbarrier.arrive $0xFFFF  }
0x79: {  	_ =	shalt  }

</sc_bundles>
